<compile_context>
chip_gen: v7x
topology: tpu7x:2x2x1
jax: 0.10.2.dev20260603
libtpu: 0.0.44.dev20260713+nightly
codegen_flags: <defaults>
</compile_context>

<pallas_src>
import functools

import jax
import jax.numpy as jnp
from jax import lax
from jax.experimental import pallas as pl
from jax.experimental.pallas import tpu as pltpu
from jax.experimental.pallas import tpu_sc as plsc

L = 16
NC = 2
NS = 16


def _ds8(off, size):
    return pl.ds(pl.multiple_of(off, 8), size)


def _scal(vec):
    return vec[0]


def _sget(ref, k):
    idx = jnp.full((L,), k, jnp.int32)
    return _scal(plsc.load_gather(ref, [idx], mask=jnp.full((L,), True)))


def _make_sc_builder(N, E, B, D):
    NPAD = ((N + 127) // 128) * 128
    NSLOT = 2 * B
    EPT = E // NS
    CH = 2000
    assert EPT % CH == 0 and CH % L == 0
    CAP = 2 * E + 8 * NSLOT + 256
    TRASH = CAP - 8
    RELCAP = 2 * (E // NS) + 256
    PPT = B // (NC * NS)
    assert PPT * NC * NS == B and NSLOT % L == 0 and B % L == 0

    mesh = plsc.VectorSubcoreMesh(core_axis_name="c", subcore_axis_name="s",
                                  num_cores=NC, num_subcores=NS)

    @functools.partial(
        pl.kernel,
        out_type=jax.ShapeDtypeStruct((B * 4 * D,), jnp.float32),
        mesh=mesh,
        compiler_params=pltpu.CompilerParams(needs_layout_passes=False),
        scratch_types=dict(
            T_sh=pltpu.VMEM_SHARED((NPAD,), jnp.int32),
            H_sh=pltpu.VMEM_SHARED((NS, NSLOT), jnp.int32),
            LEN_sh=pltpu.VMEM_SHARED((NSLOT,), jnp.int32),
            BASE_sh=pltpu.VMEM_SHARED((NSLOT,), jnp.int32),
            CSR_sh=pltpu.VMEM_SHARED((CAP,), jnp.int32),
            REL_sh=pltpu.VMEM_SHARED((NS * RELCAP,), jnp.int32),
            T_loc=pltpu.VMEM((NPAD,), jnp.int32),
            cnt=pltpu.VMEM((NPAD,), jnp.int32),
            hist=pltpu.VMEM((NSLOT,), jnp.int32),
            cursor=pltpu.VMEM((NSLOT,), jnp.int32),
            hrow=pltpu.VMEM((NSLOT,), jnp.int32),
            base_loc=pltpu.VMEM((NSLOT,), jnp.int32),
            len_loc=pltpu.VMEM((NSLOT,), jnp.int32),
            ubuf=pltpu.VMEM((CH,), jnp.int32),
            vbuf=pltpu.VMEM((CH,), jnp.int32),
            ubuf2=pltpu.VMEM((CH,), jnp.int32),
            vbuf2=pltpu.VMEM((CH,), jnp.int32),
            tar_full=pltpu.VMEM((NSLOT,), jnp.int32),
            tari_loc=pltpu.VMEM((PPT,), jnp.int32),
            tarj_loc=pltpu.VMEM((PPT,), jnp.int32),
            slots_i=pltpu.VMEM((PPT,), jnp.int32),
            slots_j=pltpu.VMEM((PPT,), jnp.int32),
            lbuf=pltpu.VMEM((128,), jnp.int32),
            rbuf=pltpu.VMEM((128,), jnp.int32),
            stage_pos=pltpu.VMEM((160,), jnp.int32),
            stage_val=pltpu.VMEM((160,), jnp.int32),
            flush_pos=pltpu.VMEM((128,), jnp.int32),
            flush_val=pltpu.VMEM((128,), jnp.int32),
            stage_wv=pltpu.VMEM((L,), jnp.int32),
            stage_wc=pltpu.VMEM((L,), jnp.int32),
            xrow_i=pltpu.VMEM((D,), jnp.float32),
            xrow_j=pltpu.VMEM((D,), jnp.float32),
            xrow_w=pltpu.VMEM((D,), jnp.float32),
            xs_row=pltpu.VMEM((4 * D,), jnp.float32),
            psem=pltpu.SemaphoreType.DMA,
        ),
    )
    def sc_build(x_hbm, ei_hbm, tar_hbm, xs_hbm, *, T_sh, H_sh, LEN_sh,
                 BASE_sh, CSR_sh, T_loc, cnt, hist, cursor, hrow, base_loc,
                 len_loc, ubuf, vbuf, ubuf2, vbuf2, tar_full, tari_loc,
                 tarj_loc, slots_i,
                 slots_j, lbuf, rbuf, REL_sh, stage_pos, stage_val, flush_pos,
                 flush_val, stage_wv, stage_wc, xrow_i, xrow_j, xrow_w,
                 xs_row, psem):
        cid = lax.axis_index("c")
        sid = lax.axis_index("s")
        lane = lax.iota(jnp.int32, L)
        zeros16 = jnp.zeros((L,), jnp.int32)

        scope0 = jax.named_scope("sc_p0_slot_table")
        scope0.__enter__()
        @pl.when(sid == 0)
        def _():
            neg1 = jnp.full((L,), -1, jnp.int32)

            def t_init(i, _):
                T_loc[pl.ds(i * L, L)] = neg1
                return 0

            lax.fori_loop(0, NPAD // L, t_init, 0)
            pltpu.sync_copy(tar_hbm, tar_full)

            def t_scat(i, _):
                nodes = tar_full[pl.ds(i * L, L)]
                plsc.store_scatter(T_loc, [nodes], lane + i * L,
                                   mask=jnp.full((L,), True))
                return 0

            lax.fori_loop(0, NSLOT // L, t_scat, 0)
            pltpu.sync_copy(T_loc, T_sh)

        plsc.subcore_barrier()
        scope0.__exit__(None, None, None)

        scope1 = jax.named_scope("sc_p1_histogram")
        scope1.__enter__()
        pltpu.sync_copy(T_sh, T_loc)

        def z_hist(i, _):
            hist[pl.ds(i * L, L)] = zeros16
            return 0

        lax.fori_loop(0, NSLOT // L, z_hist, 0)

        def z_cnt(i, _):
            cnt[pl.ds(i * L, L)] = zeros16
            return 0

        lax.fori_loop(0, NPAD // L, z_cnt, 0)

        ebase = sid * EPT
        rbase = sid * RELCAP

        def rel_flush(carry):
            fill, nfl = carry
            pltpu.sync_copy(stage_pos.at[pl.ds(0, 128)],
                            REL_sh.at[_ds8(rbase + nfl * 128, 128)])
            stage_pos[pl.ds(0, L)] = stage_pos[pl.ds(128, L)]
            return fill - 128, nfl + 1

        NCHUNK = EPT // CH
        bufs = [(ubuf, vbuf), (ubuf2, vbuf2)]
        pltpu.sync_copy(ei_hbm.at[_ds8(ebase, CH)], ubuf)
        pltpu.sync_copy(ei_hbm.at[_ds8(E + ebase, CH)], vbuf)
        carry = (jnp.int32(0), jnp.int32(0))
        for c in range(NCHUNK):
            ub, vb = bufs[c % 2]
            un, vn = bufs[(c + 1) % 2]
            if c + 1 < NCHUNK:
                dn1 = pltpu.async_copy(
                    ei_hbm.at[_ds8(ebase + (c + 1) * CH, CH)], un, psem)
                dn2 = pltpu.async_copy(
                    ei_hbm.at[_ds8(E + ebase + (c + 1) * CH, CH)], vn, psem)

            def hist_vec(i, carry, ub=ub, vb=vb):
                fill, nfl = carry
                u = ub[pl.ds(i * L, L)]
                v = vb[pl.ds(i * L, L)]
                for a, bb in ((u, v), (v, u)):
                    r = plsc.load_gather(T_loc, [a], mask=jnp.full((L,), True))
                    m = r >= 0
                    rs = jnp.where(m, r, 0)
                    cntv, lastm = plsc.scan_count(rs, m)
                    plsc.addupdate_scatter(hist, [rs], cntv,
                                           mask=jnp.logical_and(m, lastm))
                    pk = (rs << 14) | bb
                    plsc.store_compressed(stage_pos.at[pl.ds(fill, L)], pk,
                                          mask=m)
                    fill = fill + _scal(plsc.all_reduce_population_count(m))
                fill, nfl = lax.cond(fill >= 128, rel_flush,
                                     lambda c: c, (fill, nfl))
                return fill, nfl

            carry = lax.fori_loop(0, CH // L, hist_vec, carry)
            if c + 1 < NCHUNK:
                dn1.wait()
                dn2.wait()
        fill, nfl = carry
        pltpu.sync_copy(stage_pos.at[pl.ds(0, 128)],
                        REL_sh.at[_ds8(rbase + nfl * 128, 128)])
        nrel = nfl * 128 + fill
        pltpu.sync_copy(hist, H_sh.at[sid])
        plsc.subcore_barrier()
        scope1.__exit__(None, None, None)

        scope2 = jax.named_scope("sc_p2_offsets")
        scope2.__enter__()
        @pl.when(sid == 0)
        def _():
            def z_len(i, _):
                len_loc[pl.ds(i * L, L)] = zeros16
                return 0

            lax.fori_loop(0, NSLOT // L, z_len, 0)

            def acc_tile(t, _):
                pltpu.sync_copy(H_sh.at[t], hrow)

                def acc_vec(i, _):
                    s = pl.ds(i * L, L)
                    len_loc[s] = len_loc[s] + hrow[s]
                    return 0

                lax.fori_loop(0, NSLOT // L, acc_vec, 0)
                return 0

            lax.fori_loop(0, NS, acc_tile, 0)
            pltpu.sync_copy(len_loc, LEN_sh)

            def base_vec(i, carry):
                s = pl.ds(i * L, L)
                lv = len_loc[s]
                lp = (lv + 7) & jnp.int32(~7)
                cs = plsc.cumsum(lp)
                base_loc[s] = carry + cs - lp
                return carry + cs[L - 1]

            lax.fori_loop(0, NSLOT // L, base_vec, jnp.int32(0))
            pltpu.sync_copy(base_loc, BASE_sh)

        plsc.subcore_barrier()
        scope2.__exit__(None, None, None)

        scope3 = jax.named_scope("sc_p3_placement")
        scope3.__enter__()
        pltpu.sync_copy(BASE_sh, cursor)

        def pref_tile(t, _):
            pltpu.sync_copy(H_sh.at[t], hrow)

            def pref_vec(i, _):
                s = pl.ds(i * L, L)
                cursor[s] = cursor[s] + hrow[s]
                return 0

            lax.fori_loop(0, NSLOT // L, pref_vec, 0)
            return 0

        lax.fori_loop(0, sid, pref_tile, 0)

        def do_flush(f):
            for k in range(8):
                s = pl.ds(k * L, L)
                flush_pos[s] = stage_pos[s]
                flush_val[s] = stage_val[s]
            pltpu.sync_copy(flush_val, CSR_sh.at[flush_pos])
            stage_pos[pl.ds(0, L)] = stage_pos[pl.ds(128, L)]
            stage_val[pl.ds(0, L)] = stage_val[pl.ds(128, L)]
            return f - 128

        def place_chunk(cc, fill):
            pltpu.sync_copy(REL_sh.at[_ds8(rbase + cc * 128, 128)], rbuf)

            def place_vec(q, fill):
                pk = rbuf[pl.ds(q * L, L)]
                m = (cc * 128 + q * L + lane) < nrel
                rs = jnp.where(m, pk >> 14, 0)
                vv = pk & 16383
                cntv, lastm = plsc.scan_count(rs, m)
                before = plsc.load_gather(cursor, [rs], mask=m)
                pos = before + cntv - 1
                plsc.addupdate_scatter(cursor, [rs], cntv,
                                       mask=jnp.logical_and(m, lastm))
                plsc.store_compressed(stage_pos.at[pl.ds(fill, L)], pos,
                                      mask=m)
                plsc.store_compressed(stage_val.at[pl.ds(fill, L)], vv,
                                      mask=m)
                fill = fill + _scal(plsc.all_reduce_population_count(m))
                return lax.cond(fill >= 128, do_flush, lambda f: f, fill)

            return lax.fori_loop(0, 8, place_vec, fill)

        fill = lax.fori_loop(0, (nrel + 127) // 128, place_chunk,
                             jnp.int32(0))
        for k in range(8):
            s = pl.ds(k * L, L)
            g = lane + k * L
            flush_pos[s] = jnp.where(g < fill, stage_pos[s], TRASH)
            flush_val[s] = stage_val[s]
        pltpu.sync_copy(flush_val, CSR_sh.at[flush_pos])
        plsc.subcore_barrier()
        scope3.__exit__(None, None, None)

        scope4 = jax.named_scope("sc_p4_pairs")
        scope4.__enter__()
        pltpu.sync_copy(BASE_sh, base_loc)
        pltpu.sync_copy(LEN_sh, len_loc)
        pb = cid * (NS * PPT) + sid * PPT
        pltpu.sync_copy(tar_hbm.at[_ds8(pb, PPT)], tari_loc)
        pltpu.sync_copy(tar_hbm.at[_ds8(B + pb, PPT)], tarj_loc)

        for k in range(PPT // L):
            s = pl.ds(k * L, L)
            slots_i[s] = plsc.load_gather(T_loc, [tari_loc[s]],
                                          mask=jnp.full((L,), True))
            slots_j[s] = plsc.load_gather(T_loc, [tarj_loc[s]],
                                          mask=jnp.full((L,), True))

        zf16 = jnp.zeros((L,), jnp.float32)

        def pair_body(k, _):
            ib = _sget(tari_loc, k)
            jb = _sget(tarj_loc, k)
            ri = _sget(slots_i, k)
            rj = _sget(slots_j, k)
            baseA = _sget(base_loc, ri)
            lenA = _sget(len_loc, ri)
            baseB = _sget(base_loc, rj)
            lenB = _sget(len_loc, rj)
            ncA = (lenA + 127) // 128
            nvA = (lenA + L - 1) // L
            nvB = (lenB + L - 1) // L

            dxi = pltpu.async_copy(x_hbm.at[_ds8(ib * D, D)], xrow_i, psem)
            dxj = pltpu.async_copy(x_hbm.at[_ds8(jb * D, D)], xrow_j, psem)

            for z in range(D // L):
                xs_row[pl.ds(3 * D + z * L, L)] = zf16

            def la_chunk(cc, _):
                pltpu.sync_copy(CSR_sh.at[_ds8(baseA + cc * 128, 128)], lbuf)

                def la_vec(q, _):
                    vv = lbuf[pl.ds(q * L, L)]
                    m = (cc * 128 + q * L + lane) < lenA
                    vs = jnp.where(m, vv, 0)
                    cntv, lastm = plsc.scan_count(vs, m)
                    plsc.addupdate_scatter(cnt, [vs], cntv,
                                           mask=jnp.logical_and(m, lastm))
                    return 0

                lax.fori_loop(0, jnp.minimum(8, nvA - cc * 8), la_vec, 0)
                return 0

            lax.fori_loop(0, ncA, la_chunk, 0)

            w = _sget(cnt, jb).astype(jnp.float32)

            def lb_chunk(cc, _):
                pltpu.sync_copy(CSR_sh.at[_ds8(baseB + cc * 128, 128)], rbuf)

                def lb_vec(q, _):
                    vv = rbuf[pl.ds(q * L, L)]
                    m = (cc * 128 + q * L + lane) < lenB
                    vs = jnp.where(m, vv, 0)
                    cv = plsc.load_gather(cnt, [vs], mask=m)
                    wm = jnp.logical_and(m, cv > 0)
                    nn = _scal(plsc.all_reduce_population_count(wm))

                    @pl.when(nn > 0)
                    def _():
                        plsc.store_compressed(stage_wv.at[pl.ds(0, L)], vs,
                                              mask=wm)
                        plsc.store_compressed(stage_wc.at[pl.ds(0, L)], cv,
                                              mask=wm)

                        def work(t, _):
                            wv = _sget(stage_wv, t)
                            wc = _sget(stage_wc, t).astype(jnp.float32)
                            pltpu.sync_copy(x_hbm.at[_ds8(wv * D, D)],
                                            xrow_w)
                            for z in range(D // L):
                                sl = pl.ds(3 * D + z * L, L)
                                xs_row[sl] = (xs_row[sl]
                                              + wc * xrow_w[pl.ds(z * L, L)])
                            return 0

                        lax.fori_loop(0, nn, work, 0)

                    return 0

                lax.fori_loop(0, jnp.minimum(8, nvB - cc * 8), lb_vec, 0)
                return 0

            lax.fori_loop(0, (lenB + 127) // 128, lb_chunk, 0)

            def lz_chunk(cc, _):
                @pl.when(ncA > 1)
                def _():
                    pltpu.sync_copy(CSR_sh.at[_ds8(baseA + cc * 128, 128)],
                                    lbuf)

                def lz_vec(q, _):
                    vv = lbuf[pl.ds(q * L, L)]
                    m = (cc * 128 + q * L + lane) < lenA
                    vs = jnp.where(m, vv, 0)
                    plsc.store_scatter(cnt, [vs], zeros16, mask=m)
                    return 0

                lax.fori_loop(0, jnp.minimum(8, nvA - cc * 8), lz_vec, 0)
                return 0

            lax.fori_loop(0, ncA, lz_chunk, 0)

            dxi.wait()
            dxj.wait()
            for z in range(D // L):
                sz = pl.ds(z * L, L)
                xi = xrow_i[sz]
                xj = xrow_j[sz]
                xs_row[pl.ds(z * L, L)] = xi * xj
                xs_row[pl.ds(D + z * L, L)] = w * xi
                xs_row[pl.ds(2 * D + z * L, L)] = w * xj
            pltpu.sync_copy(xs_row, xs_hbm.at[_ds8((pb + k) * 4 * D, 4 * D)])
            return 0

        lax.fori_loop(0, PPT, pair_body, 0)
        scope4.__exit__(None, None, None)

    return sc_build


def _mlp_body(xs_ref, wlin_ref, blin_ref, w1_ref, b1_ref, w2_ref, b2_ref,
              out_ref):
    xs = xs_ref[...]
    h = jnp.dot(xs, w1_ref[...], preferred_element_type=jnp.float32)
    h = jnp.maximum(h + b1_ref[...], 0.0)
    out = jnp.dot(xs, wlin_ref[...], preferred_element_type=jnp.float32)
    out = out + jnp.dot(h, w2_ref[...], preferred_element_type=jnp.float32)
    out_ref[...] = out + blin_ref[...] + b2_ref[...]


def kernel(x, edge_index, tar_ei, W_lin, b_lin, W1, b1, W2, b2):
    N, D = x.shape
    E = edge_index.shape[1]
    B = tar_ei.shape[1]
    sc_build = _make_sc_builder(N, E, B, D)
    xs = sc_build(x.reshape(-1), edge_index.astype(jnp.int32).reshape(-1),
                  tar_ei.astype(jnp.int32).reshape(-1)).reshape(B, 4 * D)
    out = pl.pallas_call(
        _mlp_body,
        out_shape=jax.ShapeDtypeStruct((B, W_lin.shape[1]), jnp.float32),
    )(xs, W_lin, b_lin.reshape(1, -1), W1, b1.reshape(1, -1), W2,
      b2.reshape(1, -1))
    return out

# --- scband reference (transcript-rebuilt; emitter-appended) ---
"""Pipeline reference for scband-ncnpredictor-541165879726 (READ-ONLY COPY).

The authoritative reference and input builder live on the scoring server;
editing this copy changes nothing except your own understanding.
"""

import jax, jax.numpy as jnp
import numpy as np

N_NODES = 10000
N_EDGES = 320000
D = 128
B = 1024
K = 4
HID = 256
OUT = 1


def setup_inputs(seed: int = 0) -> dict:
    key = jax.random.key(seed)
    ks = jax.random.split(key, 10)
    x = jax.random.normal(ks[0], (N_NODES, D), dtype=jnp.float32)
    edge_index = jax.random.randint(ks[1], (2, N_EDGES), 0, N_NODES)
    tar_ei = jax.random.randint(ks[2], (2, B), 0, N_NODES)
    W_lin = jax.random.normal(ks[3], (K * D, OUT), dtype=jnp.float32) * 0.05
    b_lin = jnp.zeros((OUT,), dtype=jnp.float32)
    W1 = jax.random.normal(ks[4], (K * D, HID), dtype=jnp.float32) * 0.05
    b1 = jnp.zeros((HID,), dtype=jnp.float32)
    W2 = jax.random.normal(ks[5], (HID, OUT), dtype=jnp.float32) * 0.05
    b2 = jnp.zeros((OUT,), dtype=jnp.float32)
    return {"x": x, "edge_index": edge_index, "tar_ei": tar_ei,
            "W_lin": W_lin, "b_lin": b_lin, "W1": W1, "b1": b1, "W2": W2, "b2": b2}


def reference(x, edge_index, tar_ei, W_lin, b_lin, W1, b1, W2, b2):
    N = x.shape[0]
    src, dst = edge_index[0], edge_index[1]
    # symmetrized adjacency adj1 with coalesced (summed) duplicate entries, values=1 per edge copy
    src2 = jnp.concatenate([src, dst])
    dst2 = jnp.concatenate([dst, src])
    A = jnp.zeros((N, N), dtype=x.dtype).at[src2, dst2].add(1.0)
    tar_i, tar_j = tar_ei[0], tar_ei[1]
    # row selections: adj0 is identity -> one-hot rows; adj1 -> gathered adjacency rows
    i_0 = jax.nn.one_hot(tar_i, N, dtype=x.dtype)
    j_0 = jax.nn.one_hot(tar_j, N, dtype=x.dtype)
    i_1 = jnp.take(A, tar_i, axis=0)
    j_1 = jnp.take(A, tar_j, axis=0)
    # elementwise sparse products (k=4 branch)
    cn_0_1 = i_0 * j_1
    cn_1_0 = i_1 * j_0
    cn_1_1 = i_1 * j_1
    xcn_0_1 = cn_0_1 @ x
    xcn_1_0 = cn_1_0 @ x
    xcn_1_1 = cn_1_1 @ x
    cn_emb = jnp.concatenate([xcn_0_1, xcn_1_0, xcn_1_1], axis=-1)
    # combine target pair features with CN embeddings: dim = D + 3D = k*D
    xs = jnp.concatenate([x[tar_i] * x[tar_j], cn_emb], axis=-1)
    out = (xs @ W_lin + b_lin) + (jax.nn.relu(xs @ W1 + b1) @ W2 + b2)
    return out


if False:  # reference __main__ guard neutralized (emitter)
    inp = setup_inputs()
    out = reference(**inp)
    print(out.shape, out.dtype)

if __name__ == "__main__":
    import jax
    _d = setup_inputs()
    print(jax.jit(kernel)(*tuple(_d.values())))

</pallas_src>

<mosaic_0001>
#map = affine_map<(d0, d1) -> (0)>
module attributes {stable_mosaic.version = 14 : i64} {
  func.func @sc_build(%arg0: i32, %arg1: i32, %arg2: memref<1280000xf32, #tpu.memory_space<hbm>>, %arg3: memref<640000xi32, #tpu.memory_space<hbm>>, %arg4: memref<2048xi32, #tpu.memory_space<hbm>>, %arg5: memref<524288xf32, #tpu.memory_space<hbm>>, %arg6: memref<2048xi32, #tpu.memory_space<vmem_shared>>, %arg7: memref<656640xi32, #tpu.memory_space<vmem_shared>>, %arg8: memref<16x2048xi32, #tpu.memory_space<vmem_shared>>, %arg9: memref<2048xi32, #tpu.memory_space<vmem_shared>>, %arg10: memref<644096xi32, #tpu.memory_space<vmem_shared>>, %arg11: memref<10112xi32, #tpu.memory_space<vmem>>, %arg12: memref<10112xi32, #tpu.memory_space<vmem_shared>>, %arg13: memref<2048xi32, #tpu.memory_space<vmem>>, %arg14: memref<10112xi32, #tpu.memory_space<vmem>>, %arg15: memref<2048xi32, #tpu.memory_space<vmem>>, %arg16: memref<128xi32, #tpu.memory_space<vmem>>, %arg17: memref<128xi32, #tpu.memory_space<vmem>>, %arg18: memref<2048xi32, #tpu.memory_space<vmem>>, %arg19: memref<2048xi32, #tpu.memory_space<vmem>>, %arg20: memref<128xi32, #tpu.memory_space<vmem>>, %arg21: memref<2048xi32, #tpu.memory_space<vmem>>, %arg22: memref<!tpu.dma_semaphore, #tpu.memory_space<semaphore_mem>>, %arg23: memref<128xi32, #tpu.memory_space<vmem>>, %arg24: memref<32xi32, #tpu.memory_space<vmem>>, %arg25: memref<32xi32, #tpu.memory_space<vmem>>, %arg26: memref<160xi32, #tpu.memory_space<vmem>>, %arg27: memref<160xi32, #tpu.memory_space<vmem>>, %arg28: memref<16xi32, #tpu.memory_space<vmem>>, %arg29: memref<16xi32, #tpu.memory_space<vmem>>, %arg30: memref<2048xi32, #tpu.memory_space<vmem>>, %arg31: memref<32xi32, #tpu.memory_space<vmem>>, %arg32: memref<32xi32, #tpu.memory_space<vmem>>, %arg33: memref<2000xi32, #tpu.memory_space<vmem>>, %arg34: memref<2000xi32, #tpu.memory_space<vmem>>, %arg35: memref<2000xi32, #tpu.memory_space<vmem>>, %arg36: memref<2000xi32, #tpu.memory_space<vmem>>, %arg37: memref<128xf32, #tpu.memory_space<vmem>>, %arg38: memref<128xf32, #tpu.memory_space<vmem>>, %arg39: memref<128xf32, #tpu.memory_space<vmem>>, %arg40: memref<512xf32, #tpu.memory_space<vmem>>) attributes {dimension_semantics = [#tpu.dimension_semantics<core_parallel>, #tpu.dimension_semantics<subcore_parallel>], iteration_bounds = array<i64: 2, 16>, scalar_prefetch = 0 : i64, scratch_operands = 35 : i64, tpu.core_type = #tpu.core_type<sc_vector_subcore>, window_params = [{transform_indices = #map}, {transform_indices = #map}, {transform_indices = #map}, {transform_indices = #map}]} {
    %iota3A = tpu.iota {dimensions = array<i32: 0>} : vector<16xi32>
    %broadcast_in_dim3A = arith.constant 0 : i32
    %broadcast_in_dim3A_0 = vector.broadcast %broadcast_in_dim3A : i32 to vector<16xi32>
    %eq3A = arith.constant 0 : i32
    "tpu.trace_start"() <{level = 10 : i32, message = "sc_p0_slot_table"}> : () -> ()
    %eq3A_1 = arith.cmpi eq, %arg1, %eq3A : i32
    %convert_element_type3A = arith.extui %eq3A_1 : i1 to i32
    %cond3A = arith.constant 0 : i32
    %cond3A_2 = arith.cmpi ne, %convert_element_type3A, %cond3A : i32
    scf.if %cond3A_2 {
      %broadcast_in_dim3A_451 = arith.constant -1 : i32
      %broadcast_in_dim3A_452 = vector.broadcast %broadcast_in_dim3A_451 : i32 to vector<16xi32>
      %scan3A_453 = arith.constant 0 : i32
      %scan3A_454 = arith.constant 0 : i32
      %scan3A_455 = arith.constant 632 : i32
      %scan3A_456 = arith.addi %scan3A_454, %scan3A_455 : i32
      %scan3A_457 = arith.constant 1 : i32
      %scan3A_458 = scf.for %scan3A_467 = %scan3A_454 to %scan3A_456 step %scan3A_457 iter_args(%scan3A_468 = %scan3A_453) -> (i32)  : i32 {
        %mul3A_469 = arith.constant 16 : i32
        %mul3A_470 = arith.muli %scan3A_467, %mul3A_469 : i32
        %swap3A_471 = arith.index_cast %mul3A_470 : i32 to index
        %swap3A_472 = tpu.vector_load %arg11[%swap3A_471] {strides = array<i32>} : memref<10112xi32, #tpu.memory_space<vmem>>, vector<16xi32>,
        tpu.vector_store %arg11[%swap3A_471], %broadcast_in_dim3A_452 {strides = array<i32>} : memref<10112xi32, #tpu.memory_space<vmem>>, vector<16xi32>,
        %scan3A_473 = arith.constant 0 : i32
        scf.yield %scan3A_473 : i32
      }
      %scan3A_459 = arith.constant 632 : i32
      "tpu.region"() ({
        %run_scoped3A = tpu.sem_alloc : memref<!tpu.dma_semaphore, #tpu.memory_space<semaphore_mem>>
        tpu.enqueue_dma source(%arg4 : memref<2048xi32, #tpu.memory_space<hbm>>) target(%arg30 : memref<2048xi32, #tpu.memory_space<vmem>>) target_semaphore(%run_scoped3A : memref<!tpu.dma_semaphore, #tpu.memory_space<semaphore_mem>>)
        tpu.wait_dma2 semaphore(%run_scoped3A : memref<!tpu.dma_semaphore, #tpu.memory_space<semaphore_mem>>) src(%arg4 : memref<2048xi32, #tpu.memory_space<hbm>>) dst(%arg30 : memref<2048xi32, #tpu.memory_space<vmem>>)
        tpu.yield
      }) : () -> ()
      %scan3A_460 = arith.constant 0 : i32
      %scan3A_461 = arith.constant 0 : i32
      %scan3A_462 = arith.constant 128 : i32
      %scan3A_463 = arith.addi %scan3A_461, %scan3A_462 : i32
      %scan3A_464 = arith.constant 1 : i32
      %scan3A_465 = scf.for %scan3A_467 = %scan3A_461 to %scan3A_463 step %scan3A_464 iter_args(%scan3A_468 = %scan3A_460) -> (i32)  : i32 {
        %mul3A_469 = arith.constant 16 : i32
        %mul3A_470 = arith.muli %scan3A_467, %mul3A_469 : i32
        %get3A_471 = arith.index_cast %mul3A_470 : i32 to index
        %get3A_472 = tpu.vector_load %arg30[%get3A_471] {strides = array<i32>} : memref<2048xi32, #tpu.memory_space<vmem>>, vector<16xi32>,
        %mul3A_473 = arith.constant 16 : i32
        %mul3A_474 = arith.muli %scan3A_467, %mul3A_473 : i32
        %add3A_475 = vector.broadcast %mul3A_474 : i32 to vector<16xi32>
        %add3A_476 = arith.addi %iota3A, %add3A_475 : vector<16xi32>
        %broadcast_in_dim3A_477 = arith.constant true
        %broadcast_in_dim3A_478 = vector.broadcast %broadcast_in_dim3A_477 : i1 to vector<16xi1>
        tpu.vector_store_idx %arg11[%get3A_472], %add3A_476 masked %broadcast_in_dim3A_478 : memref<10112xi32, #tpu.memory_space<vmem>>[vector<16xi32>], vector<16xi32>, vector<16xi1>
        %scan3A_479 = arith.constant 0 : i32
        scf.yield %scan3A_479 : i32
      }
      %scan3A_466 = arith.constant 128 : i32
      "tpu.region"() ({
        %run_scoped3A = tpu.sem_alloc : memref<!tpu.dma_semaphore, #tpu.memory_space<semaphore_mem>>
        tpu.enqueue_dma source(%arg11 : memref<10112xi32, #tpu.memory_space<vmem>>) target(%arg12 : memref<10112xi32, #tpu.memory_space<vmem_shared>>) target_semaphore(%run_scoped3A : memref<!tpu.dma_semaphore, #tpu.memory_space<semaphore_mem>>)
        tpu.wait_dma2 semaphore(%run_scoped3A : memref<!tpu.dma_semaphore, #tpu.memory_space<semaphore_mem>>) src(%arg11 : memref<10112xi32, #tpu.memory_space<vmem>>) dst(%arg12 : memref<10112xi32, #tpu.memory_space<vmem_shared>>)
        tpu.yield
      }) : () -> ()
    } else {
    }
    %barrier3A = arith.constant 0 : index
    tpu.barrier barrier_id(%barrier3A)
    "tpu.trace_stop"() : () -> ()
    "tpu.trace_start"() <{level = 10 : i32, message = "sc_p1_histogram"}> : () -> ()
    "tpu.region"() ({
      %run_scoped3A = tpu.sem_alloc : memref<!tpu.dma_semaphore, #tpu.memory_space<semaphore_mem>>
      tpu.enqueue_dma source(%arg12 : memref<10112xi32, #tpu.memory_space<vmem_shared>>) target(%arg11 : memref<10112xi32, #tpu.memory_space<vmem>>) target_semaphore(%run_scoped3A : memref<!tpu.dma_semaphore, #tpu.memory_space<semaphore_mem>>)
      tpu.wait_dma2 semaphore(%run_scoped3A : memref<!tpu.dma_semaphore, #tpu.memory_space<semaphore_mem>>) src(%arg12 : memref<10112xi32, #tpu.memory_space<vmem_shared>>) dst(%arg11 : memref<10112xi32, #tpu.memory_space<vmem>>)
      tpu.yield
    }) : () -> ()
    %scan3A = arith.constant 0 : i32
    %scan3A_3 = arith.constant 0 : i32
    %scan3A_4 = arith.constant 128 : i32
    %scan3A_5 = arith.addi %scan3A_3, %scan3A_4 : i32
    %scan3A_6 = arith.constant 1 : i32
    %scan3A_7 = scf.for %scan3A_451 = %scan3A_3 to %scan3A_5 step %scan3A_6 iter_args(%scan3A_452 = %scan3A) -> (i32)  : i32 {
      %mul3A_453 = arith.constant 16 : i32
      %mul3A_454 = arith.muli %scan3A_451, %mul3A_453 : i32
      %swap3A_455 = arith.index_cast %mul3A_454 : i32 to index
      %swap3A_456 = tpu.vector_load %arg18[%swap3A_455] {strides = array<i32>} : memref<2048xi32, #tpu.memory_space<vmem>>, vector<16xi32>,
      tpu.vector_store %arg18[%swap3A_455], %broadcast_in_dim3A_0 {strides = array<i32>} : memref<2048xi32, #tpu.memory_space<vmem>>, vector<16xi32>,
      %scan3A_457 = arith.constant 0 : i32
      scf.yield %scan3A_457 : i32
    }
    %scan3A_8 = arith.constant 128 : i32
    %scan3A_9 = arith.constant 0 : i32
    %scan3A_10 = arith.constant 0 : i32
    %scan3A_11 = arith.constant 632 : i32
    %scan3A_12 = arith.addi %scan3A_10, %scan3A_11 : i32
    %scan3A_13 = arith.constant 1 : i32
    %scan3A_14 = scf.for %scan3A_451 = %scan3A_10 to %scan3A_12 step %scan3A_13 iter_args(%scan3A_452 = %scan3A_9) -> (i32)  : i32 {
      %mul3A_453 = arith.constant 16 : i32
      %mul3A_454 = arith.muli %scan3A_451, %mul3A_453 : i32
      %swap3A_455 = arith.index_cast %mul3A_454 : i32 to index
      %swap3A_456 = tpu.vector_load %arg14[%swap3A_455] {strides = array<i32>} : memref<10112xi32, #tpu.memory_space<vmem>>, vector<16xi32>,
      tpu.vector_store %arg14[%swap3A_455], %broadcast_in_dim3A_0 {strides = array<i32>} : memref<10112xi32, #tpu.memory_space<vmem>>, vector<16xi32>,
      %scan3A_457 = arith.constant 0 : i32
      scf.yield %scan3A_457 : i32
    }
    %scan3A_15 = arith.constant 632 : i32
    %mul3A = arith.constant 20000 : i32
    %mul3A_16 = arith.muli %arg1, %mul3A : i32
    %mul3A_17 = arith.constant 40256 : i32
    %mul3A_18 = arith.muli %arg1, %mul3A_17 : i32
    %multiple_of3A = tpu.assume_multiple %mul3A_16, 8 : i32
    "tpu.region"() ({
      %run_scoped3A = tpu.sem_alloc : memref<!tpu.dma_semaphore, #tpu.memory_space<semaphore_mem>>
      %dma_start3A_451 = tpu.memref_slice %arg3[%multiple_of3A] : memref<640000xi32, #tpu.memory_space<hbm>> -> memref<2000xi32, #tpu.memory_space<hbm>>
      %dma_start3A_452 = tpu.memref_slice %arg3[%multiple_of3A] : memref<640000xi32, #tpu.memory_space<hbm>> -> memref<2000xi32, #tpu.memory_space<hbm>>
      tpu.enqueue_dma source(%dma_start3A_452 : memref<2000xi32, #tpu.memory_space<hbm>>) target(%arg33 : memref<2000xi32, #tpu.memory_space<vmem>>) target_semaphore(%run_scoped3A : memref<!tpu.dma_semaphore, #tpu.memory_space<semaphore_mem>>)
      %dma_wait3A_453 = tpu.memref_slice %arg3[%multiple_of3A] : memref<640000xi32, #tpu.memory_space<hbm>> -> memref<2000xi32, #tpu.memory_space<hbm>>
      %dma_wait3A_454 = tpu.memref_slice %arg3[%multiple_of3A] : memref<640000xi32, #tpu.memory_space<hbm>> -> memref<2000xi32, #tpu.memory_space<hbm>>
      tpu.wait_dma2 semaphore(%run_scoped3A : memref<!tpu.dma_semaphore, #tpu.memory_space<semaphore_mem>>) src(%dma_wait3A_454 : memref<2000xi32, #tpu.memory_space<hbm>>) dst(%arg33 : memref<2000xi32, #tpu.memory_space<vmem>>)
      tpu.yield
    }) : () -> ()
    %add3A = arith.constant 320000 : i32
    %add3A_19 = arith.addi %add3A, %mul3A_16 : i32
    %multiple_of3A_20 = tpu.assume_multiple %add3A_19, 8 : i32
    "tpu.region"() ({
      %run_scoped3A = tpu.sem_alloc : memref<!tpu.dma_semaphore, #tpu.memory_space<semaphore_mem>>
      %dma_start3A_451 = tpu.memref_slice %arg3[%multiple_of3A_20] : memref<640000xi32, #tpu.memory_space<hbm>> -> memref<2000xi32, #tpu.memory_space<hbm>>
      %dma_start3A_452 = tpu.memref_slice %arg3[%multiple_of3A_20] : memref<640000xi32, #tpu.memory_space<hbm>> -> memref<2000xi32, #tpu.memory_space<hbm>>
      tpu.enqueue_dma source(%dma_start3A_452 : memref<2000xi32, #tpu.memory_space<hbm>>) target(%arg35 : memref<2000xi32, #tpu.memory_space<vmem>>) target_semaphore(%run_scoped3A : memref<!tpu.dma_semaphore, #tpu.memory_space<semaphore_mem>>)
      %dma_wait3A_453 = tpu.memref_slice %arg3[%multiple_of3A_20] : memref<640000xi32, #tpu.memory_space<hbm>> -> memref<2000xi32, #tpu.memory_space<hbm>>
      %dma_wait3A_454 = tpu.memref_slice %arg3[%multiple_of3A_20] : memref<640000xi32, #tpu.memory_space<hbm>> -> memref<2000xi32, #tpu.memory_space<hbm>>
      tpu.wait_dma2 semaphore(%run_scoped3A : memref<!tpu.dma_semaphore, #tpu.memory_space<semaphore_mem>>) src(%dma_wait3A_454 : memref<2000xi32, #tpu.memory_space<hbm>>) dst(%arg35 : memref<2000xi32, #tpu.memory_space<vmem>>)
      tpu.yield
    }) : () -> ()
    %add3A_21 = arith.constant 2000 : i32
    %add3A_22 = arith.addi %mul3A_16, %add3A_21 : i32
    %multiple_of3A_23 = tpu.assume_multiple %add3A_22, 8 : i32
    %dma_start3A = tpu.memref_slice %arg3[%multiple_of3A_23] : memref<640000xi32, #tpu.memory_space<hbm>> -> memref<2000xi32, #tpu.memory_space<hbm>>
    %dma_start3A_24 = tpu.memref_slice %arg3[%multiple_of3A_23] : memref<640000xi32, #tpu.memory_space<hbm>> -> memref<2000xi32, #tpu.memory_space<hbm>>
    tpu.enqueue_dma source(%dma_start3A_24 : memref<2000xi32, #tpu.memory_space<hbm>>) target(%arg34 : memref<2000xi32, #tpu.memory_space<vmem>>) target_semaphore(%arg22 : memref<!tpu.dma_semaphore, #tpu.memory_space<semaphore_mem>>)
    %add3A_25 = arith.constant 320000 : i32
    %add3A_26 = arith.addi %add3A_25, %mul3A_16 : i32
    %add3A_27 = arith.constant 2000 : i32
    %add3A_28 = arith.addi %add3A_26, %add3A_27 : i32
    %multiple_of3A_29 = tpu.assume_multiple %add3A_28, 8 : i32
    %dma_start3A_30 = tpu.memref_slice %arg3[%multiple_of3A_29] : memref<640000xi32, #tpu.memory_space<hbm>> -> memref<2000xi32, #tpu.memory_space<hbm>>
    %dma_start3A_31 = tpu.memref_slice %arg3[%multiple_of3A_29] : memref<640000xi32, #tpu.memory_space<hbm>> -> memref<2000xi32, #tpu.memory_space<hbm>>
    tpu.enqueue_dma source(%dma_start3A_31 : memref<2000xi32, #tpu.memory_space<hbm>>) target(%arg36 : memref<2000xi32, #tpu.memory_space<vmem>>) target_semaphore(%arg22 : memref<!tpu.dma_semaphore, #tpu.memory_space<semaphore_mem>>)
    %scan3A_32 = arith.constant 0 : i32
    %scan3A_33 = arith.constant 0 : i32
    %scan3A_34 = arith.constant 0 : i32
    %scan3A_35 = arith.constant 125 : i32
    %scan3A_36 = arith.addi %scan3A_34, %scan3A_35 : i32
    %scan3A_37 = arith.constant 1 : i32
    %scan3A_38:2 = scf.for %scan3A_451 = %scan3A_34 to %scan3A_36 step %scan3A_37 iter_args(%scan3A_452 = %scan3A_32, %scan3A_453 = %scan3A_33) -> (i32, i32)  : i32 {
      %mul3A_454 = arith.constant 16 : i32
      %mul3A_455 = arith.muli %scan3A_451, %mul3A_454 : i32
      %get3A_456 = arith.index_cast %mul3A_455 : i32 to index
      %get3A_457 = tpu.vector_load %arg33[%get3A_456] {strides = array<i32>} : memref<2000xi32, #tpu.memory_space<vmem>>, vector<16xi32>,
      %mul3A_458 = arith.constant 16 : i32
      %mul3A_459 = arith.muli %scan3A_451, %mul3A_458 : i32
      %get3A_460 = arith.index_cast %mul3A_459 : i32 to index
      %get3A_461 = tpu.vector_load %arg35[%get3A_460] {strides = array<i32>} : memref<2000xi32, #tpu.memory_space<vmem>>, vector<16xi32>,
      %broadcast_in_dim3A_462 = arith.constant true
      %broadcast_in_dim3A_463 = vector.broadcast %broadcast_in_dim3A_462 : i1 to vector<16xi1>
      %gather3A_464 = tpu.vector_load_idx %arg11[%get3A_457] masked %broadcast_in_dim3A_463 : memref<10112xi32, #tpu.memory_space<vmem>>[vector<16xi32>], vector<16xi32>, vector<16xi1>
      %ge3A = arith.constant 0 : i32
      %ge3A_465 = vector.broadcast %ge3A : i32 to vector<16xi32>
      %ge3A_466 = arith.cmpi sge, %gather3A_464, %ge3A_465 : vector<16xi32>
      %jit3A_467 = arith.constant 0 : i32
      %broadcast_in_dim3A_468 = vector.broadcast %jit3A_467 : i32 to vector<16xi32>
      %select_n3A_469 = arith.select %ge3A_466, %gather3A_464, %broadcast_in_dim3A_468 : vector<16xi1>, vector<16xi32>
      %unique3A, %unique3A_470 = tpu.scan_count mask(%ge3A_466 : vector<16xi1>) value(%select_n3A_469 : vector<16xi32>) : vector<16xi1>, vector<16xi32>
      %and3A_471 = arith.andi %ge3A_466, %unique3A : vector<16xi1>
      tpu.vector_store_idx %arg18[%select_n3A_469], %unique3A_470 masked %and3A_471 {add = true} : memref<2048xi32, #tpu.memory_space<vmem>>[vector<16xi32>], vector<16xi32>, vector<16xi1>
      %shift_left3A = arith.constant 14 : i32
      %shift_left3A_472 = vector.broadcast %shift_left3A : i32 to vector<16xi32>
      %shift_left3A_473 = arith.shli %select_n3A_469, %shift_left3A_472 : vector<16xi32>
      %or3A = arith.ori %shift_left3A_473, %get3A_461 : vector<16xi32>
      %swap3A_474 = arith.index_cast %scan3A_452 : i32 to index
      %swap3A_475 = tpu.vector_load %arg26[%swap3A_474] masked %ge3A_466 {strides = array<i32>} : memref<160xi32, #tpu.memory_space<vmem>>, vector<16xi32>, vector<16xi1>
      tpu.vector_store %arg26[%swap3A_474], %or3A masked %ge3A_466 {strides = array<i32>} : memref<160xi32, #tpu.memory_space<vmem>>, vector<16xi32>, vector<16xi1>
      %all_reduce_population_count3A = tpu.all_reduce %ge3A_466 {dim = 0 : i64, kind = #tpu.reduction_kind<sum>} : vector<16xi1> -> vector<16xi32>
      %slice3A = vector.extract_strided_slice %all_reduce_population_count3A {offsets = [0], sizes = [1], strides = [1]} : vector<16xi32> to vector<1xi32>
      %squeeze3A = vector.extract %slice3A[0] : i32 from vector<1xi32>
      %add3A_476 = arith.addi %scan3A_452, %squeeze3A : i32
      %broadcast_in_dim3A_477 = arith.constant true
      %broadcast_in_dim3A_478 = vector.broadcast %broadcast_in_dim3A_477 : i1 to vector<16xi1>
      %gather3A_479 = tpu.vector_load_idx %arg11[%get3A_461] masked %broadcast_in_dim3A_478 : memref<10112xi32, #tpu.memory_space<vmem>>[vector<16xi32>], vector<16xi32>, vector<16xi1>
      %ge3A_480 = arith.constant 0 : i32
      %ge3A_481 = vector.broadcast %ge3A_480 : i32 to vector<16xi32>
      %ge3A_482 = arith.cmpi sge, %gather3A_479, %ge3A_481 : vector<16xi32>
      %jit3A_483 = arith.constant 0 : i32
      %broadcast_in_dim3A_484 = vector.broadcast %jit3A_483 : i32 to vector<16xi32>
      %select_n3A_485 = arith.select %ge3A_482, %gather3A_479, %broadcast_in_dim3A_484 : vector<16xi1>, vector<16xi32>
      %unique3A_486, %unique3A_487 = tpu.scan_count mask(%ge3A_482 : vector<16xi1>) value(%select_n3A_485 : vector<16xi32>) : vector<16xi1>, vector<16xi32>
      %and3A_488 = arith.andi %ge3A_482, %unique3A_486 : vector<16xi1>
      tpu.vector_store_idx %arg18[%select_n3A_485], %unique3A_487 masked %and3A_488 {add = true} : memref<2048xi32, #tpu.memory_space<vmem>>[vector<16xi32>], vector<16xi32>, vector<16xi1>
      %shift_left3A_489 = arith.constant 14 : i32
      %shift_left3A_490 = vector.broadcast %shift_left3A_489 : i32 to vector<16xi32>
      %shift_left3A_491 = arith.shli %select_n3A_485, %shift_left3A_490 : vector<16xi32>
      %or3A_492 = arith.ori %shift_left3A_491, %get3A_457 : vector<16xi32>
      %swap3A_493 = arith.index_cast %add3A_476 : i32 to index
      %swap3A_494 = tpu.vector_load %arg26[%swap3A_493] masked %ge3A_482 {strides = array<i32>} : memref<160xi32, #tpu.memory_space<vmem>>, vector<16xi32>, vector<16xi1>
      tpu.vector_store %arg26[%swap3A_493], %or3A_492 masked %ge3A_482 {strides = array<i32>} : memref<160xi32, #tpu.memory_space<vmem>>, vector<16xi32>, vector<16xi1>
      %all_reduce_population_count3A_495 = tpu.all_reduce %ge3A_482 {dim = 0 : i64, kind = #tpu.reduction_kind<sum>} : vector<16xi1> -> vector<16xi32>
      %slice3A_496 = vector.extract_strided_slice %all_reduce_population_count3A_495 {offsets = [0], sizes = [1], strides = [1]} : vector<16xi32> to vector<1xi32>
      %squeeze3A_497 = vector.extract %slice3A_496[0] : i32 from vector<1xi32>
      %add3A_498 = arith.addi %add3A_476, %squeeze3A_497 : i32
      %ge3A_499 = arith.constant 128 : i32
      %ge3A_500 = arith.cmpi sge, %add3A_498, %ge3A_499 : i32
      %convert_element_type3A_501 = arith.extui %ge3A_500 : i1 to i32
      %cond3A_502 = arith.constant 0 : i32
      %cond3A_503 = arith.cmpi ne, %convert_element_type3A_501, %cond3A_502 : i32
      %cond3A_504:2 = scf.if %cond3A_503 -> (i32, i32) {
        %mul3A_505 = arith.constant 128 : i32
        %mul3A_506 = arith.muli %scan3A_453, %mul3A_505 : i32
        %add3A_507 = arith.addi %mul3A_18, %mul3A_506 : i32
        %multiple_of3A_508 = tpu.assume_multiple %add3A_507, 8 : i32
        "tpu.region"() ({
          %run_scoped3A = tpu.sem_alloc : memref<!tpu.dma_semaphore, #tpu.memory_space<semaphore_mem>>
          %dma_start3A_517 = arith.constant 0 : i32
          %dma_start3A_518 = tpu.memref_slice %arg26[%dma_start3A_517] : memref<160xi32, #tpu.memory_space<vmem>> -> memref<128xi32, #tpu.memory_space<vmem>>
          %dma_start3A_519 = tpu.memref_slice %arg10[%multiple_of3A_508] : memref<644096xi32, #tpu.memory_space<vmem_shared>> -> memref<128xi32, #tpu.memory_space<vmem_shared>>
          %dma_start3A_520 = tpu.memref_slice %arg10[%multiple_of3A_508] : memref<644096xi32, #tpu.memory_space<vmem_shared>> -> memref<128xi32, #tpu.memory_space<vmem_shared>>
          %dma_start3A_521 = arith.constant 0 : i32
          %dma_start3A_522 = tpu.memref_slice %arg26[%dma_start3A_521] : memref<160xi32, #tpu.memory_space<vmem>> -> memref<128xi32, #tpu.memory_space<vmem>>
          tpu.enqueue_dma source(%dma_start3A_522 : memref<128xi32, #tpu.memory_space<vmem>>) target(%dma_start3A_520 : memref<128xi32, #tpu.memory_space<vmem_shared>>) target_semaphore(%run_scoped3A : memref<!tpu.dma_semaphore, #tpu.memory_space<semaphore_mem>>)
          %dma_wait3A_523 = arith.constant 0 : i32
          %dma_wait3A_524 = tpu.memref_slice %arg26[%dma_wait3A_523] : memref<160xi32, #tpu.memory_space<vmem>> -> memref<128xi32, #tpu.memory_space<vmem>>
          %dma_wait3A_525 = tpu.memref_slice %arg10[%multiple_of3A_508] : memref<644096xi32, #tpu.memory_space<vmem_shared>> -> memref<128xi32, #tpu.memory_space<vmem_shared>>
          %dma_wait3A_526 = tpu.memref_slice %arg10[%multiple_of3A_508] : memref<644096xi32, #tpu.memory_space<vmem_shared>> -> memref<128xi32, #tpu.memory_space<vmem_shared>>
          %dma_wait3A_527 = arith.constant 0 : i32
          %dma_wait3A_528 = tpu.memref_slice %arg26[%dma_wait3A_527] : memref<160xi32, #tpu.memory_space<vmem>> -> memref<128xi32, #tpu.memory_space<vmem>>
          tpu.wait_dma2 semaphore(%run_scoped3A : memref<!tpu.dma_semaphore, #tpu.memory_space<semaphore_mem>>) src(%dma_wait3A_528 : memref<128xi32, #tpu.memory_space<vmem>>) dst(%dma_wait3A_526 : memref<128xi32, #tpu.memory_space<vmem_shared>>)
          tpu.yield
        }) : () -> ()
        %get3A_509 = arith.constant 128 : index
        %get3A_510 = tpu.vector_load %arg26[%get3A_509] {strides = array<i32>} : memref<160xi32, #tpu.memory_space<vmem>>, vector<16xi32>,
        %swap3A_511 = arith.constant 0 : index
        %swap3A_512 = tpu.vector_load %arg26[%swap3A_511] {strides = array<i32>} : memref<160xi32, #tpu.memory_space<vmem>>, vector<16xi32>,
        tpu.vector_store %arg26[%swap3A_511], %get3A_510 {strides = array<i32>} : memref<160xi32, #tpu.memory_space<vmem>>, vector<16xi32>,
        %sub3A_513 = arith.constant 128 : i32
        %sub3A_514 = arith.subi %add3A_498, %sub3A_513 : i32
        %add3A_515 = arith.constant 1 : i32
        %add3A_516 = arith.addi %scan3A_453, %add3A_515 : i32
        scf.yield %sub3A_514, %add3A_516 : i32, i32
      } else {
        scf.yield %add3A_498, %scan3A_453 : i32, i32
      }
      scf.yield %cond3A_504#0, %cond3A_504#1 : i32, i32
    }
    %scan3A_39 = arith.constant 125 : i32
    %dma_wait3A = tpu.memref_slice %arg3[%multiple_of3A_23] : memref<640000xi32, #tpu.memory_space<hbm>> -> memref<2000xi32, #tpu.memory_space<hbm>>
    %dma_wait3A_40 = tpu.memref_slice %arg3[%multiple_of3A_23] : memref<640000xi32, #tpu.memory_space<hbm>> -> memref<2000xi32, #tpu.memory_space<hbm>>
    tpu.wait_dma2 semaphore(%arg22 : memref<!tpu.dma_semaphore, #tpu.memory_space<semaphore_mem>>) src(%dma_wait3A_40 : memref<2000xi32, #tpu.memory_space<hbm>>) dst(%arg34 : memref<2000xi32, #tpu.memory_space<vmem>>)
    %dma_wait3A_41 = tpu.memref_slice %arg3[%multiple_of3A_29] : memref<640000xi32, #tpu.memory_space<hbm>> -> memref<2000xi32, #tpu.memory_space<hbm>>
    %dma_wait3A_42 = tpu.memref_slice %arg3[%multiple_of3A_29] : memref<640000xi32, #tpu.memory_space<hbm>> -> memref<2000xi32, #tpu.memory_space<hbm>>
    tpu.wait_dma2 semaphore(%arg22 : memref<!tpu.dma_semaphore, #tpu.memory_space<semaphore_mem>>) src(%dma_wait3A_42 : memref<2000xi32, #tpu.memory_space<hbm>>) dst(%arg36 : memref<2000xi32, #tpu.memory_space<vmem>>)
    %add3A_43 = arith.constant 4000 : i32
    %add3A_44 = arith.addi %mul3A_16, %add3A_43 : i32
    %multiple_of3A_45 = tpu.assume_multiple %add3A_44, 8 : i32
    %dma_start3A_46 = tpu.memref_slice %arg3[%multiple_of3A_45] : memref<640000xi32, #tpu.memory_space<hbm>> -> memref<2000xi32, #tpu.memory_space<hbm>>
    %dma_start3A_47 = tpu.memref_slice %arg3[%multiple_of3A_45] : memref<640000xi32, #tpu.memory_space<hbm>> -> memref<2000xi32, #tpu.memory_space<hbm>>
    tpu.enqueue_dma source(%dma_start3A_47 : memref<2000xi32, #tpu.memory_space<hbm>>) target(%arg33 : memref<2000xi32, #tpu.memory_space<vmem>>) target_semaphore(%arg22 : memref<!tpu.dma_semaphore, #tpu.memory_space<semaphore_mem>>)
    %add3A_48 = arith.constant 320000 : i32
    %add3A_49 = arith.addi %add3A_48, %mul3A_16 : i32
    %add3A_50 = arith.constant 4000 : i32
    %add3A_51 = arith.addi %add3A_49, %add3A_50 : i32
    %multiple_of3A_52 = tpu.assume_multiple %add3A_51, 8 : i32
    %dma_start3A_53 = tpu.memref_slice %arg3[%multiple_of3A_52] : memref<640000xi32, #tpu.memory_space<hbm>> -> memref<2000xi32, #tpu.memory_space<hbm>>
    %dma_start3A_54 = tpu.memref_slice %arg3[%multiple_of3A_52] : memref<640000xi32, #tpu.memory_space<hbm>> -> memref<2000xi32, #tpu.memory_space<hbm>>
    tpu.enqueue_dma source(%dma_start3A_54 : memref<2000xi32, #tpu.memory_space<hbm>>) target(%arg35 : memref<2000xi32, #tpu.memory_space<vmem>>) target_semaphore(%arg22 : memref<!tpu.dma_semaphore, #tpu.memory_space<semaphore_mem>>)
    %scan3A_55 = arith.constant 0 : i32
    %scan3A_56 = arith.constant 125 : i32
    %scan3A_57 = arith.addi %scan3A_55, %scan3A_56 : i32
    %scan3A_58 = arith.constant 1 : i32
    %scan3A_59:2 = scf.for %scan3A_451 = %scan3A_55 to %scan3A_57 step %scan3A_58 iter_args(%scan3A_452 = %scan3A_38#0, %scan3A_453 = %scan3A_38#1) -> (i32, i32)  : i32 {
      %mul3A_454 = arith.constant 16 : i32
      %mul3A_455 = arith.muli %scan3A_451, %mul3A_454 : i32
      %get3A_456 = arith.index_cast %mul3A_455 : i32 to index
      %get3A_457 = tpu.vector_load %arg34[%get3A_456] {strides = array<i32>} : memref<2000xi32, #tpu.memory_space<vmem>>, vector<16xi32>,
      %mul3A_458 = arith.constant 16 : i32
      %mul3A_459 = arith.muli %scan3A_451, %mul3A_458 : i32
      %get3A_460 = arith.index_cast %mul3A_459 : i32 to index
      %get3A_461 = tpu.vector_load %arg36[%get3A_460] {strides = array<i32>} : memref<2000xi32, #tpu.memory_space<vmem>>, vector<16xi32>,
      %broadcast_in_dim3A_462 = arith.constant true
      %broadcast_in_dim3A_463 = vector.broadcast %broadcast_in_dim3A_462 : i1 to vector<16xi1>
      %gather3A_464 = tpu.vector_load_idx %arg11[%get3A_457] masked %broadcast_in_dim3A_463 : memref<10112xi32, #tpu.memory_space<vmem>>[vector<16xi32>], vector<16xi32>, vector<16xi1>
      %ge3A = arith.constant 0 : i32
      %ge3A_465 = vector.broadcast %ge3A : i32 to vector<16xi32>
      %ge3A_466 = arith.cmpi sge, %gather3A_464, %ge3A_465 : vector<16xi32>
      %jit3A_467 = arith.constant 0 : i32
      %broadcast_in_dim3A_468 = vector.broadcast %jit3A_467 : i32 to vector<16xi32>
      %select_n3A_469 = arith.select %ge3A_466, %gather3A_464, %broadcast_in_dim3A_468 : vector<16xi1>, vector<16xi32>
      %unique3A, %unique3A_470 = tpu.scan_count mask(%ge3A_466 : vector<16xi1>) value(%select_n3A_469 : vector<16xi32>) : vector<16xi1>, vector<16xi32>
      %and3A_471 = arith.andi %ge3A_466, %unique3A : vector<16xi1>
      tpu.vector_store_idx %arg18[%select_n3A_469], %unique3A_470 masked %and3A_471 {add = true} : memref<2048xi32, #tpu.memory_space<vmem>>[vector<16xi32>], vector<16xi32>, vector<16xi1>
      %shift_left3A = arith.constant 14 : i32
      %shift_left3A_472 = vector.broadcast %shift_left3A : i32 to vector<16xi32>
      %shift_left3A_473 = arith.shli %select_n3A_469, %shift_left3A_472 : vector<16xi32>
      %or3A = arith.ori %shift_left3A_473, %get3A_461 : vector<16xi32>
      %swap3A_474 = arith.index_cast %scan3A_452 : i32 to index
      %swap3A_475 = tpu.vector_load %arg26[%swap3A_474] masked %ge3A_466 {strides = array<i32>} : memref<160xi32, #tpu.memory_space<vmem>>, vector<16xi32>, vector<16xi1>
      tpu.vector_store %arg26[%swap3A_474], %or3A masked %ge3A_466 {strides = array<i32>} : memref<160xi32, #tpu.memory_space<vmem>>, vector<16xi32>, vector<16xi1>
      %all_reduce_population_count3A = tpu.all_reduce %ge3A_466 {dim = 0 : i64, kind = #tpu.reduction_kind<sum>} : vector<16xi1> -> vector<16xi32>
      %slice3A = vector.extract_strided_slice %all_reduce_population_count3A {offsets = [0], sizes = [1], strides = [1]} : vector<16xi32> to vector<1xi32>
      %squeeze3A = vector.extract %slice3A[0] : i32 from vector<1xi32>
      %add3A_476 = arith.addi %scan3A_452, %squeeze3A : i32
      %broadcast_in_dim3A_477 = arith.constant true
      %broadcast_in_dim3A_478 = vector.broadcast %broadcast_in_dim3A_477 : i1 to vector<16xi1>
      %gather3A_479 = tpu.vector_load_idx %arg11[%get3A_461] masked %broadcast_in_dim3A_478 : memref<10112xi32, #tpu.memory_space<vmem>>[vector<16xi32>], vector<16xi32>, vector<16xi1>
      %ge3A_480 = arith.constant 0 : i32
      %ge3A_481 = vector.broadcast %ge3A_480 : i32 to vector<16xi32>
      %ge3A_482 = arith.cmpi sge, %gather3A_479, %ge3A_481 : vector<16xi32>
      %jit3A_483 = arith.constant 0 : i32
      %broadcast_in_dim3A_484 = vector.broadcast %jit3A_483 : i32 to vector<16xi32>
      %select_n3A_485 = arith.select %ge3A_482, %gather3A_479, %broadcast_in_dim3A_484 : vector<16xi1>, vector<16xi32>
      %unique3A_486, %unique3A_487 = tpu.scan_count mask(%ge3A_482 : vector<16xi1>) value(%select_n3A_485 : vector<16xi32>) : vector<16xi1>, vector<16xi32>
      %and3A_488 = arith.andi %ge3A_482, %unique3A_486 : vector<16xi1>
      tpu.vector_store_idx %arg18[%select_n3A_485], %unique3A_487 masked %and3A_488 {add = true} : memref<2048xi32, #tpu.memory_space<vmem>>[vector<16xi32>], vector<16xi32>, vector<16xi1>
      %shift_left3A_489 = arith.constant 14 : i32
      %shift_left3A_490 = vector.broadcast %shift_left3A_489 : i32 to vector<16xi32>
      %shift_left3A_491 = arith.shli %select_n3A_485, %shift_left3A_490 : vector<16xi32>
      %or3A_492 = arith.ori %shift_left3A_491, %get3A_457 : vector<16xi32>
      %swap3A_493 = arith.index_cast %add3A_476 : i32 to index
      %swap3A_494 = tpu.vector_load %arg26[%swap3A_493] masked %ge3A_482 {strides = array<i32>} : memref<160xi32, #tpu.memory_space<vmem>>, vector<16xi32>, vector<16xi1>
      tpu.vector_store %arg26[%swap3A_493], %or3A_492 masked %ge3A_482 {strides = array<i32>} : memref<160xi32, #tpu.memory_space<vmem>>, vector<16xi32>, vector<16xi1>
      %all_reduce_population_count3A_495 = tpu.all_reduce %ge3A_482 {dim = 0 : i64, kind = #tpu.reduction_kind<sum>} : vector<16xi1> -> vector<16xi32>
      %slice3A_496 = vector.extract_strided_slice %all_reduce_population_count3A_495 {offsets = [0], sizes = [1], strides = [1]} : vector<16xi32> to vector<1xi32>
      %squeeze3A_497 = vector.extract %slice3A_496[0] : i32 from vector<1xi32>
      %add3A_498 = arith.addi %add3A_476, %squeeze3A_497 : i32
      %ge3A_499 = arith.constant 128 : i32
      %ge3A_500 = arith.cmpi sge, %add3A_498, %ge3A_499 : i32
      %convert_element_type3A_501 = arith.extui %ge3A_500 : i1 to i32
      %cond3A_502 = arith.constant 0 : i32
      %cond3A_503 = arith.cmpi ne, %convert_element_type3A_501, %cond3A_502 : i32
      %cond3A_504:2 = scf.if %cond3A_503 -> (i32, i32) {
        %mul3A_505 = arith.constant 128 : i32
        %mul3A_506 = arith.muli %scan3A_453, %mul3A_505 : i32
        %add3A_507 = arith.addi %mul3A_18, %mul3A_506 : i32
        %multiple_of3A_508 = tpu.assume_multiple %add3A_507, 8 : i32
        "tpu.region"() ({
          %run_scoped3A = tpu.sem_alloc : memref<!tpu.dma_semaphore, #tpu.memory_space<semaphore_mem>>
          %dma_start3A_517 = arith.constant 0 : i32
          %dma_start3A_518 = tpu.memref_slice %arg26[%dma_start3A_517] : memref<160xi32, #tpu.memory_space<vmem>> -> memref<128xi32, #tpu.memory_space<vmem>>
          %dma_start3A_519 = tpu.memref_slice %arg10[%multiple_of3A_508] : memref<644096xi32, #tpu.memory_space<vmem_shared>> -> memref<128xi32, #tpu.memory_space<vmem_shared>>
          %dma_start3A_520 = tpu.memref_slice %arg10[%multiple_of3A_508] : memref<644096xi32, #tpu.memory_space<vmem_shared>> -> memref<128xi32, #tpu.memory_space<vmem_shared>>
          %dma_start3A_521 = arith.constant 0 : i32
          %dma_start3A_522 = tpu.memref_slice %arg26[%dma_start3A_521] : memref<160xi32, #tpu.memory_space<vmem>> -> memref<128xi32, #tpu.memory_space<vmem>>
          tpu.enqueue_dma source(%dma_start3A_522 : memref<128xi32, #tpu.memory_space<vmem>>) target(%dma_start3A_520 : memref<128xi32, #tpu.memory_space<vmem_shared>>) target_semaphore(%run_scoped3A : memref<!tpu.dma_semaphore, #tpu.memory_space<semaphore_mem>>)
          %dma_wait3A_523 = arith.constant 0 : i32
          %dma_wait3A_524 = tpu.memref_slice %arg26[%dma_wait3A_523] : memref<160xi32, #tpu.memory_space<vmem>> -> memref<128xi32, #tpu.memory_space<vmem>>
          %dma_wait3A_525 = tpu.memref_slice %arg10[%multiple_of3A_508] : memref<644096xi32, #tpu.memory_space<vmem_shared>> -> memref<128xi32, #tpu.memory_space<vmem_shared>>
          %dma_wait3A_526 = tpu.memref_slice %arg10[%multiple_of3A_508] : memref<644096xi32, #tpu.memory_space<vmem_shared>> -> memref<128xi32, #tpu.memory_space<vmem_shared>>
          %dma_wait3A_527 = arith.constant 0 : i32
          %dma_wait3A_528 = tpu.memref_slice %arg26[%dma_wait3A_527] : memref<160xi32, #tpu.memory_space<vmem>> -> memref<128xi32, #tpu.memory_space<vmem>>
          tpu.wait_dma2 semaphore(%run_scoped3A : memref<!tpu.dma_semaphore, #tpu.memory_space<semaphore_mem>>) src(%dma_wait3A_528 : memref<128xi32, #tpu.memory_space<vmem>>) dst(%dma_wait3A_526 : memref<128xi32, #tpu.memory_space<vmem_shared>>)
          tpu.yield
        }) : () -> ()
        %get3A_509 = arith.constant 128 : index
        %get3A_510 = tpu.vector_load %arg26[%get3A_509] {strides = array<i32>} : memref<160xi32, #tpu.memory_space<vmem>>, vector<16xi32>,
        %swap3A_511 = arith.constant 0 : index
        %swap3A_512 = tpu.vector_load %arg26[%swap3A_511] {strides = array<i32>} : memref<160xi32, #tpu.memory_space<vmem>>, vector<16xi32>,
        tpu.vector_store %arg26[%swap3A_511], %get3A_510 {strides = array<i32>} : memref<160xi32, #tpu.memory_space<vmem>>, vector<16xi32>,
        %sub3A_513 = arith.constant 128 : i32
        %sub3A_514 = arith.subi %add3A_498, %sub3A_513 : i32
        %add3A_515 = arith.constant 1 : i32
        %add3A_516 = arith.addi %scan3A_453, %add3A_515 : i32
        scf.yield %sub3A_514, %add3A_516 : i32, i32
      } else {
        scf.yield %add3A_498, %scan3A_453 : i32, i32
      }
      scf.yield %cond3A_504#0, %cond3A_504#1 : i32, i32
    }
    %scan3A_60 = arith.constant 125 : i32
    %dma_wait3A_61 = tpu.memref_slice %arg3[%multiple_of3A_45] : memref<640000xi32, #tpu.memory_space<hbm>> -> memref<2000xi32, #tpu.memory_space<hbm>>
    %dma_wait3A_62 = tpu.memref_slice %arg3[%multiple_of3A_45] : memref<640000xi32, #tpu.memory_space<hbm>> -> memref<2000xi32, #tpu.memory_space<hbm>>
    tpu.wait_dma2 semaphore(%arg22 : memref<!tpu.dma_semaphore, #tpu.memory_space<semaphore_mem>>) src(%dma_wait3A_62 : memref<2000xi32, #tpu.memory_space<hbm>>) dst(%arg33 : memref<2000xi32, #tpu.memory_space<vmem>>)
    %dma_wait3A_63 = tpu.memref_slice %arg3[%multiple_of3A_52] : memref<640000xi32, #tpu.memory_space<hbm>> -> memref<2000xi32, #tpu.memory_space<hbm>>
    %dma_wait3A_64 = tpu.memref_slice %arg3[%multiple_of3A_52] : memref<640000xi32, #tpu.memory_space<hbm>> -> memref<2000xi32, #tpu.memory_space<hbm>>
    tpu.wait_dma2 semaphore(%arg22 : memref<!tpu.dma_semaphore, #tpu.memory_space<semaphore_mem>>) src(%dma_wait3A_64 : memref<2000xi32, #tpu.memory_space<hbm>>) dst(%arg35 : memref<2000xi32, #tpu.memory_space<vmem>>)
    %add3A_65 = arith.constant 6000 : i32
    %add3A_66 = arith.addi %mul3A_16, %add3A_65 : i32
    %multiple_of3A_67 = tpu.assume_multiple %add3A_66, 8 : i32
    %dma_start3A_68 = tpu.memref_slice %arg3[%multiple_of3A_67] : memref<640000xi32, #tpu.memory_space<hbm>> -> memref<2000xi32, #tpu.memory_space<hbm>>
    %dma_start3A_69 = tpu.memref_slice %arg3[%multiple_of3A_67] : memref<640000xi32, #tpu.memory_space<hbm>> -> memref<2000xi32, #tpu.memory_space<hbm>>
    tpu.enqueue_dma source(%dma_start3A_69 : memref<2000xi32, #tpu.memory_space<hbm>>) target(%arg34 : memref<2000xi32, #tpu.memory_space<vmem>>) target_semaphore(%arg22 : memref<!tpu.dma_semaphore, #tpu.memory_space<semaphore_mem>>)
    %add3A_70 = arith.constant 320000 : i32
    %add3A_71 = arith.addi %add3A_70, %mul3A_16 : i32
    %add3A_72 = arith.constant 6000 : i32
    %add3A_73 = arith.addi %add3A_71, %add3A_72 : i32
    %multiple_of3A_74 = tpu.assume_multiple %add3A_73, 8 : i32
    %dma_start3A_75 = tpu.memref_slice %arg3[%multiple_of3A_74] : memref<640000xi32, #tpu.memory_space<hbm>> -> memref<2000xi32, #tpu.memory_space<hbm>>
    %dma_start3A_76 = tpu.memref_slice %arg3[%multiple_of3A_74] : memref<640000xi32, #tpu.memory_space<hbm>> -> memref<2000xi32, #tpu.memory_space<hbm>>
    tpu.enqueue_dma source(%dma_start3A_76 : memref<2000xi32, #tpu.memory_space<hbm>>) target(%arg36 : memref<2000xi32, #tpu.memory_space<vmem>>) target_semaphore(%arg22 : memref<!tpu.dma_semaphore, #tpu.memory_space<semaphore_mem>>)
    %scan3A_77 = arith.constant 0 : i32
    %scan3A_78 = arith.constant 125 : i32
    %scan3A_79 = arith.addi %scan3A_77, %scan3A_78 : i32
    %scan3A_80 = arith.constant 1 : i32
    %scan3A_81:2 = scf.for %scan3A_451 = %scan3A_77 to %scan3A_79 step %scan3A_80 iter_args(%scan3A_452 = %scan3A_59#0, %scan3A_453 = %scan3A_59#1) -> (i32, i32)  : i32 {
      %mul3A_454 = arith.constant 16 : i32
      %mul3A_455 = arith.muli %scan3A_451, %mul3A_454 : i32
      %get3A_456 = arith.index_cast %mul3A_455 : i32 to index
      %get3A_457 = tpu.vector_load %arg33[%get3A_456] {strides = array<i32>} : memref<2000xi32, #tpu.memory_space<vmem>>, vector<16xi32>,
      %mul3A_458 = arith.constant 16 : i32
      %mul3A_459 = arith.muli %scan3A_451, %mul3A_458 : i32
      %get3A_460 = arith.index_cast %mul3A_459 : i32 to index
      %get3A_461 = tpu.vector_load %arg35[%get3A_460] {strides = array<i32>} : memref<2000xi32, #tpu.memory_space<vmem>>, vector<16xi32>,
      %broadcast_in_dim3A_462 = arith.constant true
      %broadcast_in_dim3A_463 = vector.broadcast %broadcast_in_dim3A_462 : i1 to vector<16xi1>
      %gather3A_464 = tpu.vector_load_idx %arg11[%get3A_457] masked %broadcast_in_dim3A_463 : memref<10112xi32, #tpu.memory_space<vmem>>[vector<16xi32>], vector<16xi32>, vector<16xi1>
      %ge3A = arith.constant 0 : i32
      %ge3A_465 = vector.broadcast %ge3A : i32 to vector<16xi32>
      %ge3A_466 = arith.cmpi sge, %gather3A_464, %ge3A_465 : vector<16xi32>
      %jit3A_467 = arith.constant 0 : i32
      %broadcast_in_dim3A_468 = vector.broadcast %jit3A_467 : i32 to vector<16xi32>
      %select_n3A_469 = arith.select %ge3A_466, %gather3A_464, %broadcast_in_dim3A_468 : vector<16xi1>, vector<16xi32>
      %unique3A, %unique3A_470 = tpu.scan_count mask(%ge3A_466 : vector<16xi1>) value(%select_n3A_469 : vector<16xi32>) : vector<16xi1>, vector<16xi32>
      %and3A_471 = arith.andi %ge3A_466, %unique3A : vector<16xi1>
      tpu.vector_store_idx %arg18[%select_n3A_469], %unique3A_470 masked %and3A_471 {add = true} : memref<2048xi32, #tpu.memory_space<vmem>>[vector<16xi32>], vector<16xi32>, vector<16xi1>
      %shift_left3A = arith.constant 14 : i32
      %shift_left3A_472 = vector.broadcast %shift_left3A : i32 to vector<16xi32>
      %shift_left3A_473 = arith.shli %select_n3A_469, %shift_left3A_472 : vector<16xi32>
      %or3A = arith.ori %shift_left3A_473, %get3A_461 : vector<16xi32>
      %swap3A_474 = arith.index_cast %scan3A_452 : i32 to index
      %swap3A_475 = tpu.vector_load %arg26[%swap3A_474] masked %ge3A_466 {strides = array<i32>} : memref<160xi32, #tpu.memory_space<vmem>>, vector<16xi32>, vector<16xi1>
      tpu.vector_store %arg26[%swap3A_474], %or3A masked %ge3A_466 {strides = array<i32>} : memref<160xi32, #tpu.memory_space<vmem>>, vector<16xi32>, vector<16xi1>
      %all_reduce_population_count3A = tpu.all_reduce %ge3A_466 {dim = 0 : i64, kind = #tpu.reduction_kind<sum>} : vector<16xi1> -> vector<16xi32>
      %slice3A = vector.extract_strided_slice %all_reduce_population_count3A {offsets = [0], sizes = [1], strides = [1]} : vector<16xi32> to vector<1xi32>
      %squeeze3A = vector.extract %slice3A[0] : i32 from vector<1xi32>
      %add3A_476 = arith.addi %scan3A_452, %squeeze3A : i32
      %broadcast_in_dim3A_477 = arith.constant true
      %broadcast_in_dim3A_478 = vector.broadcast %broadcast_in_dim3A_477 : i1 to vector<16xi1>
      %gather3A_479 = tpu.vector_load_idx %arg11[%get3A_461] masked %broadcast_in_dim3A_478 : memref<10112xi32, #tpu.memory_space<vmem>>[vector<16xi32>], vector<16xi32>, vector<16xi1>
      %ge3A_480 = arith.constant 0 : i32
      %ge3A_481 = vector.broadcast %ge3A_480 : i32 to vector<16xi32>
      %ge3A_482 = arith.cmpi sge, %gather3A_479, %ge3A_481 : vector<16xi32>
      %jit3A_483 = arith.constant 0 : i32
      %broadcast_in_dim3A_484 = vector.broadcast %jit3A_483 : i32 to vector<16xi32>
      %select_n3A_485 = arith.select %ge3A_482, %gather3A_479, %broadcast_in_dim3A_484 : vector<16xi1>, vector<16xi32>
      %unique3A_486, %unique3A_487 = tpu.scan_count mask(%ge3A_482 : vector<16xi1>) value(%select_n3A_485 : vector<16xi32>) : vector<16xi1>, vector<16xi32>
      %and3A_488 = arith.andi %ge3A_482, %unique3A_486 : vector<16xi1>
      tpu.vector_store_idx %arg18[%select_n3A_485], %unique3A_487 masked %and3A_488 {add = true} : memref<2048xi32, #tpu.memory_space<vmem>>[vector<16xi32>], vector<16xi32>, vector<16xi1>
      %shift_left3A_489 = arith.constant 14 : i32
      %shift_left3A_490 = vector.broadcast %shift_left3A_489 : i32 to vector<16xi32>
      %shift_left3A_491 = arith.shli %select_n3A_485, %shift_left3A_490 : vector<16xi32>
      %or3A_492 = arith.ori %shift_left3A_491, %get3A_457 : vector<16xi32>
      %swap3A_493 = arith.index_cast %add3A_476 : i32 to index
      %swap3A_494 = tpu.vector_load %arg26[%swap3A_493] masked %ge3A_482 {strides = array<i32>} : memref<160xi32, #tpu.memory_space<vmem>>, vector<16xi32>, vector<16xi1>
      tpu.vector_store %arg26[%swap3A_493], %or3A_492 masked %ge3A_482 {strides = array<i32>} : memref<160xi32, #tpu.memory_space<vmem>>, vector<16xi32>, vector<16xi1>
      %all_reduce_population_count3A_495 = tpu.all_reduce %ge3A_482 {dim = 0 : i64, kind = #tpu.reduction_kind<sum>} : vector<16xi1> -> vector<16xi32>
      %slice3A_496 = vector.extract_strided_slice %all_reduce_population_count3A_495 {offsets = [0], sizes = [1], strides = [1]} : vector<16xi32> to vector<1xi32>
      %squeeze3A_497 = vector.extract %slice3A_496[0] : i32 from vector<1xi32>
      %add3A_498 = arith.addi %add3A_476, %squeeze3A_497 : i32
      %ge3A_499 = arith.constant 128 : i32
      %ge3A_500 = arith.cmpi sge, %add3A_498, %ge3A_499 : i32
      %convert_element_type3A_501 = arith.extui %ge3A_500 : i1 to i32
      %cond3A_502 = arith.constant 0 : i32
      %cond3A_503 = arith.cmpi ne, %convert_element_type3A_501, %cond3A_502 : i32
      %cond3A_504:2 = scf.if %cond3A_503 -> (i32, i32) {
        %mul3A_505 = arith.constant 128 : i32
        %mul3A_506 = arith.muli %scan3A_453, %mul3A_505 : i32
        %add3A_507 = arith.addi %mul3A_18, %mul3A_506 : i32
        %multiple_of3A_508 = tpu.assume_multiple %add3A_507, 8 : i32
        "tpu.region"() ({
          %run_scoped3A = tpu.sem_alloc : memref<!tpu.dma_semaphore, #tpu.memory_space<semaphore_mem>>
          %dma_start3A_517 = arith.constant 0 : i32
          %dma_start3A_518 = tpu.memref_slice %arg26[%dma_start3A_517] : memref<160xi32, #tpu.memory_space<vmem>> -> memref<128xi32, #tpu.memory_space<vmem>>
          %dma_start3A_519 = tpu.memref_slice %arg10[%multiple_of3A_508] : memref<644096xi32, #tpu.memory_space<vmem_shared>> -> memref<128xi32, #tpu.memory_space<vmem_shared>>
          %dma_start3A_520 = tpu.memref_slice %arg10[%multiple_of3A_508] : memref<644096xi32, #tpu.memory_space<vmem_shared>> -> memref<128xi32, #tpu.memory_space<vmem_shared>>
          %dma_start3A_521 = arith.constant 0 : i32
          %dma_start3A_522 = tpu.memref_slice %arg26[%dma_start3A_521] : memref<160xi32, #tpu.memory_space<vmem>> -> memref<128xi32, #tpu.memory_space<vmem>>
          tpu.enqueue_dma source(%dma_start3A_522 : memref<128xi32, #tpu.memory_space<vmem>>) target(%dma_start3A_520 : memref<128xi32, #tpu.memory_space<vmem_shared>>) target_semaphore(%run_scoped3A : memref<!tpu.dma_semaphore, #tpu.memory_space<semaphore_mem>>)
          %dma_wait3A_523 = arith.constant 0 : i32
          %dma_wait3A_524 = tpu.memref_slice %arg26[%dma_wait3A_523] : memref<160xi32, #tpu.memory_space<vmem>> -> memref<128xi32, #tpu.memory_space<vmem>>
          %dma_wait3A_525 = tpu.memref_slice %arg10[%multiple_of3A_508] : memref<644096xi32, #tpu.memory_space<vmem_shared>> -> memref<128xi32, #tpu.memory_space<vmem_shared>>
          %dma_wait3A_526 = tpu.memref_slice %arg10[%multiple_of3A_508] : memref<644096xi32, #tpu.memory_space<vmem_shared>> -> memref<128xi32, #tpu.memory_space<vmem_shared>>
          %dma_wait3A_527 = arith.constant 0 : i32
          %dma_wait3A_528 = tpu.memref_slice %arg26[%dma_wait3A_527] : memref<160xi32, #tpu.memory_space<vmem>> -> memref<128xi32, #tpu.memory_space<vmem>>
          tpu.wait_dma2 semaphore(%run_scoped3A : memref<!tpu.dma_semaphore, #tpu.memory_space<semaphore_mem>>) src(%dma_wait3A_528 : memref<128xi32, #tpu.memory_space<vmem>>) dst(%dma_wait3A_526 : memref<128xi32, #tpu.memory_space<vmem_shared>>)
          tpu.yield
        }) : () -> ()
        %get3A_509 = arith.constant 128 : index
        %get3A_510 = tpu.vector_load %arg26[%get3A_509] {strides = array<i32>} : memref<160xi32, #tpu.memory_space<vmem>>, vector<16xi32>,
        %swap3A_511 = arith.constant 0 : index
        %swap3A_512 = tpu.vector_load %arg26[%swap3A_511] {strides = array<i32>} : memref<160xi32, #tpu.memory_space<vmem>>, vector<16xi32>,
        tpu.vector_store %arg26[%swap3A_511], %get3A_510 {strides = array<i32>} : memref<160xi32, #tpu.memory_space<vmem>>, vector<16xi32>,
        %sub3A_513 = arith.constant 128 : i32
        %sub3A_514 = arith.subi %add3A_498, %sub3A_513 : i32
        %add3A_515 = arith.constant 1 : i32
        %add3A_516 = arith.addi %scan3A_453, %add3A_515 : i32
        scf.yield %sub3A_514, %add3A_516 : i32, i32
      } else {
        scf.yield %add3A_498, %scan3A_453 : i32, i32
      }
      scf.yield %cond3A_504#0, %cond3A_504#1 : i32, i32
    }
    %scan3A_82 = arith.constant 125 : i32
    %dma_wait3A_83 = tpu.memref_slice %arg3[%multiple_of3A_67] : memref<640000xi32, #tpu.memory_space<hbm>> -> memref<2000xi32, #tpu.memory_space<hbm>>
    %dma_wait3A_84 = tpu.memref_slice %arg3[%multiple_of3A_67] : memref<640000xi32, #tpu.memory_space<hbm>> -> memref<2000xi32, #tpu.memory_space<hbm>>
    tpu.wait_dma2 semaphore(%arg22 : memref<!tpu.dma_semaphore, #tpu.memory_space<semaphore_mem>>) src(%dma_wait3A_84 : memref<2000xi32, #tpu.memory_space<hbm>>) dst(%arg34 : memref<2000xi32, #tpu.memory_space<vmem>>)
    %dma_wait3A_85 = tpu.memref_slice %arg3[%multiple_of3A_74] : memref<640000xi32, #tpu.memory_space<hbm>> -> memref<2000xi32, #tpu.memory_space<hbm>>
    %dma_wait3A_86 = tpu.memref_slice %arg3[%multiple_of3A_74] : memref<640000xi32, #tpu.memory_space<hbm>> -> memref<2000xi32, #tpu.memory_space<hbm>>
    tpu.wait_dma2 semaphore(%arg22 : memref<!tpu.dma_semaphore, #tpu.memory_space<semaphore_mem>>) src(%dma_wait3A_86 : memref<2000xi32, #tpu.memory_space<hbm>>) dst(%arg36 : memref<2000xi32, #tpu.memory_space<vmem>>)
    %add3A_87 = arith.constant 8000 : i32
    %add3A_88 = arith.addi %mul3A_16, %add3A_87 : i32
    %multiple_of3A_89 = tpu.assume_multiple %add3A_88, 8 : i32
    %dma_start3A_90 = tpu.memref_slice %arg3[%multiple_of3A_89] : memref<640000xi32, #tpu.memory_space<hbm>> -> memref<2000xi32, #tpu.memory_space<hbm>>
    %dma_start3A_91 = tpu.memref_slice %arg3[%multiple_of3A_89] : memref<640000xi32, #tpu.memory_space<hbm>> -> memref<2000xi32, #tpu.memory_space<hbm>>
    tpu.enqueue_dma source(%dma_start3A_91 : memref<2000xi32, #tpu.memory_space<hbm>>) target(%arg33 : memref<2000xi32, #tpu.memory_space<vmem>>) target_semaphore(%arg22 : memref<!tpu.dma_semaphore, #tpu.memory_space<semaphore_mem>>)
    %add3A_92 = arith.constant 320000 : i32
    %add3A_93 = arith.addi %add3A_92, %mul3A_16 : i32
    %add3A_94 = arith.constant 8000 : i32
    %add3A_95 = arith.addi %add3A_93, %add3A_94 : i32
    %multiple_of3A_96 = tpu.assume_multiple %add3A_95, 8 : i32
    %dma_start3A_97 = tpu.memref_slice %arg3[%multiple_of3A_96] : memref<640000xi32, #tpu.memory_space<hbm>> -> memref<2000xi32, #tpu.memory_space<hbm>>
    %dma_start3A_98 = tpu.memref_slice %arg3[%multiple_of3A_96] : memref<640000xi32, #tpu.memory_space<hbm>> -> memref<2000xi32, #tpu.memory_space<hbm>>
    tpu.enqueue_dma source(%dma_start3A_98 : memref<2000xi32, #tpu.memory_space<hbm>>) target(%arg35 : memref<2000xi32, #tpu.memory_space<vmem>>) target_semaphore(%arg22 : memref<!tpu.dma_semaphore, #tpu.memory_space<semaphore_mem>>)
    %scan3A_99 = arith.constant 0 : i32
    %scan3A_100 = arith.constant 125 : i32
    %scan3A_101 = arith.addi %scan3A_99, %scan3A_100 : i32
    %scan3A_102 = arith.constant 1 : i32
    %scan3A_103:2 = scf.for %scan3A_451 = %scan3A_99 to %scan3A_101 step %scan3A_102 iter_args(%scan3A_452 = %scan3A_81#0, %scan3A_453 = %scan3A_81#1) -> (i32, i32)  : i32 {
      %mul3A_454 = arith.constant 16 : i32
      %mul3A_455 = arith.muli %scan3A_451, %mul3A_454 : i32
      %get3A_456 = arith.index_cast %mul3A_455 : i32 to index
      %get3A_457 = tpu.vector_load %arg34[%get3A_456] {strides = array<i32>} : memref<2000xi32, #tpu.memory_space<vmem>>, vector<16xi32>,
      %mul3A_458 = arith.constant 16 : i32
      %mul3A_459 = arith.muli %scan3A_451, %mul3A_458 : i32
      %get3A_460 = arith.index_cast %mul3A_459 : i32 to index
      %get3A_461 = tpu.vector_load %arg36[%get3A_460] {strides = array<i32>} : memref<2000xi32, #tpu.memory_space<vmem>>, vector<16xi32>,
      %broadcast_in_dim3A_462 = arith.constant true
      %broadcast_in_dim3A_463 = vector.broadcast %broadcast_in_dim3A_462 : i1 to vector<16xi1>
      %gather3A_464 = tpu.vector_load_idx %arg11[%get3A_457] masked %broadcast_in_dim3A_463 : memref<10112xi32, #tpu.memory_space<vmem>>[vector<16xi32>], vector<16xi32>, vector<16xi1>
      %ge3A = arith.constant 0 : i32
      %ge3A_465 = vector.broadcast %ge3A : i32 to vector<16xi32>
      %ge3A_466 = arith.cmpi sge, %gather3A_464, %ge3A_465 : vector<16xi32>
      %jit3A_467 = arith.constant 0 : i32
      %broadcast_in_dim3A_468 = vector.broadcast %jit3A_467 : i32 to vector<16xi32>
      %select_n3A_469 = arith.select %ge3A_466, %gather3A_464, %broadcast_in_dim3A_468 : vector<16xi1>, vector<16xi32>
      %unique3A, %unique3A_470 = tpu.scan_count mask(%ge3A_466 : vector<16xi1>) value(%select_n3A_469 : vector<16xi32>) : vector<16xi1>, vector<16xi32>
      %and3A_471 = arith.andi %ge3A_466, %unique3A : vector<16xi1>
      tpu.vector_store_idx %arg18[%select_n3A_469], %unique3A_470 masked %and3A_471 {add = true} : memref<2048xi32, #tpu.memory_space<vmem>>[vector<16xi32>], vector<16xi32>, vector<16xi1>
      %shift_left3A = arith.constant 14 : i32
      %shift_left3A_472 = vector.broadcast %shift_left3A : i32 to vector<16xi32>
      %shift_left3A_473 = arith.shli %select_n3A_469, %shift_left3A_472 : vector<16xi32>
      %or3A = arith.ori %shift_left3A_473, %get3A_461 : vector<16xi32>
      %swap3A_474 = arith.index_cast %scan3A_452 : i32 to index
      %swap3A_475 = tpu.vector_load %arg26[%swap3A_474] masked %ge3A_466 {strides = array<i32>} : memref<160xi32, #tpu.memory_space<vmem>>, vector<16xi32>, vector<16xi1>
      tpu.vector_store %arg26[%swap3A_474], %or3A masked %ge3A_466 {strides = array<i32>} : memref<160xi32, #tpu.memory_space<vmem>>, vector<16xi32>, vector<16xi1>
      %all_reduce_population_count3A = tpu.all_reduce %ge3A_466 {dim = 0 : i64, kind = #tpu.reduction_kind<sum>} : vector<16xi1> -> vector<16xi32>
      %slice3A = vector.extract_strided_slice %all_reduce_population_count3A {offsets = [0], sizes = [1], strides = [1]} : vector<16xi32> to vector<1xi32>
      %squeeze3A = vector.extract %slice3A[0] : i32 from vector<1xi32>
      %add3A_476 = arith.addi %scan3A_452, %squeeze3A : i32
      %broadcast_in_dim3A_477 = arith.constant true
      %broadcast_in_dim3A_478 = vector.broadcast %broadcast_in_dim3A_477 : i1 to vector<16xi1>
      %gather3A_479 = tpu.vector_load_idx %arg11[%get3A_461] masked %broadcast_in_dim3A_478 : memref<10112xi32, #tpu.memory_space<vmem>>[vector<16xi32>], vector<16xi32>, vector<16xi1>
      %ge3A_480 = arith.constant 0 : i32
      %ge3A_481 = vector.broadcast %ge3A_480 : i32 to vector<16xi32>
      %ge3A_482 = arith.cmpi sge, %gather3A_479, %ge3A_481 : vector<16xi32>
      %jit3A_483 = arith.constant 0 : i32
      %broadcast_in_dim3A_484 = vector.broadcast %jit3A_483 : i32 to vector<16xi32>
      %select_n3A_485 = arith.select %ge3A_482, %gather3A_479, %broadcast_in_dim3A_484 : vector<16xi1>, vector<16xi32>
      %unique3A_486, %unique3A_487 = tpu.scan_count mask(%ge3A_482 : vector<16xi1>) value(%select_n3A_485 : vector<16xi32>) : vector<16xi1>, vector<16xi32>
      %and3A_488 = arith.andi %ge3A_482, %unique3A_486 : vector<16xi1>
      tpu.vector_store_idx %arg18[%select_n3A_485], %unique3A_487 masked %and3A_488 {add = true} : memref<2048xi32, #tpu.memory_space<vmem>>[vector<16xi32>], vector<16xi32>, vector<16xi1>
      %shift_left3A_489 = arith.constant 14 : i32
      %shift_left3A_490 = vector.broadcast %shift_left3A_489 : i32 to vector<16xi32>
      %shift_left3A_491 = arith.shli %select_n3A_485, %shift_left3A_490 : vector<16xi32>
      %or3A_492 = arith.ori %shift_left3A_491, %get3A_457 : vector<16xi32>
      %swap3A_493 = arith.index_cast %add3A_476 : i32 to index
      %swap3A_494 = tpu.vector_load %arg26[%swap3A_493] masked %ge3A_482 {strides = array<i32>} : memref<160xi32, #tpu.memory_space<vmem>>, vector<16xi32>, vector<16xi1>
      tpu.vector_store %arg26[%swap3A_493], %or3A_492 masked %ge3A_482 {strides = array<i32>} : memref<160xi32, #tpu.memory_space<vmem>>, vector<16xi32>, vector<16xi1>
      %all_reduce_population_count3A_495 = tpu.all_reduce %ge3A_482 {dim = 0 : i64, kind = #tpu.reduction_kind<sum>} : vector<16xi1> -> vector<16xi32>
      %slice3A_496 = vector.extract_strided_slice %all_reduce_population_count3A_495 {offsets = [0], sizes = [1], strides = [1]} : vector<16xi32> to vector<1xi32>
      %squeeze3A_497 = vector.extract %slice3A_496[0] : i32 from vector<1xi32>
      %add3A_498 = arith.addi %add3A_476, %squeeze3A_497 : i32
      %ge3A_499 = arith.constant 128 : i32
      %ge3A_500 = arith.cmpi sge, %add3A_498, %ge3A_499 : i32
      %convert_element_type3A_501 = arith.extui %ge3A_500 : i1 to i32
      %cond3A_502 = arith.constant 0 : i32
      %cond3A_503 = arith.cmpi ne, %convert_element_type3A_501, %cond3A_502 : i32
      %cond3A_504:2 = scf.if %cond3A_503 -> (i32, i32) {
        %mul3A_505 = arith.constant 128 : i32
        %mul3A_506 = arith.muli %scan3A_453, %mul3A_505 : i32
        %add3A_507 = arith.addi %mul3A_18, %mul3A_506 : i32
        %multiple_of3A_508 = tpu.assume_multiple %add3A_507, 8 : i32
        "tpu.region"() ({
          %run_scoped3A = tpu.sem_alloc : memref<!tpu.dma_semaphore, #tpu.memory_space<semaphore_mem>>
          %dma_start3A_517 = arith.constant 0 : i32
          %dma_start3A_518 = tpu.memref_slice %arg26[%dma_start3A_517] : memref<160xi32, #tpu.memory_space<vmem>> -> memref<128xi32, #tpu.memory_space<vmem>>
          %dma_start3A_519 = tpu.memref_slice %arg10[%multiple_of3A_508] : memref<644096xi32, #tpu.memory_space<vmem_shared>> -> memref<128xi32, #tpu.memory_space<vmem_shared>>
          %dma_start3A_520 = tpu.memref_slice %arg10[%multiple_of3A_508] : memref<644096xi32, #tpu.memory_space<vmem_shared>> -> memref<128xi32, #tpu.memory_space<vmem_shared>>
          %dma_start3A_521 = arith.constant 0 : i32
          %dma_start3A_522 = tpu.memref_slice %arg26[%dma_start3A_521] : memref<160xi32, #tpu.memory_space<vmem>> -> memref<128xi32, #tpu.memory_space<vmem>>
          tpu.enqueue_dma source(%dma_start3A_522 : memref<128xi32, #tpu.memory_space<vmem>>) target(%dma_start3A_520 : memref<128xi32, #tpu.memory_space<vmem_shared>>) target_semaphore(%run_scoped3A : memref<!tpu.dma_semaphore, #tpu.memory_space<semaphore_mem>>)
          %dma_wait3A_523 = arith.constant 0 : i32
          %dma_wait3A_524 = tpu.memref_slice %arg26[%dma_wait3A_523] : memref<160xi32, #tpu.memory_space<vmem>> -> memref<128xi32, #tpu.memory_space<vmem>>
          %dma_wait3A_525 = tpu.memref_slice %arg10[%multiple_of3A_508] : memref<644096xi32, #tpu.memory_space<vmem_shared>> -> memref<128xi32, #tpu.memory_space<vmem_shared>>
          %dma_wait3A_526 = tpu.memref_slice %arg10[%multiple_of3A_508] : memref<644096xi32, #tpu.memory_space<vmem_shared>> -> memref<128xi32, #tpu.memory_space<vmem_shared>>
          %dma_wait3A_527 = arith.constant 0 : i32
          %dma_wait3A_528 = tpu.memref_slice %arg26[%dma_wait3A_527] : memref<160xi32, #tpu.memory_space<vmem>> -> memref<128xi32, #tpu.memory_space<vmem>>
          tpu.wait_dma2 semaphore(%run_scoped3A : memref<!tpu.dma_semaphore, #tpu.memory_space<semaphore_mem>>) src(%dma_wait3A_528 : memref<128xi32, #tpu.memory_space<vmem>>) dst(%dma_wait3A_526 : memref<128xi32, #tpu.memory_space<vmem_shared>>)
          tpu.yield
        }) : () -> ()
        %get3A_509 = arith.constant 128 : index
        %get3A_510 = tpu.vector_load %arg26[%get3A_509] {strides = array<i32>} : memref<160xi32, #tpu.memory_space<vmem>>, vector<16xi32>,
        %swap3A_511 = arith.constant 0 : index
        %swap3A_512 = tpu.vector_load %arg26[%swap3A_511] {strides = array<i32>} : memref<160xi32, #tpu.memory_space<vmem>>, vector<16xi32>,
        tpu.vector_store %arg26[%swap3A_511], %get3A_510 {strides = array<i32>} : memref<160xi32, #tpu.memory_space<vmem>>, vector<16xi32>,
        %sub3A_513 = arith.constant 128 : i32
        %sub3A_514 = arith.subi %add3A_498, %sub3A_513 : i32
        %add3A_515 = arith.constant 1 : i32
        %add3A_516 = arith.addi %scan3A_453, %add3A_515 : i32
        scf.yield %sub3A_514, %add3A_516 : i32, i32
      } else {
        scf.yield %add3A_498, %scan3A_453 : i32, i32
      }
      scf.yield %cond3A_504#0, %cond3A_504#1 : i32, i32
    }
    %scan3A_104 = arith.constant 125 : i32
    %dma_wait3A_105 = tpu.memref_slice %arg3[%multiple_of3A_89] : memref<640000xi32, #tpu.memory_space<hbm>> -> memref<2000xi32, #tpu.memory_space<hbm>>
    %dma_wait3A_106 = tpu.memref_slice %arg3[%multiple_of3A_89] : memref<640000xi32, #tpu.memory_space<hbm>> -> memref<2000xi32, #tpu.memory_space<hbm>>
    tpu.wait_dma2 semaphore(%arg22 : memref<!tpu.dma_semaphore, #tpu.memory_space<semaphore_mem>>) src(%dma_wait3A_106 : memref<2000xi32, #tpu.memory_space<hbm>>) dst(%arg33 : memref<2000xi32, #tpu.memory_space<vmem>>)
    %dma_wait3A_107 = tpu.memref_slice %arg3[%multiple_of3A_96] : memref<640000xi32, #tpu.memory_space<hbm>> -> memref<2000xi32, #tpu.memory_space<hbm>>
    %dma_wait3A_108 = tpu.memref_slice %arg3[%multiple_of3A_96] : memref<640000xi32, #tpu.memory_space<hbm>> -> memref<2000xi32, #tpu.memory_space<hbm>>
    tpu.wait_dma2 semaphore(%arg22 : memref<!tpu.dma_semaphore, #tpu.memory_space<semaphore_mem>>) src(%dma_wait3A_108 : memref<2000xi32, #tpu.memory_space<hbm>>) dst(%arg35 : memref<2000xi32, #tpu.memory_space<vmem>>)
    %add3A_109 = arith.constant 10000 : i32
    %add3A_110 = arith.addi %mul3A_16, %add3A_109 : i32
    %multiple_of3A_111 = tpu.assume_multiple %add3A_110, 8 : i32
    %dma_start3A_112 = tpu.memref_slice %arg3[%multiple_of3A_111] : memref<640000xi32, #tpu.memory_space<hbm>> -> memref<2000xi32, #tpu.memory_space<hbm>>
    %dma_start3A_113 = tpu.memref_slice %arg3[%multiple_of3A_111] : memref<640000xi32, #tpu.memory_space<hbm>> -> memref<2000xi32, #tpu.memory_space<hbm>>
    tpu.enqueue_dma source(%dma_start3A_113 : memref<2000xi32, #tpu.memory_space<hbm>>) target(%arg34 : memref<2000xi32, #tpu.memory_space<vmem>>) target_semaphore(%arg22 : memref<!tpu.dma_semaphore, #tpu.memory_space<semaphore_mem>>)
    %add3A_114 = arith.constant 320000 : i32
    %add3A_115 = arith.addi %add3A_114, %mul3A_16 : i32
    %add3A_116 = arith.constant 10000 : i32
    %add3A_117 = arith.addi %add3A_115, %add3A_116 : i32
    %multiple_of3A_118 = tpu.assume_multiple %add3A_117, 8 : i32
    %dma_start3A_119 = tpu.memref_slice %arg3[%multiple_of3A_118] : memref<640000xi32, #tpu.memory_space<hbm>> -> memref<2000xi32, #tpu.memory_space<hbm>>
    %dma_start3A_120 = tpu.memref_slice %arg3[%multiple_of3A_118] : memref<640000xi32, #tpu.memory_space<hbm>> -> memref<2000xi32, #tpu.memory_space<hbm>>
    tpu.enqueue_dma source(%dma_start3A_120 : memref<2000xi32, #tpu.memory_space<hbm>>) target(%arg36 : memref<2000xi32, #tpu.memory_space<vmem>>) target_semaphore(%arg22 : memref<!tpu.dma_semaphore, #tpu.memory_space<semaphore_mem>>)
    %scan3A_121 = arith.constant 0 : i32
    %scan3A_122 = arith.constant 125 : i32
    %scan3A_123 = arith.addi %scan3A_121, %scan3A_122 : i32
    %scan3A_124 = arith.constant 1 : i32
    %scan3A_125:2 = scf.for %scan3A_451 = %scan3A_121 to %scan3A_123 step %scan3A_124 iter_args(%scan3A_452 = %scan3A_103#0, %scan3A_453 = %scan3A_103#1) -> (i32, i32)  : i32 {
      %mul3A_454 = arith.constant 16 : i32
      %mul3A_455 = arith.muli %scan3A_451, %mul3A_454 : i32
      %get3A_456 = arith.index_cast %mul3A_455 : i32 to index
      %get3A_457 = tpu.vector_load %arg33[%get3A_456] {strides = array<i32>} : memref<2000xi32, #tpu.memory_space<vmem>>, vector<16xi32>,
      %mul3A_458 = arith.constant 16 : i32
      %mul3A_459 = arith.muli %scan3A_451, %mul3A_458 : i32
      %get3A_460 = arith.index_cast %mul3A_459 : i32 to index
      %get3A_461 = tpu.vector_load %arg35[%get3A_460] {strides = array<i32>} : memref<2000xi32, #tpu.memory_space<vmem>>, vector<16xi32>,
      %broadcast_in_dim3A_462 = arith.constant true
      %broadcast_in_dim3A_463 = vector.broadcast %broadcast_in_dim3A_462 : i1 to vector<16xi1>
      %gather3A_464 = tpu.vector_load_idx %arg11[%get3A_457] masked %broadcast_in_dim3A_463 : memref<10112xi32, #tpu.memory_space<vmem>>[vector<16xi32>], vector<16xi32>, vector<16xi1>
      %ge3A = arith.constant 0 : i32
      %ge3A_465 = vector.broadcast %ge3A : i32 to vector<16xi32>
      %ge3A_466 = arith.cmpi sge, %gather3A_464, %ge3A_465 : vector<16xi32>
      %jit3A_467 = arith.constant 0 : i32
      %broadcast_in_dim3A_468 = vector.broadcast %jit3A_467 : i32 to vector<16xi32>
      %select_n3A_469 = arith.select %ge3A_466, %gather3A_464, %broadcast_in_dim3A_468 : vector<16xi1>, vector<16xi32>
      %unique3A, %unique3A_470 = tpu.scan_count mask(%ge3A_466 : vector<16xi1>) value(%select_n3A_469 : vector<16xi32>) : vector<16xi1>, vector<16xi32>
      %and3A_471 = arith.andi %ge3A_466, %unique3A : vector<16xi1>
      tpu.vector_store_idx %arg18[%select_n3A_469], %unique3A_470 masked %and3A_471 {add = true} : memref<2048xi32, #tpu.memory_space<vmem>>[vector<16xi32>], vector<16xi32>, vector<16xi1>
      %shift_left3A = arith.constant 14 : i32
      %shift_left3A_472 = vector.broadcast %shift_left3A : i32 to vector<16xi32>
      %shift_left3A_473 = arith.shli %select_n3A_469, %shift_left3A_472 : vector<16xi32>
      %or3A = arith.ori %shift_left3A_473, %get3A_461 : vector<16xi32>
      %swap3A_474 = arith.index_cast %scan3A_452 : i32 to index
      %swap3A_475 = tpu.vector_load %arg26[%swap3A_474] masked %ge3A_466 {strides = array<i32>} : memref<160xi32, #tpu.memory_space<vmem>>, vector<16xi32>, vector<16xi1>
      tpu.vector_store %arg26[%swap3A_474], %or3A masked %ge3A_466 {strides = array<i32>} : memref<160xi32, #tpu.memory_space<vmem>>, vector<16xi32>, vector<16xi1>
      %all_reduce_population_count3A = tpu.all_reduce %ge3A_466 {dim = 0 : i64, kind = #tpu.reduction_kind<sum>} : vector<16xi1> -> vector<16xi32>
      %slice3A = vector.extract_strided_slice %all_reduce_population_count3A {offsets = [0], sizes = [1], strides = [1]} : vector<16xi32> to vector<1xi32>
      %squeeze3A = vector.extract %slice3A[0] : i32 from vector<1xi32>
      %add3A_476 = arith.addi %scan3A_452, %squeeze3A : i32
      %broadcast_in_dim3A_477 = arith.constant true
      %broadcast_in_dim3A_478 = vector.broadcast %broadcast_in_dim3A_477 : i1 to vector<16xi1>
      %gather3A_479 = tpu.vector_load_idx %arg11[%get3A_461] masked %broadcast_in_dim3A_478 : memref<10112xi32, #tpu.memory_space<vmem>>[vector<16xi32>], vector<16xi32>, vector<16xi1>
      %ge3A_480 = arith.constant 0 : i32
      %ge3A_481 = vector.broadcast %ge3A_480 : i32 to vector<16xi32>
      %ge3A_482 = arith.cmpi sge, %gather3A_479, %ge3A_481 : vector<16xi32>
      %jit3A_483 = arith.constant 0 : i32
      %broadcast_in_dim3A_484 = vector.broadcast %jit3A_483 : i32 to vector<16xi32>
      %select_n3A_485 = arith.select %ge3A_482, %gather3A_479, %broadcast_in_dim3A_484 : vector<16xi1>, vector<16xi32>
      %unique3A_486, %unique3A_487 = tpu.scan_count mask(%ge3A_482 : vector<16xi1>) value(%select_n3A_485 : vector<16xi32>) : vector<16xi1>, vector<16xi32>
      %and3A_488 = arith.andi %ge3A_482, %unique3A_486 : vector<16xi1>
      tpu.vector_store_idx %arg18[%select_n3A_485], %unique3A_487 masked %and3A_488 {add = true} : memref<2048xi32, #tpu.memory_space<vmem>>[vector<16xi32>], vector<16xi32>, vector<16xi1>
      %shift_left3A_489 = arith.constant 14 : i32
      %shift_left3A_490 = vector.broadcast %shift_left3A_489 : i32 to vector<16xi32>
      %shift_left3A_491 = arith.shli %select_n3A_485, %shift_left3A_490 : vector<16xi32>
      %or3A_492 = arith.ori %shift_left3A_491, %get3A_457 : vector<16xi32>
      %swap3A_493 = arith.index_cast %add3A_476 : i32 to index
      %swap3A_494 = tpu.vector_load %arg26[%swap3A_493] masked %ge3A_482 {strides = array<i32>} : memref<160xi32, #tpu.memory_space<vmem>>, vector<16xi32>, vector<16xi1>
      tpu.vector_store %arg26[%swap3A_493], %or3A_492 masked %ge3A_482 {strides = array<i32>} : memref<160xi32, #tpu.memory_space<vmem>>, vector<16xi32>, vector<16xi1>
      %all_reduce_population_count3A_495 = tpu.all_reduce %ge3A_482 {dim = 0 : i64, kind = #tpu.reduction_kind<sum>} : vector<16xi1> -> vector<16xi32>
      %slice3A_496 = vector.extract_strided_slice %all_reduce_population_count3A_495 {offsets = [0], sizes = [1], strides = [1]} : vector<16xi32> to vector<1xi32>
      %squeeze3A_497 = vector.extract %slice3A_496[0] : i32 from vector<1xi32>
      %add3A_498 = arith.addi %add3A_476, %squeeze3A_497 : i32
      %ge3A_499 = arith.constant 128 : i32
      %ge3A_500 = arith.cmpi sge, %add3A_498, %ge3A_499 : i32
      %convert_element_type3A_501 = arith.extui %ge3A_500 : i1 to i32
      %cond3A_502 = arith.constant 0 : i32
      %cond3A_503 = arith.cmpi ne, %convert_element_type3A_501, %cond3A_502 : i32
      %cond3A_504:2 = scf.if %cond3A_503 -> (i32, i32) {
        %mul3A_505 = arith.constant 128 : i32
        %mul3A_506 = arith.muli %scan3A_453, %mul3A_505 : i32
        %add3A_507 = arith.addi %mul3A_18, %mul3A_506 : i32
        %multiple_of3A_508 = tpu.assume_multiple %add3A_507, 8 : i32
        "tpu.region"() ({
          %run_scoped3A = tpu.sem_alloc : memref<!tpu.dma_semaphore, #tpu.memory_space<semaphore_mem>>
          %dma_start3A_517 = arith.constant 0 : i32
          %dma_start3A_518 = tpu.memref_slice %arg26[%dma_start3A_517] : memref<160xi32, #tpu.memory_space<vmem>> -> memref<128xi32, #tpu.memory_space<vmem>>
          %dma_start3A_519 = tpu.memref_slice %arg10[%multiple_of3A_508] : memref<644096xi32, #tpu.memory_space<vmem_shared>> -> memref<128xi32, #tpu.memory_space<vmem_shared>>
          %dma_start3A_520 = tpu.memref_slice %arg10[%multiple_of3A_508] : memref<644096xi32, #tpu.memory_space<vmem_shared>> -> memref<128xi32, #tpu.memory_space<vmem_shared>>
          %dma_start3A_521 = arith.constant 0 : i32
          %dma_start3A_522 = tpu.memref_slice %arg26[%dma_start3A_521] : memref<160xi32, #tpu.memory_space<vmem>> -> memref<128xi32, #tpu.memory_space<vmem>>
          tpu.enqueue_dma source(%dma_start3A_522 : memref<128xi32, #tpu.memory_space<vmem>>) target(%dma_start3A_520 : memref<128xi32, #tpu.memory_space<vmem_shared>>) target_semaphore(%run_scoped3A : memref<!tpu.dma_semaphore, #tpu.memory_space<semaphore_mem>>)
          %dma_wait3A_523 = arith.constant 0 : i32
          %dma_wait3A_524 = tpu.memref_slice %arg26[%dma_wait3A_523] : memref<160xi32, #tpu.memory_space<vmem>> -> memref<128xi32, #tpu.memory_space<vmem>>
          %dma_wait3A_525 = tpu.memref_slice %arg10[%multiple_of3A_508] : memref<644096xi32, #tpu.memory_space<vmem_shared>> -> memref<128xi32, #tpu.memory_space<vmem_shared>>
          %dma_wait3A_526 = tpu.memref_slice %arg10[%multiple_of3A_508] : memref<644096xi32, #tpu.memory_space<vmem_shared>> -> memref<128xi32, #tpu.memory_space<vmem_shared>>
          %dma_wait3A_527 = arith.constant 0 : i32
          %dma_wait3A_528 = tpu.memref_slice %arg26[%dma_wait3A_527] : memref<160xi32, #tpu.memory_space<vmem>> -> memref<128xi32, #tpu.memory_space<vmem>>
          tpu.wait_dma2 semaphore(%run_scoped3A : memref<!tpu.dma_semaphore, #tpu.memory_space<semaphore_mem>>) src(%dma_wait3A_528 : memref<128xi32, #tpu.memory_space<vmem>>) dst(%dma_wait3A_526 : memref<128xi32, #tpu.memory_space<vmem_shared>>)
          tpu.yield
        }) : () -> ()
        %get3A_509 = arith.constant 128 : index
        %get3A_510 = tpu.vector_load %arg26[%get3A_509] {strides = array<i32>} : memref<160xi32, #tpu.memory_space<vmem>>, vector<16xi32>,
        %swap3A_511 = arith.constant 0 : index
        %swap3A_512 = tpu.vector_load %arg26[%swap3A_511] {strides = array<i32>} : memref<160xi32, #tpu.memory_space<vmem>>, vector<16xi32>,
        tpu.vector_store %arg26[%swap3A_511], %get3A_510 {strides = array<i32>} : memref<160xi32, #tpu.memory_space<vmem>>, vector<16xi32>,
        %sub3A_513 = arith.constant 128 : i32
        %sub3A_514 = arith.subi %add3A_498, %sub3A_513 : i32
        %add3A_515 = arith.constant 1 : i32
        %add3A_516 = arith.addi %scan3A_453, %add3A_515 : i32
        scf.yield %sub3A_514, %add3A_516 : i32, i32
      } else {
        scf.yield %add3A_498, %scan3A_453 : i32, i32
      }
      scf.yield %cond3A_504#0, %cond3A_504#1 : i32, i32
    }
    %scan3A_126 = arith.constant 125 : i32
    %dma_wait3A_127 = tpu.memref_slice %arg3[%multiple_of3A_111] : memref<640000xi32, #tpu.memory_space<hbm>> -> memref<2000xi32, #tpu.memory_space<hbm>>
    %dma_wait3A_128 = tpu.memref_slice %arg3[%multiple_of3A_111] : memref<640000xi32, #tpu.memory_space<hbm>> -> memref<2000xi32, #tpu.memory_space<hbm>>
    tpu.wait_dma2 semaphore(%arg22 : memref<!tpu.dma_semaphore, #tpu.memory_space<semaphore_mem>>) src(%dma_wait3A_128 : memref<2000xi32, #tpu.memory_space<hbm>>) dst(%arg34 : memref<2000xi32, #tpu.memory_space<vmem>>)
    %dma_wait3A_129 = tpu.memref_slice %arg3[%multiple_of3A_118] : memref<640000xi32, #tpu.memory_space<hbm>> -> memref<2000xi32, #tpu.memory_space<hbm>>
    %dma_wait3A_130 = tpu.memref_slice %arg3[%multiple_of3A_118] : memref<640000xi32, #tpu.memory_space<hbm>> -> memref<2000xi32, #tpu.memory_space<hbm>>
    tpu.wait_dma2 semaphore(%arg22 : memref<!tpu.dma_semaphore, #tpu.memory_space<semaphore_mem>>) src(%dma_wait3A_130 : memref<2000xi32, #tpu.memory_space<hbm>>) dst(%arg36 : memref<2000xi32, #tpu.memory_space<vmem>>)
    %add3A_131 = arith.constant 12000 : i32
    %add3A_132 = arith.addi %mul3A_16, %add3A_131 : i32
    %multiple_of3A_133 = tpu.assume_multiple %add3A_132, 8 : i32
    %dma_start3A_134 = tpu.memref_slice %arg3[%multiple_of3A_133] : memref<640000xi32, #tpu.memory_space<hbm>> -> memref<2000xi32, #tpu.memory_space<hbm>>
    %dma_start3A_135 = tpu.memref_slice %arg3[%multiple_of3A_133] : memref<640000xi32, #tpu.memory_space<hbm>> -> memref<2000xi32, #tpu.memory_space<hbm>>
    tpu.enqueue_dma source(%dma_start3A_135 : memref<2000xi32, #tpu.memory_space<hbm>>) target(%arg33 : memref<2000xi32, #tpu.memory_space<vmem>>) target_semaphore(%arg22 : memref<!tpu.dma_semaphore, #tpu.memory_space<semaphore_mem>>)
    %add3A_136 = arith.constant 320000 : i32
    %add3A_137 = arith.addi %add3A_136, %mul3A_16 : i32
    %add3A_138 = arith.constant 12000 : i32
    %add3A_139 = arith.addi %add3A_137, %add3A_138 : i32
    %multiple_of3A_140 = tpu.assume_multiple %add3A_139, 8 : i32
    %dma_start3A_141 = tpu.memref_slice %arg3[%multiple_of3A_140] : memref<640000xi32, #tpu.memory_space<hbm>> -> memref<2000xi32, #tpu.memory_space<hbm>>
    %dma_start3A_142 = tpu.memref_slice %arg3[%multiple_of3A_140] : memref<640000xi32, #tpu.memory_space<hbm>> -> memref<2000xi32, #tpu.memory_space<hbm>>
    tpu.enqueue_dma source(%dma_start3A_142 : memref<2000xi32, #tpu.memory_space<hbm>>) target(%arg35 : memref<2000xi32, #tpu.memory_space<vmem>>) target_semaphore(%arg22 : memref<!tpu.dma_semaphore, #tpu.memory_space<semaphore_mem>>)
    %scan3A_143 = arith.constant 0 : i32
    %scan3A_144 = arith.constant 125 : i32
    %scan3A_145 = arith.addi %scan3A_143, %scan3A_144 : i32
    %scan3A_146 = arith.constant 1 : i32
    %scan3A_147:2 = scf.for %scan3A_451 = %scan3A_143 to %scan3A_145 step %scan3A_146 iter_args(%scan3A_452 = %scan3A_125#0, %scan3A_453 = %scan3A_125#1) -> (i32, i32)  : i32 {
      %mul3A_454 = arith.constant 16 : i32
      %mul3A_455 = arith.muli %scan3A_451, %mul3A_454 : i32
      %get3A_456 = arith.index_cast %mul3A_455 : i32 to index
      %get3A_457 = tpu.vector_load %arg34[%get3A_456] {strides = array<i32>} : memref<2000xi32, #tpu.memory_space<vmem>>, vector<16xi32>,
      %mul3A_458 = arith.constant 16 : i32
      %mul3A_459 = arith.muli %scan3A_451, %mul3A_458 : i32
      %get3A_460 = arith.index_cast %mul3A_459 : i32 to index
      %get3A_461 = tpu.vector_load %arg36[%get3A_460] {strides = array<i32>} : memref<2000xi32, #tpu.memory_space<vmem>>, vector<16xi32>,
      %broadcast_in_dim3A_462 = arith.constant true
      %broadcast_in_dim3A_463 = vector.broadcast %broadcast_in_dim3A_462 : i1 to vector<16xi1>
      %gather3A_464 = tpu.vector_load_idx %arg11[%get3A_457] masked %broadcast_in_dim3A_463 : memref<10112xi32, #tpu.memory_space<vmem>>[vector<16xi32>], vector<16xi32>, vector<16xi1>
      %ge3A = arith.constant 0 : i32
      %ge3A_465 = vector.broadcast %ge3A : i32 to vector<16xi32>
      %ge3A_466 = arith.cmpi sge, %gather3A_464, %ge3A_465 : vector<16xi32>
      %jit3A_467 = arith.constant 0 : i32
      %broadcast_in_dim3A_468 = vector.broadcast %jit3A_467 : i32 to vector<16xi32>
      %select_n3A_469 = arith.select %ge3A_466, %gather3A_464, %broadcast_in_dim3A_468 : vector<16xi1>, vector<16xi32>
      %unique3A, %unique3A_470 = tpu.scan_count mask(%ge3A_466 : vector<16xi1>) value(%select_n3A_469 : vector<16xi32>) : vector<16xi1>, vector<16xi32>
      %and3A_471 = arith.andi %ge3A_466, %unique3A : vector<16xi1>
      tpu.vector_store_idx %arg18[%select_n3A_469], %unique3A_470 masked %and3A_471 {add = true} : memref<2048xi32, #tpu.memory_space<vmem>>[vector<16xi32>], vector<16xi32>, vector<16xi1>
      %shift_left3A = arith.constant 14 : i32
      %shift_left3A_472 = vector.broadcast %shift_left3A : i32 to vector<16xi32>
      %shift_left3A_473 = arith.shli %select_n3A_469, %shift_left3A_472 : vector<16xi32>
      %or3A = arith.ori %shift_left3A_473, %get3A_461 : vector<16xi32>
      %swap3A_474 = arith.index_cast %scan3A_452 : i32 to index
      %swap3A_475 = tpu.vector_load %arg26[%swap3A_474] masked %ge3A_466 {strides = array<i32>} : memref<160xi32, #tpu.memory_space<vmem>>, vector<16xi32>, vector<16xi1>
      tpu.vector_store %arg26[%swap3A_474], %or3A masked %ge3A_466 {strides = array<i32>} : memref<160xi32, #tpu.memory_space<vmem>>, vector<16xi32>, vector<16xi1>
      %all_reduce_population_count3A = tpu.all_reduce %ge3A_466 {dim = 0 : i64, kind = #tpu.reduction_kind<sum>} : vector<16xi1> -> vector<16xi32>
      %slice3A = vector.extract_strided_slice %all_reduce_population_count3A {offsets = [0], sizes = [1], strides = [1]} : vector<16xi32> to vector<1xi32>
      %squeeze3A = vector.extract %slice3A[0] : i32 from vector<1xi32>
      %add3A_476 = arith.addi %scan3A_452, %squeeze3A : i32
      %broadcast_in_dim3A_477 = arith.constant true
      %broadcast_in_dim3A_478 = vector.broadcast %broadcast_in_dim3A_477 : i1 to vector<16xi1>
      %gather3A_479 = tpu.vector_load_idx %arg11[%get3A_461] masked %broadcast_in_dim3A_478 : memref<10112xi32, #tpu.memory_space<vmem>>[vector<16xi32>], vector<16xi32>, vector<16xi1>
      %ge3A_480 = arith.constant 0 : i32
      %ge3A_481 = vector.broadcast %ge3A_480 : i32 to vector<16xi32>
      %ge3A_482 = arith.cmpi sge, %gather3A_479, %ge3A_481 : vector<16xi32>
      %jit3A_483 = arith.constant 0 : i32
      %broadcast_in_dim3A_484 = vector.broadcast %jit3A_483 : i32 to vector<16xi32>
      %select_n3A_485 = arith.select %ge3A_482, %gather3A_479, %broadcast_in_dim3A_484 : vector<16xi1>, vector<16xi32>
      %unique3A_486, %unique3A_487 = tpu.scan_count mask(%ge3A_482 : vector<16xi1>) value(%select_n3A_485 : vector<16xi32>) : vector<16xi1>, vector<16xi32>
      %and3A_488 = arith.andi %ge3A_482, %unique3A_486 : vector<16xi1>
      tpu.vector_store_idx %arg18[%select_n3A_485], %unique3A_487 masked %and3A_488 {add = true} : memref<2048xi32, #tpu.memory_space<vmem>>[vector<16xi32>], vector<16xi32>, vector<16xi1>
      %shift_left3A_489 = arith.constant 14 : i32
      %shift_left3A_490 = vector.broadcast %shift_left3A_489 : i32 to vector<16xi32>
      %shift_left3A_491 = arith.shli %select_n3A_485, %shift_left3A_490 : vector<16xi32>
      %or3A_492 = arith.ori %shift_left3A_491, %get3A_457 : vector<16xi32>
      %swap3A_493 = arith.index_cast %add3A_476 : i32 to index
      %swap3A_494 = tpu.vector_load %arg26[%swap3A_493] masked %ge3A_482 {strides = array<i32>} : memref<160xi32, #tpu.memory_space<vmem>>, vector<16xi32>, vector<16xi1>
      tpu.vector_store %arg26[%swap3A_493], %or3A_492 masked %ge3A_482 {strides = array<i32>} : memref<160xi32, #tpu.memory_space<vmem>>, vector<16xi32>, vector<16xi1>
      %all_reduce_population_count3A_495 = tpu.all_reduce %ge3A_482 {dim = 0 : i64, kind = #tpu.reduction_kind<sum>} : vector<16xi1> -> vector<16xi32>
      %slice3A_496 = vector.extract_strided_slice %all_reduce_population_count3A_495 {offsets = [0], sizes = [1], strides = [1]} : vector<16xi32> to vector<1xi32>
      %squeeze3A_497 = vector.extract %slice3A_496[0] : i32 from vector<1xi32>
      %add3A_498 = arith.addi %add3A_476, %squeeze3A_497 : i32
      %ge3A_499 = arith.constant 128 : i32
      %ge3A_500 = arith.cmpi sge, %add3A_498, %ge3A_499 : i32
      %convert_element_type3A_501 = arith.extui %ge3A_500 : i1 to i32
      %cond3A_502 = arith.constant 0 : i32
      %cond3A_503 = arith.cmpi ne, %convert_element_type3A_501, %cond3A_502 : i32
      %cond3A_504:2 = scf.if %cond3A_503 -> (i32, i32) {
        %mul3A_505 = arith.constant 128 : i32
        %mul3A_506 = arith.muli %scan3A_453, %mul3A_505 : i32
        %add3A_507 = arith.addi %mul3A_18, %mul3A_506 : i32
        %multiple_of3A_508 = tpu.assume_multiple %add3A_507, 8 : i32
        "tpu.region"() ({
          %run_scoped3A = tpu.sem_alloc : memref<!tpu.dma_semaphore, #tpu.memory_space<semaphore_mem>>
          %dma_start3A_517 = arith.constant 0 : i32
          %dma_start3A_518 = tpu.memref_slice %arg26[%dma_start3A_517] : memref<160xi32, #tpu.memory_space<vmem>> -> memref<128xi32, #tpu.memory_space<vmem>>
          %dma_start3A_519 = tpu.memref_slice %arg10[%multiple_of3A_508] : memref<644096xi32, #tpu.memory_space<vmem_shared>> -> memref<128xi32, #tpu.memory_space<vmem_shared>>
          %dma_start3A_520 = tpu.memref_slice %arg10[%multiple_of3A_508] : memref<644096xi32, #tpu.memory_space<vmem_shared>> -> memref<128xi32, #tpu.memory_space<vmem_shared>>
          %dma_start3A_521 = arith.constant 0 : i32
          %dma_start3A_522 = tpu.memref_slice %arg26[%dma_start3A_521] : memref<160xi32, #tpu.memory_space<vmem>> -> memref<128xi32, #tpu.memory_space<vmem>>
          tpu.enqueue_dma source(%dma_start3A_522 : memref<128xi32, #tpu.memory_space<vmem>>) target(%dma_start3A_520 : memref<128xi32, #tpu.memory_space<vmem_shared>>) target_semaphore(%run_scoped3A : memref<!tpu.dma_semaphore, #tpu.memory_space<semaphore_mem>>)
          %dma_wait3A_523 = arith.constant 0 : i32
          %dma_wait3A_524 = tpu.memref_slice %arg26[%dma_wait3A_523] : memref<160xi32, #tpu.memory_space<vmem>> -> memref<128xi32, #tpu.memory_space<vmem>>
          %dma_wait3A_525 = tpu.memref_slice %arg10[%multiple_of3A_508] : memref<644096xi32, #tpu.memory_space<vmem_shared>> -> memref<128xi32, #tpu.memory_space<vmem_shared>>
          %dma_wait3A_526 = tpu.memref_slice %arg10[%multiple_of3A_508] : memref<644096xi32, #tpu.memory_space<vmem_shared>> -> memref<128xi32, #tpu.memory_space<vmem_shared>>
          %dma_wait3A_527 = arith.constant 0 : i32
          %dma_wait3A_528 = tpu.memref_slice %arg26[%dma_wait3A_527] : memref<160xi32, #tpu.memory_space<vmem>> -> memref<128xi32, #tpu.memory_space<vmem>>
          tpu.wait_dma2 semaphore(%run_scoped3A : memref<!tpu.dma_semaphore, #tpu.memory_space<semaphore_mem>>) src(%dma_wait3A_528 : memref<128xi32, #tpu.memory_space<vmem>>) dst(%dma_wait3A_526 : memref<128xi32, #tpu.memory_space<vmem_shared>>)
          tpu.yield
        }) : () -> ()
        %get3A_509 = arith.constant 128 : index
        %get3A_510 = tpu.vector_load %arg26[%get3A_509] {strides = array<i32>} : memref<160xi32, #tpu.memory_space<vmem>>, vector<16xi32>,
        %swap3A_511 = arith.constant 0 : index
        %swap3A_512 = tpu.vector_load %arg26[%swap3A_511] {strides = array<i32>} : memref<160xi32, #tpu.memory_space<vmem>>, vector<16xi32>,
        tpu.vector_store %arg26[%swap3A_511], %get3A_510 {strides = array<i32>} : memref<160xi32, #tpu.memory_space<vmem>>, vector<16xi32>,
        %sub3A_513 = arith.constant 128 : i32
        %sub3A_514 = arith.subi %add3A_498, %sub3A_513 : i32
        %add3A_515 = arith.constant 1 : i32
        %add3A_516 = arith.addi %scan3A_453, %add3A_515 : i32
        scf.yield %sub3A_514, %add3A_516 : i32, i32
      } else {
        scf.yield %add3A_498, %scan3A_453 : i32, i32
      }
      scf.yield %cond3A_504#0, %cond3A_504#1 : i32, i32
    }
    %scan3A_148 = arith.constant 125 : i32
    %dma_wait3A_149 = tpu.memref_slice %arg3[%multiple_of3A_133] : memref<640000xi32, #tpu.memory_space<hbm>> -> memref<2000xi32, #tpu.memory_space<hbm>>
    %dma_wait3A_150 = tpu.memref_slice %arg3[%multiple_of3A_133] : memref<640000xi32, #tpu.memory_space<hbm>> -> memref<2000xi32, #tpu.memory_space<hbm>>
    tpu.wait_dma2 semaphore(%arg22 : memref<!tpu.dma_semaphore, #tpu.memory_space<semaphore_mem>>) src(%dma_wait3A_150 : memref<2000xi32, #tpu.memory_space<hbm>>) dst(%arg33 : memref<2000xi32, #tpu.memory_space<vmem>>)
    %dma_wait3A_151 = tpu.memref_slice %arg3[%multiple_of3A_140] : memref<640000xi32, #tpu.memory_space<hbm>> -> memref<2000xi32, #tpu.memory_space<hbm>>
    %dma_wait3A_152 = tpu.memref_slice %arg3[%multiple_of3A_140] : memref<640000xi32, #tpu.memory_space<hbm>> -> memref<2000xi32, #tpu.memory_space<hbm>>
    tpu.wait_dma2 semaphore(%arg22 : memref<!tpu.dma_semaphore, #tpu.memory_space<semaphore_mem>>) src(%dma_wait3A_152 : memref<2000xi32, #tpu.memory_space<hbm>>) dst(%arg35 : memref<2000xi32, #tpu.memory_space<vmem>>)
    %add3A_153 = arith.constant 14000 : i32
    %add3A_154 = arith.addi %mul3A_16, %add3A_153 : i32
    %multiple_of3A_155 = tpu.assume_multiple %add3A_154, 8 : i32
    %dma_start3A_156 = tpu.memref_slice %arg3[%multiple_of3A_155] : memref<640000xi32, #tpu.memory_space<hbm>> -> memref<2000xi32, #tpu.memory_space<hbm>>
    %dma_start3A_157 = tpu.memref_slice %arg3[%multiple_of3A_155] : memref<640000xi32, #tpu.memory_space<hbm>> -> memref<2000xi32, #tpu.memory_space<hbm>>
    tpu.enqueue_dma source(%dma_start3A_157 : memref<2000xi32, #tpu.memory_space<hbm>>) target(%arg34 : memref<2000xi32, #tpu.memory_space<vmem>>) target_semaphore(%arg22 : memref<!tpu.dma_semaphore, #tpu.memory_space<semaphore_mem>>)
    %add3A_158 = arith.constant 320000 : i32
    %add3A_159 = arith.addi %add3A_158, %mul3A_16 : i32
    %add3A_160 = arith.constant 14000 : i32
    %add3A_161 = arith.addi %add3A_159, %add3A_160 : i32
    %multiple_of3A_162 = tpu.assume_multiple %add3A_161, 8 : i32
    %dma_start3A_163 = tpu.memref_slice %arg3[%multiple_of3A_162] : memref<640000xi32, #tpu.memory_space<hbm>> -> memref<2000xi32, #tpu.memory_space<hbm>>
    %dma_start3A_164 = tpu.memref_slice %arg3[%multiple_of3A_162] : memref<640000xi32, #tpu.memory_space<hbm>> -> memref<2000xi32, #tpu.memory_space<hbm>>
    tpu.enqueue_dma source(%dma_start3A_164 : memref<2000xi32, #tpu.memory_space<hbm>>) target(%arg36 : memref<2000xi32, #tpu.memory_space<vmem>>) target_semaphore(%arg22 : memref<!tpu.dma_semaphore, #tpu.memory_space<semaphore_mem>>)
    %scan3A_165 = arith.constant 0 : i32
    %scan3A_166 = arith.constant 125 : i32
    %scan3A_167 = arith.addi %scan3A_165, %scan3A_166 : i32
    %scan3A_168 = arith.constant 1 : i32
    %scan3A_169:2 = scf.for %scan3A_451 = %scan3A_165 to %scan3A_167 step %scan3A_168 iter_args(%scan3A_452 = %scan3A_147#0, %scan3A_453 = %scan3A_147#1) -> (i32, i32)  : i32 {
      %mul3A_454 = arith.constant 16 : i32
      %mul3A_455 = arith.muli %scan3A_451, %mul3A_454 : i32
      %get3A_456 = arith.index_cast %mul3A_455 : i32 to index
      %get3A_457 = tpu.vector_load %arg33[%get3A_456] {strides = array<i32>} : memref<2000xi32, #tpu.memory_space<vmem>>, vector<16xi32>,
      %mul3A_458 = arith.constant 16 : i32
      %mul3A_459 = arith.muli %scan3A_451, %mul3A_458 : i32
      %get3A_460 = arith.index_cast %mul3A_459 : i32 to index
      %get3A_461 = tpu.vector_load %arg35[%get3A_460] {strides = array<i32>} : memref<2000xi32, #tpu.memory_space<vmem>>, vector<16xi32>,
      %broadcast_in_dim3A_462 = arith.constant true
      %broadcast_in_dim3A_463 = vector.broadcast %broadcast_in_dim3A_462 : i1 to vector<16xi1>
      %gather3A_464 = tpu.vector_load_idx %arg11[%get3A_457] masked %broadcast_in_dim3A_463 : memref<10112xi32, #tpu.memory_space<vmem>>[vector<16xi32>], vector<16xi32>, vector<16xi1>
      %ge3A = arith.constant 0 : i32
      %ge3A_465 = vector.broadcast %ge3A : i32 to vector<16xi32>
      %ge3A_466 = arith.cmpi sge, %gather3A_464, %ge3A_465 : vector<16xi32>
      %jit3A_467 = arith.constant 0 : i32
      %broadcast_in_dim3A_468 = vector.broadcast %jit3A_467 : i32 to vector<16xi32>
      %select_n3A_469 = arith.select %ge3A_466, %gather3A_464, %broadcast_in_dim3A_468 : vector<16xi1>, vector<16xi32>
      %unique3A, %unique3A_470 = tpu.scan_count mask(%ge3A_466 : vector<16xi1>) value(%select_n3A_469 : vector<16xi32>) : vector<16xi1>, vector<16xi32>
      %and3A_471 = arith.andi %ge3A_466, %unique3A : vector<16xi1>
      tpu.vector_store_idx %arg18[%select_n3A_469], %unique3A_470 masked %and3A_471 {add = true} : memref<2048xi32, #tpu.memory_space<vmem>>[vector<16xi32>], vector<16xi32>, vector<16xi1>
      %shift_left3A = arith.constant 14 : i32
      %shift_left3A_472 = vector.broadcast %shift_left3A : i32 to vector<16xi32>
      %shift_left3A_473 = arith.shli %select_n3A_469, %shift_left3A_472 : vector<16xi32>
      %or3A = arith.ori %shift_left3A_473, %get3A_461 : vector<16xi32>
      %swap3A_474 = arith.index_cast %scan3A_452 : i32 to index
      %swap3A_475 = tpu.vector_load %arg26[%swap3A_474] masked %ge3A_466 {strides = array<i32>} : memref<160xi32, #tpu.memory_space<vmem>>, vector<16xi32>, vector<16xi1>
      tpu.vector_store %arg26[%swap3A_474], %or3A masked %ge3A_466 {strides = array<i32>} : memref<160xi32, #tpu.memory_space<vmem>>, vector<16xi32>, vector<16xi1>
      %all_reduce_population_count3A = tpu.all_reduce %ge3A_466 {dim = 0 : i64, kind = #tpu.reduction_kind<sum>} : vector<16xi1> -> vector<16xi32>
      %slice3A = vector.extract_strided_slice %all_reduce_population_count3A {offsets = [0], sizes = [1], strides = [1]} : vector<16xi32> to vector<1xi32>
      %squeeze3A = vector.extract %slice3A[0] : i32 from vector<1xi32>
      %add3A_476 = arith.addi %scan3A_452, %squeeze3A : i32
      %broadcast_in_dim3A_477 = arith.constant true
      %broadcast_in_dim3A_478 = vector.broadcast %broadcast_in_dim3A_477 : i1 to vector<16xi1>
      %gather3A_479 = tpu.vector_load_idx %arg11[%get3A_461] masked %broadcast_in_dim3A_478 : memref<10112xi32, #tpu.memory_space<vmem>>[vector<16xi32>], vector<16xi32>, vector<16xi1>
      %ge3A_480 = arith.constant 0 : i32
      %ge3A_481 = vector.broadcast %ge3A_480 : i32 to vector<16xi32>
      %ge3A_482 = arith.cmpi sge, %gather3A_479, %ge3A_481 : vector<16xi32>
      %jit3A_483 = arith.constant 0 : i32
      %broadcast_in_dim3A_484 = vector.broadcast %jit3A_483 : i32 to vector<16xi32>
      %select_n3A_485 = arith.select %ge3A_482, %gather3A_479, %broadcast_in_dim3A_484 : vector<16xi1>, vector<16xi32>
      %unique3A_486, %unique3A_487 = tpu.scan_count mask(%ge3A_482 : vector<16xi1>) value(%select_n3A_485 : vector<16xi32>) : vector<16xi1>, vector<16xi32>
      %and3A_488 = arith.andi %ge3A_482, %unique3A_486 : vector<16xi1>
      tpu.vector_store_idx %arg18[%select_n3A_485], %unique3A_487 masked %and3A_488 {add = true} : memref<2048xi32, #tpu.memory_space<vmem>>[vector<16xi32>], vector<16xi32>, vector<16xi1>
      %shift_left3A_489 = arith.constant 14 : i32
      %shift_left3A_490 = vector.broadcast %shift_left3A_489 : i32 to vector<16xi32>
      %shift_left3A_491 = arith.shli %select_n3A_485, %shift_left3A_490 : vector<16xi32>
      %or3A_492 = arith.ori %shift_left3A_491, %get3A_457 : vector<16xi32>
      %swap3A_493 = arith.index_cast %add3A_476 : i32 to index
      %swap3A_494 = tpu.vector_load %arg26[%swap3A_493] masked %ge3A_482 {strides = array<i32>} : memref<160xi32, #tpu.memory_space<vmem>>, vector<16xi32>, vector<16xi1>
      tpu.vector_store %arg26[%swap3A_493], %or3A_492 masked %ge3A_482 {strides = array<i32>} : memref<160xi32, #tpu.memory_space<vmem>>, vector<16xi32>, vector<16xi1>
      %all_reduce_population_count3A_495 = tpu.all_reduce %ge3A_482 {dim = 0 : i64, kind = #tpu.reduction_kind<sum>} : vector<16xi1> -> vector<16xi32>
      %slice3A_496 = vector.extract_strided_slice %all_reduce_population_count3A_495 {offsets = [0], sizes = [1], strides = [1]} : vector<16xi32> to vector<1xi32>
      %squeeze3A_497 = vector.extract %slice3A_496[0] : i32 from vector<1xi32>
      %add3A_498 = arith.addi %add3A_476, %squeeze3A_497 : i32
      %ge3A_499 = arith.constant 128 : i32
      %ge3A_500 = arith.cmpi sge, %add3A_498, %ge3A_499 : i32
      %convert_element_type3A_501 = arith.extui %ge3A_500 : i1 to i32
      %cond3A_502 = arith.constant 0 : i32
      %cond3A_503 = arith.cmpi ne, %convert_element_type3A_501, %cond3A_502 : i32
      %cond3A_504:2 = scf.if %cond3A_503 -> (i32, i32) {
        %mul3A_505 = arith.constant 128 : i32
        %mul3A_506 = arith.muli %scan3A_453, %mul3A_505 : i32
        %add3A_507 = arith.addi %mul3A_18, %mul3A_506 : i32
        %multiple_of3A_508 = tpu.assume_multiple %add3A_507, 8 : i32
        "tpu.region"() ({
          %run_scoped3A = tpu.sem_alloc : memref<!tpu.dma_semaphore, #tpu.memory_space<semaphore_mem>>
          %dma_start3A_517 = arith.constant 0 : i32
          %dma_start3A_518 = tpu.memref_slice %arg26[%dma_start3A_517] : memref<160xi32, #tpu.memory_space<vmem>> -> memref<128xi32, #tpu.memory_space<vmem>>
          %dma_start3A_519 = tpu.memref_slice %arg10[%multiple_of3A_508] : memref<644096xi32, #tpu.memory_space<vmem_shared>> -> memref<128xi32, #tpu.memory_space<vmem_shared>>
          %dma_start3A_520 = tpu.memref_slice %arg10[%multiple_of3A_508] : memref<644096xi32, #tpu.memory_space<vmem_shared>> -> memref<128xi32, #tpu.memory_space<vmem_shared>>
          %dma_start3A_521 = arith.constant 0 : i32
          %dma_start3A_522 = tpu.memref_slice %arg26[%dma_start3A_521] : memref<160xi32, #tpu.memory_space<vmem>> -> memref<128xi32, #tpu.memory_space<vmem>>
          tpu.enqueue_dma source(%dma_start3A_522 : memref<128xi32, #tpu.memory_space<vmem>>) target(%dma_start3A_520 : memref<128xi32, #tpu.memory_space<vmem_shared>>) target_semaphore(%run_scoped3A : memref<!tpu.dma_semaphore, #tpu.memory_space<semaphore_mem>>)
          %dma_wait3A_523 = arith.constant 0 : i32
          %dma_wait3A_524 = tpu.memref_slice %arg26[%dma_wait3A_523] : memref<160xi32, #tpu.memory_space<vmem>> -> memref<128xi32, #tpu.memory_space<vmem>>
          %dma_wait3A_525 = tpu.memref_slice %arg10[%multiple_of3A_508] : memref<644096xi32, #tpu.memory_space<vmem_shared>> -> memref<128xi32, #tpu.memory_space<vmem_shared>>
          %dma_wait3A_526 = tpu.memref_slice %arg10[%multiple_of3A_508] : memref<644096xi32, #tpu.memory_space<vmem_shared>> -> memref<128xi32, #tpu.memory_space<vmem_shared>>
          %dma_wait3A_527 = arith.constant 0 : i32
          %dma_wait3A_528 = tpu.memref_slice %arg26[%dma_wait3A_527] : memref<160xi32, #tpu.memory_space<vmem>> -> memref<128xi32, #tpu.memory_space<vmem>>
          tpu.wait_dma2 semaphore(%run_scoped3A : memref<!tpu.dma_semaphore, #tpu.memory_space<semaphore_mem>>) src(%dma_wait3A_528 : memref<128xi32, #tpu.memory_space<vmem>>) dst(%dma_wait3A_526 : memref<128xi32, #tpu.memory_space<vmem_shared>>)
          tpu.yield
        }) : () -> ()
        %get3A_509 = arith.constant 128 : index
        %get3A_510 = tpu.vector_load %arg26[%get3A_509] {strides = array<i32>} : memref<160xi32, #tpu.memory_space<vmem>>, vector<16xi32>,
        %swap3A_511 = arith.constant 0 : index
        %swap3A_512 = tpu.vector_load %arg26[%swap3A_511] {strides = array<i32>} : memref<160xi32, #tpu.memory_space<vmem>>, vector<16xi32>,
        tpu.vector_store %arg26[%swap3A_511], %get3A_510 {strides = array<i32>} : memref<160xi32, #tpu.memory_space<vmem>>, vector<16xi32>,
        %sub3A_513 = arith.constant 128 : i32
        %sub3A_514 = arith.subi %add3A_498, %sub3A_513 : i32
        %add3A_515 = arith.constant 1 : i32
        %add3A_516 = arith.addi %scan3A_453, %add3A_515 : i32
        scf.yield %sub3A_514, %add3A_516 : i32, i32
      } else {
        scf.yield %add3A_498, %scan3A_453 : i32, i32
      }
      scf.yield %cond3A_504#0, %cond3A_504#1 : i32, i32
    }
    %scan3A_170 = arith.constant 125 : i32
    %dma_wait3A_171 = tpu.memref_slice %arg3[%multiple_of3A_155] : memref<640000xi32, #tpu.memory_space<hbm>> -> memref<2000xi32, #tpu.memory_space<hbm>>
    %dma_wait3A_172 = tpu.memref_slice %arg3[%multiple_of3A_155] : memref<640000xi32, #tpu.memory_space<hbm>> -> memref<2000xi32, #tpu.memory_space<hbm>>
    tpu.wait_dma2 semaphore(%arg22 : memref<!tpu.dma_semaphore, #tpu.memory_space<semaphore_mem>>) src(%dma_wait3A_172 : memref<2000xi32, #tpu.memory_space<hbm>>) dst(%arg34 : memref<2000xi32, #tpu.memory_space<vmem>>)
    %dma_wait3A_173 = tpu.memref_slice %arg3[%multiple_of3A_162] : memref<640000xi32, #tpu.memory_space<hbm>> -> memref<2000xi32, #tpu.memory_space<hbm>>
    %dma_wait3A_174 = tpu.memref_slice %arg3[%multiple_of3A_162] : memref<640000xi32, #tpu.memory_space<hbm>> -> memref<2000xi32, #tpu.memory_space<hbm>>
    tpu.wait_dma2 semaphore(%arg22 : memref<!tpu.dma_semaphore, #tpu.memory_space<semaphore_mem>>) src(%dma_wait3A_174 : memref<2000xi32, #tpu.memory_space<hbm>>) dst(%arg36 : memref<2000xi32, #tpu.memory_space<vmem>>)
    %add3A_175 = arith.constant 16000 : i32
    %add3A_176 = arith.addi %mul3A_16, %add3A_175 : i32
    %multiple_of3A_177 = tpu.assume_multiple %add3A_176, 8 : i32
    %dma_start3A_178 = tpu.memref_slice %arg3[%multiple_of3A_177] : memref<640000xi32, #tpu.memory_space<hbm>> -> memref<2000xi32, #tpu.memory_space<hbm>>
    %dma_start3A_179 = tpu.memref_slice %arg3[%multiple_of3A_177] : memref<640000xi32, #tpu.memory_space<hbm>> -> memref<2000xi32, #tpu.memory_space<hbm>>
    tpu.enqueue_dma source(%dma_start3A_179 : memref<2000xi32, #tpu.memory_space<hbm>>) target(%arg33 : memref<2000xi32, #tpu.memory_space<vmem>>) target_semaphore(%arg22 : memref<!tpu.dma_semaphore, #tpu.memory_space<semaphore_mem>>)
    %add3A_180 = arith.constant 320000 : i32
    %add3A_181 = arith.addi %add3A_180, %mul3A_16 : i32
    %add3A_182 = arith.constant 16000 : i32
    %add3A_183 = arith.addi %add3A_181, %add3A_182 : i32
    %multiple_of3A_184 = tpu.assume_multiple %add3A_183, 8 : i32
    %dma_start3A_185 = tpu.memref_slice %arg3[%multiple_of3A_184] : memref<640000xi32, #tpu.memory_space<hbm>> -> memref<2000xi32, #tpu.memory_space<hbm>>
    %dma_start3A_186 = tpu.memref_slice %arg3[%multiple_of3A_184] : memref<640000xi32, #tpu.memory_space<hbm>> -> memref<2000xi32, #tpu.memory_space<hbm>>
    tpu.enqueue_dma source(%dma_start3A_186 : memref<2000xi32, #tpu.memory_space<hbm>>) target(%arg35 : memref<2000xi32, #tpu.memory_space<vmem>>) target_semaphore(%arg22 : memref<!tpu.dma_semaphore, #tpu.memory_space<semaphore_mem>>)
    %scan3A_187 = arith.constant 0 : i32
    %scan3A_188 = arith.constant 125 : i32
    %scan3A_189 = arith.addi %scan3A_187, %scan3A_188 : i32
    %scan3A_190 = arith.constant 1 : i32
    %scan3A_191:2 = scf.for %scan3A_451 = %scan3A_187 to %scan3A_189 step %scan3A_190 iter_args(%scan3A_452 = %scan3A_169#0, %scan3A_453 = %scan3A_169#1) -> (i32, i32)  : i32 {
      %mul3A_454 = arith.constant 16 : i32
      %mul3A_455 = arith.muli %scan3A_451, %mul3A_454 : i32
      %get3A_456 = arith.index_cast %mul3A_455 : i32 to index
      %get3A_457 = tpu.vector_load %arg34[%get3A_456] {strides = array<i32>} : memref<2000xi32, #tpu.memory_space<vmem>>, vector<16xi32>,
      %mul3A_458 = arith.constant 16 : i32
      %mul3A_459 = arith.muli %scan3A_451, %mul3A_458 : i32
      %get3A_460 = arith.index_cast %mul3A_459 : i32 to index
      %get3A_461 = tpu.vector_load %arg36[%get3A_460] {strides = array<i32>} : memref<2000xi32, #tpu.memory_space<vmem>>, vector<16xi32>,
      %broadcast_in_dim3A_462 = arith.constant true
      %broadcast_in_dim3A_463 = vector.broadcast %broadcast_in_dim3A_462 : i1 to vector<16xi1>
      %gather3A_464 = tpu.vector_load_idx %arg11[%get3A_457] masked %broadcast_in_dim3A_463 : memref<10112xi32, #tpu.memory_space<vmem>>[vector<16xi32>], vector<16xi32>, vector<16xi1>
      %ge3A = arith.constant 0 : i32
      %ge3A_465 = vector.broadcast %ge3A : i32 to vector<16xi32>
      %ge3A_466 = arith.cmpi sge, %gather3A_464, %ge3A_465 : vector<16xi32>
      %jit3A_467 = arith.constant 0 : i32
      %broadcast_in_dim3A_468 = vector.broadcast %jit3A_467 : i32 to vector<16xi32>
      %select_n3A_469 = arith.select %ge3A_466, %gather3A_464, %broadcast_in_dim3A_468 : vector<16xi1>, vector<16xi32>
      %unique3A, %unique3A_470 = tpu.scan_count mask(%ge3A_466 : vector<16xi1>) value(%select_n3A_469 : vector<16xi32>) : vector<16xi1>, vector<16xi32>
      %and3A_471 = arith.andi %ge3A_466, %unique3A : vector<16xi1>
      tpu.vector_store_idx %arg18[%select_n3A_469], %unique3A_470 masked %and3A_471 {add = true} : memref<2048xi32, #tpu.memory_space<vmem>>[vector<16xi32>], vector<16xi32>, vector<16xi1>
      %shift_left3A = arith.constant 14 : i32
      %shift_left3A_472 = vector.broadcast %shift_left3A : i32 to vector<16xi32>
      %shift_left3A_473 = arith.shli %select_n3A_469, %shift_left3A_472 : vector<16xi32>
      %or3A = arith.ori %shift_left3A_473, %get3A_461 : vector<16xi32>
      %swap3A_474 = arith.index_cast %scan3A_452 : i32 to index
      %swap3A_475 = tpu.vector_load %arg26[%swap3A_474] masked %ge3A_466 {strides = array<i32>} : memref<160xi32, #tpu.memory_space<vmem>>, vector<16xi32>, vector<16xi1>
      tpu.vector_store %arg26[%swap3A_474], %or3A masked %ge3A_466 {strides = array<i32>} : memref<160xi32, #tpu.memory_space<vmem>>, vector<16xi32>, vector<16xi1>
      %all_reduce_population_count3A = tpu.all_reduce %ge3A_466 {dim = 0 : i64, kind = #tpu.reduction_kind<sum>} : vector<16xi1> -> vector<16xi32>
      %slice3A = vector.extract_strided_slice %all_reduce_population_count3A {offsets = [0], sizes = [1], strides = [1]} : vector<16xi32> to vector<1xi32>
      %squeeze3A = vector.extract %slice3A[0] : i32 from vector<1xi32>
      %add3A_476 = arith.addi %scan3A_452, %squeeze3A : i32
      %broadcast_in_dim3A_477 = arith.constant true
      %broadcast_in_dim3A_478 = vector.broadcast %broadcast_in_dim3A_477 : i1 to vector<16xi1>
      %gather3A_479 = tpu.vector_load_idx %arg11[%get3A_461] masked %broadcast_in_dim3A_478 : memref<10112xi32, #tpu.memory_space<vmem>>[vector<16xi32>], vector<16xi32>, vector<16xi1>
      %ge3A_480 = arith.constant 0 : i32
      %ge3A_481 = vector.broadcast %ge3A_480 : i32 to vector<16xi32>
      %ge3A_482 = arith.cmpi sge, %gather3A_479, %ge3A_481 : vector<16xi32>
      %jit3A_483 = arith.constant 0 : i32
      %broadcast_in_dim3A_484 = vector.broadcast %jit3A_483 : i32 to vector<16xi32>
      %select_n3A_485 = arith.select %ge3A_482, %gather3A_479, %broadcast_in_dim3A_484 : vector<16xi1>, vector<16xi32>
      %unique3A_486, %unique3A_487 = tpu.scan_count mask(%ge3A_482 : vector<16xi1>) value(%select_n3A_485 : vector<16xi32>) : vector<16xi1>, vector<16xi32>
      %and3A_488 = arith.andi %ge3A_482, %unique3A_486 : vector<16xi1>
      tpu.vector_store_idx %arg18[%select_n3A_485], %unique3A_487 masked %and3A_488 {add = true} : memref<2048xi32, #tpu.memory_space<vmem>>[vector<16xi32>], vector<16xi32>, vector<16xi1>
      %shift_left3A_489 = arith.constant 14 : i32
      %shift_left3A_490 = vector.broadcast %shift_left3A_489 : i32 to vector<16xi32>
      %shift_left3A_491 = arith.shli %select_n3A_485, %shift_left3A_490 : vector<16xi32>
      %or3A_492 = arith.ori %shift_left3A_491, %get3A_457 : vector<16xi32>
      %swap3A_493 = arith.index_cast %add3A_476 : i32 to index
      %swap3A_494 = tpu.vector_load %arg26[%swap3A_493] masked %ge3A_482 {strides = array<i32>} : memref<160xi32, #tpu.memory_space<vmem>>, vector<16xi32>, vector<16xi1>
      tpu.vector_store %arg26[%swap3A_493], %or3A_492 masked %ge3A_482 {strides = array<i32>} : memref<160xi32, #tpu.memory_space<vmem>>, vector<16xi32>, vector<16xi1>
      %all_reduce_population_count3A_495 = tpu.all_reduce %ge3A_482 {dim = 0 : i64, kind = #tpu.reduction_kind<sum>} : vector<16xi1> -> vector<16xi32>
      %slice3A_496 = vector.extract_strided_slice %all_reduce_population_count3A_495 {offsets = [0], sizes = [1], strides = [1]} : vector<16xi32> to vector<1xi32>
      %squeeze3A_497 = vector.extract %slice3A_496[0] : i32 from vector<1xi32>
      %add3A_498 = arith.addi %add3A_476, %squeeze3A_497 : i32
      %ge3A_499 = arith.constant 128 : i32
      %ge3A_500 = arith.cmpi sge, %add3A_498, %ge3A_499 : i32
      %convert_element_type3A_501 = arith.extui %ge3A_500 : i1 to i32
      %cond3A_502 = arith.constant 0 : i32
      %cond3A_503 = arith.cmpi ne, %convert_element_type3A_501, %cond3A_502 : i32
      %cond3A_504:2 = scf.if %cond3A_503 -> (i32, i32) {
        %mul3A_505 = arith.constant 128 : i32
        %mul3A_506 = arith.muli %scan3A_453, %mul3A_505 : i32
        %add3A_507 = arith.addi %mul3A_18, %mul3A_506 : i32
        %multiple_of3A_508 = tpu.assume_multiple %add3A_507, 8 : i32
        "tpu.region"() ({
          %run_scoped3A = tpu.sem_alloc : memref<!tpu.dma_semaphore, #tpu.memory_space<semaphore_mem>>
          %dma_start3A_517 = arith.constant 0 : i32
          %dma_start3A_518 = tpu.memref_slice %arg26[%dma_start3A_517] : memref<160xi32, #tpu.memory_space<vmem>> -> memref<128xi32, #tpu.memory_space<vmem>>
          %dma_start3A_519 = tpu.memref_slice %arg10[%multiple_of3A_508] : memref<644096xi32, #tpu.memory_space<vmem_shared>> -> memref<128xi32, #tpu.memory_space<vmem_shared>>
          %dma_start3A_520 = tpu.memref_slice %arg10[%multiple_of3A_508] : memref<644096xi32, #tpu.memory_space<vmem_shared>> -> memref<128xi32, #tpu.memory_space<vmem_shared>>
          %dma_start3A_521 = arith.constant 0 : i32
          %dma_start3A_522 = tpu.memref_slice %arg26[%dma_start3A_521] : memref<160xi32, #tpu.memory_space<vmem>> -> memref<128xi32, #tpu.memory_space<vmem>>
          tpu.enqueue_dma source(%dma_start3A_522 : memref<128xi32, #tpu.memory_space<vmem>>) target(%dma_start3A_520 : memref<128xi32, #tpu.memory_space<vmem_shared>>) target_semaphore(%run_scoped3A : memref<!tpu.dma_semaphore, #tpu.memory_space<semaphore_mem>>)
          %dma_wait3A_523 = arith.constant 0 : i32
          %dma_wait3A_524 = tpu.memref_slice %arg26[%dma_wait3A_523] : memref<160xi32, #tpu.memory_space<vmem>> -> memref<128xi32, #tpu.memory_space<vmem>>
          %dma_wait3A_525 = tpu.memref_slice %arg10[%multiple_of3A_508] : memref<644096xi32, #tpu.memory_space<vmem_shared>> -> memref<128xi32, #tpu.memory_space<vmem_shared>>
          %dma_wait3A_526 = tpu.memref_slice %arg10[%multiple_of3A_508] : memref<644096xi32, #tpu.memory_space<vmem_shared>> -> memref<128xi32, #tpu.memory_space<vmem_shared>>
          %dma_wait3A_527 = arith.constant 0 : i32
          %dma_wait3A_528 = tpu.memref_slice %arg26[%dma_wait3A_527] : memref<160xi32, #tpu.memory_space<vmem>> -> memref<128xi32, #tpu.memory_space<vmem>>
          tpu.wait_dma2 semaphore(%run_scoped3A : memref<!tpu.dma_semaphore, #tpu.memory_space<semaphore_mem>>) src(%dma_wait3A_528 : memref<128xi32, #tpu.memory_space<vmem>>) dst(%dma_wait3A_526 : memref<128xi32, #tpu.memory_space<vmem_shared>>)
          tpu.yield
        }) : () -> ()
        %get3A_509 = arith.constant 128 : index
        %get3A_510 = tpu.vector_load %arg26[%get3A_509] {strides = array<i32>} : memref<160xi32, #tpu.memory_space<vmem>>, vector<16xi32>,
        %swap3A_511 = arith.constant 0 : index
        %swap3A_512 = tpu.vector_load %arg26[%swap3A_511] {strides = array<i32>} : memref<160xi32, #tpu.memory_space<vmem>>, vector<16xi32>,
        tpu.vector_store %arg26[%swap3A_511], %get3A_510 {strides = array<i32>} : memref<160xi32, #tpu.memory_space<vmem>>, vector<16xi32>,
        %sub3A_513 = arith.constant 128 : i32
        %sub3A_514 = arith.subi %add3A_498, %sub3A_513 : i32
        %add3A_515 = arith.constant 1 : i32
        %add3A_516 = arith.addi %scan3A_453, %add3A_515 : i32
        scf.yield %sub3A_514, %add3A_516 : i32, i32
      } else {
        scf.yield %add3A_498, %scan3A_453 : i32, i32
      }
      scf.yield %cond3A_504#0, %cond3A_504#1 : i32, i32
    }
    %scan3A_192 = arith.constant 125 : i32
    %dma_wait3A_193 = tpu.memref_slice %arg3[%multiple_of3A_177] : memref<640000xi32, #tpu.memory_space<hbm>> -> memref<2000xi32, #tpu.memory_space<hbm>>
    %dma_wait3A_194 = tpu.memref_slice %arg3[%multiple_of3A_177] : memref<640000xi32, #tpu.memory_space<hbm>> -> memref<2000xi32, #tpu.memory_space<hbm>>
    tpu.wait_dma2 semaphore(%arg22 : memref<!tpu.dma_semaphore, #tpu.memory_space<semaphore_mem>>) src(%dma_wait3A_194 : memref<2000xi32, #tpu.memory_space<hbm>>) dst(%arg33 : memref<2000xi32, #tpu.memory_space<vmem>>)
    %dma_wait3A_195 = tpu.memref_slice %arg3[%multiple_of3A_184] : memref<640000xi32, #tpu.memory_space<hbm>> -> memref<2000xi32, #tpu.memory_space<hbm>>
    %dma_wait3A_196 = tpu.memref_slice %arg3[%multiple_of3A_184] : memref<640000xi32, #tpu.memory_space<hbm>> -> memref<2000xi32, #tpu.memory_space<hbm>>
    tpu.wait_dma2 semaphore(%arg22 : memref<!tpu.dma_semaphore, #tpu.memory_space<semaphore_mem>>) src(%dma_wait3A_196 : memref<2000xi32, #tpu.memory_space<hbm>>) dst(%arg35 : memref<2000xi32, #tpu.memory_space<vmem>>)
    %add3A_197 = arith.constant 18000 : i32
    %add3A_198 = arith.addi %mul3A_16, %add3A_197 : i32
    %multiple_of3A_199 = tpu.assume_multiple %add3A_198, 8 : i32
    %dma_start3A_200 = tpu.memref_slice %arg3[%multiple_of3A_199] : memref<640000xi32, #tpu.memory_space<hbm>> -> memref<2000xi32, #tpu.memory_space<hbm>>
    %dma_start3A_201 = tpu.memref_slice %arg3[%multiple_of3A_199] : memref<640000xi32, #tpu.memory_space<hbm>> -> memref<2000xi32, #tpu.memory_space<hbm>>
    tpu.enqueue_dma source(%dma_start3A_201 : memref<2000xi32, #tpu.memory_space<hbm>>) target(%arg34 : memref<2000xi32, #tpu.memory_space<vmem>>) target_semaphore(%arg22 : memref<!tpu.dma_semaphore, #tpu.memory_space<semaphore_mem>>)
    %add3A_202 = arith.constant 320000 : i32
    %add3A_203 = arith.addi %add3A_202, %mul3A_16 : i32
    %add3A_204 = arith.constant 18000 : i32
    %add3A_205 = arith.addi %add3A_203, %add3A_204 : i32
    %multiple_of3A_206 = tpu.assume_multiple %add3A_205, 8 : i32
    %dma_start3A_207 = tpu.memref_slice %arg3[%multiple_of3A_206] : memref<640000xi32, #tpu.memory_space<hbm>> -> memref<2000xi32, #tpu.memory_space<hbm>>
    %dma_start3A_208 = tpu.memref_slice %arg3[%multiple_of3A_206] : memref<640000xi32, #tpu.memory_space<hbm>> -> memref<2000xi32, #tpu.memory_space<hbm>>
    tpu.enqueue_dma source(%dma_start3A_208 : memref<2000xi32, #tpu.memory_space<hbm>>) target(%arg36 : memref<2000xi32, #tpu.memory_space<vmem>>) target_semaphore(%arg22 : memref<!tpu.dma_semaphore, #tpu.memory_space<semaphore_mem>>)
    %scan3A_209 = arith.constant 0 : i32
    %scan3A_210 = arith.constant 125 : i32
    %scan3A_211 = arith.addi %scan3A_209, %scan3A_210 : i32
    %scan3A_212 = arith.constant 1 : i32
    %scan3A_213:2 = scf.for %scan3A_451 = %scan3A_209 to %scan3A_211 step %scan3A_212 iter_args(%scan3A_452 = %scan3A_191#0, %scan3A_453 = %scan3A_191#1) -> (i32, i32)  : i32 {
      %mul3A_454 = arith.constant 16 : i32
      %mul3A_455 = arith.muli %scan3A_451, %mul3A_454 : i32
      %get3A_456 = arith.index_cast %mul3A_455 : i32 to index
      %get3A_457 = tpu.vector_load %arg33[%get3A_456] {strides = array<i32>} : memref<2000xi32, #tpu.memory_space<vmem>>, vector<16xi32>,
      %mul3A_458 = arith.constant 16 : i32
      %mul3A_459 = arith.muli %scan3A_451, %mul3A_458 : i32
      %get3A_460 = arith.index_cast %mul3A_459 : i32 to index
      %get3A_461 = tpu.vector_load %arg35[%get3A_460] {strides = array<i32>} : memref<2000xi32, #tpu.memory_space<vmem>>, vector<16xi32>,
      %broadcast_in_dim3A_462 = arith.constant true
      %broadcast_in_dim3A_463 = vector.broadcast %broadcast_in_dim3A_462 : i1 to vector<16xi1>
      %gather3A_464 = tpu.vector_load_idx %arg11[%get3A_457] masked %broadcast_in_dim3A_463 : memref<10112xi32, #tpu.memory_space<vmem>>[vector<16xi32>], vector<16xi32>, vector<16xi1>
      %ge3A = arith.constant 0 : i32
      %ge3A_465 = vector.broadcast %ge3A : i32 to vector<16xi32>
      %ge3A_466 = arith.cmpi sge, %gather3A_464, %ge3A_465 : vector<16xi32>
      %jit3A_467 = arith.constant 0 : i32
      %broadcast_in_dim3A_468 = vector.broadcast %jit3A_467 : i32 to vector<16xi32>
      %select_n3A_469 = arith.select %ge3A_466, %gather3A_464, %broadcast_in_dim3A_468 : vector<16xi1>, vector<16xi32>
      %unique3A, %unique3A_470 = tpu.scan_count mask(%ge3A_466 : vector<16xi1>) value(%select_n3A_469 : vector<16xi32>) : vector<16xi1>, vector<16xi32>
      %and3A_471 = arith.andi %ge3A_466, %unique3A : vector<16xi1>
      tpu.vector_store_idx %arg18[%select_n3A_469], %unique3A_470 masked %and3A_471 {add = true} : memref<2048xi32, #tpu.memory_space<vmem>>[vector<16xi32>], vector<16xi32>, vector<16xi1>
      %shift_left3A = arith.constant 14 : i32
      %shift_left3A_472 = vector.broadcast %shift_left3A : i32 to vector<16xi32>
      %shift_left3A_473 = arith.shli %select_n3A_469, %shift_left3A_472 : vector<16xi32>
      %or3A = arith.ori %shift_left3A_473, %get3A_461 : vector<16xi32>
      %swap3A_474 = arith.index_cast %scan3A_452 : i32 to index
      %swap3A_475 = tpu.vector_load %arg26[%swap3A_474] masked %ge3A_466 {strides = array<i32>} : memref<160xi32, #tpu.memory_space<vmem>>, vector<16xi32>, vector<16xi1>
      tpu.vector_store %arg26[%swap3A_474], %or3A masked %ge3A_466 {strides = array<i32>} : memref<160xi32, #tpu.memory_space<vmem>>, vector<16xi32>, vector<16xi1>
      %all_reduce_population_count3A = tpu.all_reduce %ge3A_466 {dim = 0 : i64, kind = #tpu.reduction_kind<sum>} : vector<16xi1> -> vector<16xi32>
      %slice3A = vector.extract_strided_slice %all_reduce_population_count3A {offsets = [0], sizes = [1], strides = [1]} : vector<16xi32> to vector<1xi32>
      %squeeze3A = vector.extract %slice3A[0] : i32 from vector<1xi32>
      %add3A_476 = arith.addi %scan3A_452, %squeeze3A : i32
      %broadcast_in_dim3A_477 = arith.constant true
      %broadcast_in_dim3A_478 = vector.broadcast %broadcast_in_dim3A_477 : i1 to vector<16xi1>
      %gather3A_479 = tpu.vector_load_idx %arg11[%get3A_461] masked %broadcast_in_dim3A_478 : memref<10112xi32, #tpu.memory_space<vmem>>[vector<16xi32>], vector<16xi32>, vector<16xi1>
      %ge3A_480 = arith.constant 0 : i32
      %ge3A_481 = vector.broadcast %ge3A_480 : i32 to vector<16xi32>
      %ge3A_482 = arith.cmpi sge, %gather3A_479, %ge3A_481 : vector<16xi32>
      %jit3A_483 = arith.constant 0 : i32
      %broadcast_in_dim3A_484 = vector.broadcast %jit3A_483 : i32 to vector<16xi32>
      %select_n3A_485 = arith.select %ge3A_482, %gather3A_479, %broadcast_in_dim3A_484 : vector<16xi1>, vector<16xi32>
      %unique3A_486, %unique3A_487 = tpu.scan_count mask(%ge3A_482 : vector<16xi1>) value(%select_n3A_485 : vector<16xi32>) : vector<16xi1>, vector<16xi32>
      %and3A_488 = arith.andi %ge3A_482, %unique3A_486 : vector<16xi1>
      tpu.vector_store_idx %arg18[%select_n3A_485], %unique3A_487 masked %and3A_488 {add = true} : memref<2048xi32, #tpu.memory_space<vmem>>[vector<16xi32>], vector<16xi32>, vector<16xi1>
      %shift_left3A_489 = arith.constant 14 : i32
      %shift_left3A_490 = vector.broadcast %shift_left3A_489 : i32 to vector<16xi32>
      %shift_left3A_491 = arith.shli %select_n3A_485, %shift_left3A_490 : vector<16xi32>
      %or3A_492 = arith.ori %shift_left3A_491, %get3A_457 : vector<16xi32>
      %swap3A_493 = arith.index_cast %add3A_476 : i32 to index
      %swap3A_494 = tpu.vector_load %arg26[%swap3A_493] masked %ge3A_482 {strides = array<i32>} : memref<160xi32, #tpu.memory_space<vmem>>, vector<16xi32>, vector<16xi1>
      tpu.vector_store %arg26[%swap3A_493], %or3A_492 masked %ge3A_482 {strides = array<i32>} : memref<160xi32, #tpu.memory_space<vmem>>, vector<16xi32>, vector<16xi1>
      %all_reduce_population_count3A_495 = tpu.all_reduce %ge3A_482 {dim = 0 : i64, kind = #tpu.reduction_kind<sum>} : vector<16xi1> -> vector<16xi32>
      %slice3A_496 = vector.extract_strided_slice %all_reduce_population_count3A_495 {offsets = [0], sizes = [1], strides = [1]} : vector<16xi32> to vector<1xi32>
      %squeeze3A_497 = vector.extract %slice3A_496[0] : i32 from vector<1xi32>
      %add3A_498 = arith.addi %add3A_476, %squeeze3A_497 : i32
      %ge3A_499 = arith.constant 128 : i32
      %ge3A_500 = arith.cmpi sge, %add3A_498, %ge3A_499 : i32
      %convert_element_type3A_501 = arith.extui %ge3A_500 : i1 to i32
      %cond3A_502 = arith.constant 0 : i32
      %cond3A_503 = arith.cmpi ne, %convert_element_type3A_501, %cond3A_502 : i32
      %cond3A_504:2 = scf.if %cond3A_503 -> (i32, i32) {
        %mul3A_505 = arith.constant 128 : i32
        %mul3A_506 = arith.muli %scan3A_453, %mul3A_505 : i32
        %add3A_507 = arith.addi %mul3A_18, %mul3A_506 : i32
        %multiple_of3A_508 = tpu.assume_multiple %add3A_507, 8 : i32
        "tpu.region"() ({
          %run_scoped3A = tpu.sem_alloc : memref<!tpu.dma_semaphore, #tpu.memory_space<semaphore_mem>>
          %dma_start3A_517 = arith.constant 0 : i32
          %dma_start3A_518 = tpu.memref_slice %arg26[%dma_start3A_517] : memref<160xi32, #tpu.memory_space<vmem>> -> memref<128xi32, #tpu.memory_space<vmem>>
          %dma_start3A_519 = tpu.memref_slice %arg10[%multiple_of3A_508] : memref<644096xi32, #tpu.memory_space<vmem_shared>> -> memref<128xi32, #tpu.memory_space<vmem_shared>>
          %dma_start3A_520 = tpu.memref_slice %arg10[%multiple_of3A_508] : memref<644096xi32, #tpu.memory_space<vmem_shared>> -> memref<128xi32, #tpu.memory_space<vmem_shared>>
          %dma_start3A_521 = arith.constant 0 : i32
          %dma_start3A_522 = tpu.memref_slice %arg26[%dma_start3A_521] : memref<160xi32, #tpu.memory_space<vmem>> -> memref<128xi32, #tpu.memory_space<vmem>>
          tpu.enqueue_dma source(%dma_start3A_522 : memref<128xi32, #tpu.memory_space<vmem>>) target(%dma_start3A_520 : memref<128xi32, #tpu.memory_space<vmem_shared>>) target_semaphore(%run_scoped3A : memref<!tpu.dma_semaphore, #tpu.memory_space<semaphore_mem>>)
          %dma_wait3A_523 = arith.constant 0 : i32
          %dma_wait3A_524 = tpu.memref_slice %arg26[%dma_wait3A_523] : memref<160xi32, #tpu.memory_space<vmem>> -> memref<128xi32, #tpu.memory_space<vmem>>
          %dma_wait3A_525 = tpu.memref_slice %arg10[%multiple_of3A_508] : memref<644096xi32, #tpu.memory_space<vmem_shared>> -> memref<128xi32, #tpu.memory_space<vmem_shared>>
          %dma_wait3A_526 = tpu.memref_slice %arg10[%multiple_of3A_508] : memref<644096xi32, #tpu.memory_space<vmem_shared>> -> memref<128xi32, #tpu.memory_space<vmem_shared>>
          %dma_wait3A_527 = arith.constant 0 : i32
          %dma_wait3A_528 = tpu.memref_slice %arg26[%dma_wait3A_527] : memref<160xi32, #tpu.memory_space<vmem>> -> memref<128xi32, #tpu.memory_space<vmem>>
          tpu.wait_dma2 semaphore(%run_scoped3A : memref<!tpu.dma_semaphore, #tpu.memory_space<semaphore_mem>>) src(%dma_wait3A_528 : memref<128xi32, #tpu.memory_space<vmem>>) dst(%dma_wait3A_526 : memref<128xi32, #tpu.memory_space<vmem_shared>>)
          tpu.yield
        }) : () -> ()
        %get3A_509 = arith.constant 128 : index
        %get3A_510 = tpu.vector_load %arg26[%get3A_509] {strides = array<i32>} : memref<160xi32, #tpu.memory_space<vmem>>, vector<16xi32>,
        %swap3A_511 = arith.constant 0 : index
        %swap3A_512 = tpu.vector_load %arg26[%swap3A_511] {strides = array<i32>} : memref<160xi32, #tpu.memory_space<vmem>>, vector<16xi32>,
        tpu.vector_store %arg26[%swap3A_511], %get3A_510 {strides = array<i32>} : memref<160xi32, #tpu.memory_space<vmem>>, vector<16xi32>,
        %sub3A_513 = arith.constant 128 : i32
        %sub3A_514 = arith.subi %add3A_498, %sub3A_513 : i32
        %add3A_515 = arith.constant 1 : i32
        %add3A_516 = arith.addi %scan3A_453, %add3A_515 : i32
        scf.yield %sub3A_514, %add3A_516 : i32, i32
      } else {
        scf.yield %add3A_498, %scan3A_453 : i32, i32
      }
      scf.yield %cond3A_504#0, %cond3A_504#1 : i32, i32
    }
    %scan3A_214 = arith.constant 125 : i32
    %dma_wait3A_215 = tpu.memref_slice %arg3[%multiple_of3A_199] : memref<640000xi32, #tpu.memory_space<hbm>> -> memref<2000xi32, #tpu.memory_space<hbm>>
    %dma_wait3A_216 = tpu.memref_slice %arg3[%multiple_of3A_199] : memref<640000xi32, #tpu.memory_space<hbm>> -> memref<2000xi32, #tpu.memory_space<hbm>>
    tpu.wait_dma2 semaphore(%arg22 : memref<!tpu.dma_semaphore, #tpu.memory_space<semaphore_mem>>) src(%dma_wait3A_216 : memref<2000xi32, #tpu.memory_space<hbm>>) dst(%arg34 : memref<2000xi32, #tpu.memory_space<vmem>>)
    %dma_wait3A_217 = tpu.memref_slice %arg3[%multiple_of3A_206] : memref<640000xi32, #tpu.memory_space<hbm>> -> memref<2000xi32, #tpu.memory_space<hbm>>
    %dma_wait3A_218 = tpu.memref_slice %arg3[%multiple_of3A_206] : memref<640000xi32, #tpu.memory_space<hbm>> -> memref<2000xi32, #tpu.memory_space<hbm>>
    tpu.wait_dma2 semaphore(%arg22 : memref<!tpu.dma_semaphore, #tpu.memory_space<semaphore_mem>>) src(%dma_wait3A_218 : memref<2000xi32, #tpu.memory_space<hbm>>) dst(%arg36 : memref<2000xi32, #tpu.memory_space<vmem>>)
    %scan3A_219 = arith.constant 0 : i32
    %scan3A_220 = arith.constant 125 : i32
    %scan3A_221 = arith.addi %scan3A_219, %scan3A_220 : i32
    %scan3A_222 = arith.constant 1 : i32
    %scan3A_223:2 = scf.for %scan3A_451 = %scan3A_219 to %scan3A_221 step %scan3A_222 iter_args(%scan3A_452 = %scan3A_213#0, %scan3A_453 = %scan3A_213#1) -> (i32, i32)  : i32 {
      %mul3A_454 = arith.constant 16 : i32
      %mul3A_455 = arith.muli %scan3A_451, %mul3A_454 : i32
      %get3A_456 = arith.index_cast %mul3A_455 : i32 to index
      %get3A_457 = tpu.vector_load %arg34[%get3A_456] {strides = array<i32>} : memref<2000xi32, #tpu.memory_space<vmem>>, vector<16xi32>,
      %mul3A_458 = arith.constant 16 : i32
      %mul3A_459 = arith.muli %scan3A_451, %mul3A_458 : i32
      %get3A_460 = arith.index_cast %mul3A_459 : i32 to index
      %get3A_461 = tpu.vector_load %arg36[%get3A_460] {strides = array<i32>} : memref<2000xi32, #tpu.memory_space<vmem>>, vector<16xi32>,
      %broadcast_in_dim3A_462 = arith.constant true
      %broadcast_in_dim3A_463 = vector.broadcast %broadcast_in_dim3A_462 : i1 to vector<16xi1>
      %gather3A_464 = tpu.vector_load_idx %arg11[%get3A_457] masked %broadcast_in_dim3A_463 : memref<10112xi32, #tpu.memory_space<vmem>>[vector<16xi32>], vector<16xi32>, vector<16xi1>
      %ge3A = arith.constant 0 : i32
      %ge3A_465 = vector.broadcast %ge3A : i32 to vector<16xi32>
      %ge3A_466 = arith.cmpi sge, %gather3A_464, %ge3A_465 : vector<16xi32>
      %jit3A_467 = arith.constant 0 : i32
      %broadcast_in_dim3A_468 = vector.broadcast %jit3A_467 : i32 to vector<16xi32>
      %select_n3A_469 = arith.select %ge3A_466, %gather3A_464, %broadcast_in_dim3A_468 : vector<16xi1>, vector<16xi32>
      %unique3A, %unique3A_470 = tpu.scan_count mask(%ge3A_466 : vector<16xi1>) value(%select_n3A_469 : vector<16xi32>) : vector<16xi1>, vector<16xi32>
      %and3A_471 = arith.andi %ge3A_466, %unique3A : vector<16xi1>
      tpu.vector_store_idx %arg18[%select_n3A_469], %unique3A_470 masked %and3A_471 {add = true} : memref<2048xi32, #tpu.memory_space<vmem>>[vector<16xi32>], vector<16xi32>, vector<16xi1>
      %shift_left3A = arith.constant 14 : i32
      %shift_left3A_472 = vector.broadcast %shift_left3A : i32 to vector<16xi32>
      %shift_left3A_473 = arith.shli %select_n3A_469, %shift_left3A_472 : vector<16xi32>
      %or3A = arith.ori %shift_left3A_473, %get3A_461 : vector<16xi32>
      %swap3A_474 = arith.index_cast %scan3A_452 : i32 to index
      %swap3A_475 = tpu.vector_load %arg26[%swap3A_474] masked %ge3A_466 {strides = array<i32>} : memref<160xi32, #tpu.memory_space<vmem>>, vector<16xi32>, vector<16xi1>
      tpu.vector_store %arg26[%swap3A_474], %or3A masked %ge3A_466 {strides = array<i32>} : memref<160xi32, #tpu.memory_space<vmem>>, vector<16xi32>, vector<16xi1>
      %all_reduce_population_count3A = tpu.all_reduce %ge3A_466 {dim = 0 : i64, kind = #tpu.reduction_kind<sum>} : vector<16xi1> -> vector<16xi32>
      %slice3A = vector.extract_strided_slice %all_reduce_population_count3A {offsets = [0], sizes = [1], strides = [1]} : vector<16xi32> to vector<1xi32>
      %squeeze3A = vector.extract %slice3A[0] : i32 from vector<1xi32>
      %add3A_476 = arith.addi %scan3A_452, %squeeze3A : i32
      %broadcast_in_dim3A_477 = arith.constant true
      %broadcast_in_dim3A_478 = vector.broadcast %broadcast_in_dim3A_477 : i1 to vector<16xi1>
      %gather3A_479 = tpu.vector_load_idx %arg11[%get3A_461] masked %broadcast_in_dim3A_478 : memref<10112xi32, #tpu.memory_space<vmem>>[vector<16xi32>], vector<16xi32>, vector<16xi1>
      %ge3A_480 = arith.constant 0 : i32
      %ge3A_481 = vector.broadcast %ge3A_480 : i32 to vector<16xi32>
      %ge3A_482 = arith.cmpi sge, %gather3A_479, %ge3A_481 : vector<16xi32>
      %jit3A_483 = arith.constant 0 : i32
      %broadcast_in_dim3A_484 = vector.broadcast %jit3A_483 : i32 to vector<16xi32>
      %select_n3A_485 = arith.select %ge3A_482, %gather3A_479, %broadcast_in_dim3A_484 : vector<16xi1>, vector<16xi32>
      %unique3A_486, %unique3A_487 = tpu.scan_count mask(%ge3A_482 : vector<16xi1>) value(%select_n3A_485 : vector<16xi32>) : vector<16xi1>, vector<16xi32>
      %and3A_488 = arith.andi %ge3A_482, %unique3A_486 : vector<16xi1>
      tpu.vector_store_idx %arg18[%select_n3A_485], %unique3A_487 masked %and3A_488 {add = true} : memref<2048xi32, #tpu.memory_space<vmem>>[vector<16xi32>], vector<16xi32>, vector<16xi1>
      %shift_left3A_489 = arith.constant 14 : i32
      %shift_left3A_490 = vector.broadcast %shift_left3A_489 : i32 to vector<16xi32>
      %shift_left3A_491 = arith.shli %select_n3A_485, %shift_left3A_490 : vector<16xi32>
      %or3A_492 = arith.ori %shift_left3A_491, %get3A_457 : vector<16xi32>
      %swap3A_493 = arith.index_cast %add3A_476 : i32 to index
      %swap3A_494 = tpu.vector_load %arg26[%swap3A_493] masked %ge3A_482 {strides = array<i32>} : memref<160xi32, #tpu.memory_space<vmem>>, vector<16xi32>, vector<16xi1>
      tpu.vector_store %arg26[%swap3A_493], %or3A_492 masked %ge3A_482 {strides = array<i32>} : memref<160xi32, #tpu.memory_space<vmem>>, vector<16xi32>, vector<16xi1>
      %all_reduce_population_count3A_495 = tpu.all_reduce %ge3A_482 {dim = 0 : i64, kind = #tpu.reduction_kind<sum>} : vector<16xi1> -> vector<16xi32>
      %slice3A_496 = vector.extract_strided_slice %all_reduce_population_count3A_495 {offsets = [0], sizes = [1], strides = [1]} : vector<16xi32> to vector<1xi32>
      %squeeze3A_497 = vector.extract %slice3A_496[0] : i32 from vector<1xi32>
      %add3A_498 = arith.addi %add3A_476, %squeeze3A_497 : i32
      %ge3A_499 = arith.constant 128 : i32
      %ge3A_500 = arith.cmpi sge, %add3A_498, %ge3A_499 : i32
      %convert_element_type3A_501 = arith.extui %ge3A_500 : i1 to i32
      %cond3A_502 = arith.constant 0 : i32
      %cond3A_503 = arith.cmpi ne, %convert_element_type3A_501, %cond3A_502 : i32
      %cond3A_504:2 = scf.if %cond3A_503 -> (i32, i32) {
        %mul3A_505 = arith.constant 128 : i32
        %mul3A_506 = arith.muli %scan3A_453, %mul3A_505 : i32
        %add3A_507 = arith.addi %mul3A_18, %mul3A_506 : i32
        %multiple_of3A_508 = tpu.assume_multiple %add3A_507, 8 : i32
        "tpu.region"() ({
          %run_scoped3A = tpu.sem_alloc : memref<!tpu.dma_semaphore, #tpu.memory_space<semaphore_mem>>
          %dma_start3A_517 = arith.constant 0 : i32
          %dma_start3A_518 = tpu.memref_slice %arg26[%dma_start3A_517] : memref<160xi32, #tpu.memory_space<vmem>> -> memref<128xi32, #tpu.memory_space<vmem>>
          %dma_start3A_519 = tpu.memref_slice %arg10[%multiple_of3A_508] : memref<644096xi32, #tpu.memory_space<vmem_shared>> -> memref<128xi32, #tpu.memory_space<vmem_shared>>
          %dma_start3A_520 = tpu.memref_slice %arg10[%multiple_of3A_508] : memref<644096xi32, #tpu.memory_space<vmem_shared>> -> memref<128xi32, #tpu.memory_space<vmem_shared>>
          %dma_start3A_521 = arith.constant 0 : i32
          %dma_start3A_522 = tpu.memref_slice %arg26[%dma_start3A_521] : memref<160xi32, #tpu.memory_space<vmem>> -> memref<128xi32, #tpu.memory_space<vmem>>
          tpu.enqueue_dma source(%dma_start3A_522 : memref<128xi32, #tpu.memory_space<vmem>>) target(%dma_start3A_520 : memref<128xi32, #tpu.memory_space<vmem_shared>>) target_semaphore(%run_scoped3A : memref<!tpu.dma_semaphore, #tpu.memory_space<semaphore_mem>>)
          %dma_wait3A_523 = arith.constant 0 : i32
          %dma_wait3A_524 = tpu.memref_slice %arg26[%dma_wait3A_523] : memref<160xi32, #tpu.memory_space<vmem>> -> memref<128xi32, #tpu.memory_space<vmem>>
          %dma_wait3A_525 = tpu.memref_slice %arg10[%multiple_of3A_508] : memref<644096xi32, #tpu.memory_space<vmem_shared>> -> memref<128xi32, #tpu.memory_space<vmem_shared>>
          %dma_wait3A_526 = tpu.memref_slice %arg10[%multiple_of3A_508] : memref<644096xi32, #tpu.memory_space<vmem_shared>> -> memref<128xi32, #tpu.memory_space<vmem_shared>>
          %dma_wait3A_527 = arith.constant 0 : i32
          %dma_wait3A_528 = tpu.memref_slice %arg26[%dma_wait3A_527] : memref<160xi32, #tpu.memory_space<vmem>> -> memref<128xi32, #tpu.memory_space<vmem>>
          tpu.wait_dma2 semaphore(%run_scoped3A : memref<!tpu.dma_semaphore, #tpu.memory_space<semaphore_mem>>) src(%dma_wait3A_528 : memref<128xi32, #tpu.memory_space<vmem>>) dst(%dma_wait3A_526 : memref<128xi32, #tpu.memory_space<vmem_shared>>)
          tpu.yield
        }) : () -> ()
        %get3A_509 = arith.constant 128 : index
        %get3A_510 = tpu.vector_load %arg26[%get3A_509] {strides = array<i32>} : memref<160xi32, #tpu.memory_space<vmem>>, vector<16xi32>,
        %swap3A_511 = arith.constant 0 : index
        %swap3A_512 = tpu.vector_load %arg26[%swap3A_511] {strides = array<i32>} : memref<160xi32, #tpu.memory_space<vmem>>, vector<16xi32>,
        tpu.vector_store %arg26[%swap3A_511], %get3A_510 {strides = array<i32>} : memref<160xi32, #tpu.memory_space<vmem>>, vector<16xi32>,
        %sub3A_513 = arith.constant 128 : i32
        %sub3A_514 = arith.subi %add3A_498, %sub3A_513 : i32
        %add3A_515 = arith.constant 1 : i32
        %add3A_516 = arith.addi %scan3A_453, %add3A_515 : i32
        scf.yield %sub3A_514, %add3A_516 : i32, i32
      } else {
        scf.yield %add3A_498, %scan3A_453 : i32, i32
      }
      scf.yield %cond3A_504#0, %cond3A_504#1 : i32, i32
    }
    %scan3A_224 = arith.constant 125 : i32
    %mul3A_225 = arith.constant 128 : i32
    %mul3A_226 = arith.muli %scan3A_223#1, %mul3A_225 : i32
    %add3A_227 = arith.addi %mul3A_18, %mul3A_226 : i32
    %multiple_of3A_228 = tpu.assume_multiple %add3A_227, 8 : i32
    "tpu.region"() ({
      %run_scoped3A = tpu.sem_alloc : memref<!tpu.dma_semaphore, #tpu.memory_space<semaphore_mem>>
      %dma_start3A_451 = arith.constant 0 : i32
      %dma_start3A_452 = tpu.memref_slice %arg26[%dma_start3A_451] : memref<160xi32, #tpu.memory_space<vmem>> -> memref<128xi32, #tpu.memory_space<vmem>>
      %dma_start3A_453 = tpu.memref_slice %arg10[%multiple_of3A_228] : memref<644096xi32, #tpu.memory_space<vmem_shared>> -> memref<128xi32, #tpu.memory_space<vmem_shared>>
      %dma_start3A_454 = tpu.memref_slice %arg10[%multiple_of3A_228] : memref<644096xi32, #tpu.memory_space<vmem_shared>> -> memref<128xi32, #tpu.memory_space<vmem_shared>>
      %dma_start3A_455 = arith.constant 0 : i32
      %dma_start3A_456 = tpu.memref_slice %arg26[%dma_start3A_455] : memref<160xi32, #tpu.memory_space<vmem>> -> memref<128xi32, #tpu.memory_space<vmem>>
      tpu.enqueue_dma source(%dma_start3A_456 : memref<128xi32, #tpu.memory_space<vmem>>) target(%dma_start3A_454 : memref<128xi32, #tpu.memory_space<vmem_shared>>) target_semaphore(%run_scoped3A : memref<!tpu.dma_semaphore, #tpu.memory_space<semaphore_mem>>)
      %dma_wait3A_457 = arith.constant 0 : i32
      %dma_wait3A_458 = tpu.memref_slice %arg26[%dma_wait3A_457] : memref<160xi32, #tpu.memory_space<vmem>> -> memref<128xi32, #tpu.memory_space<vmem>>
      %dma_wait3A_459 = tpu.memref_slice %arg10[%multiple_of3A_228] : memref<644096xi32, #tpu.memory_space<vmem_shared>> -> memref<128xi32, #tpu.memory_space<vmem_shared>>
      %dma_wait3A_460 = tpu.memref_slice %arg10[%multiple_of3A_228] : memref<644096xi32, #tpu.memory_space<vmem_shared>> -> memref<128xi32, #tpu.memory_space<vmem_shared>>
      %dma_wait3A_461 = arith.constant 0 : i32
      %dma_wait3A_462 = tpu.memref_slice %arg26[%dma_wait3A_461] : memref<160xi32, #tpu.memory_space<vmem>> -> memref<128xi32, #tpu.memory_space<vmem>>
      tpu.wait_dma2 semaphore(%run_scoped3A : memref<!tpu.dma_semaphore, #tpu.memory_space<semaphore_mem>>) src(%dma_wait3A_462 : memref<128xi32, #tpu.memory_space<vmem>>) dst(%dma_wait3A_460 : memref<128xi32, #tpu.memory_space<vmem_shared>>)
      tpu.yield
    }) : () -> ()
    %mul3A_229 = arith.constant 128 : i32
    %mul3A_230 = arith.muli %scan3A_223#1, %mul3A_229 : i32
    %add3A_231 = arith.addi %mul3A_230, %scan3A_223#0 : i32
    "tpu.region"() ({
      %run_scoped3A = tpu.sem_alloc : memref<!tpu.dma_semaphore, #tpu.memory_space<semaphore_mem>>
      %dma_start3A_451 = arith.constant 0 : i32
      %dma_start3A_452 = tpu.memref_slice %arg8[%arg1, %dma_start3A_451] : memref<16x2048xi32, #tpu.memory_space<vmem_shared>> -> memref<1x2048xi32, #tpu.memory_space<vmem_shared>>
      %dma_start3A_453 = tpu.memref_squeeze %dma_start3A_452 : memref<1x2048xi32, #tpu.memory_space<vmem_shared>> -> memref<2048xi32, #tpu.memory_space<vmem_shared>>
      %dma_start3A_454 = arith.constant 0 : i32
      %dma_start3A_455 = tpu.memref_slice %arg8[%arg1, %dma_start3A_454] : memref<16x2048xi32, #tpu.memory_space<vmem_shared>> -> memref<1x2048xi32, #tpu.memory_space<vmem_shared>>
      %dma_start3A_456 = tpu.memref_squeeze %dma_start3A_455 : memref<1x2048xi32, #tpu.memory_space<vmem_shared>> -> memref<2048xi32, #tpu.memory_space<vmem_shared>>
      tpu.enqueue_dma source(%arg18 : memref<2048xi32, #tpu.memory_space<vmem>>) target(%dma_start3A_456 : memref<2048xi32, #tpu.memory_space<vmem_shared>>) target_semaphore(%run_scoped3A : memref<!tpu.dma_semaphore, #tpu.memory_space<semaphore_mem>>)
      %dma_wait3A_457 = arith.constant 0 : i32
      %dma_wait3A_458 = tpu.memref_slice %arg8[%arg1, %dma_wait3A_457] : memref<16x2048xi32, #tpu.memory_space<vmem_shared>> -> memref<1x2048xi32, #tpu.memory_space<vmem_shared>>
      %dma_wait3A_459 = tpu.memref_squeeze %dma_wait3A_458 : memref<1x2048xi32, #tpu.memory_space<vmem_shared>> -> memref<2048xi32, #tpu.memory_space<vmem_shared>>
      %dma_wait3A_460 = arith.constant 0 : i32
      %dma_wait3A_461 = tpu.memref_slice %arg8[%arg1, %dma_wait3A_460] : memref<16x2048xi32, #tpu.memory_space<vmem_shared>> -> memref<1x2048xi32, #tpu.memory_space<vmem_shared>>
      %dma_wait3A_462 = tpu.memref_squeeze %dma_wait3A_461 : memref<1x2048xi32, #tpu.memory_space<vmem_shared>> -> memref<2048xi32, #tpu.memory_space<vmem_shared>>
      tpu.wait_dma2 semaphore(%run_scoped3A : memref<!tpu.dma_semaphore, #tpu.memory_space<semaphore_mem>>) src(%arg18 : memref<2048xi32, #tpu.memory_space<vmem>>) dst(%dma_wait3A_462 : memref<2048xi32, #tpu.memory_space<vmem_shared>>)
      tpu.yield
    }) : () -> ()
    %barrier3A_232 = arith.constant 0 : index
    tpu.barrier barrier_id(%barrier3A_232)
    %eq3A_233 = arith.constant 0 : i32
    "tpu.trace_stop"() : () -> ()
    "tpu.trace_start"() <{level = 10 : i32, message = "sc_p2_offsets"}> : () -> ()
    %eq3A_234 = arith.cmpi eq, %arg1, %eq3A_233 : i32
    %convert_element_type3A_235 = arith.extui %eq3A_234 : i1 to i32
    %cond3A_236 = arith.constant 0 : i32
    %cond3A_237 = arith.cmpi ne, %convert_element_type3A_235, %cond3A_236 : i32
    scf.if %cond3A_237 {
      %scan3A_451 = arith.constant 0 : i32
      %scan3A_452 = arith.constant 0 : i32
      %scan3A_453 = arith.constant 128 : i32
      %scan3A_454 = arith.addi %scan3A_452, %scan3A_453 : i32
      %scan3A_455 = arith.constant 1 : i32
      %scan3A_456 = scf.for %scan3A_472 = %scan3A_452 to %scan3A_454 step %scan3A_455 iter_args(%scan3A_473 = %scan3A_451) -> (i32)  : i32 {
        %mul3A_474 = arith.constant 16 : i32
        %mul3A_475 = arith.muli %scan3A_472, %mul3A_474 : i32
        %swap3A_476 = arith.index_cast %mul3A_475 : i32 to index
        %swap3A_477 = tpu.vector_load %arg21[%swap3A_476] {strides = array<i32>} : memref<2048xi32, #tpu.memory_space<vmem>>, vector<16xi32>,
        tpu.vector_store %arg21[%swap3A_476], %broadcast_in_dim3A_0 {strides = array<i32>} : memref<2048xi32, #tpu.memory_space<vmem>>, vector<16xi32>,
        %scan3A_478 = arith.constant 0 : i32
        scf.yield %scan3A_478 : i32
      }
      %scan3A_457 = arith.constant 128 : i32
      %scan3A_458 = arith.constant 0 : i32
      %scan3A_459 = arith.constant 0 : i32
      %scan3A_460 = arith.constant 16 : i32
      %scan3A_461 = arith.addi %scan3A_459, %scan3A_460 : i32
      %scan3A_462 = arith.constant 1 : i32
      %scan3A_463 = scf.for %scan3A_472 = %scan3A_459 to %scan3A_461 step %scan3A_462 iter_args(%scan3A_473 = %scan3A_458) -> (i32)  : i32 {
        "tpu.region"() ({
          %run_scoped3A = tpu.sem_alloc : memref<!tpu.dma_semaphore, #tpu.memory_space<semaphore_mem>>
          %dma_start3A_482 = arith.constant 0 : i32
          %dma_start3A_483 = tpu.memref_slice %arg8[%scan3A_472, %dma_start3A_482] : memref<16x2048xi32, #tpu.memory_space<vmem_shared>> -> memref<1x2048xi32, #tpu.memory_space<vmem_shared>>
          %dma_start3A_484 = tpu.memref_squeeze %dma_start3A_483 : memref<1x2048xi32, #tpu.memory_space<vmem_shared>> -> memref<2048xi32, #tpu.memory_space<vmem_shared>>
          %dma_start3A_485 = arith.constant 0 : i32
          %dma_start3A_486 = tpu.memref_slice %arg8[%scan3A_472, %dma_start3A_485] : memref<16x2048xi32, #tpu.memory_space<vmem_shared>> -> memref<1x2048xi32, #tpu.memory_space<vmem_shared>>
          %dma_start3A_487 = tpu.memref_squeeze %dma_start3A_486 : memref<1x2048xi32, #tpu.memory_space<vmem_shared>> -> memref<2048xi32, #tpu.memory_space<vmem_shared>>
          tpu.enqueue_dma source(%dma_start3A_487 : memref<2048xi32, #tpu.memory_space<vmem_shared>>) target(%arg19 : memref<2048xi32, #tpu.memory_space<vmem>>) target_semaphore(%run_scoped3A : memref<!tpu.dma_semaphore, #tpu.memory_space<semaphore_mem>>)
          %dma_wait3A_488 = arith.constant 0 : i32
          %dma_wait3A_489 = tpu.memref_slice %arg8[%scan3A_472, %dma_wait3A_488] : memref<16x2048xi32, #tpu.memory_space<vmem_shared>> -> memref<1x2048xi32, #tpu.memory_space<vmem_shared>>
          %dma_wait3A_490 = tpu.memref_squeeze %dma_wait3A_489 : memref<1x2048xi32, #tpu.memory_space<vmem_shared>> -> memref<2048xi32, #tpu.memory_space<vmem_shared>>
          %dma_wait3A_491 = arith.constant 0 : i32
          %dma_wait3A_492 = tpu.memref_slice %arg8[%scan3A_472, %dma_wait3A_491] : memref<16x2048xi32, #tpu.memory_space<vmem_shared>> -> memref<1x2048xi32, #tpu.memory_space<vmem_shared>>
          %dma_wait3A_493 = tpu.memref_squeeze %dma_wait3A_492 : memref<1x2048xi32, #tpu.memory_space<vmem_shared>> -> memref<2048xi32, #tpu.memory_space<vmem_shared>>
          tpu.wait_dma2 semaphore(%run_scoped3A : memref<!tpu.dma_semaphore, #tpu.memory_space<semaphore_mem>>) src(%dma_wait3A_493 : memref<2048xi32, #tpu.memory_space<vmem_shared>>) dst(%arg19 : memref<2048xi32, #tpu.memory_space<vmem>>)
          tpu.yield
        }) : () -> ()
        %scan3A_474 = arith.constant 0 : i32
        %scan3A_475 = arith.constant 0 : i32
        %scan3A_476 = arith.constant 128 : i32
        %scan3A_477 = arith.addi %scan3A_475, %scan3A_476 : i32
        %scan3A_478 = arith.constant 1 : i32
        %scan3A_479 = scf.for %scan3A_482 = %scan3A_475 to %scan3A_477 step %scan3A_478 iter_args(%scan3A_483 = %scan3A_474) -> (i32)  : i32 {
          %mul3A_484 = arith.constant 16 : i32
          %mul3A_485 = arith.muli %scan3A_482, %mul3A_484 : i32
          %get3A_486 = arith.index_cast %mul3A_485 : i32 to index
          %get3A_487 = tpu.vector_load %arg21[%get3A_486] {strides = array<i32>} : memref<2048xi32, #tpu.memory_space<vmem>>, vector<16xi32>,
          %get3A_488 = arith.index_cast %mul3A_485 : i32 to index
          %get3A_489 = tpu.vector_load %arg19[%get3A_488] {strides = array<i32>} : memref<2048xi32, #tpu.memory_space<vmem>>, vector<16xi32>,
          %add3A_490 = arith.addi %get3A_487, %get3A_489 : vector<16xi32>
          %swap3A_491 = arith.index_cast %mul3A_485 : i32 to index
          %swap3A_492 = tpu.vector_load %arg21[%swap3A_491] {strides = array<i32>} : memref<2048xi32, #tpu.memory_space<vmem>>, vector<16xi32>,
          tpu.vector_store %arg21[%swap3A_491], %add3A_490 {strides = array<i32>} : memref<2048xi32, #tpu.memory_space<vmem>>, vector<16xi32>,
          %scan3A_493 = arith.constant 0 : i32
          scf.yield %scan3A_493 : i32
        }
        %scan3A_480 = arith.constant 128 : i32
        %scan3A_481 = arith.constant 0 : i32
        scf.yield %scan3A_481 : i32
      }
      %scan3A_464 = arith.constant 16 : i32
      "tpu.region"() ({
        %run_scoped3A = tpu.sem_alloc : memref<!tpu.dma_semaphore, #tpu.memory_space<semaphore_mem>>
        tpu.enqueue_dma source(%arg21 : memref<2048xi32, #tpu.memory_space<vmem>>) target(%arg9 : memref<2048xi32, #tpu.memory_space<vmem_shared>>) target_semaphore(%run_scoped3A : memref<!tpu.dma_semaphore, #tpu.memory_space<semaphore_mem>>)
        tpu.wait_dma2 semaphore(%run_scoped3A : memref<!tpu.dma_semaphore, #tpu.memory_space<semaphore_mem>>) src(%arg21 : memref<2048xi32, #tpu.memory_space<vmem>>) dst(%arg9 : memref<2048xi32, #tpu.memory_space<vmem_shared>>)
        tpu.yield
      }) : () -> ()
      %scan3A_465 = arith.constant 0 : i32
      %scan3A_466 = arith.constant 0 : i32
      %scan3A_467 = arith.constant 128 : i32
      %scan3A_468 = arith.addi %scan3A_466, %scan3A_467 : i32
      %scan3A_469 = arith.constant 1 : i32
      %scan3A_470 = scf.for %scan3A_472 = %scan3A_466 to %scan3A_468 step %scan3A_469 iter_args(%scan3A_473 = %scan3A_465) -> (i32)  : i32 {
        %mul3A_474 = arith.constant 16 : i32
        %mul3A_475 = arith.muli %scan3A_472, %mul3A_474 : i32
        %get3A_476 = arith.index_cast %mul3A_475 : i32 to index
        %get3A_477 = tpu.vector_load %arg21[%get3A_476] {strides = array<i32>} : memref<2048xi32, #tpu.memory_space<vmem>>, vector<16xi32>,
        %add3A_478 = arith.constant 7 : i32
        %add3A_479 = vector.broadcast %add3A_478 : i32 to vector<16xi32>
        %add3A_480 = arith.addi %get3A_477, %add3A_479 : vector<16xi32>
        %and3A_481 = arith.constant -8 : i32
        %and3A_482 = vector.broadcast %and3A_481 : i32 to vector<16xi32>
        %and3A_483 = arith.andi %add3A_480, %and3A_482 : vector<16xi32>
        %broadcast_in_dim3A_484 = arith.constant true
        %broadcast_in_dim3A_485 = vector.broadcast %broadcast_in_dim3A_484 : i1 to vector<16xi1>
        %masked_cumsum3A = tpu.scan <sum>, %and3A_483 masked %broadcast_in_dim3A_485 : vector<16xi32>, vector<16xi1> -> vector<16xi32>
        %add3A_486 = vector.broadcast %scan3A_473 : i32 to vector<16xi32>
        %add3A_487 = arith.addi %add3A_486, %masked_cumsum3A : vector<16xi32>
        %sub3A_488 = arith.subi %add3A_487, %and3A_483 : vector<16xi32>
        %swap3A_489 = arith.index_cast %mul3A_475 : i32 to index
        %swap3A_490 = tpu.vector_load %arg13[%swap3A_489] {strides = array<i32>} : memref<2048xi32, #tpu.memory_space<vmem>>, vector<16xi32>,
        tpu.vector_store %arg13[%swap3A_489], %sub3A_488 {strides = array<i32>} : memref<2048xi32, #tpu.memory_space<vmem>>, vector<16xi32>,
        %slice3A = vector.extract_strided_slice %masked_cumsum3A {offsets = [15], sizes = [1], strides = [1]} : vector<16xi32> to vector<1xi32>
        %squeeze3A = vector.extract %slice3A[0] : i32 from vector<1xi32>
        %add3A_491 = arith.addi %scan3A_473, %squeeze3A : i32
        scf.yield %add3A_491 : i32
      }
      %scan3A_471 = arith.constant 128 : i32
      "tpu.region"() ({
        %run_scoped3A = tpu.sem_alloc : memref<!tpu.dma_semaphore, #tpu.memory_space<semaphore_mem>>
        tpu.enqueue_dma source(%arg13 : memref<2048xi32, #tpu.memory_space<vmem>>) target(%arg6 : memref<2048xi32, #tpu.memory_space<vmem_shared>>) target_semaphore(%run_scoped3A : memref<!tpu.dma_semaphore, #tpu.memory_space<semaphore_mem>>)
        tpu.wait_dma2 semaphore(%run_scoped3A : memref<!tpu.dma_semaphore, #tpu.memory_space<semaphore_mem>>) src(%arg13 : memref<2048xi32, #tpu.memory_space<vmem>>) dst(%arg6 : memref<2048xi32, #tpu.memory_space<vmem_shared>>)
        tpu.yield
      }) : () -> ()
    } else {
    }
    %barrier3A_238 = arith.constant 0 : index
    tpu.barrier barrier_id(%barrier3A_238)
    "tpu.trace_stop"() : () -> ()
    "tpu.trace_start"() <{level = 10 : i32, message = "sc_p3_placement"}> : () -> ()
    "tpu.region"() ({
      %run_scoped3A = tpu.sem_alloc : memref<!tpu.dma_semaphore, #tpu.memory_space<semaphore_mem>>
      tpu.enqueue_dma source(%arg6 : memref<2048xi32, #tpu.memory_space<vmem_shared>>) target(%arg15 : memref<2048xi32, #tpu.memory_space<vmem>>) target_semaphore(%run_scoped3A : memref<!tpu.dma_semaphore, #tpu.memory_space<semaphore_mem>>)
      tpu.wait_dma2 semaphore(%run_scoped3A : memref<!tpu.dma_semaphore, #tpu.memory_space<semaphore_mem>>) src(%arg6 : memref<2048xi32, #tpu.memory_space<vmem_shared>>) dst(%arg15 : memref<2048xi32, #tpu.memory_space<vmem>>)
      tpu.yield
    }) : () -> ()
    %while3A = arith.constant 0 : i32
    %while3A_239 = arith.constant 0 : i32
    %while3A_240 = arith.subi %arg1, %while3A : i32
    %while3A_241 = arith.addi %while3A, %while3A_240 : i32
    %while3A_242 = arith.constant 1 : i32
    %while3A_243 = arith.divsi %while3A_240, %while3A_242 : i32
    %while3A_244 = arith.muli %while3A_243, %while3A_242 : i32
    %while3A_245 = arith.addi %while3A, %while3A_244 : i32
    %while3A_246 = arith.constant 1 : i32
    %while3A_247 = scf.for %while3A_451 = %while3A to %while3A_245 step %while3A_246 iter_args(%while3A_452 = %while3A_239) -> (i32)  : i32 {
      "tpu.region"() ({
        %run_scoped3A = tpu.sem_alloc : memref<!tpu.dma_semaphore, #tpu.memory_space<semaphore_mem>>
        %dma_start3A_461 = arith.constant 0 : i32
        %dma_start3A_462 = tpu.memref_slice %arg8[%while3A_451, %dma_start3A_461] : memref<16x2048xi32, #tpu.memory_space<vmem_shared>> -> memref<1x2048xi32, #tpu.memory_space<vmem_shared>>
        %dma_start3A_463 = tpu.memref_squeeze %dma_start3A_462 : memref<1x2048xi32, #tpu.memory_space<vmem_shared>> -> memref<2048xi32, #tpu.memory_space<vmem_shared>>
        %dma_start3A_464 = arith.constant 0 : i32
        %dma_start3A_465 = tpu.memref_slice %arg8[%while3A_451, %dma_start3A_464] : memref<16x2048xi32, #tpu.memory_space<vmem_shared>> -> memref<1x2048xi32, #tpu.memory_space<vmem_shared>>
        %dma_start3A_466 = tpu.memref_squeeze %dma_start3A_465 : memref<1x2048xi32, #tpu.memory_space<vmem_shared>> -> memref<2048xi32, #tpu.memory_space<vmem_shared>>
        tpu.enqueue_dma source(%dma_start3A_466 : memref<2048xi32, #tpu.memory_space<vmem_shared>>) target(%arg19 : memref<2048xi32, #tpu.memory_space<vmem>>) target_semaphore(%run_scoped3A : memref<!tpu.dma_semaphore, #tpu.memory_space<semaphore_mem>>)
        %dma_wait3A_467 = arith.constant 0 : i32
        %dma_wait3A_468 = tpu.memref_slice %arg8[%while3A_451, %dma_wait3A_467] : memref<16x2048xi32, #tpu.memory_space<vmem_shared>> -> memref<1x2048xi32, #tpu.memory_space<vmem_shared>>
        %dma_wait3A_469 = tpu.memref_squeeze %dma_wait3A_468 : memref<1x2048xi32, #tpu.memory_space<vmem_shared>> -> memref<2048xi32, #tpu.memory_space<vmem_shared>>
        %dma_wait3A_470 = arith.constant 0 : i32
        %dma_wait3A_471 = tpu.memref_slice %arg8[%while3A_451, %dma_wait3A_470] : memref<16x2048xi32, #tpu.memory_space<vmem_shared>> -> memref<1x2048xi32, #tpu.memory_space<vmem_shared>>
        %dma_wait3A_472 = tpu.memref_squeeze %dma_wait3A_471 : memref<1x2048xi32, #tpu.memory_space<vmem_shared>> -> memref<2048xi32, #tpu.memory_space<vmem_shared>>
        tpu.wait_dma2 semaphore(%run_scoped3A : memref<!tpu.dma_semaphore, #tpu.memory_space<semaphore_mem>>) src(%dma_wait3A_472 : memref<2048xi32, #tpu.memory_space<vmem_shared>>) dst(%arg19 : memref<2048xi32, #tpu.memory_space<vmem>>)
        tpu.yield
      }) : () -> ()
      %scan3A_453 = arith.constant 0 : i32
      %scan3A_454 = arith.constant 0 : i32
      %scan3A_455 = arith.constant 128 : i32
      %scan3A_456 = arith.addi %scan3A_454, %scan3A_455 : i32
      %scan3A_457 = arith.constant 1 : i32
      %scan3A_458 = scf.for %scan3A_461 = %scan3A_454 to %scan3A_456 step %scan3A_457 iter_args(%scan3A_462 = %scan3A_453) -> (i32)  : i32 {
        %mul3A_463 = arith.constant 16 : i32
        %mul3A_464 = arith.muli %scan3A_461, %mul3A_463 : i32
        %get3A_465 = arith.index_cast %mul3A_464 : i32 to index
        %get3A_466 = tpu.vector_load %arg15[%get3A_465] {strides = array<i32>} : memref<2048xi32, #tpu.memory_space<vmem>>, vector<16xi32>,
        %get3A_467 = arith.index_cast %mul3A_464 : i32 to index
        %get3A_468 = tpu.vector_load %arg19[%get3A_467] {strides = array<i32>} : memref<2048xi32, #tpu.memory_space<vmem>>, vector<16xi32>,
        %add3A_469 = arith.addi %get3A_466, %get3A_468 : vector<16xi32>
        %swap3A_470 = arith.index_cast %mul3A_464 : i32 to index
        %swap3A_471 = tpu.vector_load %arg15[%swap3A_470] {strides = array<i32>} : memref<2048xi32, #tpu.memory_space<vmem>>, vector<16xi32>,
        tpu.vector_store %arg15[%swap3A_470], %add3A_469 {strides = array<i32>} : memref<2048xi32, #tpu.memory_space<vmem>>, vector<16xi32>,
        %scan3A_472 = arith.constant 0 : i32
        scf.yield %scan3A_472 : i32
      }
      %scan3A_459 = arith.constant 128 : i32
      %while3A_460 = arith.constant 0 : i32
      scf.yield %while3A_460 : i32
    }
    %while3A_248 = arith.constant 1 : i32
    %while3A_249 = scf.for %while3A_451 = %while3A_245 to %while3A_241 step %while3A_248 iter_args(%while3A_452 = %while3A_247) -> (i32)  : i32 {
      "tpu.region"() ({
        %run_scoped3A = tpu.sem_alloc : memref<!tpu.dma_semaphore, #tpu.memory_space<semaphore_mem>>
        %dma_start3A_461 = arith.constant 0 : i32
        %dma_start3A_462 = tpu.memref_slice %arg8[%while3A_451, %dma_start3A_461] : memref<16x2048xi32, #tpu.memory_space<vmem_shared>> -> memref<1x2048xi32, #tpu.memory_space<vmem_shared>>
        %dma_start3A_463 = tpu.memref_squeeze %dma_start3A_462 : memref<1x2048xi32, #tpu.memory_space<vmem_shared>> -> memref<2048xi32, #tpu.memory_space<vmem_shared>>
        %dma_start3A_464 = arith.constant 0 : i32
        %dma_start3A_465 = tpu.memref_slice %arg8[%while3A_451, %dma_start3A_464] : memref<16x2048xi32, #tpu.memory_space<vmem_shared>> -> memref<1x2048xi32, #tpu.memory_space<vmem_shared>>
        %dma_start3A_466 = tpu.memref_squeeze %dma_start3A_465 : memref<1x2048xi32, #tpu.memory_space<vmem_shared>> -> memref<2048xi32, #tpu.memory_space<vmem_shared>>
        tpu.enqueue_dma source(%dma_start3A_466 : memref<2048xi32, #tpu.memory_space<vmem_shared>>) target(%arg19 : memref<2048xi32, #tpu.memory_space<vmem>>) target_semaphore(%run_scoped3A : memref<!tpu.dma_semaphore, #tpu.memory_space<semaphore_mem>>)
        %dma_wait3A_467 = arith.constant 0 : i32
        %dma_wait3A_468 = tpu.memref_slice %arg8[%while3A_451, %dma_wait3A_467] : memref<16x2048xi32, #tpu.memory_space<vmem_shared>> -> memref<1x2048xi32, #tpu.memory_space<vmem_shared>>
        %dma_wait3A_469 = tpu.memref_squeeze %dma_wait3A_468 : memref<1x2048xi32, #tpu.memory_space<vmem_shared>> -> memref<2048xi32, #tpu.memory_space<vmem_shared>>
        %dma_wait3A_470 = arith.constant 0 : i32
        %dma_wait3A_471 = tpu.memref_slice %arg8[%while3A_451, %dma_wait3A_470] : memref<16x2048xi32, #tpu.memory_space<vmem_shared>> -> memref<1x2048xi32, #tpu.memory_space<vmem_shared>>
        %dma_wait3A_472 = tpu.memref_squeeze %dma_wait3A_471 : memref<1x2048xi32, #tpu.memory_space<vmem_shared>> -> memref<2048xi32, #tpu.memory_space<vmem_shared>>
        tpu.wait_dma2 semaphore(%run_scoped3A : memref<!tpu.dma_semaphore, #tpu.memory_space<semaphore_mem>>) src(%dma_wait3A_472 : memref<2048xi32, #tpu.memory_space<vmem_shared>>) dst(%arg19 : memref<2048xi32, #tpu.memory_space<vmem>>)
        tpu.yield
      }) : () -> ()
      %scan3A_453 = arith.constant 0 : i32
      %scan3A_454 = arith.constant 0 : i32
      %scan3A_455 = arith.constant 128 : i32
      %scan3A_456 = arith.addi %scan3A_454, %scan3A_455 : i32
      %scan3A_457 = arith.constant 1 : i32
      %scan3A_458 = scf.for %scan3A_461 = %scan3A_454 to %scan3A_456 step %scan3A_457 iter_args(%scan3A_462 = %scan3A_453) -> (i32)  : i32 {
        %mul3A_463 = arith.constant 16 : i32
        %mul3A_464 = arith.muli %scan3A_461, %mul3A_463 : i32
        %get3A_465 = arith.index_cast %mul3A_464 : i32 to index
        %get3A_466 = tpu.vector_load %arg15[%get3A_465] {strides = array<i32>} : memref<2048xi32, #tpu.memory_space<vmem>>, vector<16xi32>,
        %get3A_467 = arith.index_cast %mul3A_464 : i32 to index
        %get3A_468 = tpu.vector_load %arg19[%get3A_467] {strides = array<i32>} : memref<2048xi32, #tpu.memory_space<vmem>>, vector<16xi32>,
        %add3A_469 = arith.addi %get3A_466, %get3A_468 : vector<16xi32>
        %swap3A_470 = arith.index_cast %mul3A_464 : i32 to index
        %swap3A_471 = tpu.vector_load %arg15[%swap3A_470] {strides = array<i32>} : memref<2048xi32, #tpu.memory_space<vmem>>, vector<16xi32>,
        tpu.vector_store %arg15[%swap3A_470], %add3A_469 {strides = array<i32>} : memref<2048xi32, #tpu.memory_space<vmem>>, vector<16xi32>,
        %scan3A_472 = arith.constant 0 : i32
        scf.yield %scan3A_472 : i32
      }
      %scan3A_459 = arith.constant 128 : i32
      %while3A_460 = arith.constant 0 : i32
      scf.yield %while3A_460 : i32
    }
    %add3A_250 = arith.constant 127 : i32
    %add3A_251 = arith.addi %add3A_231, %add3A_250 : i32
    %jit3A = arith.constant 128 : i32
    %div3A = arith.divsi %add3A_251, %jit3A : i32
    %sign3A = arith.constant 0 : i32
    %sign3A_252 = arith.cmpi sgt, %add3A_251, %sign3A : i32
    %sign3A_253 = arith.extui %sign3A_252 : i1 to i32
    %sign3A_254 = arith.constant 0 : i32
    %sign3A_255 = arith.cmpi slt, %add3A_251, %sign3A_254 : i32
    %sign3A_256 = arith.extui %sign3A_255 : i1 to i32
    %sign3A_257 = arith.subi %sign3A_253, %sign3A_256 : i32
    %sign3A_258 = arith.constant 0 : i32
    %sign3A_259 = arith.cmpi sgt, %jit3A, %sign3A_258 : i32
    %sign3A_260 = arith.extui %sign3A_259 : i1 to i32
    %sign3A_261 = arith.constant 0 : i32
    %sign3A_262 = arith.cmpi slt, %jit3A, %sign3A_261 : i32
    %sign3A_263 = arith.extui %sign3A_262 : i1 to i32
    %sign3A_264 = arith.subi %sign3A_260, %sign3A_263 : i32
    %ne3A = arith.cmpi ne, %sign3A_257, %sign3A_264 : i32
    %rem3A = arith.remsi %add3A_251, %jit3A : i32
    %ne3A_265 = arith.constant 0 : i32
    %ne3A_266 = arith.cmpi ne, %rem3A, %ne3A_265 : i32
    %and3A = arith.andi %ne3A, %ne3A_266 : i1
    %sub3A = arith.constant 1 : i32
    %sub3A_267 = arith.subi %div3A, %sub3A : i32
    %select_n3A = arith.select %and3A, %sub3A_267, %div3A : i32
    %while3A_268 = arith.constant 0 : i32
    %while3A_269 = arith.constant 0 : i32
    %while3A_270 = arith.subi %select_n3A, %while3A_268 : i32
    %while3A_271 = arith.addi %while3A_268, %while3A_270 : i32
    %while3A_272 = arith.constant 1 : i32
    %while3A_273 = arith.divsi %while3A_270, %while3A_272 : i32
    %while3A_274 = arith.muli %while3A_273, %while3A_272 : i32
    %while3A_275 = arith.addi %while3A_268, %while3A_274 : i32
    %while3A_276 = arith.constant 1 : i32
    %while3A_277 = scf.for %while3A_451 = %while3A_268 to %while3A_275 step %while3A_276 iter_args(%while3A_452 = %while3A_269) -> (i32)  : i32 {
      %mul3A_453 = arith.constant 128 : i32
      %mul3A_454 = arith.muli %while3A_451, %mul3A_453 : i32
      %add3A_455 = arith.addi %mul3A_18, %mul3A_454 : i32
      %multiple_of3A_456 = tpu.assume_multiple %add3A_455, 8 : i32
      "tpu.region"() ({
        %run_scoped3A = tpu.sem_alloc : memref<!tpu.dma_semaphore, #tpu.memory_space<semaphore_mem>>
        %dma_start3A_463 = tpu.memref_slice %arg10[%multiple_of3A_456] : memref<644096xi32, #tpu.memory_space<vmem_shared>> -> memref<128xi32, #tpu.memory_space<vmem_shared>>
        %dma_start3A_464 = tpu.memref_slice %arg10[%multiple_of3A_456] : memref<644096xi32, #tpu.memory_space<vmem_shared>> -> memref<128xi32, #tpu.memory_space<vmem_shared>>
        tpu.enqueue_dma source(%dma_start3A_464 : memref<128xi32, #tpu.memory_space<vmem_shared>>) target(%arg23 : memref<128xi32, #tpu.memory_space<vmem>>) target_semaphore(%run_scoped3A : memref<!tpu.dma_semaphore, #tpu.memory_space<semaphore_mem>>)
        %dma_wait3A_465 = tpu.memref_slice %arg10[%multiple_of3A_456] : memref<644096xi32, #tpu.memory_space<vmem_shared>> -> memref<128xi32, #tpu.memory_space<vmem_shared>>
        %dma_wait3A_466 = tpu.memref_slice %arg10[%multiple_of3A_456] : memref<644096xi32, #tpu.memory_space<vmem_shared>> -> memref<128xi32, #tpu.memory_space<vmem_shared>>
        tpu.wait_dma2 semaphore(%run_scoped3A : memref<!tpu.dma_semaphore, #tpu.memory_space<semaphore_mem>>) src(%dma_wait3A_466 : memref<128xi32, #tpu.memory_space<vmem_shared>>) dst(%arg23 : memref<128xi32, #tpu.memory_space<vmem>>)
        tpu.yield
      }) : () -> ()
      %scan3A_457 = arith.constant 0 : i32
      %scan3A_458 = arith.constant 8 : i32
      %scan3A_459 = arith.addi %scan3A_457, %scan3A_458 : i32
      %scan3A_460 = arith.constant 1 : i32
      %scan3A_461 = scf.for %scan3A_463 = %scan3A_457 to %scan3A_459 step %scan3A_460 iter_args(%scan3A_464 = %while3A_452) -> (i32)  : i32 {
        %mul3A_465 = arith.constant 16 : i32
        %mul3A_466 = arith.muli %scan3A_463, %mul3A_465 : i32
        %get3A_467 = arith.index_cast %mul3A_466 : i32 to index
        %get3A_468 = tpu.vector_load %arg23[%get3A_467] {strides = array<i32>} : memref<128xi32, #tpu.memory_space<vmem>>, vector<16xi32>,
        %mul3A_469 = arith.constant 128 : i32
        %mul3A_470 = arith.muli %while3A_451, %mul3A_469 : i32
        %mul3A_471 = arith.constant 16 : i32
        %mul3A_472 = arith.muli %scan3A_463, %mul3A_471 : i32
        %add3A_473 = arith.addi %mul3A_470, %mul3A_472 : i32
        %add3A_474 = vector.broadcast %add3A_473 : i32 to vector<16xi32>
        %add3A_475 = arith.addi %add3A_474, %iota3A : vector<16xi32>
        %lt3A_476 = vector.broadcast %add3A_231 : i32 to vector<16xi32>
        %lt3A_477 = arith.cmpi slt, %add3A_475, %lt3A_476 : vector<16xi32>
        %shift_right_arithmetic3A = arith.constant 14 : i32
        %shift_right_arithmetic3A_478 = vector.broadcast %shift_right_arithmetic3A : i32 to vector<16xi32>
        %shift_right_arithmetic3A_479 = arith.shrsi %get3A_468, %shift_right_arithmetic3A_478 : vector<16xi32>
        %jit3A_480 = arith.constant 0 : i32
        %broadcast_in_dim3A_481 = vector.broadcast %jit3A_480 : i32 to vector<16xi32>
        %select_n3A_482 = arith.select %lt3A_477, %shift_right_arithmetic3A_479, %broadcast_in_dim3A_481 : vector<16xi1>, vector<16xi32>
        %and3A_483 = arith.constant 16383 : i32
        %and3A_484 = vector.broadcast %and3A_483 : i32 to vector<16xi32>
        %and3A_485 = arith.andi %get3A_468, %and3A_484 : vector<16xi32>
        %unique3A, %unique3A_486 = tpu.scan_count mask(%lt3A_477 : vector<16xi1>) value(%select_n3A_482 : vector<16xi32>) : vector<16xi1>, vector<16xi32>
        %gather3A_487 = tpu.vector_load_idx %arg15[%select_n3A_482] masked %lt3A_477 : memref<2048xi32, #tpu.memory_space<vmem>>[vector<16xi32>], vector<16xi32>, vector<16xi1>
        %add3A_488 = arith.addi %gather3A_487, %unique3A_486 : vector<16xi32>
        %sub3A_489 = arith.constant 1 : i32
        %sub3A_490 = vector.broadcast %sub3A_489 : i32 to vector<16xi32>
        %sub3A_491 = arith.subi %add3A_488, %sub3A_490 : vector<16xi32>
        %and3A_492 = arith.andi %lt3A_477, %unique3A : vector<16xi1>
        tpu.vector_store_idx %arg15[%select_n3A_482], %unique3A_486 masked %and3A_492 {add = true} : memref<2048xi32, #tpu.memory_space<vmem>>[vector<16xi32>], vector<16xi32>, vector<16xi1>
        %swap3A_493 = arith.index_cast %scan3A_464 : i32 to index
        %swap3A_494 = tpu.vector_load %arg26[%swap3A_493] masked %lt3A_477 {strides = array<i32>} : memref<160xi32, #tpu.memory_space<vmem>>, vector<16xi32>, vector<16xi1>
        tpu.vector_store %arg26[%swap3A_493], %sub3A_491 masked %lt3A_477 {strides = array<i32>} : memref<160xi32, #tpu.memory_space<vmem>>, vector<16xi32>, vector<16xi1>
        %swap3A_495 = arith.index_cast %scan3A_464 : i32 to index
        %swap3A_496 = tpu.vector_load %arg27[%swap3A_495] masked %lt3A_477 {strides = array<i32>} : memref<160xi32, #tpu.memory_space<vmem>>, vector<16xi32>, vector<16xi1>
        tpu.vector_store %arg27[%swap3A_495], %and3A_485 masked %lt3A_477 {strides = array<i32>} : memref<160xi32, #tpu.memory_space<vmem>>, vector<16xi32>, vector<16xi1>
        %all_reduce_population_count3A = tpu.all_reduce %lt3A_477 {dim = 0 : i64, kind = #tpu.reduction_kind<sum>} : vector<16xi1> -> vector<16xi32>
        %slice3A = vector.extract_strided_slice %all_reduce_population_count3A {offsets = [0], sizes = [1], strides = [1]} : vector<16xi32> to vector<1xi32>
        %squeeze3A = vector.extract %slice3A[0] : i32 from vector<1xi32>
        %add3A_497 = arith.addi %scan3A_464, %squeeze3A : i32
        %ge3A = arith.constant 128 : i32
        %ge3A_498 = arith.cmpi sge, %add3A_497, %ge3A : i32
        %convert_element_type3A_499 = arith.extui %ge3A_498 : i1 to i32
        %cond3A_500 = arith.constant 0 : i32
        %cond3A_501 = arith.cmpi ne, %convert_element_type3A_499, %cond3A_500 : i32
        %cond3A_502 = scf.if %cond3A_501 -> (i32) {
          %get3A_503 = arith.constant 0 : index
          %get3A_504 = tpu.vector_load %arg26[%get3A_503] {strides = array<i32>} : memref<160xi32, #tpu.memory_space<vmem>>, vector<16xi32>,
          %swap3A_505 = arith.constant 0 : index
          %swap3A_506 = tpu.vector_load %arg16[%swap3A_505] {strides = array<i32>} : memref<128xi32, #tpu.memory_space<vmem>>, vector<16xi32>,
          tpu.vector_store %arg16[%swap3A_505], %get3A_504 {strides = array<i32>} : memref<128xi32, #tpu.memory_space<vmem>>, vector<16xi32>,
          %get3A_507 = arith.constant 0 : index
          %get3A_508 = tpu.vector_load %arg27[%get3A_507] {strides = array<i32>} : memref<160xi32, #tpu.memory_space<vmem>>, vector<16xi32>,
          %swap3A_509 = arith.constant 0 : index
          %swap3A_510 = tpu.vector_load %arg17[%swap3A_509] {strides = array<i32>} : memref<128xi32, #tpu.memory_space<vmem>>, vector<16xi32>,
          tpu.vector_store %arg17[%swap3A_509], %get3A_508 {strides = array<i32>} : memref<128xi32, #tpu.memory_space<vmem>>, vector<16xi32>,
          %get3A_511 = arith.constant 16 : index
          %get3A_512 = tpu.vector_load %arg26[%get3A_511] {strides = array<i32>} : memref<160xi32, #tpu.memory_space<vmem>>, vector<16xi32>,
          %swap3A_513 = arith.constant 16 : index
          %swap3A_514 = tpu.vector_load %arg16[%swap3A_513] {strides = array<i32>} : memref<128xi32, #tpu.memory_space<vmem>>, vector<16xi32>,
          tpu.vector_store %arg16[%swap3A_513], %get3A_512 {strides = array<i32>} : memref<128xi32, #tpu.memory_space<vmem>>, vector<16xi32>,
          %get3A_515 = arith.constant 16 : index
          %get3A_516 = tpu.vector_load %arg27[%get3A_515] {strides = array<i32>} : memref<160xi32, #tpu.memory_space<vmem>>, vector<16xi32>,
          %swap3A_517 = arith.constant 16 : index
          %swap3A_518 = tpu.vector_load %arg17[%swap3A_517] {strides = array<i32>} : memref<128xi32, #tpu.memory_space<vmem>>, vector<16xi32>,
          tpu.vector_store %arg17[%swap3A_517], %get3A_516 {strides = array<i32>} : memref<128xi32, #tpu.memory_space<vmem>>, vector<16xi32>,
          %get3A_519 = arith.constant 32 : index
          %get3A_520 = tpu.vector_load %arg26[%get3A_519] {strides = array<i32>} : memref<160xi32, #tpu.memory_space<vmem>>, vector<16xi32>,
          %swap3A_521 = arith.constant 32 : index
          %swap3A_522 = tpu.vector_load %arg16[%swap3A_521] {strides = array<i32>} : memref<128xi32, #tpu.memory_space<vmem>>, vector<16xi32>,
          tpu.vector_store %arg16[%swap3A_521], %get3A_520 {strides = array<i32>} : memref<128xi32, #tpu.memory_space<vmem>>, vector<16xi32>,
          %get3A_523 = arith.constant 32 : index
          %get3A_524 = tpu.vector_load %arg27[%get3A_523] {strides = array<i32>} : memref<160xi32, #tpu.memory_space<vmem>>, vector<16xi32>,
          %swap3A_525 = arith.constant 32 : index
          %swap3A_526 = tpu.vector_load %arg17[%swap3A_525] {strides = array<i32>} : memref<128xi32, #tpu.memory_space<vmem>>, vector<16xi32>,
          tpu.vector_store %arg17[%swap3A_525], %get3A_524 {strides = array<i32>} : memref<128xi32, #tpu.memory_space<vmem>>, vector<16xi32>,
          %get3A_527 = arith.constant 48 : index
          %get3A_528 = tpu.vector_load %arg26[%get3A_527] {strides = array<i32>} : memref<160xi32, #tpu.memory_space<vmem>>, vector<16xi32>,
          %swap3A_529 = arith.constant 48 : index
          %swap3A_530 = tpu.vector_load %arg16[%swap3A_529] {strides = array<i32>} : memref<128xi32, #tpu.memory_space<vmem>>, vector<16xi32>,
          tpu.vector_store %arg16[%swap3A_529], %get3A_528 {strides = array<i32>} : memref<128xi32, #tpu.memory_space<vmem>>, vector<16xi32>,
          %get3A_531 = arith.constant 48 : index
          %get3A_532 = tpu.vector_load %arg27[%get3A_531] {strides = array<i32>} : memref<160xi32, #tpu.memory_space<vmem>>, vector<16xi32>,
          %swap3A_533 = arith.constant 48 : index
          %swap3A_534 = tpu.vector_load %arg17[%swap3A_533] {strides = array<i32>} : memref<128xi32, #tpu.memory_space<vmem>>, vector<16xi32>,
          tpu.vector_store %arg17[%swap3A_533], %get3A_532 {strides = array<i32>} : memref<128xi32, #tpu.memory_space<vmem>>, vector<16xi32>,
          %get3A_535 = arith.constant 64 : index
          %get3A_536 = tpu.vector_load %arg26[%get3A_535] {strides = array<i32>} : memref<160xi32, #tpu.memory_space<vmem>>, vector<16xi32>,
          %swap3A_537 = arith.constant 64 : index
          %swap3A_538 = tpu.vector_load %arg16[%swap3A_537] {strides = array<i32>} : memref<128xi32, #tpu.memory_space<vmem>>, vector<16xi32>,
          tpu.vector_store %arg16[%swap3A_537], %get3A_536 {strides = array<i32>} : memref<128xi32, #tpu.memory_space<vmem>>, vector<16xi32>,
          %get3A_539 = arith.constant 64 : index
          %get3A_540 = tpu.vector_load %arg27[%get3A_539] {strides = array<i32>} : memref<160xi32, #tpu.memory_space<vmem>>, vector<16xi32>,
          %swap3A_541 = arith.constant 64 : index
          %swap3A_542 = tpu.vector_load %arg17[%swap3A_541] {strides = array<i32>} : memref<128xi32, #tpu.memory_space<vmem>>, vector<16xi32>,
          tpu.vector_store %arg17[%swap3A_541], %get3A_540 {strides = array<i32>} : memref<128xi32, #tpu.memory_space<vmem>>, vector<16xi32>,
          %get3A_543 = arith.constant 80 : index
          %get3A_544 = tpu.vector_load %arg26[%get3A_543] {strides = array<i32>} : memref<160xi32, #tpu.memory_space<vmem>>, vector<16xi32>,
          %swap3A_545 = arith.constant 80 : index
          %swap3A_546 = tpu.vector_load %arg16[%swap3A_545] {strides = array<i32>} : memref<128xi32, #tpu.memory_space<vmem>>, vector<16xi32>,
          tpu.vector_store %arg16[%swap3A_545], %get3A_544 {strides = array<i32>} : memref<128xi32, #tpu.memory_space<vmem>>, vector<16xi32>,
          %get3A_547 = arith.constant 80 : index
          %get3A_548 = tpu.vector_load %arg27[%get3A_547] {strides = array<i32>} : memref<160xi32, #tpu.memory_space<vmem>>, vector<16xi32>,
          %swap3A_549 = arith.constant 80 : index
          %swap3A_550 = tpu.vector_load %arg17[%swap3A_549] {strides = array<i32>} : memref<128xi32, #tpu.memory_space<vmem>>, vector<16xi32>,
          tpu.vector_store %arg17[%swap3A_549], %get3A_548 {strides = array<i32>} : memref<128xi32, #tpu.memory_space<vmem>>, vector<16xi32>,
          %get3A_551 = arith.constant 96 : index
          %get3A_552 = tpu.vector_load %arg26[%get3A_551] {strides = array<i32>} : memref<160xi32, #tpu.memory_space<vmem>>, vector<16xi32>,
          %swap3A_553 = arith.constant 96 : index
          %swap3A_554 = tpu.vector_load %arg16[%swap3A_553] {strides = array<i32>} : memref<128xi32, #tpu.memory_space<vmem>>, vector<16xi32>,
          tpu.vector_store %arg16[%swap3A_553], %get3A_552 {strides = array<i32>} : memref<128xi32, #tpu.memory_space<vmem>>, vector<16xi32>,
          %get3A_555 = arith.constant 96 : index
          %get3A_556 = tpu.vector_load %arg27[%get3A_555] {strides = array<i32>} : memref<160xi32, #tpu.memory_space<vmem>>, vector<16xi32>,
          %swap3A_557 = arith.constant 96 : index
          %swap3A_558 = tpu.vector_load %arg17[%swap3A_557] {strides = array<i32>} : memref<128xi32, #tpu.memory_space<vmem>>, vector<16xi32>,
          tpu.vector_store %arg17[%swap3A_557], %get3A_556 {strides = array<i32>} : memref<128xi32, #tpu.memory_space<vmem>>, vector<16xi32>,
          %get3A_559 = arith.constant 112 : index
          %get3A_560 = tpu.vector_load %arg26[%get3A_559] {strides = array<i32>} : memref<160xi32, #tpu.memory_space<vmem>>, vector<16xi32>,
          %swap3A_561 = arith.constant 112 : index
          %swap3A_562 = tpu.vector_load %arg16[%swap3A_561] {strides = array<i32>} : memref<128xi32, #tpu.memory_space<vmem>>, vector<16xi32>,
          tpu.vector_store %arg16[%swap3A_561], %get3A_560 {strides = array<i32>} : memref<128xi32, #tpu.memory_space<vmem>>, vector<16xi32>,
          %get3A_563 = arith.constant 112 : index
          %get3A_564 = tpu.vector_load %arg27[%get3A_563] {strides = array<i32>} : memref<160xi32, #tpu.memory_space<vmem>>, vector<16xi32>,
          %swap3A_565 = arith.constant 112 : index
          %swap3A_566 = tpu.vector_load %arg17[%swap3A_565] {strides = array<i32>} : memref<128xi32, #tpu.memory_space<vmem>>, vector<16xi32>,
          tpu.vector_store %arg17[%swap3A_565], %get3A_564 {strides = array<i32>} : memref<128xi32, #tpu.memory_space<vmem>>, vector<16xi32>,
          "tpu.region"() ({
            %run_scoped3A = tpu.sem_alloc : memref<!tpu.dma_semaphore, #tpu.memory_space<semaphore_mem>>
            %dma_start3A_577 = arith.constant 0 : i32
            %dma_start3A_578 = tpu.memref_slice %arg7[%dma_start3A_577] : memref<656640xi32, #tpu.memory_space<vmem_shared>> -> memref<656640xi32, #tpu.memory_space<vmem_shared>>
            tpu.enqueue_indirect_dma source(%arg17 : memref<128xi32, #tpu.memory_space<vmem>>) target(%dma_start3A_578 : memref<656640xi32, #tpu.memory_space<vmem_shared>>) offsets(%arg16 : memref<128xi32, #tpu.memory_space<vmem>>) semaphore(%run_scoped3A : memref<!tpu.dma_semaphore, #tpu.memory_space<semaphore_mem>>)
            %dma_wait3A_579 = arith.constant 0 : i32
            %dma_wait3A_580 = tpu.memref_slice %arg7[%dma_wait3A_579] : memref<656640xi32, #tpu.memory_space<vmem_shared>> -> memref<656640xi32, #tpu.memory_space<vmem_shared>>
            tpu.wait_indirect_dma semaphore(%run_scoped3A : memref<!tpu.dma_semaphore, #tpu.memory_space<semaphore_mem>>) src(%arg17 : memref<128xi32, #tpu.memory_space<vmem>>) dst(%dma_wait3A_580 : memref<656640xi32, #tpu.memory_space<vmem_shared>>)
            tpu.yield
          }) : () -> ()
          %get3A_567 = arith.constant 128 : index
          %get3A_568 = tpu.vector_load %arg26[%get3A_567] {strides = array<i32>} : memref<160xi32, #tpu.memory_space<vmem>>, vector<16xi32>,
          %swap3A_569 = arith.constant 0 : index
          %swap3A_570 = tpu.vector_load %arg26[%swap3A_569] {strides = array<i32>} : memref<160xi32, #tpu.memory_space<vmem>>, vector<16xi32>,
          tpu.vector_store %arg26[%swap3A_569], %get3A_568 {strides = array<i32>} : memref<160xi32, #tpu.memory_space<vmem>>, vector<16xi32>,
          %get3A_571 = arith.constant 128 : index
          %get3A_572 = tpu.vector_load %arg27[%get3A_571] {strides = array<i32>} : memref<160xi32, #tpu.memory_space<vmem>>, vector<16xi32>,
          %swap3A_573 = arith.constant 0 : index
          %swap3A_574 = tpu.vector_load %arg27[%swap3A_573] {strides = array<i32>} : memref<160xi32, #tpu.memory_space<vmem>>, vector<16xi32>,
          tpu.vector_store %arg27[%swap3A_573], %get3A_572 {strides = array<i32>} : memref<160xi32, #tpu.memory_space<vmem>>, vector<16xi32>,
          %sub3A_575 = arith.constant 128 : i32
          %sub3A_576 = arith.subi %add3A_497, %sub3A_575 : i32
          scf.yield %sub3A_576 : i32
        } else {
          scf.yield %add3A_497 : i32
        }
        scf.yield %cond3A_502 : i32
      }
      %scan3A_462 = arith.constant 8 : i32
      scf.yield %scan3A_461 : i32
    }
    %while3A_278 = arith.constant 1 : i32
    %while3A_279 = scf.for %while3A_451 = %while3A_275 to %while3A_271 step %while3A_278 iter_args(%while3A_452 = %while3A_277) -> (i32)  : i32 {
      %mul3A_453 = arith.constant 128 : i32
      %mul3A_454 = arith.muli %while3A_451, %mul3A_453 : i32
      %add3A_455 = arith.addi %mul3A_18, %mul3A_454 : i32
      %multiple_of3A_456 = tpu.assume_multiple %add3A_455, 8 : i32
      "tpu.region"() ({
        %run_scoped3A = tpu.sem_alloc : memref<!tpu.dma_semaphore, #tpu.memory_space<semaphore_mem>>
        %dma_start3A_463 = tpu.memref_slice %arg10[%multiple_of3A_456] : memref<644096xi32, #tpu.memory_space<vmem_shared>> -> memref<128xi32, #tpu.memory_space<vmem_shared>>
        %dma_start3A_464 = tpu.memref_slice %arg10[%multiple_of3A_456] : memref<644096xi32, #tpu.memory_space<vmem_shared>> -> memref<128xi32, #tpu.memory_space<vmem_shared>>
        tpu.enqueue_dma source(%dma_start3A_464 : memref<128xi32, #tpu.memory_space<vmem_shared>>) target(%arg23 : memref<128xi32, #tpu.memory_space<vmem>>) target_semaphore(%run_scoped3A : memref<!tpu.dma_semaphore, #tpu.memory_space<semaphore_mem>>)
        %dma_wait3A_465 = tpu.memref_slice %arg10[%multiple_of3A_456] : memref<644096xi32, #tpu.memory_space<vmem_shared>> -> memref<128xi32, #tpu.memory_space<vmem_shared>>
        %dma_wait3A_466 = tpu.memref_slice %arg10[%multiple_of3A_456] : memref<644096xi32, #tpu.memory_space<vmem_shared>> -> memref<128xi32, #tpu.memory_space<vmem_shared>>
        tpu.wait_dma2 semaphore(%run_scoped3A : memref<!tpu.dma_semaphore, #tpu.memory_space<semaphore_mem>>) src(%dma_wait3A_466 : memref<128xi32, #tpu.memory_space<vmem_shared>>) dst(%arg23 : memref<128xi32, #tpu.memory_space<vmem>>)
        tpu.yield
      }) : () -> ()
      %scan3A_457 = arith.constant 0 : i32
      %scan3A_458 = arith.constant 8 : i32
      %scan3A_459 = arith.addi %scan3A_457, %scan3A_458 : i32
      %scan3A_460 = arith.constant 1 : i32
      %scan3A_461 = scf.for %scan3A_463 = %scan3A_457 to %scan3A_459 step %scan3A_460 iter_args(%scan3A_464 = %while3A_452) -> (i32)  : i32 {
        %mul3A_465 = arith.constant 16 : i32
        %mul3A_466 = arith.muli %scan3A_463, %mul3A_465 : i32
        %get3A_467 = arith.index_cast %mul3A_466 : i32 to index
        %get3A_468 = tpu.vector_load %arg23[%get3A_467] {strides = array<i32>} : memref<128xi32, #tpu.memory_space<vmem>>, vector<16xi32>,
        %mul3A_469 = arith.constant 128 : i32
        %mul3A_470 = arith.muli %while3A_451, %mul3A_469 : i32
        %mul3A_471 = arith.constant 16 : i32
        %mul3A_472 = arith.muli %scan3A_463, %mul3A_471 : i32
        %add3A_473 = arith.addi %mul3A_470, %mul3A_472 : i32
        %add3A_474 = vector.broadcast %add3A_473 : i32 to vector<16xi32>
        %add3A_475 = arith.addi %add3A_474, %iota3A : vector<16xi32>
        %lt3A_476 = vector.broadcast %add3A_231 : i32 to vector<16xi32>
        %lt3A_477 = arith.cmpi slt, %add3A_475, %lt3A_476 : vector<16xi32>
        %shift_right_arithmetic3A = arith.constant 14 : i32
        %shift_right_arithmetic3A_478 = vector.broadcast %shift_right_arithmetic3A : i32 to vector<16xi32>
        %shift_right_arithmetic3A_479 = arith.shrsi %get3A_468, %shift_right_arithmetic3A_478 : vector<16xi32>
        %jit3A_480 = arith.constant 0 : i32
        %broadcast_in_dim3A_481 = vector.broadcast %jit3A_480 : i32 to vector<16xi32>
        %select_n3A_482 = arith.select %lt3A_477, %shift_right_arithmetic3A_479, %broadcast_in_dim3A_481 : vector<16xi1>, vector<16xi32>
        %and3A_483 = arith.constant 16383 : i32
        %and3A_484 = vector.broadcast %and3A_483 : i32 to vector<16xi32>
        %and3A_485 = arith.andi %get3A_468, %and3A_484 : vector<16xi32>
        %unique3A, %unique3A_486 = tpu.scan_count mask(%lt3A_477 : vector<16xi1>) value(%select_n3A_482 : vector<16xi32>) : vector<16xi1>, vector<16xi32>
        %gather3A_487 = tpu.vector_load_idx %arg15[%select_n3A_482] masked %lt3A_477 : memref<2048xi32, #tpu.memory_space<vmem>>[vector<16xi32>], vector<16xi32>, vector<16xi1>
        %add3A_488 = arith.addi %gather3A_487, %unique3A_486 : vector<16xi32>
        %sub3A_489 = arith.constant 1 : i32
        %sub3A_490 = vector.broadcast %sub3A_489 : i32 to vector<16xi32>
        %sub3A_491 = arith.subi %add3A_488, %sub3A_490 : vector<16xi32>
        %and3A_492 = arith.andi %lt3A_477, %unique3A : vector<16xi1>
        tpu.vector_store_idx %arg15[%select_n3A_482], %unique3A_486 masked %and3A_492 {add = true} : memref<2048xi32, #tpu.memory_space<vmem>>[vector<16xi32>], vector<16xi32>, vector<16xi1>
        %swap3A_493 = arith.index_cast %scan3A_464 : i32 to index
        %swap3A_494 = tpu.vector_load %arg26[%swap3A_493] masked %lt3A_477 {strides = array<i32>} : memref<160xi32, #tpu.memory_space<vmem>>, vector<16xi32>, vector<16xi1>
        tpu.vector_store %arg26[%swap3A_493], %sub3A_491 masked %lt3A_477 {strides = array<i32>} : memref<160xi32, #tpu.memory_space<vmem>>, vector<16xi32>, vector<16xi1>
        %swap3A_495 = arith.index_cast %scan3A_464 : i32 to index
        %swap3A_496 = tpu.vector_load %arg27[%swap3A_495] masked %lt3A_477 {strides = array<i32>} : memref<160xi32, #tpu.memory_space<vmem>>, vector<16xi32>, vector<16xi1>
        tpu.vector_store %arg27[%swap3A_495], %and3A_485 masked %lt3A_477 {strides = array<i32>} : memref<160xi32, #tpu.memory_space<vmem>>, vector<16xi32>, vector<16xi1>
        %all_reduce_population_count3A = tpu.all_reduce %lt3A_477 {dim = 0 : i64, kind = #tpu.reduction_kind<sum>} : vector<16xi1> -> vector<16xi32>
        %slice3A = vector.extract_strided_slice %all_reduce_population_count3A {offsets = [0], sizes = [1], strides = [1]} : vector<16xi32> to vector<1xi32>
        %squeeze3A = vector.extract %slice3A[0] : i32 from vector<1xi32>
        %add3A_497 = arith.addi %scan3A_464, %squeeze3A : i32
        %ge3A = arith.constant 128 : i32
        %ge3A_498 = arith.cmpi sge, %add3A_497, %ge3A : i32
        %convert_element_type3A_499 = arith.extui %ge3A_498 : i1 to i32
        %cond3A_500 = arith.constant 0 : i32
        %cond3A_501 = arith.cmpi ne, %convert_element_type3A_499, %cond3A_500 : i32
        %cond3A_502 = scf.if %cond3A_501 -> (i32) {
          %get3A_503 = arith.constant 0 : index
          %get3A_504 = tpu.vector_load %arg26[%get3A_503] {strides = array<i32>} : memref<160xi32, #tpu.memory_space<vmem>>, vector<16xi32>,
          %swap3A_505 = arith.constant 0 : index
          %swap3A_506 = tpu.vector_load %arg16[%swap3A_505] {strides = array<i32>} : memref<128xi32, #tpu.memory_space<vmem>>, vector<16xi32>,
          tpu.vector_store %arg16[%swap3A_505], %get3A_504 {strides = array<i32>} : memref<128xi32, #tpu.memory_space<vmem>>, vector<16xi32>,
          %get3A_507 = arith.constant 0 : index
          %get3A_508 = tpu.vector_load %arg27[%get3A_507] {strides = array<i32>} : memref<160xi32, #tpu.memory_space<vmem>>, vector<16xi32>,
          %swap3A_509 = arith.constant 0 : index
          %swap3A_510 = tpu.vector_load %arg17[%swap3A_509] {strides = array<i32>} : memref<128xi32, #tpu.memory_space<vmem>>, vector<16xi32>,
          tpu.vector_store %arg17[%swap3A_509], %get3A_508 {strides = array<i32>} : memref<128xi32, #tpu.memory_space<vmem>>, vector<16xi32>,
          %get3A_511 = arith.constant 16 : index
          %get3A_512 = tpu.vector_load %arg26[%get3A_511] {strides = array<i32>} : memref<160xi32, #tpu.memory_space<vmem>>, vector<16xi32>,
          %swap3A_513 = arith.constant 16 : index
          %swap3A_514 = tpu.vector_load %arg16[%swap3A_513] {strides = array<i32>} : memref<128xi32, #tpu.memory_space<vmem>>, vector<16xi32>,
          tpu.vector_store %arg16[%swap3A_513], %get3A_512 {strides = array<i32>} : memref<128xi32, #tpu.memory_space<vmem>>, vector<16xi32>,
          %get3A_515 = arith.constant 16 : index
          %get3A_516 = tpu.vector_load %arg27[%get3A_515] {strides = array<i32>} : memref<160xi32, #tpu.memory_space<vmem>>, vector<16xi32>,
          %swap3A_517 = arith.constant 16 : index
          %swap3A_518 = tpu.vector_load %arg17[%swap3A_517] {strides = array<i32>} : memref<128xi32, #tpu.memory_space<vmem>>, vector<16xi32>,
          tpu.vector_store %arg17[%swap3A_517], %get3A_516 {strides = array<i32>} : memref<128xi32, #tpu.memory_space<vmem>>, vector<16xi32>,
          %get3A_519 = arith.constant 32 : index
          %get3A_520 = tpu.vector_load %arg26[%get3A_519] {strides = array<i32>} : memref<160xi32, #tpu.memory_space<vmem>>, vector<16xi32>,
          %swap3A_521 = arith.constant 32 : index
          %swap3A_522 = tpu.vector_load %arg16[%swap3A_521] {strides = array<i32>} : memref<128xi32, #tpu.memory_space<vmem>>, vector<16xi32>,
          tpu.vector_store %arg16[%swap3A_521], %get3A_520 {strides = array<i32>} : memref<128xi32, #tpu.memory_space<vmem>>, vector<16xi32>,
          %get3A_523 = arith.constant 32 : index
          %get3A_524 = tpu.vector_load %arg27[%get3A_523] {strides = array<i32>} : memref<160xi32, #tpu.memory_space<vmem>>, vector<16xi32>,
          %swap3A_525 = arith.constant 32 : index
          %swap3A_526 = tpu.vector_load %arg17[%swap3A_525] {strides = array<i32>} : memref<128xi32, #tpu.memory_space<vmem>>, vector<16xi32>,
          tpu.vector_store %arg17[%swap3A_525], %get3A_524 {strides = array<i32>} : memref<128xi32, #tpu.memory_space<vmem>>, vector<16xi32>,
          %get3A_527 = arith.constant 48 : index
          %get3A_528 = tpu.vector_load %arg26[%get3A_527] {strides = array<i32>} : memref<160xi32, #tpu.memory_space<vmem>>, vector<16xi32>,
          %swap3A_529 = arith.constant 48 : index
          %swap3A_530 = tpu.vector_load %arg16[%swap3A_529] {strides = array<i32>} : memref<128xi32, #tpu.memory_space<vmem>>, vector<16xi32>,
          tpu.vector_store %arg16[%swap3A_529], %get3A_528 {strides = array<i32>} : memref<128xi32, #tpu.memory_space<vmem>>, vector<16xi32>,
          %get3A_531 = arith.constant 48 : index
          %get3A_532 = tpu.vector_load %arg27[%get3A_531] {strides = array<i32>} : memref<160xi32, #tpu.memory_space<vmem>>, vector<16xi32>,
          %swap3A_533 = arith.constant 48 : index
          %swap3A_534 = tpu.vector_load %arg17[%swap3A_533] {strides = array<i32>} : memref<128xi32, #tpu.memory_space<vmem>>, vector<16xi32>,
          tpu.vector_store %arg17[%swap3A_533], %get3A_532 {strides = array<i32>} : memref<128xi32, #tpu.memory_space<vmem>>, vector<16xi32>,
          %get3A_535 = arith.constant 64 : index
          %get3A_536 = tpu.vector_load %arg26[%get3A_535] {strides = array<i32>} : memref<160xi32, #tpu.memory_space<vmem>>, vector<16xi32>,
          %swap3A_537 = arith.constant 64 : index
          %swap3A_538 = tpu.vector_load %arg16[%swap3A_537] {strides = array<i32>} : memref<128xi32, #tpu.memory_space<vmem>>, vector<16xi32>,
          tpu.vector_store %arg16[%swap3A_537], %get3A_536 {strides = array<i32>} : memref<128xi32, #tpu.memory_space<vmem>>, vector<16xi32>,
          %get3A_539 = arith.constant 64 : index
          %get3A_540 = tpu.vector_load %arg27[%get3A_539] {strides = array<i32>} : memref<160xi32, #tpu.memory_space<vmem>>, vector<16xi32>,
          %swap3A_541 = arith.constant 64 : index
          %swap3A_542 = tpu.vector_load %arg17[%swap3A_541] {strides = array<i32>} : memref<128xi32, #tpu.memory_space<vmem>>, vector<16xi32>,
          tpu.vector_store %arg17[%swap3A_541], %get3A_540 {strides = array<i32>} : memref<128xi32, #tpu.memory_space<vmem>>, vector<16xi32>,
          %get3A_543 = arith.constant 80 : index
          %get3A_544 = tpu.vector_load %arg26[%get3A_543] {strides = array<i32>} : memref<160xi32, #tpu.memory_space<vmem>>, vector<16xi32>,
          %swap3A_545 = arith.constant 80 : index
          %swap3A_546 = tpu.vector_load %arg16[%swap3A_545] {strides = array<i32>} : memref<128xi32, #tpu.memory_space<vmem>>, vector<16xi32>,
          tpu.vector_store %arg16[%swap3A_545], %get3A_544 {strides = array<i32>} : memref<128xi32, #tpu.memory_space<vmem>>, vector<16xi32>,
          %get3A_547 = arith.constant 80 : index
          %get3A_548 = tpu.vector_load %arg27[%get3A_547] {strides = array<i32>} : memref<160xi32, #tpu.memory_space<vmem>>, vector<16xi32>,
          %swap3A_549 = arith.constant 80 : index
          %swap3A_550 = tpu.vector_load %arg17[%swap3A_549] {strides = array<i32>} : memref<128xi32, #tpu.memory_space<vmem>>, vector<16xi32>,
          tpu.vector_store %arg17[%swap3A_549], %get3A_548 {strides = array<i32>} : memref<128xi32, #tpu.memory_space<vmem>>, vector<16xi32>,
          %get3A_551 = arith.constant 96 : index
          %get3A_552 = tpu.vector_load %arg26[%get3A_551] {strides = array<i32>} : memref<160xi32, #tpu.memory_space<vmem>>, vector<16xi32>,
          %swap3A_553 = arith.constant 96 : index
          %swap3A_554 = tpu.vector_load %arg16[%swap3A_553] {strides = array<i32>} : memref<128xi32, #tpu.memory_space<vmem>>, vector<16xi32>,
          tpu.vector_store %arg16[%swap3A_553], %get3A_552 {strides = array<i32>} : memref<128xi32, #tpu.memory_space<vmem>>, vector<16xi32>,
          %get3A_555 = arith.constant 96 : index
          %get3A_556 = tpu.vector_load %arg27[%get3A_555] {strides = array<i32>} : memref<160xi32, #tpu.memory_space<vmem>>, vector<16xi32>,
          %swap3A_557 = arith.constant 96 : index
          %swap3A_558 = tpu.vector_load %arg17[%swap3A_557] {strides = array<i32>} : memref<128xi32, #tpu.memory_space<vmem>>, vector<16xi32>,
          tpu.vector_store %arg17[%swap3A_557], %get3A_556 {strides = array<i32>} : memref<128xi32, #tpu.memory_space<vmem>>, vector<16xi32>,
          %get3A_559 = arith.constant 112 : index
          %get3A_560 = tpu.vector_load %arg26[%get3A_559] {strides = array<i32>} : memref<160xi32, #tpu.memory_space<vmem>>, vector<16xi32>,
          %swap3A_561 = arith.constant 112 : index
          %swap3A_562 = tpu.vector_load %arg16[%swap3A_561] {strides = array<i32>} : memref<128xi32, #tpu.memory_space<vmem>>, vector<16xi32>,
          tpu.vector_store %arg16[%swap3A_561], %get3A_560 {strides = array<i32>} : memref<128xi32, #tpu.memory_space<vmem>>, vector<16xi32>,
          %get3A_563 = arith.constant 112 : index
          %get3A_564 = tpu.vector_load %arg27[%get3A_563] {strides = array<i32>} : memref<160xi32, #tpu.memory_space<vmem>>, vector<16xi32>,
          %swap3A_565 = arith.constant 112 : index
          %swap3A_566 = tpu.vector_load %arg17[%swap3A_565] {strides = array<i32>} : memref<128xi32, #tpu.memory_space<vmem>>, vector<16xi32>,
          tpu.vector_store %arg17[%swap3A_565], %get3A_564 {strides = array<i32>} : memref<128xi32, #tpu.memory_space<vmem>>, vector<16xi32>,
          "tpu.region"() ({
            %run_scoped3A = tpu.sem_alloc : memref<!tpu.dma_semaphore, #tpu.memory_space<semaphore_mem>>
            %dma_start3A_577 = arith.constant 0 : i32
            %dma_start3A_578 = tpu.memref_slice %arg7[%dma_start3A_577] : memref<656640xi32, #tpu.memory_space<vmem_shared>> -> memref<656640xi32, #tpu.memory_space<vmem_shared>>
            tpu.enqueue_indirect_dma source(%arg17 : memref<128xi32, #tpu.memory_space<vmem>>) target(%dma_start3A_578 : memref<656640xi32, #tpu.memory_space<vmem_shared>>) offsets(%arg16 : memref<128xi32, #tpu.memory_space<vmem>>) semaphore(%run_scoped3A : memref<!tpu.dma_semaphore, #tpu.memory_space<semaphore_mem>>)
            %dma_wait3A_579 = arith.constant 0 : i32
            %dma_wait3A_580 = tpu.memref_slice %arg7[%dma_wait3A_579] : memref<656640xi32, #tpu.memory_space<vmem_shared>> -> memref<656640xi32, #tpu.memory_space<vmem_shared>>
            tpu.wait_indirect_dma semaphore(%run_scoped3A : memref<!tpu.dma_semaphore, #tpu.memory_space<semaphore_mem>>) src(%arg17 : memref<128xi32, #tpu.memory_space<vmem>>) dst(%dma_wait3A_580 : memref<656640xi32, #tpu.memory_space<vmem_shared>>)
            tpu.yield
          }) : () -> ()
          %get3A_567 = arith.constant 128 : index
          %get3A_568 = tpu.vector_load %arg26[%get3A_567] {strides = array<i32>} : memref<160xi32, #tpu.memory_space<vmem>>, vector<16xi32>,
          %swap3A_569 = arith.constant 0 : index
          %swap3A_570 = tpu.vector_load %arg26[%swap3A_569] {strides = array<i32>} : memref<160xi32, #tpu.memory_space<vmem>>, vector<16xi32>,
          tpu.vector_store %arg26[%swap3A_569], %get3A_568 {strides = array<i32>} : memref<160xi32, #tpu.memory_space<vmem>>, vector<16xi32>,
          %get3A_571 = arith.constant 128 : index
          %get3A_572 = tpu.vector_load %arg27[%get3A_571] {strides = array<i32>} : memref<160xi32, #tpu.memory_space<vmem>>, vector<16xi32>,
          %swap3A_573 = arith.constant 0 : index
          %swap3A_574 = tpu.vector_load %arg27[%swap3A_573] {strides = array<i32>} : memref<160xi32, #tpu.memory_space<vmem>>, vector<16xi32>,
          tpu.vector_store %arg27[%swap3A_573], %get3A_572 {strides = array<i32>} : memref<160xi32, #tpu.memory_space<vmem>>, vector<16xi32>,
          %sub3A_575 = arith.constant 128 : i32
          %sub3A_576 = arith.subi %add3A_497, %sub3A_575 : i32
          scf.yield %sub3A_576 : i32
        } else {
          scf.yield %add3A_497 : i32
        }
        scf.yield %cond3A_502 : i32
      }
      %scan3A_462 = arith.constant 8 : i32
      scf.yield %scan3A_461 : i32
    }
    %add3A_280 = arith.constant 0 : i32
    %add3A_281 = vector.broadcast %add3A_280 : i32 to vector<16xi32>
    %add3A_282 = arith.addi %iota3A, %add3A_281 : vector<16xi32>
    %lt3A = vector.broadcast %while3A_279 : i32 to vector<16xi32>
    %lt3A_283 = arith.cmpi slt, %add3A_282, %lt3A : vector<16xi32>
    %get3A = arith.constant 0 : index
    %get3A_284 = tpu.vector_load %arg26[%get3A] {strides = array<i32>} : memref<160xi32, #tpu.memory_space<vmem>>, vector<16xi32>,
    %jit3A_285 = arith.constant 656632 : i32
    %broadcast_in_dim3A_286 = vector.broadcast %jit3A_285 : i32 to vector<16xi32>
    %select_n3A_287 = arith.select %lt3A_283, %get3A_284, %broadcast_in_dim3A_286 : vector<16xi1>, vector<16xi32>
    %swap3A = arith.constant 0 : index
    %swap3A_288 = tpu.vector_load %arg16[%swap3A] {strides = array<i32>} : memref<128xi32, #tpu.memory_space<vmem>>, vector<16xi32>,
    tpu.vector_store %arg16[%swap3A], %select_n3A_287 {strides = array<i32>} : memref<128xi32, #tpu.memory_space<vmem>>, vector<16xi32>,
    %get3A_289 = arith.constant 0 : index
    %get3A_290 = tpu.vector_load %arg27[%get3A_289] {strides = array<i32>} : memref<160xi32, #tpu.memory_space<vmem>>, vector<16xi32>,
    %swap3A_291 = arith.constant 0 : index
    %swap3A_292 = tpu.vector_load %arg17[%swap3A_291] {strides = array<i32>} : memref<128xi32, #tpu.memory_space<vmem>>, vector<16xi32>,
    tpu.vector_store %arg17[%swap3A_291], %get3A_290 {strides = array<i32>} : memref<128xi32, #tpu.memory_space<vmem>>, vector<16xi32>,
    %add3A_293 = arith.constant 16 : i32
    %add3A_294 = vector.broadcast %add3A_293 : i32 to vector<16xi32>
    %add3A_295 = arith.addi %iota3A, %add3A_294 : vector<16xi32>
    %lt3A_296 = vector.broadcast %while3A_279 : i32 to vector<16xi32>
    %lt3A_297 = arith.cmpi slt, %add3A_295, %lt3A_296 : vector<16xi32>
    %get3A_298 = arith.constant 16 : index
    %get3A_299 = tpu.vector_load %arg26[%get3A_298] {strides = array<i32>} : memref<160xi32, #tpu.memory_space<vmem>>, vector<16xi32>,
    %jit3A_300 = arith.constant 656632 : i32
    %broadcast_in_dim3A_301 = vector.broadcast %jit3A_300 : i32 to vector<16xi32>
    %select_n3A_302 = arith.select %lt3A_297, %get3A_299, %broadcast_in_dim3A_301 : vector<16xi1>, vector<16xi32>
    %swap3A_303 = arith.constant 16 : index
    %swap3A_304 = tpu.vector_load %arg16[%swap3A_303] {strides = array<i32>} : memref<128xi32, #tpu.memory_space<vmem>>, vector<16xi32>,
    tpu.vector_store %arg16[%swap3A_303], %select_n3A_302 {strides = array<i32>} : memref<128xi32, #tpu.memory_space<vmem>>, vector<16xi32>,
    %get3A_305 = arith.constant 16 : index
    %get3A_306 = tpu.vector_load %arg27[%get3A_305] {strides = array<i32>} : memref<160xi32, #tpu.memory_space<vmem>>, vector<16xi32>,
    %swap3A_307 = arith.constant 16 : index
    %swap3A_308 = tpu.vector_load %arg17[%swap3A_307] {strides = array<i32>} : memref<128xi32, #tpu.memory_space<vmem>>, vector<16xi32>,
    tpu.vector_store %arg17[%swap3A_307], %get3A_306 {strides = array<i32>} : memref<128xi32, #tpu.memory_space<vmem>>, vector<16xi32>,
    %add3A_309 = arith.constant 32 : i32
    %add3A_310 = vector.broadcast %add3A_309 : i32 to vector<16xi32>
    %add3A_311 = arith.addi %iota3A, %add3A_310 : vector<16xi32>
    %lt3A_312 = vector.broadcast %while3A_279 : i32 to vector<16xi32>
    %lt3A_313 = arith.cmpi slt, %add3A_311, %lt3A_312 : vector<16xi32>
    %get3A_314 = arith.constant 32 : index
    %get3A_315 = tpu.vector_load %arg26[%get3A_314] {strides = array<i32>} : memref<160xi32, #tpu.memory_space<vmem>>, vector<16xi32>,
    %jit3A_316 = arith.constant 656632 : i32
    %broadcast_in_dim3A_317 = vector.broadcast %jit3A_316 : i32 to vector<16xi32>
    %select_n3A_318 = arith.select %lt3A_313, %get3A_315, %broadcast_in_dim3A_317 : vector<16xi1>, vector<16xi32>
    %swap3A_319 = arith.constant 32 : index
    %swap3A_320 = tpu.vector_load %arg16[%swap3A_319] {strides = array<i32>} : memref<128xi32, #tpu.memory_space<vmem>>, vector<16xi32>,
    tpu.vector_store %arg16[%swap3A_319], %select_n3A_318 {strides = array<i32>} : memref<128xi32, #tpu.memory_space<vmem>>, vector<16xi32>,
    %get3A_321 = arith.constant 32 : index
    %get3A_322 = tpu.vector_load %arg27[%get3A_321] {strides = array<i32>} : memref<160xi32, #tpu.memory_space<vmem>>, vector<16xi32>,
    %swap3A_323 = arith.constant 32 : index
    %swap3A_324 = tpu.vector_load %arg17[%swap3A_323] {strides = array<i32>} : memref<128xi32, #tpu.memory_space<vmem>>, vector<16xi32>,
    tpu.vector_store %arg17[%swap3A_323], %get3A_322 {strides = array<i32>} : memref<128xi32, #tpu.memory_space<vmem>>, vector<16xi32>,
    %add3A_325 = arith.constant 48 : i32
    %add3A_326 = vector.broadcast %add3A_325 : i32 to vector<16xi32>
    %add3A_327 = arith.addi %iota3A, %add3A_326 : vector<16xi32>
    %lt3A_328 = vector.broadcast %while3A_279 : i32 to vector<16xi32>
    %lt3A_329 = arith.cmpi slt, %add3A_327, %lt3A_328 : vector<16xi32>
    %get3A_330 = arith.constant 48 : index
    %get3A_331 = tpu.vector_load %arg26[%get3A_330] {strides = array<i32>} : memref<160xi32, #tpu.memory_space<vmem>>, vector<16xi32>,
    %jit3A_332 = arith.constant 656632 : i32
    %broadcast_in_dim3A_333 = vector.broadcast %jit3A_332 : i32 to vector<16xi32>
    %select_n3A_334 = arith.select %lt3A_329, %get3A_331, %broadcast_in_dim3A_333 : vector<16xi1>, vector<16xi32>
    %swap3A_335 = arith.constant 48 : index
    %swap3A_336 = tpu.vector_load %arg16[%swap3A_335] {strides = array<i32>} : memref<128xi32, #tpu.memory_space<vmem>>, vector<16xi32>,
    tpu.vector_store %arg16[%swap3A_335], %select_n3A_334 {strides = array<i32>} : memref<128xi32, #tpu.memory_space<vmem>>, vector<16xi32>,
    %get3A_337 = arith.constant 48 : index
    %get3A_338 = tpu.vector_load %arg27[%get3A_337] {strides = array<i32>} : memref<160xi32, #tpu.memory_space<vmem>>, vector<16xi32>,
    %swap3A_339 = arith.constant 48 : index
    %swap3A_340 = tpu.vector_load %arg17[%swap3A_339] {strides = array<i32>} : memref<128xi32, #tpu.memory_space<vmem>>, vector<16xi32>,
    tpu.vector_store %arg17[%swap3A_339], %get3A_338 {strides = array<i32>} : memref<128xi32, #tpu.memory_space<vmem>>, vector<16xi32>,
    %add3A_341 = arith.constant 64 : i32
    %add3A_342 = vector.broadcast %add3A_341 : i32 to vector<16xi32>
    %add3A_343 = arith.addi %iota3A, %add3A_342 : vector<16xi32>
    %lt3A_344 = vector.broadcast %while3A_279 : i32 to vector<16xi32>
    %lt3A_345 = arith.cmpi slt, %add3A_343, %lt3A_344 : vector<16xi32>
    %get3A_346 = arith.constant 64 : index
    %get3A_347 = tpu.vector_load %arg26[%get3A_346] {strides = array<i32>} : memref<160xi32, #tpu.memory_space<vmem>>, vector<16xi32>,
    %jit3A_348 = arith.constant 656632 : i32
    %broadcast_in_dim3A_349 = vector.broadcast %jit3A_348 : i32 to vector<16xi32>
    %select_n3A_350 = arith.select %lt3A_345, %get3A_347, %broadcast_in_dim3A_349 : vector<16xi1>, vector<16xi32>
    %swap3A_351 = arith.constant 64 : index
    %swap3A_352 = tpu.vector_load %arg16[%swap3A_351] {strides = array<i32>} : memref<128xi32, #tpu.memory_space<vmem>>, vector<16xi32>,
    tpu.vector_store %arg16[%swap3A_351], %select_n3A_350 {strides = array<i32>} : memref<128xi32, #tpu.memory_space<vmem>>, vector<16xi32>,
    %get3A_353 = arith.constant 64 : index
    %get3A_354 = tpu.vector_load %arg27[%get3A_353] {strides = array<i32>} : memref<160xi32, #tpu.memory_space<vmem>>, vector<16xi32>,
    %swap3A_355 = arith.constant 64 : index
    %swap3A_356 = tpu.vector_load %arg17[%swap3A_355] {strides = array<i32>} : memref<128xi32, #tpu.memory_space<vmem>>, vector<16xi32>,
    tpu.vector_store %arg17[%swap3A_355], %get3A_354 {strides = array<i32>} : memref<128xi32, #tpu.memory_space<vmem>>, vector<16xi32>,
    %add3A_357 = arith.constant 80 : i32
    %add3A_358 = vector.broadcast %add3A_357 : i32 to vector<16xi32>
    %add3A_359 = arith.addi %iota3A, %add3A_358 : vector<16xi32>
    %lt3A_360 = vector.broadcast %while3A_279 : i32 to vector<16xi32>
    %lt3A_361 = arith.cmpi slt, %add3A_359, %lt3A_360 : vector<16xi32>
    %get3A_362 = arith.constant 80 : index
    %get3A_363 = tpu.vector_load %arg26[%get3A_362] {strides = array<i32>} : memref<160xi32, #tpu.memory_space<vmem>>, vector<16xi32>,
    %jit3A_364 = arith.constant 656632 : i32
    %broadcast_in_dim3A_365 = vector.broadcast %jit3A_364 : i32 to vector<16xi32>
    %select_n3A_366 = arith.select %lt3A_361, %get3A_363, %broadcast_in_dim3A_365 : vector<16xi1>, vector<16xi32>
    %swap3A_367 = arith.constant 80 : index
    %swap3A_368 = tpu.vector_load %arg16[%swap3A_367] {strides = array<i32>} : memref<128xi32, #tpu.memory_space<vmem>>, vector<16xi32>,
    tpu.vector_store %arg16[%swap3A_367], %select_n3A_366 {strides = array<i32>} : memref<128xi32, #tpu.memory_space<vmem>>, vector<16xi32>,
    %get3A_369 = arith.constant 80 : index
    %get3A_370 = tpu.vector_load %arg27[%get3A_369] {strides = array<i32>} : memref<160xi32, #tpu.memory_space<vmem>>, vector<16xi32>,
    %swap3A_371 = arith.constant 80 : index
    %swap3A_372 = tpu.vector_load %arg17[%swap3A_371] {strides = array<i32>} : memref<128xi32, #tpu.memory_space<vmem>>, vector<16xi32>,
    tpu.vector_store %arg17[%swap3A_371], %get3A_370 {strides = array<i32>} : memref<128xi32, #tpu.memory_space<vmem>>, vector<16xi32>,
    %add3A_373 = arith.constant 96 : i32
    %add3A_374 = vector.broadcast %add3A_373 : i32 to vector<16xi32>
    %add3A_375 = arith.addi %iota3A, %add3A_374 : vector<16xi32>
    %lt3A_376 = vector.broadcast %while3A_279 : i32 to vector<16xi32>
    %lt3A_377 = arith.cmpi slt, %add3A_375, %lt3A_376 : vector<16xi32>
    %get3A_378 = arith.constant 96 : index
    %get3A_379 = tpu.vector_load %arg26[%get3A_378] {strides = array<i32>} : memref<160xi32, #tpu.memory_space<vmem>>, vector<16xi32>,
    %jit3A_380 = arith.constant 656632 : i32
    %broadcast_in_dim3A_381 = vector.broadcast %jit3A_380 : i32 to vector<16xi32>
    %select_n3A_382 = arith.select %lt3A_377, %get3A_379, %broadcast_in_dim3A_381 : vector<16xi1>, vector<16xi32>
    %swap3A_383 = arith.constant 96 : index
    %swap3A_384 = tpu.vector_load %arg16[%swap3A_383] {strides = array<i32>} : memref<128xi32, #tpu.memory_space<vmem>>, vector<16xi32>,
    tpu.vector_store %arg16[%swap3A_383], %select_n3A_382 {strides = array<i32>} : memref<128xi32, #tpu.memory_space<vmem>>, vector<16xi32>,
    %get3A_385 = arith.constant 96 : index
    %get3A_386 = tpu.vector_load %arg27[%get3A_385] {strides = array<i32>} : memref<160xi32, #tpu.memory_space<vmem>>, vector<16xi32>,
    %swap3A_387 = arith.constant 96 : index
    %swap3A_388 = tpu.vector_load %arg17[%swap3A_387] {strides = array<i32>} : memref<128xi32, #tpu.memory_space<vmem>>, vector<16xi32>,
    tpu.vector_store %arg17[%swap3A_387], %get3A_386 {strides = array<i32>} : memref<128xi32, #tpu.memory_space<vmem>>, vector<16xi32>,
    %add3A_389 = arith.constant 112 : i32
    %add3A_390 = vector.broadcast %add3A_389 : i32 to vector<16xi32>
    %add3A_391 = arith.addi %iota3A, %add3A_390 : vector<16xi32>
    %lt3A_392 = vector.broadcast %while3A_279 : i32 to vector<16xi32>
    %lt3A_393 = arith.cmpi slt, %add3A_391, %lt3A_392 : vector<16xi32>
    %get3A_394 = arith.constant 112 : index
    %get3A_395 = tpu.vector_load %arg26[%get3A_394] {strides = array<i32>} : memref<160xi32, #tpu.memory_space<vmem>>, vector<16xi32>,
    %jit3A_396 = arith.constant 656632 : i32
    %broadcast_in_dim3A_397 = vector.broadcast %jit3A_396 : i32 to vector<16xi32>
    %select_n3A_398 = arith.select %lt3A_393, %get3A_395, %broadcast_in_dim3A_397 : vector<16xi1>, vector<16xi32>
    %swap3A_399 = arith.constant 112 : index
    %swap3A_400 = tpu.vector_load %arg16[%swap3A_399] {strides = array<i32>} : memref<128xi32, #tpu.memory_space<vmem>>, vector<16xi32>,
    tpu.vector_store %arg16[%swap3A_399], %select_n3A_398 {strides = array<i32>} : memref<128xi32, #tpu.memory_space<vmem>>, vector<16xi32>,
    %get3A_401 = arith.constant 112 : index
    %get3A_402 = tpu.vector_load %arg27[%get3A_401] {strides = array<i32>} : memref<160xi32, #tpu.memory_space<vmem>>, vector<16xi32>,
    %swap3A_403 = arith.constant 112 : index
    %swap3A_404 = tpu.vector_load %arg17[%swap3A_403] {strides = array<i32>} : memref<128xi32, #tpu.memory_space<vmem>>, vector<16xi32>,
    tpu.vector_store %arg17[%swap3A_403], %get3A_402 {strides = array<i32>} : memref<128xi32, #tpu.memory_space<vmem>>, vector<16xi32>,
    "tpu.region"() ({
      %run_scoped3A = tpu.sem_alloc : memref<!tpu.dma_semaphore, #tpu.memory_space<semaphore_mem>>
      %dma_start3A_451 = arith.constant 0 : i32
      %dma_start3A_452 = tpu.memref_slice %arg7[%dma_start3A_451] : memref<656640xi32, #tpu.memory_space<vmem_shared>> -> memref<656640xi32, #tpu.memory_space<vmem_shared>>
      tpu.enqueue_indirect_dma source(%arg17 : memref<128xi32, #tpu.memory_space<vmem>>) target(%dma_start3A_452 : memref<656640xi32, #tpu.memory_space<vmem_shared>>) offsets(%arg16 : memref<128xi32, #tpu.memory_space<vmem>>) semaphore(%run_scoped3A : memref<!tpu.dma_semaphore, #tpu.memory_space<semaphore_mem>>)
      %dma_wait3A_453 = arith.constant 0 : i32
      %dma_wait3A_454 = tpu.memref_slice %arg7[%dma_wait3A_453] : memref<656640xi32, #tpu.memory_space<vmem_shared>> -> memref<656640xi32, #tpu.memory_space<vmem_shared>>
      tpu.wait_indirect_dma semaphore(%run_scoped3A : memref<!tpu.dma_semaphore, #tpu.memory_space<semaphore_mem>>) src(%arg17 : memref<128xi32, #tpu.memory_space<vmem>>) dst(%dma_wait3A_454 : memref<656640xi32, #tpu.memory_space<vmem_shared>>)
      tpu.yield
    }) : () -> ()
    %barrier3A_405 = arith.constant 0 : index
    tpu.barrier barrier_id(%barrier3A_405)
    "tpu.trace_stop"() : () -> ()
    "tpu.trace_start"() <{level = 10 : i32, message = "sc_p4_pairs"}> : () -> ()
    "tpu.region"() ({
      %run_scoped3A = tpu.sem_alloc : memref<!tpu.dma_semaphore, #tpu.memory_space<semaphore_mem>>
      tpu.enqueue_dma source(%arg6 : memref<2048xi32, #tpu.memory_space<vmem_shared>>) target(%arg13 : memref<2048xi32, #tpu.memory_space<vmem>>) target_semaphore(%run_scoped3A : memref<!tpu.dma_semaphore, #tpu.memory_space<semaphore_mem>>)
      tpu.wait_dma2 semaphore(%run_scoped3A : memref<!tpu.dma_semaphore, #tpu.memory_space<semaphore_mem>>) src(%arg6 : memref<2048xi32, #tpu.memory_space<vmem_shared>>) dst(%arg13 : memref<2048xi32, #tpu.memory_space<vmem>>)
      tpu.yield
    }) : () -> ()
    "tpu.region"() ({
      %run_scoped3A = tpu.sem_alloc : memref<!tpu.dma_semaphore, #tpu.memory_space<semaphore_mem>>
      tpu.enqueue_dma source(%arg9 : memref<2048xi32, #tpu.memory_space<vmem_shared>>) target(%arg21 : memref<2048xi32, #tpu.memory_space<vmem>>) target_semaphore(%run_scoped3A : memref<!tpu.dma_semaphore, #tpu.memory_space<semaphore_mem>>)
      tpu.wait_dma2 semaphore(%run_scoped3A : memref<!tpu.dma_semaphore, #tpu.memory_space<semaphore_mem>>) src(%arg9 : memref<2048xi32, #tpu.memory_space<vmem_shared>>) dst(%arg21 : memref<2048xi32, #tpu.memory_space<vmem>>)
      tpu.yield
    }) : () -> ()
    %mul3A_406 = arith.constant 512 : i32
    %mul3A_407 = arith.muli %arg0, %mul3A_406 : i32
    %mul3A_408 = arith.constant 32 : i32
    %mul3A_409 = arith.muli %arg1, %mul3A_408 : i32
    %add3A_410 = arith.addi %mul3A_407, %mul3A_409 : i32
    %multiple_of3A_411 = tpu.assume_multiple %add3A_410, 8 : i32
    "tpu.region"() ({
      %run_scoped3A = tpu.sem_alloc : memref<!tpu.dma_semaphore, #tpu.memory_space<semaphore_mem>>
      %dma_start3A_451 = tpu.memref_slice %arg4[%multiple_of3A_411] : memref<2048xi32, #tpu.memory_space<hbm>> -> memref<32xi32, #tpu.memory_space<hbm>>
      %dma_start3A_452 = tpu.memref_slice %arg4[%multiple_of3A_411] : memref<2048xi32, #tpu.memory_space<hbm>> -> memref<32xi32, #tpu.memory_space<hbm>>
      tpu.enqueue_dma source(%dma_start3A_452 : memref<32xi32, #tpu.memory_space<hbm>>) target(%arg31 : memref<32xi32, #tpu.memory_space<vmem>>) target_semaphore(%run_scoped3A : memref<!tpu.dma_semaphore, #tpu.memory_space<semaphore_mem>>)
      %dma_wait3A_453 = tpu.memref_slice %arg4[%multiple_of3A_411] : memref<2048xi32, #tpu.memory_space<hbm>> -> memref<32xi32, #tpu.memory_space<hbm>>
      %dma_wait3A_454 = tpu.memref_slice %arg4[%multiple_of3A_411] : memref<2048xi32, #tpu.memory_space<hbm>> -> memref<32xi32, #tpu.memory_space<hbm>>
      tpu.wait_dma2 semaphore(%run_scoped3A : memref<!tpu.dma_semaphore, #tpu.memory_space<semaphore_mem>>) src(%dma_wait3A_454 : memref<32xi32, #tpu.memory_space<hbm>>) dst(%arg31 : memref<32xi32, #tpu.memory_space<vmem>>)
      tpu.yield
    }) : () -> ()
    %add3A_412 = arith.constant 1024 : i32
    %add3A_413 = arith.addi %add3A_412, %add3A_410 : i32
    %multiple_of3A_414 = tpu.assume_multiple %add3A_413, 8 : i32
    "tpu.region"() ({
      %run_scoped3A = tpu.sem_alloc : memref<!tpu.dma_semaphore, #tpu.memory_space<semaphore_mem>>
      %dma_start3A_451 = tpu.memref_slice %arg4[%multiple_of3A_414] : memref<2048xi32, #tpu.memory_space<hbm>> -> memref<32xi32, #tpu.memory_space<hbm>>
      %dma_start3A_452 = tpu.memref_slice %arg4[%multiple_of3A_414] : memref<2048xi32, #tpu.memory_space<hbm>> -> memref<32xi32, #tpu.memory_space<hbm>>
      tpu.enqueue_dma source(%dma_start3A_452 : memref<32xi32, #tpu.memory_space<hbm>>) target(%arg32 : memref<32xi32, #tpu.memory_space<vmem>>) target_semaphore(%run_scoped3A : memref<!tpu.dma_semaphore, #tpu.memory_space<semaphore_mem>>)
      %dma_wait3A_453 = tpu.memref_slice %arg4[%multiple_of3A_414] : memref<2048xi32, #tpu.memory_space<hbm>> -> memref<32xi32, #tpu.memory_space<hbm>>
      %dma_wait3A_454 = tpu.memref_slice %arg4[%multiple_of3A_414] : memref<2048xi32, #tpu.memory_space<hbm>> -> memref<32xi32, #tpu.memory_space<hbm>>
      tpu.wait_dma2 semaphore(%run_scoped3A : memref<!tpu.dma_semaphore, #tpu.memory_space<semaphore_mem>>) src(%dma_wait3A_454 : memref<32xi32, #tpu.memory_space<hbm>>) dst(%arg32 : memref<32xi32, #tpu.memory_space<vmem>>)
      tpu.yield
    }) : () -> ()
    %get3A_415 = arith.constant 0 : index
    %get3A_416 = tpu.vector_load %arg31[%get3A_415] {strides = array<i32>} : memref<32xi32, #tpu.memory_space<vmem>>, vector<16xi32>,
    %broadcast_in_dim3A_417 = arith.constant true
    %broadcast_in_dim3A_418 = vector.broadcast %broadcast_in_dim3A_417 : i1 to vector<16xi1>
    %gather3A = tpu.vector_load_idx %arg11[%get3A_416] masked %broadcast_in_dim3A_418 : memref<10112xi32, #tpu.memory_space<vmem>>[vector<16xi32>], vector<16xi32>, vector<16xi1>
    %swap3A_419 = arith.constant 0 : index
    %swap3A_420 = tpu.vector_load %arg24[%swap3A_419] {strides = array<i32>} : memref<32xi32, #tpu.memory_space<vmem>>, vector<16xi32>,
    tpu.vector_store %arg24[%swap3A_419], %gather3A {strides = array<i32>} : memref<32xi32, #tpu.memory_space<vmem>>, vector<16xi32>,
    %get3A_421 = arith.constant 0 : index
    %get3A_422 = tpu.vector_load %arg32[%get3A_421] {strides = array<i32>} : memref<32xi32, #tpu.memory_space<vmem>>, vector<16xi32>,
    %broadcast_in_dim3A_423 = arith.constant true
    %broadcast_in_dim3A_424 = vector.broadcast %broadcast_in_dim3A_423 : i1 to vector<16xi1>
    %gather3A_425 = tpu.vector_load_idx %arg11[%get3A_422] masked %broadcast_in_dim3A_424 : memref<10112xi32, #tpu.memory_space<vmem>>[vector<16xi32>], vector<16xi32>, vector<16xi1>
    %swap3A_426 = arith.constant 0 : index
    %swap3A_427 = tpu.vector_load %arg25[%swap3A_426] {strides = array<i32>} : memref<32xi32, #tpu.memory_space<vmem>>, vector<16xi32>,
    tpu.vector_store %arg25[%swap3A_426], %gather3A_425 {strides = array<i32>} : memref<32xi32, #tpu.memory_space<vmem>>, vector<16xi32>,
    %get3A_428 = arith.constant 16 : index
    %get3A_429 = tpu.vector_load %arg31[%get3A_428] {strides = array<i32>} : memref<32xi32, #tpu.memory_space<vmem>>, vector<16xi32>,
    %broadcast_in_dim3A_430 = arith.constant true
    %broadcast_in_dim3A_431 = vector.broadcast %broadcast_in_dim3A_430 : i1 to vector<16xi1>
    %gather3A_432 = tpu.vector_load_idx %arg11[%get3A_429] masked %broadcast_in_dim3A_431 : memref<10112xi32, #tpu.memory_space<vmem>>[vector<16xi32>], vector<16xi32>, vector<16xi1>
    %swap3A_433 = arith.constant 16 : index
    %swap3A_434 = tpu.vector_load %arg24[%swap3A_433] {strides = array<i32>} : memref<32xi32, #tpu.memory_space<vmem>>, vector<16xi32>,
    tpu.vector_store %arg24[%swap3A_433], %gather3A_432 {strides = array<i32>} : memref<32xi32, #tpu.memory_space<vmem>>, vector<16xi32>,
    %get3A_435 = arith.constant 16 : index
    %get3A_436 = tpu.vector_load %arg32[%get3A_435] {strides = array<i32>} : memref<32xi32, #tpu.memory_space<vmem>>, vector<16xi32>,
    %broadcast_in_dim3A_437 = arith.constant true
    %broadcast_in_dim3A_438 = vector.broadcast %broadcast_in_dim3A_437 : i1 to vector<16xi1>
    %gather3A_439 = tpu.vector_load_idx %arg11[%get3A_436] masked %broadcast_in_dim3A_438 : memref<10112xi32, #tpu.memory_space<vmem>>[vector<16xi32>], vector<16xi32>, vector<16xi1>
    %swap3A_440 = arith.constant 16 : index
    %swap3A_441 = tpu.vector_load %arg25[%swap3A_440] {strides = array<i32>} : memref<32xi32, #tpu.memory_space<vmem>>, vector<16xi32>,
    tpu.vector_store %arg25[%swap3A_440], %gather3A_439 {strides = array<i32>} : memref<32xi32, #tpu.memory_space<vmem>>, vector<16xi32>,
    %broadcast_in_dim3A_442 = arith.constant 0.000000e+00 : f32
    %broadcast_in_dim3A_443 = vector.broadcast %broadcast_in_dim3A_442 : f32 to vector<16xf32>
    %scan3A_444 = arith.constant 0 : i32
    %scan3A_445 = arith.constant 0 : i32
    %scan3A_446 = arith.constant 32 : i32
    %scan3A_447 = arith.addi %scan3A_445, %scan3A_446 : i32
    %scan3A_448 = arith.constant 1 : i32
    %scan3A_449 = scf.for %scan3A_451 = %scan3A_445 to %scan3A_447 step %scan3A_448 iter_args(%scan3A_452 = %scan3A_444) -> (i32)  : i32 {
      %broadcast_in_dim3A_453 = vector.broadcast %scan3A_451 : i32 to vector<16xi32>
      %broadcast_in_dim3A_454 = arith.constant true
      %broadcast_in_dim3A_455 = vector.broadcast %broadcast_in_dim3A_454 : i1 to vector<16xi1>
      %gather3A_456 = tpu.vector_load_idx %arg31[%broadcast_in_dim3A_453] masked %broadcast_in_dim3A_455 : memref<32xi32, #tpu.memory_space<vmem>>[vector<16xi32>], vector<16xi32>, vector<16xi1>
      %slice3A = vector.extract_strided_slice %gather3A_456 {offsets = [0], sizes = [1], strides = [1]} : vector<16xi32> to vector<1xi32>
      %squeeze3A = vector.extract %slice3A[0] : i32 from vector<1xi32>
      %broadcast_in_dim3A_457 = vector.broadcast %scan3A_451 : i32 to vector<16xi32>
      %broadcast_in_dim3A_458 = arith.constant true
      %broadcast_in_dim3A_459 = vector.broadcast %broadcast_in_dim3A_458 : i1 to vector<16xi1>
      %gather3A_460 = tpu.vector_load_idx %arg32[%broadcast_in_dim3A_457] masked %broadcast_in_dim3A_459 : memref<32xi32, #tpu.memory_space<vmem>>[vector<16xi32>], vector<16xi32>, vector<16xi1>
      %slice3A_461 = vector.extract_strided_slice %gather3A_460 {offsets = [0], sizes = [1], strides = [1]} : vector<16xi32> to vector<1xi32>
      %squeeze3A_462 = vector.extract %slice3A_461[0] : i32 from vector<1xi32>
      %broadcast_in_dim3A_463 = vector.broadcast %scan3A_451 : i32 to vector<16xi32>
      %broadcast_in_dim3A_464 = arith.constant true
      %broadcast_in_dim3A_465 = vector.broadcast %broadcast_in_dim3A_464 : i1 to vector<16xi1>
      %gather3A_466 = tpu.vector_load_idx %arg24[%broadcast_in_dim3A_463] masked %broadcast_in_dim3A_465 : memref<32xi32, #tpu.memory_space<vmem>>[vector<16xi32>], vector<16xi32>, vector<16xi1>
      %slice3A_467 = vector.extract_strided_slice %gather3A_466 {offsets = [0], sizes = [1], strides = [1]} : vector<16xi32> to vector<1xi32>
      %squeeze3A_468 = vector.extract %slice3A_467[0] : i32 from vector<1xi32>
      %broadcast_in_dim3A_469 = vector.broadcast %scan3A_451 : i32 to vector<16xi32>
      %broadcast_in_dim3A_470 = arith.constant true
      %broadcast_in_dim3A_471 = vector.broadcast %broadcast_in_dim3A_470 : i1 to vector<16xi1>
      %gather3A_472 = tpu.vector_load_idx %arg25[%broadcast_in_dim3A_469] masked %broadcast_in_dim3A_471 : memref<32xi32, #tpu.memory_space<vmem>>[vector<16xi32>], vector<16xi32>, vector<16xi1>
      %slice3A_473 = vector.extract_strided_slice %gather3A_472 {offsets = [0], sizes = [1], strides = [1]} : vector<16xi32> to vector<1xi32>
      %squeeze3A_474 = vector.extract %slice3A_473[0] : i32 from vector<1xi32>
      %broadcast_in_dim3A_475 = vector.broadcast %squeeze3A_468 : i32 to vector<16xi32>
      %broadcast_in_dim3A_476 = arith.constant true
      %broadcast_in_dim3A_477 = vector.broadcast %broadcast_in_dim3A_476 : i1 to vector<16xi1>
      %gather3A_478 = tpu.vector_load_idx %arg13[%broadcast_in_dim3A_475] masked %broadcast_in_dim3A_477 : memref<2048xi32, #tpu.memory_space<vmem>>[vector<16xi32>], vector<16xi32>, vector<16xi1>
      %slice3A_479 = vector.extract_strided_slice %gather3A_478 {offsets = [0], sizes = [1], strides = [1]} : vector<16xi32> to vector<1xi32>
      %squeeze3A_480 = vector.extract %slice3A_479[0] : i32 from vector<1xi32>
      %broadcast_in_dim3A_481 = vector.broadcast %squeeze3A_468 : i32 to vector<16xi32>
      %broadcast_in_dim3A_482 = arith.constant true
      %broadcast_in_dim3A_483 = vector.broadcast %broadcast_in_dim3A_482 : i1 to vector<16xi1>
      %gather3A_484 = tpu.vector_load_idx %arg21[%broadcast_in_dim3A_481] masked %broadcast_in_dim3A_483 : memref<2048xi32, #tpu.memory_space<vmem>>[vector<16xi32>], vector<16xi32>, vector<16xi1>
      %slice3A_485 = vector.extract_strided_slice %gather3A_484 {offsets = [0], sizes = [1], strides = [1]} : vector<16xi32> to vector<1xi32>
      %squeeze3A_486 = vector.extract %slice3A_485[0] : i32 from vector<1xi32>
      %broadcast_in_dim3A_487 = vector.broadcast %squeeze3A_474 : i32 to vector<16xi32>
      %broadcast_in_dim3A_488 = arith.constant true
      %broadcast_in_dim3A_489 = vector.broadcast %broadcast_in_dim3A_488 : i1 to vector<16xi1>
      %gather3A_490 = tpu.vector_load_idx %arg13[%broadcast_in_dim3A_487] masked %broadcast_in_dim3A_489 : memref<2048xi32, #tpu.memory_space<vmem>>[vector<16xi32>], vector<16xi32>, vector<16xi1>
      %slice3A_491 = vector.extract_strided_slice %gather3A_490 {offsets = [0], sizes = [1], strides = [1]} : vector<16xi32> to vector<1xi32>
      %squeeze3A_492 = vector.extract %slice3A_491[0] : i32 from vector<1xi32>
      %broadcast_in_dim3A_493 = vector.broadcast %squeeze3A_474 : i32 to vector<16xi32>
      %broadcast_in_dim3A_494 = arith.constant true
      %broadcast_in_dim3A_495 = vector.broadcast %broadcast_in_dim3A_494 : i1 to vector<16xi1>
      %gather3A_496 = tpu.vector_load_idx %arg21[%broadcast_in_dim3A_493] masked %broadcast_in_dim3A_495 : memref<2048xi32, #tpu.memory_space<vmem>>[vector<16xi32>], vector<16xi32>, vector<16xi1>
      %slice3A_497 = vector.extract_strided_slice %gather3A_496 {offsets = [0], sizes = [1], strides = [1]} : vector<16xi32> to vector<1xi32>
      %squeeze3A_498 = vector.extract %slice3A_497[0] : i32 from vector<1xi32>
      %add3A_499 = arith.constant 127 : i32
      %add3A_500 = arith.addi %squeeze3A_486, %add3A_499 : i32
      %jit3A_501 = arith.constant 128 : i32
      %div3A_502 = arith.divsi %add3A_500, %jit3A_501 : i32
      %sign3A_503 = arith.constant 0 : i32
      %sign3A_504 = arith.cmpi sgt, %add3A_500, %sign3A_503 : i32
      %sign3A_505 = arith.extui %sign3A_504 : i1 to i32
      %sign3A_506 = arith.constant 0 : i32
      %sign3A_507 = arith.cmpi slt, %add3A_500, %sign3A_506 : i32
      %sign3A_508 = arith.extui %sign3A_507 : i1 to i32
      %sign3A_509 = arith.subi %sign3A_505, %sign3A_508 : i32
      %sign3A_510 = arith.constant 0 : i32
      %sign3A_511 = arith.cmpi sgt, %jit3A_501, %sign3A_510 : i32
      %sign3A_512 = arith.extui %sign3A_511 : i1 to i32
      %sign3A_513 = arith.constant 0 : i32
      %sign3A_514 = arith.cmpi slt, %jit3A_501, %sign3A_513 : i32
      %sign3A_515 = arith.extui %sign3A_514 : i1 to i32
      %sign3A_516 = arith.subi %sign3A_512, %sign3A_515 : i32
      %ne3A_517 = arith.cmpi ne, %sign3A_509, %sign3A_516 : i32
      %rem3A_518 = arith.remsi %add3A_500, %jit3A_501 : i32
      %ne3A_519 = arith.constant 0 : i32
      %ne3A_520 = arith.cmpi ne, %rem3A_518, %ne3A_519 : i32
      %and3A_521 = arith.andi %ne3A_517, %ne3A_520 : i1
      %sub3A_522 = arith.constant 1 : i32
      %sub3A_523 = arith.subi %div3A_502, %sub3A_522 : i32
      %select_n3A_524 = arith.select %and3A_521, %sub3A_523, %div3A_502 : i32
      %add3A_525 = arith.constant 16 : i32
      %add3A_526 = arith.addi %squeeze3A_486, %add3A_525 : i32
      %sub3A_527 = arith.constant 1 : i32
      %sub3A_528 = arith.subi %add3A_526, %sub3A_527 : i32
      %jit3A_529 = arith.constant 16 : i32
      %div3A_530 = arith.divsi %sub3A_528, %jit3A_529 : i32
      %sign3A_531 = arith.constant 0 : i32
      %sign3A_532 = arith.cmpi sgt, %sub3A_528, %sign3A_531 : i32
      %sign3A_533 = arith.extui %sign3A_532 : i1 to i32
      %sign3A_534 = arith.constant 0 : i32
      %sign3A_535 = arith.cmpi slt, %sub3A_528, %sign3A_534 : i32
      %sign3A_536 = arith.extui %sign3A_535 : i1 to i32
      %sign3A_537 = arith.subi %sign3A_533, %sign3A_536 : i32
      %sign3A_538 = arith.constant 0 : i32
      %sign3A_539 = arith.cmpi sgt, %jit3A_529, %sign3A_538 : i32
      %sign3A_540 = arith.extui %sign3A_539 : i1 to i32
      %sign3A_541 = arith.constant 0 : i32
      %sign3A_542 = arith.cmpi slt, %jit3A_529, %sign3A_541 : i32
      %sign3A_543 = arith.extui %sign3A_542 : i1 to i32
      %sign3A_544 = arith.subi %sign3A_540, %sign3A_543 : i32
      %ne3A_545 = arith.cmpi ne, %sign3A_537, %sign3A_544 : i32
      %rem3A_546 = arith.remsi %sub3A_528, %jit3A_529 : i32
      %ne3A_547 = arith.constant 0 : i32
      %ne3A_548 = arith.cmpi ne, %rem3A_546, %ne3A_547 : i32
      %and3A_549 = arith.andi %ne3A_545, %ne3A_548 : i1
      %sub3A_550 = arith.constant 1 : i32
      %sub3A_551 = arith.subi %div3A_530, %sub3A_550 : i32
      %select_n3A_552 = arith.select %and3A_549, %sub3A_551, %div3A_530 : i32
      %add3A_553 = arith.constant 16 : i32
      %add3A_554 = arith.addi %squeeze3A_498, %add3A_553 : i32
      %sub3A_555 = arith.constant 1 : i32
      %sub3A_556 = arith.subi %add3A_554, %sub3A_555 : i32
      %jit3A_557 = arith.constant 16 : i32
      %div3A_558 = arith.divsi %sub3A_556, %jit3A_557 : i32
      %sign3A_559 = arith.constant 0 : i32
      %sign3A_560 = arith.cmpi sgt, %sub3A_556, %sign3A_559 : i32
      %sign3A_561 = arith.extui %sign3A_560 : i1 to i32
      %sign3A_562 = arith.constant 0 : i32
      %sign3A_563 = arith.cmpi slt, %sub3A_556, %sign3A_562 : i32
      %sign3A_564 = arith.extui %sign3A_563 : i1 to i32
      %sign3A_565 = arith.subi %sign3A_561, %sign3A_564 : i32
      %sign3A_566 = arith.constant 0 : i32
      %sign3A_567 = arith.cmpi sgt, %jit3A_557, %sign3A_566 : i32
      %sign3A_568 = arith.extui %sign3A_567 : i1 to i32
      %sign3A_569 = arith.constant 0 : i32
      %sign3A_570 = arith.cmpi slt, %jit3A_557, %sign3A_569 : i32
      %sign3A_571 = arith.extui %sign3A_570 : i1 to i32
      %sign3A_572 = arith.subi %sign3A_568, %sign3A_571 : i32
      %ne3A_573 = arith.cmpi ne, %sign3A_565, %sign3A_572 : i32
      %rem3A_574 = arith.remsi %sub3A_556, %jit3A_557 : i32
      %ne3A_575 = arith.constant 0 : i32
      %ne3A_576 = arith.cmpi ne, %rem3A_574, %ne3A_575 : i32
      %and3A_577 = arith.andi %ne3A_573, %ne3A_576 : i1
      %sub3A_578 = arith.constant 1 : i32
      %sub3A_579 = arith.subi %div3A_558, %sub3A_578 : i32
      %select_n3A_580 = arith.select %and3A_577, %sub3A_579, %div3A_558 : i32
      %mul3A_581 = arith.constant 128 : i32
      %mul3A_582 = arith.muli %squeeze3A, %mul3A_581 : i32
      %multiple_of3A_583 = tpu.assume_multiple %mul3A_582, 8 : i32
      %dma_start3A_584 = tpu.memref_slice %arg2[%multiple_of3A_583] : memref<1280000xf32, #tpu.memory_space<hbm>> -> memref<128xf32, #tpu.memory_space<hbm>>
      %dma_start3A_585 = tpu.memref_slice %arg2[%multiple_of3A_583] : memref<1280000xf32, #tpu.memory_space<hbm>> -> memref<128xf32, #tpu.memory_space<hbm>>
      tpu.enqueue_dma source(%dma_start3A_585 : memref<128xf32, #tpu.memory_space<hbm>>) target(%arg37 : memref<128xf32, #tpu.memory_space<vmem>>) target_semaphore(%arg22 : memref<!tpu.dma_semaphore, #tpu.memory_space<semaphore_mem>>)
      %mul3A_586 = arith.constant 128 : i32
      %mul3A_587 = arith.muli %squeeze3A_462, %mul3A_586 : i32
      %multiple_of3A_588 = tpu.assume_multiple %mul3A_587, 8 : i32
      %dma_start3A_589 = tpu.memref_slice %arg2[%multiple_of3A_588] : memref<1280000xf32, #tpu.memory_space<hbm>> -> memref<128xf32, #tpu.memory_space<hbm>>
      %dma_start3A_590 = tpu.memref_slice %arg2[%multiple_of3A_588] : memref<1280000xf32, #tpu.memory_space<hbm>> -> memref<128xf32, #tpu.memory_space<hbm>>
      tpu.enqueue_dma source(%dma_start3A_590 : memref<128xf32, #tpu.memory_space<hbm>>) target(%arg38 : memref<128xf32, #tpu.memory_space<vmem>>) target_semaphore(%arg22 : memref<!tpu.dma_semaphore, #tpu.memory_space<semaphore_mem>>)
      %swap3A_591 = arith.constant 384 : index
      %swap3A_592 = tpu.vector_load %arg40[%swap3A_591] {strides = array<i32>} : memref<512xf32, #tpu.memory_space<vmem>>, vector<16xf32>,
      tpu.vector_store %arg40[%swap3A_591], %broadcast_in_dim3A_443 {strides = array<i32>} : memref<512xf32, #tpu.memory_space<vmem>>, vector<16xf32>,
      %swap3A_593 = arith.constant 400 : index
      %swap3A_594 = tpu.vector_load %arg40[%swap3A_593] {strides = array<i32>} : memref<512xf32, #tpu.memory_space<vmem>>, vector<16xf32>,
      tpu.vector_store %arg40[%swap3A_593], %broadcast_in_dim3A_443 {strides = array<i32>} : memref<512xf32, #tpu.memory_space<vmem>>, vector<16xf32>,
      %swap3A_595 = arith.constant 416 : index
      %swap3A_596 = tpu.vector_load %arg40[%swap3A_595] {strides = array<i32>} : memref<512xf32, #tpu.memory_space<vmem>>, vector<16xf32>,
      tpu.vector_store %arg40[%swap3A_595], %broadcast_in_dim3A_443 {strides = array<i32>} : memref<512xf32, #tpu.memory_space<vmem>>, vector<16xf32>,
      %swap3A_597 = arith.constant 432 : index
      %swap3A_598 = tpu.vector_load %arg40[%swap3A_597] {strides = array<i32>} : memref<512xf32, #tpu.memory_space<vmem>>, vector<16xf32>,
      tpu.vector_store %arg40[%swap3A_597], %broadcast_in_dim3A_443 {strides = array<i32>} : memref<512xf32, #tpu.memory_space<vmem>>, vector<16xf32>,
      %swap3A_599 = arith.constant 448 : index
      %swap3A_600 = tpu.vector_load %arg40[%swap3A_599] {strides = array<i32>} : memref<512xf32, #tpu.memory_space<vmem>>, vector<16xf32>,
      tpu.vector_store %arg40[%swap3A_599], %broadcast_in_dim3A_443 {strides = array<i32>} : memref<512xf32, #tpu.memory_space<vmem>>, vector<16xf32>,
      %swap3A_601 = arith.constant 464 : index
      %swap3A_602 = tpu.vector_load %arg40[%swap3A_601] {strides = array<i32>} : memref<512xf32, #tpu.memory_space<vmem>>, vector<16xf32>,
      tpu.vector_store %arg40[%swap3A_601], %broadcast_in_dim3A_443 {strides = array<i32>} : memref<512xf32, #tpu.memory_space<vmem>>, vector<16xf32>,
      %swap3A_603 = arith.constant 480 : index
      %swap3A_604 = tpu.vector_load %arg40[%swap3A_603] {strides = array<i32>} : memref<512xf32, #tpu.memory_space<vmem>>, vector<16xf32>,
      tpu.vector_store %arg40[%swap3A_603], %broadcast_in_dim3A_443 {strides = array<i32>} : memref<512xf32, #tpu.memory_space<vmem>>, vector<16xf32>,
      %swap3A_605 = arith.constant 496 : index
      %swap3A_606 = tpu.vector_load %arg40[%swap3A_605] {strides = array<i32>} : memref<512xf32, #tpu.memory_space<vmem>>, vector<16xf32>,
      tpu.vector_store %arg40[%swap3A_605], %broadcast_in_dim3A_443 {strides = array<i32>} : memref<512xf32, #tpu.memory_space<vmem>>, vector<16xf32>,
      %while3A_607 = arith.constant 0 : i32
      %while3A_608 = arith.constant 0 : i32
      %while3A_609 = arith.subi %select_n3A_524, %while3A_607 : i32
      %while3A_610 = arith.addi %while3A_607, %while3A_609 : i32
      %while3A_611 = arith.constant 1 : i32
      %while3A_612 = arith.divsi %while3A_609, %while3A_611 : i32
      %while3A_613 = arith.muli %while3A_612, %while3A_611 : i32
      %while3A_614 = arith.addi %while3A_607, %while3A_613 : i32
      %while3A_615 = arith.constant 1 : i32
      %while3A_616 = scf.for %while3A_807 = %while3A_607 to %while3A_614 step %while3A_615 iter_args(%while3A_808 = %while3A_608) -> (i32)  : i32 {
        %mul3A_809 = arith.constant 128 : i32
        %mul3A_810 = arith.muli %while3A_807, %mul3A_809 : i32
        %add3A_811 = arith.addi %squeeze3A_480, %mul3A_810 : i32
        %multiple_of3A_812 = tpu.assume_multiple %add3A_811, 8 : i32
        "tpu.region"() ({
          %run_scoped3A = tpu.sem_alloc : memref<!tpu.dma_semaphore, #tpu.memory_space<semaphore_mem>>
          %dma_start3A_830 = tpu.memref_slice %arg7[%multiple_of3A_812] : memref<656640xi32, #tpu.memory_space<vmem_shared>> -> memref<128xi32, #tpu.memory_space<vmem_shared>>
          %dma_start3A_831 = tpu.memref_slice %arg7[%multiple_of3A_812] : memref<656640xi32, #tpu.memory_space<vmem_shared>> -> memref<128xi32, #tpu.memory_space<vmem_shared>>
          tpu.enqueue_dma source(%dma_start3A_831 : memref<128xi32, #tpu.memory_space<vmem_shared>>) target(%arg20 : memref<128xi32, #tpu.memory_space<vmem>>) target_semaphore(%run_scoped3A : memref<!tpu.dma_semaphore, #tpu.memory_space<semaphore_mem>>)
          %dma_wait3A_832 = tpu.memref_slice %arg7[%multiple_of3A_812] : memref<656640xi32, #tpu.memory_space<vmem_shared>> -> memref<128xi32, #tpu.memory_space<vmem_shared>>
          %dma_wait3A_833 = tpu.memref_slice %arg7[%multiple_of3A_812] : memref<656640xi32, #tpu.memory_space<vmem_shared>> -> memref<128xi32, #tpu.memory_space<vmem_shared>>
          tpu.wait_dma2 semaphore(%run_scoped3A : memref<!tpu.dma_semaphore, #tpu.memory_space<semaphore_mem>>) src(%dma_wait3A_833 : memref<128xi32, #tpu.memory_space<vmem_shared>>) dst(%arg20 : memref<128xi32, #tpu.memory_space<vmem>>)
          tpu.yield
        }) : () -> ()
        %mul3A_813 = arith.constant 8 : i32
        %mul3A_814 = arith.muli %while3A_807, %mul3A_813 : i32
        %sub3A_815 = arith.subi %select_n3A_552, %mul3A_814 : i32
        %min3A = arith.constant 8 : i32
        %min3A_816 = arith.minsi %min3A, %sub3A_815 : i32
        %while3A_817 = arith.constant 0 : i32
        %while3A_818 = arith.constant 0 : i32
        %while3A_819 = arith.subi %min3A_816, %while3A_817 : i32
        %while3A_820 = arith.addi %while3A_817, %while3A_819 : i32
        %while3A_821 = arith.constant 1 : i32
        %while3A_822 = arith.divsi %while3A_819, %while3A_821 : i32
        %while3A_823 = arith.muli %while3A_822, %while3A_821 : i32
        %while3A_824 = arith.addi %while3A_817, %while3A_823 : i32
        %while3A_825 = arith.constant 1 : i32
        %while3A_826 = scf.for %while3A_830 = %while3A_817 to %while3A_824 step %while3A_825 iter_args(%while3A_831 = %while3A_818) -> (i32)  : i32 {
          %mul3A_832 = arith.constant 16 : i32
          %mul3A_833 = arith.muli %while3A_830, %mul3A_832 : i32
          %get3A_834 = arith.index_cast %mul3A_833 : i32 to index
          %get3A_835 = tpu.vector_load %arg20[%get3A_834] {strides = array<i32>} : memref<128xi32, #tpu.memory_space<vmem>>, vector<16xi32>,
          %mul3A_836 = arith.constant 128 : i32
          %mul3A_837 = arith.muli %while3A_807, %mul3A_836 : i32
          %mul3A_838 = arith.constant 16 : i32
          %mul3A_839 = arith.muli %while3A_830, %mul3A_838 : i32
          %add3A_840 = arith.addi %mul3A_837, %mul3A_839 : i32
          %add3A_841 = vector.broadcast %add3A_840 : i32 to vector<16xi32>
          %add3A_842 = arith.addi %add3A_841, %iota3A : vector<16xi32>
          %lt3A_843 = vector.broadcast %squeeze3A_486 : i32 to vector<16xi32>
          %lt3A_844 = arith.cmpi slt, %add3A_842, %lt3A_843 : vector<16xi32>
          %jit3A_845 = arith.constant 0 : i32
          %broadcast_in_dim3A_846 = vector.broadcast %jit3A_845 : i32 to vector<16xi32>
          %select_n3A_847 = arith.select %lt3A_844, %get3A_835, %broadcast_in_dim3A_846 : vector<16xi1>, vector<16xi32>
          %unique3A, %unique3A_848 = tpu.scan_count mask(%lt3A_844 : vector<16xi1>) value(%select_n3A_847 : vector<16xi32>) : vector<16xi1>, vector<16xi32>
          %and3A_849 = arith.andi %lt3A_844, %unique3A : vector<16xi1>
          tpu.vector_store_idx %arg14[%select_n3A_847], %unique3A_848 masked %and3A_849 {add = true} : memref<10112xi32, #tpu.memory_space<vmem>>[vector<16xi32>], vector<16xi32>, vector<16xi1>
          %while3A_850 = arith.constant 0 : i32
          scf.yield %while3A_850 : i32
        }
        %while3A_827 = arith.constant 1 : i32
        %while3A_828 = scf.for %while3A_830 = %while3A_824 to %while3A_820 step %while3A_827 iter_args(%while3A_831 = %while3A_826) -> (i32)  : i32 {
          %mul3A_832 = arith.constant 16 : i32
          %mul3A_833 = arith.muli %while3A_830, %mul3A_832 : i32
          %get3A_834 = arith.index_cast %mul3A_833 : i32 to index
          %get3A_835 = tpu.vector_load %arg20[%get3A_834] {strides = array<i32>} : memref<128xi32, #tpu.memory_space<vmem>>, vector<16xi32>,
          %mul3A_836 = arith.constant 128 : i32
          %mul3A_837 = arith.muli %while3A_807, %mul3A_836 : i32
          %mul3A_838 = arith.constant 16 : i32
          %mul3A_839 = arith.muli %while3A_830, %mul3A_838 : i32
          %add3A_840 = arith.addi %mul3A_837, %mul3A_839 : i32
          %add3A_841 = vector.broadcast %add3A_840 : i32 to vector<16xi32>
          %add3A_842 = arith.addi %add3A_841, %iota3A : vector<16xi32>
          %lt3A_843 = vector.broadcast %squeeze3A_486 : i32 to vector<16xi32>
          %lt3A_844 = arith.cmpi slt, %add3A_842, %lt3A_843 : vector<16xi32>
          %jit3A_845 = arith.constant 0 : i32
          %broadcast_in_dim3A_846 = vector.broadcast %jit3A_845 : i32 to vector<16xi32>
          %select_n3A_847 = arith.select %lt3A_844, %get3A_835, %broadcast_in_dim3A_846 : vector<16xi1>, vector<16xi32>
          %unique3A, %unique3A_848 = tpu.scan_count mask(%lt3A_844 : vector<16xi1>) value(%select_n3A_847 : vector<16xi32>) : vector<16xi1>, vector<16xi32>
          %and3A_849 = arith.andi %lt3A_844, %unique3A : vector<16xi1>
          tpu.vector_store_idx %arg14[%select_n3A_847], %unique3A_848 masked %and3A_849 {add = true} : memref<10112xi32, #tpu.memory_space<vmem>>[vector<16xi32>], vector<16xi32>, vector<16xi1>
          %while3A_850 = arith.constant 0 : i32
          scf.yield %while3A_850 : i32
        }
        %while3A_829 = arith.constant 0 : i32
        scf.yield %while3A_829 : i32
      }
      %while3A_617 = arith.constant 1 : i32
      %while3A_618 = scf.for %while3A_807 = %while3A_614 to %while3A_610 step %while3A_617 iter_args(%while3A_808 = %while3A_616) -> (i32)  : i32 {
        %mul3A_809 = arith.constant 128 : i32
        %mul3A_810 = arith.muli %while3A_807, %mul3A_809 : i32
        %add3A_811 = arith.addi %squeeze3A_480, %mul3A_810 : i32
        %multiple_of3A_812 = tpu.assume_multiple %add3A_811, 8 : i32
        "tpu.region"() ({
          %run_scoped3A = tpu.sem_alloc : memref<!tpu.dma_semaphore, #tpu.memory_space<semaphore_mem>>
          %dma_start3A_830 = tpu.memref_slice %arg7[%multiple_of3A_812] : memref<656640xi32, #tpu.memory_space<vmem_shared>> -> memref<128xi32, #tpu.memory_space<vmem_shared>>
          %dma_start3A_831 = tpu.memref_slice %arg7[%multiple_of3A_812] : memref<656640xi32, #tpu.memory_space<vmem_shared>> -> memref<128xi32, #tpu.memory_space<vmem_shared>>
          tpu.enqueue_dma source(%dma_start3A_831 : memref<128xi32, #tpu.memory_space<vmem_shared>>) target(%arg20 : memref<128xi32, #tpu.memory_space<vmem>>) target_semaphore(%run_scoped3A : memref<!tpu.dma_semaphore, #tpu.memory_space<semaphore_mem>>)
          %dma_wait3A_832 = tpu.memref_slice %arg7[%multiple_of3A_812] : memref<656640xi32, #tpu.memory_space<vmem_shared>> -> memref<128xi32, #tpu.memory_space<vmem_shared>>
          %dma_wait3A_833 = tpu.memref_slice %arg7[%multiple_of3A_812] : memref<656640xi32, #tpu.memory_space<vmem_shared>> -> memref<128xi32, #tpu.memory_space<vmem_shared>>
          tpu.wait_dma2 semaphore(%run_scoped3A : memref<!tpu.dma_semaphore, #tpu.memory_space<semaphore_mem>>) src(%dma_wait3A_833 : memref<128xi32, #tpu.memory_space<vmem_shared>>) dst(%arg20 : memref<128xi32, #tpu.memory_space<vmem>>)
          tpu.yield
        }) : () -> ()
        %mul3A_813 = arith.constant 8 : i32
        %mul3A_814 = arith.muli %while3A_807, %mul3A_813 : i32
        %sub3A_815 = arith.subi %select_n3A_552, %mul3A_814 : i32
        %min3A = arith.constant 8 : i32
        %min3A_816 = arith.minsi %min3A, %sub3A_815 : i32
        %while3A_817 = arith.constant 0 : i32
        %while3A_818 = arith.constant 0 : i32
        %while3A_819 = arith.subi %min3A_816, %while3A_817 : i32
        %while3A_820 = arith.addi %while3A_817, %while3A_819 : i32
        %while3A_821 = arith.constant 1 : i32
        %while3A_822 = arith.divsi %while3A_819, %while3A_821 : i32
        %while3A_823 = arith.muli %while3A_822, %while3A_821 : i32
        %while3A_824 = arith.addi %while3A_817, %while3A_823 : i32
        %while3A_825 = arith.constant 1 : i32
        %while3A_826 = scf.for %while3A_830 = %while3A_817 to %while3A_824 step %while3A_825 iter_args(%while3A_831 = %while3A_818) -> (i32)  : i32 {
          %mul3A_832 = arith.constant 16 : i32
          %mul3A_833 = arith.muli %while3A_830, %mul3A_832 : i32
          %get3A_834 = arith.index_cast %mul3A_833 : i32 to index
          %get3A_835 = tpu.vector_load %arg20[%get3A_834] {strides = array<i32>} : memref<128xi32, #tpu.memory_space<vmem>>, vector<16xi32>,
          %mul3A_836 = arith.constant 128 : i32
          %mul3A_837 = arith.muli %while3A_807, %mul3A_836 : i32
          %mul3A_838 = arith.constant 16 : i32
          %mul3A_839 = arith.muli %while3A_830, %mul3A_838 : i32
          %add3A_840 = arith.addi %mul3A_837, %mul3A_839 : i32
          %add3A_841 = vector.broadcast %add3A_840 : i32 to vector<16xi32>
          %add3A_842 = arith.addi %add3A_841, %iota3A : vector<16xi32>
          %lt3A_843 = vector.broadcast %squeeze3A_486 : i32 to vector<16xi32>
          %lt3A_844 = arith.cmpi slt, %add3A_842, %lt3A_843 : vector<16xi32>
          %jit3A_845 = arith.constant 0 : i32
          %broadcast_in_dim3A_846 = vector.broadcast %jit3A_845 : i32 to vector<16xi32>
          %select_n3A_847 = arith.select %lt3A_844, %get3A_835, %broadcast_in_dim3A_846 : vector<16xi1>, vector<16xi32>
          %unique3A, %unique3A_848 = tpu.scan_count mask(%lt3A_844 : vector<16xi1>) value(%select_n3A_847 : vector<16xi32>) : vector<16xi1>, vector<16xi32>
          %and3A_849 = arith.andi %lt3A_844, %unique3A : vector<16xi1>
          tpu.vector_store_idx %arg14[%select_n3A_847], %unique3A_848 masked %and3A_849 {add = true} : memref<10112xi32, #tpu.memory_space<vmem>>[vector<16xi32>], vector<16xi32>, vector<16xi1>
          %while3A_850 = arith.constant 0 : i32
          scf.yield %while3A_850 : i32
        }
        %while3A_827 = arith.constant 1 : i32
        %while3A_828 = scf.for %while3A_830 = %while3A_824 to %while3A_820 step %while3A_827 iter_args(%while3A_831 = %while3A_826) -> (i32)  : i32 {
          %mul3A_832 = arith.constant 16 : i32
          %mul3A_833 = arith.muli %while3A_830, %mul3A_832 : i32
          %get3A_834 = arith.index_cast %mul3A_833 : i32 to index
          %get3A_835 = tpu.vector_load %arg20[%get3A_834] {strides = array<i32>} : memref<128xi32, #tpu.memory_space<vmem>>, vector<16xi32>,
          %mul3A_836 = arith.constant 128 : i32
          %mul3A_837 = arith.muli %while3A_807, %mul3A_836 : i32
          %mul3A_838 = arith.constant 16 : i32
          %mul3A_839 = arith.muli %while3A_830, %mul3A_838 : i32
          %add3A_840 = arith.addi %mul3A_837, %mul3A_839 : i32
          %add3A_841 = vector.broadcast %add3A_840 : i32 to vector<16xi32>
          %add3A_842 = arith.addi %add3A_841, %iota3A : vector<16xi32>
          %lt3A_843 = vector.broadcast %squeeze3A_486 : i32 to vector<16xi32>
          %lt3A_844 = arith.cmpi slt, %add3A_842, %lt3A_843 : vector<16xi32>
          %jit3A_845 = arith.constant 0 : i32
          %broadcast_in_dim3A_846 = vector.broadcast %jit3A_845 : i32 to vector<16xi32>
          %select_n3A_847 = arith.select %lt3A_844, %get3A_835, %broadcast_in_dim3A_846 : vector<16xi1>, vector<16xi32>
          %unique3A, %unique3A_848 = tpu.scan_count mask(%lt3A_844 : vector<16xi1>) value(%select_n3A_847 : vector<16xi32>) : vector<16xi1>, vector<16xi32>
          %and3A_849 = arith.andi %lt3A_844, %unique3A : vector<16xi1>
          tpu.vector_store_idx %arg14[%select_n3A_847], %unique3A_848 masked %and3A_849 {add = true} : memref<10112xi32, #tpu.memory_space<vmem>>[vector<16xi32>], vector<16xi32>, vector<16xi1>
          %while3A_850 = arith.constant 0 : i32
          scf.yield %while3A_850 : i32
        }
        %while3A_829 = arith.constant 0 : i32
        scf.yield %while3A_829 : i32
      }
      %broadcast_in_dim3A_619 = vector.broadcast %squeeze3A_462 : i32 to vector<16xi32>
      %broadcast_in_dim3A_620 = arith.constant true
      %broadcast_in_dim3A_621 = vector.broadcast %broadcast_in_dim3A_620 : i1 to vector<16xi1>
      %gather3A_622 = tpu.vector_load_idx %arg14[%broadcast_in_dim3A_619] masked %broadcast_in_dim3A_621 : memref<10112xi32, #tpu.memory_space<vmem>>[vector<16xi32>], vector<16xi32>, vector<16xi1>
      %slice3A_623 = vector.extract_strided_slice %gather3A_622 {offsets = [0], sizes = [1], strides = [1]} : vector<16xi32> to vector<1xi32>
      %squeeze3A_624 = vector.extract %slice3A_623[0] : i32 from vector<1xi32>
      %convert_element_type3A_625 = arith.sitofp %squeeze3A_624 : i32 to f32
      %add3A_626 = arith.constant 127 : i32
      %add3A_627 = arith.addi %squeeze3A_498, %add3A_626 : i32
      %jit3A_628 = arith.constant 128 : i32
      %div3A_629 = arith.divsi %add3A_627, %jit3A_628 : i32
      %sign3A_630 = arith.constant 0 : i32
      %sign3A_631 = arith.cmpi sgt, %add3A_627, %sign3A_630 : i32
      %sign3A_632 = arith.extui %sign3A_631 : i1 to i32
      %sign3A_633 = arith.constant 0 : i32
      %sign3A_634 = arith.cmpi slt, %add3A_627, %sign3A_633 : i32
      %sign3A_635 = arith.extui %sign3A_634 : i1 to i32
      %sign3A_636 = arith.subi %sign3A_632, %sign3A_635 : i32
      %sign3A_637 = arith.constant 0 : i32
      %sign3A_638 = arith.cmpi sgt, %jit3A_628, %sign3A_637 : i32
      %sign3A_639 = arith.extui %sign3A_638 : i1 to i32
      %sign3A_640 = arith.constant 0 : i32
      %sign3A_641 = arith.cmpi slt, %jit3A_628, %sign3A_640 : i32
      %sign3A_642 = arith.extui %sign3A_641 : i1 to i32
      %sign3A_643 = arith.subi %sign3A_639, %sign3A_642 : i32
      %ne3A_644 = arith.cmpi ne, %sign3A_636, %sign3A_643 : i32
      %rem3A_645 = arith.remsi %add3A_627, %jit3A_628 : i32
      %ne3A_646 = arith.constant 0 : i32
      %ne3A_647 = arith.cmpi ne, %rem3A_645, %ne3A_646 : i32
      %and3A_648 = arith.andi %ne3A_644, %ne3A_647 : i1
      %sub3A_649 = arith.constant 1 : i32
      %sub3A_650 = arith.subi %div3A_629, %sub3A_649 : i32
      %select_n3A_651 = arith.select %and3A_648, %sub3A_650, %div3A_629 : i32
      %while3A_652 = arith.constant 0 : i32
      %while3A_653 = arith.constant 0 : i32
      %while3A_654 = arith.subi %select_n3A_651, %while3A_652 : i32
      %while3A_655 = arith.addi %while3A_652, %while3A_654 : i32
      %while3A_656 = arith.constant 1 : i32
      %while3A_657 = arith.divsi %while3A_654, %while3A_656 : i32
      %while3A_658 = arith.muli %while3A_657, %while3A_656 : i32
      %while3A_659 = arith.addi %while3A_652, %while3A_658 : i32
      %while3A_660 = arith.constant 1 : i32
      %while3A_661 = scf.for %while3A_807 = %while3A_652 to %while3A_659 step %while3A_660 iter_args(%while3A_808 = %while3A_653) -> (i32)  : i32 {
        %mul3A_809 = arith.constant 128 : i32
        %mul3A_810 = arith.muli %while3A_807, %mul3A_809 : i32
        %add3A_811 = arith.addi %squeeze3A_492, %mul3A_810 : i32
        %multiple_of3A_812 = tpu.assume_multiple %add3A_811, 8 : i32
        "tpu.region"() ({
          %run_scoped3A = tpu.sem_alloc : memref<!tpu.dma_semaphore, #tpu.memory_space<semaphore_mem>>
          %dma_start3A_830 = tpu.memref_slice %arg7[%multiple_of3A_812] : memref<656640xi32, #tpu.memory_space<vmem_shared>> -> memref<128xi32, #tpu.memory_space<vmem_shared>>
          %dma_start3A_831 = tpu.memref_slice %arg7[%multiple_of3A_812] : memref<656640xi32, #tpu.memory_space<vmem_shared>> -> memref<128xi32, #tpu.memory_space<vmem_shared>>
          tpu.enqueue_dma source(%dma_start3A_831 : memref<128xi32, #tpu.memory_space<vmem_shared>>) target(%arg23 : memref<128xi32, #tpu.memory_space<vmem>>) target_semaphore(%run_scoped3A : memref<!tpu.dma_semaphore, #tpu.memory_space<semaphore_mem>>)
          %dma_wait3A_832 = tpu.memref_slice %arg7[%multiple_of3A_812] : memref<656640xi32, #tpu.memory_space<vmem_shared>> -> memref<128xi32, #tpu.memory_space<vmem_shared>>
          %dma_wait3A_833 = tpu.memref_slice %arg7[%multiple_of3A_812] : memref<656640xi32, #tpu.memory_space<vmem_shared>> -> memref<128xi32, #tpu.memory_space<vmem_shared>>
          tpu.wait_dma2 semaphore(%run_scoped3A : memref<!tpu.dma_semaphore, #tpu.memory_space<semaphore_mem>>) src(%dma_wait3A_833 : memref<128xi32, #tpu.memory_space<vmem_shared>>) dst(%arg23 : memref<128xi32, #tpu.memory_space<vmem>>)
          tpu.yield
        }) : () -> ()
        %mul3A_813 = arith.constant 8 : i32
        %mul3A_814 = arith.muli %while3A_807, %mul3A_813 : i32
        %sub3A_815 = arith.subi %select_n3A_580, %mul3A_814 : i32
        %min3A = arith.constant 8 : i32
        %min3A_816 = arith.minsi %min3A, %sub3A_815 : i32
        %while3A_817 = arith.constant 0 : i32
        %while3A_818 = arith.constant 0 : i32
        %while3A_819 = arith.subi %min3A_816, %while3A_817 : i32
        %while3A_820 = arith.addi %while3A_817, %while3A_819 : i32
        %while3A_821 = arith.constant 1 : i32
        %while3A_822 = arith.divsi %while3A_819, %while3A_821 : i32
        %while3A_823 = arith.muli %while3A_822, %while3A_821 : i32
        %while3A_824 = arith.addi %while3A_817, %while3A_823 : i32
        %while3A_825 = arith.constant 1 : i32
        %while3A_826 = scf.for %while3A_830 = %while3A_817 to %while3A_824 step %while3A_825 iter_args(%while3A_831 = %while3A_818) -> (i32)  : i32 {
          %mul3A_832 = arith.constant 16 : i32
          %mul3A_833 = arith.muli %while3A_830, %mul3A_832 : i32
          %get3A_834 = arith.index_cast %mul3A_833 : i32 to index
          %get3A_835 = tpu.vector_load %arg23[%get3A_834] {strides = array<i32>} : memref<128xi32, #tpu.memory_space<vmem>>, vector<16xi32>,
          %mul3A_836 = arith.constant 128 : i32
          %mul3A_837 = arith.muli %while3A_807, %mul3A_836 : i32
          %mul3A_838 = arith.constant 16 : i32
          %mul3A_839 = arith.muli %while3A_830, %mul3A_838 : i32
          %add3A_840 = arith.addi %mul3A_837, %mul3A_839 : i32
          %add3A_841 = vector.broadcast %add3A_840 : i32 to vector<16xi32>
          %add3A_842 = arith.addi %add3A_841, %iota3A : vector<16xi32>
          %lt3A_843 = vector.broadcast %squeeze3A_498 : i32 to vector<16xi32>
          %lt3A_844 = arith.cmpi slt, %add3A_842, %lt3A_843 : vector<16xi32>
          %jit3A_845 = arith.constant 0 : i32
          %broadcast_in_dim3A_846 = vector.broadcast %jit3A_845 : i32 to vector<16xi32>
          %select_n3A_847 = arith.select %lt3A_844, %get3A_835, %broadcast_in_dim3A_846 : vector<16xi1>, vector<16xi32>
          %gather3A_848 = tpu.vector_load_idx %arg14[%select_n3A_847] masked %lt3A_844 : memref<10112xi32, #tpu.memory_space<vmem>>[vector<16xi32>], vector<16xi32>, vector<16xi1>
          %gt3A = arith.constant 0 : i32
          %gt3A_849 = vector.broadcast %gt3A : i32 to vector<16xi32>
          %gt3A_850 = arith.cmpi sgt, %gather3A_848, %gt3A_849 : vector<16xi32>
          %and3A_851 = arith.andi %lt3A_844, %gt3A_850 : vector<16xi1>
          %all_reduce_population_count3A = tpu.all_reduce %and3A_851 {dim = 0 : i64, kind = #tpu.reduction_kind<sum>} : vector<16xi1> -> vector<16xi32>
          %slice3A_852 = vector.extract_strided_slice %all_reduce_population_count3A {offsets = [0], sizes = [1], strides = [1]} : vector<16xi32> to vector<1xi32>
          %squeeze3A_853 = vector.extract %slice3A_852[0] : i32 from vector<1xi32>
          %gt3A_854 = arith.constant 0 : i32
          %gt3A_855 = arith.cmpi sgt, %squeeze3A_853, %gt3A_854 : i32
          %convert_element_type3A_856 = arith.extui %gt3A_855 : i1 to i32
          %cond3A_857 = arith.constant 0 : i32
          %cond3A_858 = arith.cmpi ne, %convert_element_type3A_856, %cond3A_857 : i32
          scf.if %cond3A_858 {
            %swap3A_860 = arith.constant 0 : index
            %swap3A_861 = tpu.vector_load %arg29[%swap3A_860] masked %and3A_851 {strides = array<i32>} : memref<16xi32, #tpu.memory_space<vmem>>, vector<16xi32>, vector<16xi1>
            tpu.vector_store %arg29[%swap3A_860], %select_n3A_847 masked %and3A_851 {strides = array<i32>} : memref<16xi32, #tpu.memory_space<vmem>>, vector<16xi32>, vector<16xi1>
            %swap3A_862 = arith.constant 0 : index
            %swap3A_863 = tpu.vector_load %arg28[%swap3A_862] masked %and3A_851 {strides = array<i32>} : memref<16xi32, #tpu.memory_space<vmem>>, vector<16xi32>, vector<16xi1>
            tpu.vector_store %arg28[%swap3A_862], %gather3A_848 masked %and3A_851 {strides = array<i32>} : memref<16xi32, #tpu.memory_space<vmem>>, vector<16xi32>, vector<16xi1>
            %while3A_864 = arith.constant 0 : i32
            %while3A_865 = arith.constant 0 : i32
            %while3A_866 = arith.subi %squeeze3A_853, %while3A_864 : i32
            %while3A_867 = arith.addi %while3A_864, %while3A_866 : i32
            %while3A_868 = arith.constant 1 : i32
            %while3A_869 = arith.divsi %while3A_866, %while3A_868 : i32
            %while3A_870 = arith.muli %while3A_869, %while3A_868 : i32
            %while3A_871 = arith.addi %while3A_864, %while3A_870 : i32
            %while3A_872 = arith.constant 1 : i32
            %while3A_873 = scf.for %while3A_876 = %while3A_864 to %while3A_871 step %while3A_872 iter_args(%while3A_877 = %while3A_865) -> (i32)  : i32 {
              %broadcast_in_dim3A_878 = vector.broadcast %while3A_876 : i32 to vector<16xi32>
              %broadcast_in_dim3A_879 = arith.constant true
              %broadcast_in_dim3A_880 = vector.broadcast %broadcast_in_dim3A_879 : i1 to vector<16xi1>
              %gather3A_881 = tpu.vector_load_idx %arg29[%broadcast_in_dim3A_878] masked %broadcast_in_dim3A_880 : memref<16xi32, #tpu.memory_space<vmem>>[vector<16xi32>], vector<16xi32>, vector<16xi1>
              %slice3A_882 = vector.extract_strided_slice %gather3A_881 {offsets = [0], sizes = [1], strides = [1]} : vector<16xi32> to vector<1xi32>
              %squeeze3A_883 = vector.extract %slice3A_882[0] : i32 from vector<1xi32>
              %broadcast_in_dim3A_884 = vector.broadcast %while3A_876 : i32 to vector<16xi32>
              %broadcast_in_dim3A_885 = arith.constant true
              %broadcast_in_dim3A_886 = vector.broadcast %broadcast_in_dim3A_885 : i1 to vector<16xi1>
              %gather3A_887 = tpu.vector_load_idx %arg28[%broadcast_in_dim3A_884] masked %broadcast_in_dim3A_886 : memref<16xi32, #tpu.memory_space<vmem>>[vector<16xi32>], vector<16xi32>, vector<16xi1>
              %slice3A_888 = vector.extract_strided_slice %gather3A_887 {offsets = [0], sizes = [1], strides = [1]} : vector<16xi32> to vector<1xi32>
              %squeeze3A_889 = vector.extract %slice3A_888[0] : i32 from vector<1xi32>
              %convert_element_type3A_890 = arith.sitofp %squeeze3A_889 : i32 to f32
              %mul3A_891 = arith.constant 128 : i32
              %mul3A_892 = arith.muli %squeeze3A_883, %mul3A_891 : i32
              %multiple_of3A_893 = tpu.assume_multiple %mul3A_892, 8 : i32
              "tpu.region"() ({
                %run_scoped3A = tpu.sem_alloc : memref<!tpu.dma_semaphore, #tpu.memory_space<semaphore_mem>>
                %dma_start3A_967 = tpu.memref_slice %arg2[%multiple_of3A_893] : memref<1280000xf32, #tpu.memory_space<hbm>> -> memref<128xf32, #tpu.memory_space<hbm>>
                %dma_start3A_968 = tpu.memref_slice %arg2[%multiple_of3A_893] : memref<1280000xf32, #tpu.memory_space<hbm>> -> memref<128xf32, #tpu.memory_space<hbm>>
                tpu.enqueue_dma source(%dma_start3A_968 : memref<128xf32, #tpu.memory_space<hbm>>) target(%arg39 : memref<128xf32, #tpu.memory_space<vmem>>) target_semaphore(%run_scoped3A : memref<!tpu.dma_semaphore, #tpu.memory_space<semaphore_mem>>)
                %dma_wait3A_969 = tpu.memref_slice %arg2[%multiple_of3A_893] : memref<1280000xf32, #tpu.memory_space<hbm>> -> memref<128xf32, #tpu.memory_space<hbm>>
                %dma_wait3A_970 = tpu.memref_slice %arg2[%multiple_of3A_893] : memref<1280000xf32, #tpu.memory_space<hbm>> -> memref<128xf32, #tpu.memory_space<hbm>>
                tpu.wait_dma2 semaphore(%run_scoped3A : memref<!tpu.dma_semaphore, #tpu.memory_space<semaphore_mem>>) src(%dma_wait3A_970 : memref<128xf32, #tpu.memory_space<hbm>>) dst(%arg39 : memref<128xf32, #tpu.memory_space<vmem>>)
                tpu.yield
              }) : () -> ()
              %get3A_894 = arith.constant 384 : index
              %get3A_895 = tpu.vector_load %arg40[%get3A_894] {strides = array<i32>} : memref<512xf32, #tpu.memory_space<vmem>>, vector<16xf32>,
              %get3A_896 = arith.constant 0 : index
              %get3A_897 = tpu.vector_load %arg39[%get3A_896] {strides = array<i32>} : memref<128xf32, #tpu.memory_space<vmem>>, vector<16xf32>,
              %mul3A_898 = vector.broadcast %convert_element_type3A_890 : f32 to vector<16xf32>
              %mul3A_899 = arith.mulf %mul3A_898, %get3A_897 : vector<16xf32>
              %add3A_900 = arith.addf %get3A_895, %mul3A_899 : vector<16xf32>
              %swap3A_901 = arith.constant 384 : index
              %swap3A_902 = tpu.vector_load %arg40[%swap3A_901] {strides = array<i32>} : memref<512xf32, #tpu.memory_space<vmem>>, vector<16xf32>,
              tpu.vector_store %arg40[%swap3A_901], %add3A_900 {strides = array<i32>} : memref<512xf32, #tpu.memory_space<vmem>>, vector<16xf32>,
              %get3A_903 = arith.constant 400 : index
              %get3A_904 = tpu.vector_load %arg40[%get3A_903] {strides = array<i32>} : memref<512xf32, #tpu.memory_space<vmem>>, vector<16xf32>,
              %get3A_905 = arith.constant 16 : index
              %get3A_906 = tpu.vector_load %arg39[%get3A_905] {strides = array<i32>} : memref<128xf32, #tpu.memory_space<vmem>>, vector<16xf32>,
              %mul3A_907 = vector.broadcast %convert_element_type3A_890 : f32 to vector<16xf32>
              %mul3A_908 = arith.mulf %mul3A_907, %get3A_906 : vector<16xf32>
              %add3A_909 = arith.addf %get3A_904, %mul3A_908 : vector<16xf32>
              %swap3A_910 = arith.constant 400 : index
              %swap3A_911 = tpu.vector_load %arg40[%swap3A_910] {strides = array<i32>} : memref<512xf32, #tpu.memory_space<vmem>>, vector<16xf32>,
              tpu.vector_store %arg40[%swap3A_910], %add3A_909 {strides = array<i32>} : memref<512xf32, #tpu.memory_space<vmem>>, vector<16xf32>,
              %get3A_912 = arith.constant 416 : index
              %get3A_913 = tpu.vector_load %arg40[%get3A_912] {strides = array<i32>} : memref<512xf32, #tpu.memory_space<vmem>>, vector<16xf32>,
              %get3A_914 = arith.constant 32 : index
              %get3A_915 = tpu.vector_load %arg39[%get3A_914] {strides = array<i32>} : memref<128xf32, #tpu.memory_space<vmem>>, vector<16xf32>,
              %mul3A_916 = vector.broadcast %convert_element_type3A_890 : f32 to vector<16xf32>
              %mul3A_917 = arith.mulf %mul3A_916, %get3A_915 : vector<16xf32>
              %add3A_918 = arith.addf %get3A_913, %mul3A_917 : vector<16xf32>
              %swap3A_919 = arith.constant 416 : index
              %swap3A_920 = tpu.vector_load %arg40[%swap3A_919] {strides = array<i32>} : memref<512xf32, #tpu.memory_space<vmem>>, vector<16xf32>,
              tpu.vector_store %arg40[%swap3A_919], %add3A_918 {strides = array<i32>} : memref<512xf32, #tpu.memory_space<vmem>>, vector<16xf32>,
              %get3A_921 = arith.constant 432 : index
              %get3A_922 = tpu.vector_load %arg40[%get3A_921] {strides = array<i32>} : memref<512xf32, #tpu.memory_space<vmem>>, vector<16xf32>,
              %get3A_923 = arith.constant 48 : index
              %get3A_924 = tpu.vector_load %arg39[%get3A_923] {strides = array<i32>} : memref<128xf32, #tpu.memory_space<vmem>>, vector<16xf32>,
              %mul3A_925 = vector.broadcast %convert_element_type3A_890 : f32 to vector<16xf32>
              %mul3A_926 = arith.mulf %mul3A_925, %get3A_924 : vector<16xf32>
              %add3A_927 = arith.addf %get3A_922, %mul3A_926 : vector<16xf32>
              %swap3A_928 = arith.constant 432 : index
              %swap3A_929 = tpu.vector_load %arg40[%swap3A_928] {strides = array<i32>} : memref<512xf32, #tpu.memory_space<vmem>>, vector<16xf32>,
              tpu.vector_store %arg40[%swap3A_928], %add3A_927 {strides = array<i32>} : memref<512xf32, #tpu.memory_space<vmem>>, vector<16xf32>,
              %get3A_930 = arith.constant 448 : index
              %get3A_931 = tpu.vector_load %arg40[%get3A_930] {strides = array<i32>} : memref<512xf32, #tpu.memory_space<vmem>>, vector<16xf32>,
              %get3A_932 = arith.constant 64 : index
              %get3A_933 = tpu.vector_load %arg39[%get3A_932] {strides = array<i32>} : memref<128xf32, #tpu.memory_space<vmem>>, vector<16xf32>,
              %mul3A_934 = vector.broadcast %convert_element_type3A_890 : f32 to vector<16xf32>
              %mul3A_935 = arith.mulf %mul3A_934, %get3A_933 : vector<16xf32>
              %add3A_936 = arith.addf %get3A_931, %mul3A_935 : vector<16xf32>
              %swap3A_937 = arith.constant 448 : index
              %swap3A_938 = tpu.vector_load %arg40[%swap3A_937] {strides = array<i32>} : memref<512xf32, #tpu.memory_space<vmem>>, vector<16xf32>,
              tpu.vector_store %arg40[%swap3A_937], %add3A_936 {strides = array<i32>} : memref<512xf32, #tpu.memory_space<vmem>>, vector<16xf32>,
              %get3A_939 = arith.constant 464 : index
              %get3A_940 = tpu.vector_load %arg40[%get3A_939] {strides = array<i32>} : memref<512xf32, #tpu.memory_space<vmem>>, vector<16xf32>,
              %get3A_941 = arith.constant 80 : index
              %get3A_942 = tpu.vector_load %arg39[%get3A_941] {strides = array<i32>} : memref<128xf32, #tpu.memory_space<vmem>>, vector<16xf32>,
              %mul3A_943 = vector.broadcast %convert_element_type3A_890 : f32 to vector<16xf32>
              %mul3A_944 = arith.mulf %mul3A_943, %get3A_942 : vector<16xf32>
              %add3A_945 = arith.addf %get3A_940, %mul3A_944 : vector<16xf32>
              %swap3A_946 = arith.constant 464 : index
              %swap3A_947 = tpu.vector_load %arg40[%swap3A_946] {strides = array<i32>} : memref<512xf32, #tpu.memory_space<vmem>>, vector<16xf32>,
              tpu.vector_store %arg40[%swap3A_946], %add3A_945 {strides = array<i32>} : memref<512xf32, #tpu.memory_space<vmem>>, vector<16xf32>,
              %get3A_948 = arith.constant 480 : index
              %get3A_949 = tpu.vector_load %arg40[%get3A_948] {strides = array<i32>} : memref<512xf32, #tpu.memory_space<vmem>>, vector<16xf32>,
              %get3A_950 = arith.constant 96 : index
              %get3A_951 = tpu.vector_load %arg39[%get3A_950] {strides = array<i32>} : memref<128xf32, #tpu.memory_space<vmem>>, vector<16xf32>,
              %mul3A_952 = vector.broadcast %convert_element_type3A_890 : f32 to vector<16xf32>
              %mul3A_953 = arith.mulf %mul3A_952, %get3A_951 : vector<16xf32>
              %add3A_954 = arith.addf %get3A_949, %mul3A_953 : vector<16xf32>
              %swap3A_955 = arith.constant 480 : index
              %swap3A_956 = tpu.vector_load %arg40[%swap3A_955] {strides = array<i32>} : memref<512xf32, #tpu.memory_space<vmem>>, vector<16xf32>,
              tpu.vector_store %arg40[%swap3A_955], %add3A_954 {strides = array<i32>} : memref<512xf32, #tpu.memory_space<vmem>>, vector<16xf32>,
              %get3A_957 = arith.constant 496 : index
              %get3A_958 = tpu.vector_load %arg40[%get3A_957] {strides = array<i32>} : memref<512xf32, #tpu.memory_space<vmem>>, vector<16xf32>,
              %get3A_959 = arith.constant 112 : index
              %get3A_960 = tpu.vector_load %arg39[%get3A_959] {strides = array<i32>} : memref<128xf32, #tpu.memory_space<vmem>>, vector<16xf32>,
              %mul3A_961 = vector.broadcast %convert_element_type3A_890 : f32 to vector<16xf32>
              %mul3A_962 = arith.mulf %mul3A_961, %get3A_960 : vector<16xf32>
              %add3A_963 = arith.addf %get3A_958, %mul3A_962 : vector<16xf32>
              %swap3A_964 = arith.constant 496 : index
              %swap3A_965 = tpu.vector_load %arg40[%swap3A_964] {strides = array<i32>} : memref<512xf32, #tpu.memory_space<vmem>>, vector<16xf32>,
              tpu.vector_store %arg40[%swap3A_964], %add3A_963 {strides = array<i32>} : memref<512xf32, #tpu.memory_space<vmem>>, vector<16xf32>,
              %while3A_966 = arith.constant 0 : i32
              scf.yield %while3A_966 : i32
            }
            %while3A_874 = arith.constant 1 : i32
            %while3A_875 = scf.for %while3A_876 = %while3A_871 to %while3A_867 step %while3A_874 iter_args(%while3A_877 = %while3A_873) -> (i32)  : i32 {
              %broadcast_in_dim3A_878 = vector.broadcast %while3A_876 : i32 to vector<16xi32>
              %broadcast_in_dim3A_879 = arith.constant true
              %broadcast_in_dim3A_880 = vector.broadcast %broadcast_in_dim3A_879 : i1 to vector<16xi1>
              %gather3A_881 = tpu.vector_load_idx %arg29[%broadcast_in_dim3A_878] masked %broadcast_in_dim3A_880 : memref<16xi32, #tpu.memory_space<vmem>>[vector<16xi32>], vector<16xi32>, vector<16xi1>
              %slice3A_882 = vector.extract_strided_slice %gather3A_881 {offsets = [0], sizes = [1], strides = [1]} : vector<16xi32> to vector<1xi32>
              %squeeze3A_883 = vector.extract %slice3A_882[0] : i32 from vector<1xi32>
              %broadcast_in_dim3A_884 = vector.broadcast %while3A_876 : i32 to vector<16xi32>
              %broadcast_in_dim3A_885 = arith.constant true
              %broadcast_in_dim3A_886 = vector.broadcast %broadcast_in_dim3A_885 : i1 to vector<16xi1>
              %gather3A_887 = tpu.vector_load_idx %arg28[%broadcast_in_dim3A_884] masked %broadcast_in_dim3A_886 : memref<16xi32, #tpu.memory_space<vmem>>[vector<16xi32>], vector<16xi32>, vector<16xi1>
              %slice3A_888 = vector.extract_strided_slice %gather3A_887 {offsets = [0], sizes = [1], strides = [1]} : vector<16xi32> to vector<1xi32>
              %squeeze3A_889 = vector.extract %slice3A_888[0] : i32 from vector<1xi32>
              %convert_element_type3A_890 = arith.sitofp %squeeze3A_889 : i32 to f32
              %mul3A_891 = arith.constant 128 : i32
              %mul3A_892 = arith.muli %squeeze3A_883, %mul3A_891 : i32
              %multiple_of3A_893 = tpu.assume_multiple %mul3A_892, 8 : i32
              "tpu.region"() ({
                %run_scoped3A = tpu.sem_alloc : memref<!tpu.dma_semaphore, #tpu.memory_space<semaphore_mem>>
                %dma_start3A_967 = tpu.memref_slice %arg2[%multiple_of3A_893] : memref<1280000xf32, #tpu.memory_space<hbm>> -> memref<128xf32, #tpu.memory_space<hbm>>
                %dma_start3A_968 = tpu.memref_slice %arg2[%multiple_of3A_893] : memref<1280000xf32, #tpu.memory_space<hbm>> -> memref<128xf32, #tpu.memory_space<hbm>>
                tpu.enqueue_dma source(%dma_start3A_968 : memref<128xf32, #tpu.memory_space<hbm>>) target(%arg39 : memref<128xf32, #tpu.memory_space<vmem>>) target_semaphore(%run_scoped3A : memref<!tpu.dma_semaphore, #tpu.memory_space<semaphore_mem>>)
                %dma_wait3A_969 = tpu.memref_slice %arg2[%multiple_of3A_893] : memref<1280000xf32, #tpu.memory_space<hbm>> -> memref<128xf32, #tpu.memory_space<hbm>>
                %dma_wait3A_970 = tpu.memref_slice %arg2[%multiple_of3A_893] : memref<1280000xf32, #tpu.memory_space<hbm>> -> memref<128xf32, #tpu.memory_space<hbm>>
                tpu.wait_dma2 semaphore(%run_scoped3A : memref<!tpu.dma_semaphore, #tpu.memory_space<semaphore_mem>>) src(%dma_wait3A_970 : memref<128xf32, #tpu.memory_space<hbm>>) dst(%arg39 : memref<128xf32, #tpu.memory_space<vmem>>)
                tpu.yield
              }) : () -> ()
              %get3A_894 = arith.constant 384 : index
              %get3A_895 = tpu.vector_load %arg40[%get3A_894] {strides = array<i32>} : memref<512xf32, #tpu.memory_space<vmem>>, vector<16xf32>,
              %get3A_896 = arith.constant 0 : index
              %get3A_897 = tpu.vector_load %arg39[%get3A_896] {strides = array<i32>} : memref<128xf32, #tpu.memory_space<vmem>>, vector<16xf32>,
              %mul3A_898 = vector.broadcast %convert_element_type3A_890 : f32 to vector<16xf32>
              %mul3A_899 = arith.mulf %mul3A_898, %get3A_897 : vector<16xf32>
              %add3A_900 = arith.addf %get3A_895, %mul3A_899 : vector<16xf32>
              %swap3A_901 = arith.constant 384 : index
              %swap3A_902 = tpu.vector_load %arg40[%swap3A_901] {strides = array<i32>} : memref<512xf32, #tpu.memory_space<vmem>>, vector<16xf32>,
              tpu.vector_store %arg40[%swap3A_901], %add3A_900 {strides = array<i32>} : memref<512xf32, #tpu.memory_space<vmem>>, vector<16xf32>,
              %get3A_903 = arith.constant 400 : index
              %get3A_904 = tpu.vector_load %arg40[%get3A_903] {strides = array<i32>} : memref<512xf32, #tpu.memory_space<vmem>>, vector<16xf32>,
              %get3A_905 = arith.constant 16 : index
              %get3A_906 = tpu.vector_load %arg39[%get3A_905] {strides = array<i32>} : memref<128xf32, #tpu.memory_space<vmem>>, vector<16xf32>,
              %mul3A_907 = vector.broadcast %convert_element_type3A_890 : f32 to vector<16xf32>
              %mul3A_908 = arith.mulf %mul3A_907, %get3A_906 : vector<16xf32>
              %add3A_909 = arith.addf %get3A_904, %mul3A_908 : vector<16xf32>
              %swap3A_910 = arith.constant 400 : index
              %swap3A_911 = tpu.vector_load %arg40[%swap3A_910] {strides = array<i32>} : memref<512xf32, #tpu.memory_space<vmem>>, vector<16xf32>,
              tpu.vector_store %arg40[%swap3A_910], %add3A_909 {strides = array<i32>} : memref<512xf32, #tpu.memory_space<vmem>>, vector<16xf32>,
              %get3A_912 = arith.constant 416 : index
              %get3A_913 = tpu.vector_load %arg40[%get3A_912] {strides = array<i32>} : memref<512xf32, #tpu.memory_space<vmem>>, vector<16xf32>,
              %get3A_914 = arith.constant 32 : index
              %get3A_915 = tpu.vector_load %arg39[%get3A_914] {strides = array<i32>} : memref<128xf32, #tpu.memory_space<vmem>>, vector<16xf32>,
              %mul3A_916 = vector.broadcast %convert_element_type3A_890 : f32 to vector<16xf32>
              %mul3A_917 = arith.mulf %mul3A_916, %get3A_915 : vector<16xf32>
              %add3A_918 = arith.addf %get3A_913, %mul3A_917 : vector<16xf32>
              %swap3A_919 = arith.constant 416 : index
              %swap3A_920 = tpu.vector_load %arg40[%swap3A_919] {strides = array<i32>} : memref<512xf32, #tpu.memory_space<vmem>>, vector<16xf32>,
              tpu.vector_store %arg40[%swap3A_919], %add3A_918 {strides = array<i32>} : memref<512xf32, #tpu.memory_space<vmem>>, vector<16xf32>,
              %get3A_921 = arith.constant 432 : index
              %get3A_922 = tpu.vector_load %arg40[%get3A_921] {strides = array<i32>} : memref<512xf32, #tpu.memory_space<vmem>>, vector<16xf32>,
              %get3A_923 = arith.constant 48 : index
              %get3A_924 = tpu.vector_load %arg39[%get3A_923] {strides = array<i32>} : memref<128xf32, #tpu.memory_space<vmem>>, vector<16xf32>,
              %mul3A_925 = vector.broadcast %convert_element_type3A_890 : f32 to vector<16xf32>
              %mul3A_926 = arith.mulf %mul3A_925, %get3A_924 : vector<16xf32>
              %add3A_927 = arith.addf %get3A_922, %mul3A_926 : vector<16xf32>
              %swap3A_928 = arith.constant 432 : index
              %swap3A_929 = tpu.vector_load %arg40[%swap3A_928] {strides = array<i32>} : memref<512xf32, #tpu.memory_space<vmem>>, vector<16xf32>,
              tpu.vector_store %arg40[%swap3A_928], %add3A_927 {strides = array<i32>} : memref<512xf32, #tpu.memory_space<vmem>>, vector<16xf32>,
              %get3A_930 = arith.constant 448 : index
              %get3A_931 = tpu.vector_load %arg40[%get3A_930] {strides = array<i32>} : memref<512xf32, #tpu.memory_space<vmem>>, vector<16xf32>,
              %get3A_932 = arith.constant 64 : index
              %get3A_933 = tpu.vector_load %arg39[%get3A_932] {strides = array<i32>} : memref<128xf32, #tpu.memory_space<vmem>>, vector<16xf32>,
              %mul3A_934 = vector.broadcast %convert_element_type3A_890 : f32 to vector<16xf32>
              %mul3A_935 = arith.mulf %mul3A_934, %get3A_933 : vector<16xf32>
              %add3A_936 = arith.addf %get3A_931, %mul3A_935 : vector<16xf32>
              %swap3A_937 = arith.constant 448 : index
              %swap3A_938 = tpu.vector_load %arg40[%swap3A_937] {strides = array<i32>} : memref<512xf32, #tpu.memory_space<vmem>>, vector<16xf32>,
              tpu.vector_store %arg40[%swap3A_937], %add3A_936 {strides = array<i32>} : memref<512xf32, #tpu.memory_space<vmem>>, vector<16xf32>,
              %get3A_939 = arith.constant 464 : index
              %get3A_940 = tpu.vector_load %arg40[%get3A_939] {strides = array<i32>} : memref<512xf32, #tpu.memory_space<vmem>>, vector<16xf32>,
              %get3A_941 = arith.constant 80 : index
              %get3A_942 = tpu.vector_load %arg39[%get3A_941] {strides = array<i32>} : memref<128xf32, #tpu.memory_space<vmem>>, vector<16xf32>,
              %mul3A_943 = vector.broadcast %convert_element_type3A_890 : f32 to vector<16xf32>
              %mul3A_944 = arith.mulf %mul3A_943, %get3A_942 : vector<16xf32>
              %add3A_945 = arith.addf %get3A_940, %mul3A_944 : vector<16xf32>
              %swap3A_946 = arith.constant 464 : index
              %swap3A_947 = tpu.vector_load %arg40[%swap3A_946] {strides = array<i32>} : memref<512xf32, #tpu.memory_space<vmem>>, vector<16xf32>,
              tpu.vector_store %arg40[%swap3A_946], %add3A_945 {strides = array<i32>} : memref<512xf32, #tpu.memory_space<vmem>>, vector<16xf32>,
              %get3A_948 = arith.constant 480 : index
              %get3A_949 = tpu.vector_load %arg40[%get3A_948] {strides = array<i32>} : memref<512xf32, #tpu.memory_space<vmem>>, vector<16xf32>,
              %get3A_950 = arith.constant 96 : index
              %get3A_951 = tpu.vector_load %arg39[%get3A_950] {strides = array<i32>} : memref<128xf32, #tpu.memory_space<vmem>>, vector<16xf32>,
              %mul3A_952 = vector.broadcast %convert_element_type3A_890 : f32 to vector<16xf32>
              %mul3A_953 = arith.mulf %mul3A_952, %get3A_951 : vector<16xf32>
              %add3A_954 = arith.addf %get3A_949, %mul3A_953 : vector<16xf32>
              %swap3A_955 = arith.constant 480 : index
              %swap3A_956 = tpu.vector_load %arg40[%swap3A_955] {strides = array<i32>} : memref<512xf32, #tpu.memory_space<vmem>>, vector<16xf32>,
              tpu.vector_store %arg40[%swap3A_955], %add3A_954 {strides = array<i32>} : memref<512xf32, #tpu.memory_space<vmem>>, vector<16xf32>,
              %get3A_957 = arith.constant 496 : index
              %get3A_958 = tpu.vector_load %arg40[%get3A_957] {strides = array<i32>} : memref<512xf32, #tpu.memory_space<vmem>>, vector<16xf32>,
              %get3A_959 = arith.constant 112 : index
              %get3A_960 = tpu.vector_load %arg39[%get3A_959] {strides = array<i32>} : memref<128xf32, #tpu.memory_space<vmem>>, vector<16xf32>,
              %mul3A_961 = vector.broadcast %convert_element_type3A_890 : f32 to vector<16xf32>
              %mul3A_962 = arith.mulf %mul3A_961, %get3A_960 : vector<16xf32>
              %add3A_963 = arith.addf %get3A_958, %mul3A_962 : vector<16xf32>
              %swap3A_964 = arith.constant 496 : index
              %swap3A_965 = tpu.vector_load %arg40[%swap3A_964] {strides = array<i32>} : memref<512xf32, #tpu.memory_space<vmem>>, vector<16xf32>,
              tpu.vector_store %arg40[%swap3A_964], %add3A_963 {strides = array<i32>} : memref<512xf32, #tpu.memory_space<vmem>>, vector<16xf32>,
              %while3A_966 = arith.constant 0 : i32
              scf.yield %while3A_966 : i32
            }
          } else {
          }
          %while3A_859 = arith.constant 0 : i32
          scf.yield %while3A_859 : i32
        }
        %while3A_827 = arith.constant 1 : i32
        %while3A_828 = scf.for %while3A_830 = %while3A_824 to %while3A_820 step %while3A_827 iter_args(%while3A_831 = %while3A_826) -> (i32)  : i32 {
          %mul3A_832 = arith.constant 16 : i32
          %mul3A_833 = arith.muli %while3A_830, %mul3A_832 : i32
          %get3A_834 = arith.index_cast %mul3A_833 : i32 to index
          %get3A_835 = tpu.vector_load %arg23[%get3A_834] {strides = array<i32>} : memref<128xi32, #tpu.memory_space<vmem>>, vector<16xi32>,
          %mul3A_836 = arith.constant 128 : i32
          %mul3A_837 = arith.muli %while3A_807, %mul3A_836 : i32
          %mul3A_838 = arith.constant 16 : i32
          %mul3A_839 = arith.muli %while3A_830, %mul3A_838 : i32
          %add3A_840 = arith.addi %mul3A_837, %mul3A_839 : i32
          %add3A_841 = vector.broadcast %add3A_840 : i32 to vector<16xi32>
          %add3A_842 = arith.addi %add3A_841, %iota3A : vector<16xi32>
          %lt3A_843 = vector.broadcast %squeeze3A_498 : i32 to vector<16xi32>
          %lt3A_844 = arith.cmpi slt, %add3A_842, %lt3A_843 : vector<16xi32>
          %jit3A_845 = arith.constant 0 : i32
          %broadcast_in_dim3A_846 = vector.broadcast %jit3A_845 : i32 to vector<16xi32>
          %select_n3A_847 = arith.select %lt3A_844, %get3A_835, %broadcast_in_dim3A_846 : vector<16xi1>, vector<16xi32>
          %gather3A_848 = tpu.vector_load_idx %arg14[%select_n3A_847] masked %lt3A_844 : memref<10112xi32, #tpu.memory_space<vmem>>[vector<16xi32>], vector<16xi32>, vector<16xi1>
          %gt3A = arith.constant 0 : i32
          %gt3A_849 = vector.broadcast %gt3A : i32 to vector<16xi32>
          %gt3A_850 = arith.cmpi sgt, %gather3A_848, %gt3A_849 : vector<16xi32>
          %and3A_851 = arith.andi %lt3A_844, %gt3A_850 : vector<16xi1>
          %all_reduce_population_count3A = tpu.all_reduce %and3A_851 {dim = 0 : i64, kind = #tpu.reduction_kind<sum>} : vector<16xi1> -> vector<16xi32>
          %slice3A_852 = vector.extract_strided_slice %all_reduce_population_count3A {offsets = [0], sizes = [1], strides = [1]} : vector<16xi32> to vector<1xi32>
          %squeeze3A_853 = vector.extract %slice3A_852[0] : i32 from vector<1xi32>
          %gt3A_854 = arith.constant 0 : i32
          %gt3A_855 = arith.cmpi sgt, %squeeze3A_853, %gt3A_854 : i32
          %convert_element_type3A_856 = arith.extui %gt3A_855 : i1 to i32
          %cond3A_857 = arith.constant 0 : i32
          %cond3A_858 = arith.cmpi ne, %convert_element_type3A_856, %cond3A_857 : i32
          scf.if %cond3A_858 {
            %swap3A_860 = arith.constant 0 : index
            %swap3A_861 = tpu.vector_load %arg29[%swap3A_860] masked %and3A_851 {strides = array<i32>} : memref<16xi32, #tpu.memory_space<vmem>>, vector<16xi32>, vector<16xi1>
            tpu.vector_store %arg29[%swap3A_860], %select_n3A_847 masked %and3A_851 {strides = array<i32>} : memref<16xi32, #tpu.memory_space<vmem>>, vector<16xi32>, vector<16xi1>
            %swap3A_862 = arith.constant 0 : index
            %swap3A_863 = tpu.vector_load %arg28[%swap3A_862] masked %and3A_851 {strides = array<i32>} : memref<16xi32, #tpu.memory_space<vmem>>, vector<16xi32>, vector<16xi1>
            tpu.vector_store %arg28[%swap3A_862], %gather3A_848 masked %and3A_851 {strides = array<i32>} : memref<16xi32, #tpu.memory_space<vmem>>, vector<16xi32>, vector<16xi1>
            %while3A_864 = arith.constant 0 : i32
            %while3A_865 = arith.constant 0 : i32
            %while3A_866 = arith.subi %squeeze3A_853, %while3A_864 : i32
            %while3A_867 = arith.addi %while3A_864, %while3A_866 : i32
            %while3A_868 = arith.constant 1 : i32
            %while3A_869 = arith.divsi %while3A_866, %while3A_868 : i32
            %while3A_870 = arith.muli %while3A_869, %while3A_868 : i32
            %while3A_871 = arith.addi %while3A_864, %while3A_870 : i32
            %while3A_872 = arith.constant 1 : i32
            %while3A_873 = scf.for %while3A_876 = %while3A_864 to %while3A_871 step %while3A_872 iter_args(%while3A_877 = %while3A_865) -> (i32)  : i32 {
              %broadcast_in_dim3A_878 = vector.broadcast %while3A_876 : i32 to vector<16xi32>
              %broadcast_in_dim3A_879 = arith.constant true
              %broadcast_in_dim3A_880 = vector.broadcast %broadcast_in_dim3A_879 : i1 to vector<16xi1>
              %gather3A_881 = tpu.vector_load_idx %arg29[%broadcast_in_dim3A_878] masked %broadcast_in_dim3A_880 : memref<16xi32, #tpu.memory_space<vmem>>[vector<16xi32>], vector<16xi32>, vector<16xi1>
              %slice3A_882 = vector.extract_strided_slice %gather3A_881 {offsets = [0], sizes = [1], strides = [1]} : vector<16xi32> to vector<1xi32>
              %squeeze3A_883 = vector.extract %slice3A_882[0] : i32 from vector<1xi32>
              %broadcast_in_dim3A_884 = vector.broadcast %while3A_876 : i32 to vector<16xi32>
              %broadcast_in_dim3A_885 = arith.constant true
              %broadcast_in_dim3A_886 = vector.broadcast %broadcast_in_dim3A_885 : i1 to vector<16xi1>
              %gather3A_887 = tpu.vector_load_idx %arg28[%broadcast_in_dim3A_884] masked %broadcast_in_dim3A_886 : memref<16xi32, #tpu.memory_space<vmem>>[vector<16xi32>], vector<16xi32>, vector<16xi1>
              %slice3A_888 = vector.extract_strided_slice %gather3A_887 {offsets = [0], sizes = [1], strides = [1]} : vector<16xi32> to vector<1xi32>
              %squeeze3A_889 = vector.extract %slice3A_888[0] : i32 from vector<1xi32>
              %convert_element_type3A_890 = arith.sitofp %squeeze3A_889 : i32 to f32
              %mul3A_891 = arith.constant 128 : i32
              %mul3A_892 = arith.muli %squeeze3A_883, %mul3A_891 : i32
              %multiple_of3A_893 = tpu.assume_multiple %mul3A_892, 8 : i32
              "tpu.region"() ({
                %run_scoped3A = tpu.sem_alloc : memref<!tpu.dma_semaphore, #tpu.memory_space<semaphore_mem>>
                %dma_start3A_967 = tpu.memref_slice %arg2[%multiple_of3A_893] : memref<1280000xf32, #tpu.memory_space<hbm>> -> memref<128xf32, #tpu.memory_space<hbm>>
                %dma_start3A_968 = tpu.memref_slice %arg2[%multiple_of3A_893] : memref<1280000xf32, #tpu.memory_space<hbm>> -> memref<128xf32, #tpu.memory_space<hbm>>
                tpu.enqueue_dma source(%dma_start3A_968 : memref<128xf32, #tpu.memory_space<hbm>>) target(%arg39 : memref<128xf32, #tpu.memory_space<vmem>>) target_semaphore(%run_scoped3A : memref<!tpu.dma_semaphore, #tpu.memory_space<semaphore_mem>>)
                %dma_wait3A_969 = tpu.memref_slice %arg2[%multiple_of3A_893] : memref<1280000xf32, #tpu.memory_space<hbm>> -> memref<128xf32, #tpu.memory_space<hbm>>
                %dma_wait3A_970 = tpu.memref_slice %arg2[%multiple_of3A_893] : memref<1280000xf32, #tpu.memory_space<hbm>> -> memref<128xf32, #tpu.memory_space<hbm>>
                tpu.wait_dma2 semaphore(%run_scoped3A : memref<!tpu.dma_semaphore, #tpu.memory_space<semaphore_mem>>) src(%dma_wait3A_970 : memref<128xf32, #tpu.memory_space<hbm>>) dst(%arg39 : memref<128xf32, #tpu.memory_space<vmem>>)
                tpu.yield
              }) : () -> ()
              %get3A_894 = arith.constant 384 : index
              %get3A_895 = tpu.vector_load %arg40[%get3A_894] {strides = array<i32>} : memref<512xf32, #tpu.memory_space<vmem>>, vector<16xf32>,
              %get3A_896 = arith.constant 0 : index
              %get3A_897 = tpu.vector_load %arg39[%get3A_896] {strides = array<i32>} : memref<128xf32, #tpu.memory_space<vmem>>, vector<16xf32>,
              %mul3A_898 = vector.broadcast %convert_element_type3A_890 : f32 to vector<16xf32>
              %mul3A_899 = arith.mulf %mul3A_898, %get3A_897 : vector<16xf32>
              %add3A_900 = arith.addf %get3A_895, %mul3A_899 : vector<16xf32>
              %swap3A_901 = arith.constant 384 : index
              %swap3A_902 = tpu.vector_load %arg40[%swap3A_901] {strides = array<i32>} : memref<512xf32, #tpu.memory_space<vmem>>, vector<16xf32>,
              tpu.vector_store %arg40[%swap3A_901], %add3A_900 {strides = array<i32>} : memref<512xf32, #tpu.memory_space<vmem>>, vector<16xf32>,
              %get3A_903 = arith.constant 400 : index
              %get3A_904 = tpu.vector_load %arg40[%get3A_903] {strides = array<i32>} : memref<512xf32, #tpu.memory_space<vmem>>, vector<16xf32>,
              %get3A_905 = arith.constant 16 : index
              %get3A_906 = tpu.vector_load %arg39[%get3A_905] {strides = array<i32>} : memref<128xf32, #tpu.memory_space<vmem>>, vector<16xf32>,
              %mul3A_907 = vector.broadcast %convert_element_type3A_890 : f32 to vector<16xf32>
              %mul3A_908 = arith.mulf %mul3A_907, %get3A_906 : vector<16xf32>
              %add3A_909 = arith.addf %get3A_904, %mul3A_908 : vector<16xf32>
              %swap3A_910 = arith.constant 400 : index
              %swap3A_911 = tpu.vector_load %arg40[%swap3A_910] {strides = array<i32>} : memref<512xf32, #tpu.memory_space<vmem>>, vector<16xf32>,
              tpu.vector_store %arg40[%swap3A_910], %add3A_909 {strides = array<i32>} : memref<512xf32, #tpu.memory_space<vmem>>, vector<16xf32>,
              %get3A_912 = arith.constant 416 : index
              %get3A_913 = tpu.vector_load %arg40[%get3A_912] {strides = array<i32>} : memref<512xf32, #tpu.memory_space<vmem>>, vector<16xf32>,
              %get3A_914 = arith.constant 32 : index
              %get3A_915 = tpu.vector_load %arg39[%get3A_914] {strides = array<i32>} : memref<128xf32, #tpu.memory_space<vmem>>, vector<16xf32>,
              %mul3A_916 = vector.broadcast %convert_element_type3A_890 : f32 to vector<16xf32>
              %mul3A_917 = arith.mulf %mul3A_916, %get3A_915 : vector<16xf32>
              %add3A_918 = arith.addf %get3A_913, %mul3A_917 : vector<16xf32>
              %swap3A_919 = arith.constant 416 : index
              %swap3A_920 = tpu.vector_load %arg40[%swap3A_919] {strides = array<i32>} : memref<512xf32, #tpu.memory_space<vmem>>, vector<16xf32>,
              tpu.vector_store %arg40[%swap3A_919], %add3A_918 {strides = array<i32>} : memref<512xf32, #tpu.memory_space<vmem>>, vector<16xf32>,
              %get3A_921 = arith.constant 432 : index
              %get3A_922 = tpu.vector_load %arg40[%get3A_921] {strides = array<i32>} : memref<512xf32, #tpu.memory_space<vmem>>, vector<16xf32>,
              %get3A_923 = arith.constant 48 : index
              %get3A_924 = tpu.vector_load %arg39[%get3A_923] {strides = array<i32>} : memref<128xf32, #tpu.memory_space<vmem>>, vector<16xf32>,
              %mul3A_925 = vector.broadcast %convert_element_type3A_890 : f32 to vector<16xf32>
              %mul3A_926 = arith.mulf %mul3A_925, %get3A_924 : vector<16xf32>
              %add3A_927 = arith.addf %get3A_922, %mul3A_926 : vector<16xf32>
              %swap3A_928 = arith.constant 432 : index
              %swap3A_929 = tpu.vector_load %arg40[%swap3A_928] {strides = array<i32>} : memref<512xf32, #tpu.memory_space<vmem>>, vector<16xf32>,
              tpu.vector_store %arg40[%swap3A_928], %add3A_927 {strides = array<i32>} : memref<512xf32, #tpu.memory_space<vmem>>, vector<16xf32>,
              %get3A_930 = arith.constant 448 : index
              %get3A_931 = tpu.vector_load %arg40[%get3A_930] {strides = array<i32>} : memref<512xf32, #tpu.memory_space<vmem>>, vector<16xf32>,
              %get3A_932 = arith.constant 64 : index
              %get3A_933 = tpu.vector_load %arg39[%get3A_932] {strides = array<i32>} : memref<128xf32, #tpu.memory_space<vmem>>, vector<16xf32>,
              %mul3A_934 = vector.broadcast %convert_element_type3A_890 : f32 to vector<16xf32>
              %mul3A_935 = arith.mulf %mul3A_934, %get3A_933 : vector<16xf32>
              %add3A_936 = arith.addf %get3A_931, %mul3A_935 : vector<16xf32>
              %swap3A_937 = arith.constant 448 : index
              %swap3A_938 = tpu.vector_load %arg40[%swap3A_937] {strides = array<i32>} : memref<512xf32, #tpu.memory_space<vmem>>, vector<16xf32>,
              tpu.vector_store %arg40[%swap3A_937], %add3A_936 {strides = array<i32>} : memref<512xf32, #tpu.memory_space<vmem>>, vector<16xf32>,
              %get3A_939 = arith.constant 464 : index
              %get3A_940 = tpu.vector_load %arg40[%get3A_939] {strides = array<i32>} : memref<512xf32, #tpu.memory_space<vmem>>, vector<16xf32>,
              %get3A_941 = arith.constant 80 : index
              %get3A_942 = tpu.vector_load %arg39[%get3A_941] {strides = array<i32>} : memref<128xf32, #tpu.memory_space<vmem>>, vector<16xf32>,
              %mul3A_943 = vector.broadcast %convert_element_type3A_890 : f32 to vector<16xf32>
              %mul3A_944 = arith.mulf %mul3A_943, %get3A_942 : vector<16xf32>
              %add3A_945 = arith.addf %get3A_940, %mul3A_944 : vector<16xf32>
              %swap3A_946 = arith.constant 464 : index
              %swap3A_947 = tpu.vector_load %arg40[%swap3A_946] {strides = array<i32>} : memref<512xf32, #tpu.memory_space<vmem>>, vector<16xf32>,
              tpu.vector_store %arg40[%swap3A_946], %add3A_945 {strides = array<i32>} : memref<512xf32, #tpu.memory_space<vmem>>, vector<16xf32>,
              %get3A_948 = arith.constant 480 : index
              %get3A_949 = tpu.vector_load %arg40[%get3A_948] {strides = array<i32>} : memref<512xf32, #tpu.memory_space<vmem>>, vector<16xf32>,
              %get3A_950 = arith.constant 96 : index
              %get3A_951 = tpu.vector_load %arg39[%get3A_950] {strides = array<i32>} : memref<128xf32, #tpu.memory_space<vmem>>, vector<16xf32>,
              %mul3A_952 = vector.broadcast %convert_element_type3A_890 : f32 to vector<16xf32>
              %mul3A_953 = arith.mulf %mul3A_952, %get3A_951 : vector<16xf32>
              %add3A_954 = arith.addf %get3A_949, %mul3A_953 : vector<16xf32>
              %swap3A_955 = arith.constant 480 : index
              %swap3A_956 = tpu.vector_load %arg40[%swap3A_955] {strides = array<i32>} : memref<512xf32, #tpu.memory_space<vmem>>, vector<16xf32>,
              tpu.vector_store %arg40[%swap3A_955], %add3A_954 {strides = array<i32>} : memref<512xf32, #tpu.memory_space<vmem>>, vector<16xf32>,
              %get3A_957 = arith.constant 496 : index
              %get3A_958 = tpu.vector_load %arg40[%get3A_957] {strides = array<i32>} : memref<512xf32, #tpu.memory_space<vmem>>, vector<16xf32>,
              %get3A_959 = arith.constant 112 : index
              %get3A_960 = tpu.vector_load %arg39[%get3A_959] {strides = array<i32>} : memref<128xf32, #tpu.memory_space<vmem>>, vector<16xf32>,
              %mul3A_961 = vector.broadcast %convert_element_type3A_890 : f32 to vector<16xf32>
              %mul3A_962 = arith.mulf %mul3A_961, %get3A_960 : vector<16xf32>
              %add3A_963 = arith.addf %get3A_958, %mul3A_962 : vector<16xf32>
              %swap3A_964 = arith.constant 496 : index
              %swap3A_965 = tpu.vector_load %arg40[%swap3A_964] {strides = array<i32>} : memref<512xf32, #tpu.memory_space<vmem>>, vector<16xf32>,
              tpu.vector_store %arg40[%swap3A_964], %add3A_963 {strides = array<i32>} : memref<512xf32, #tpu.memory_space<vmem>>, vector<16xf32>,
              %while3A_966 = arith.constant 0 : i32
              scf.yield %while3A_966 : i32
            }
            %while3A_874 = arith.constant 1 : i32
            %while3A_875 = scf.for %while3A_876 = %while3A_871 to %while3A_867 step %while3A_874 iter_args(%while3A_877 = %while3A_873) -> (i32)  : i32 {
              %broadcast_in_dim3A_878 = vector.broadcast %while3A_876 : i32 to vector<16xi32>
              %broadcast_in_dim3A_879 = arith.constant true
              %broadcast_in_dim3A_880 = vector.broadcast %broadcast_in_dim3A_879 : i1 to vector<16xi1>
              %gather3A_881 = tpu.vector_load_idx %arg29[%broadcast_in_dim3A_878] masked %broadcast_in_dim3A_880 : memref<16xi32, #tpu.memory_space<vmem>>[vector<16xi32>], vector<16xi32>, vector<16xi1>
              %slice3A_882 = vector.extract_strided_slice %gather3A_881 {offsets = [0], sizes = [1], strides = [1]} : vector<16xi32> to vector<1xi32>
              %squeeze3A_883 = vector.extract %slice3A_882[0] : i32 from vector<1xi32>
              %broadcast_in_dim3A_884 = vector.broadcast %while3A_876 : i32 to vector<16xi32>
              %broadcast_in_dim3A_885 = arith.constant true
              %broadcast_in_dim3A_886 = vector.broadcast %broadcast_in_dim3A_885 : i1 to vector<16xi1>
              %gather3A_887 = tpu.vector_load_idx %arg28[%broadcast_in_dim3A_884] masked %broadcast_in_dim3A_886 : memref<16xi32, #tpu.memory_space<vmem>>[vector<16xi32>], vector<16xi32>, vector<16xi1>
              %slice3A_888 = vector.extract_strided_slice %gather3A_887 {offsets = [0], sizes = [1], strides = [1]} : vector<16xi32> to vector<1xi32>
              %squeeze3A_889 = vector.extract %slice3A_888[0] : i32 from vector<1xi32>
              %convert_element_type3A_890 = arith.sitofp %squeeze3A_889 : i32 to f32
              %mul3A_891 = arith.constant 128 : i32
              %mul3A_892 = arith.muli %squeeze3A_883, %mul3A_891 : i32
              %multiple_of3A_893 = tpu.assume_multiple %mul3A_892, 8 : i32
              "tpu.region"() ({
                %run_scoped3A = tpu.sem_alloc : memref<!tpu.dma_semaphore, #tpu.memory_space<semaphore_mem>>
                %dma_start3A_967 = tpu.memref_slice %arg2[%multiple_of3A_893] : memref<1280000xf32, #tpu.memory_space<hbm>> -> memref<128xf32, #tpu.memory_space<hbm>>
                %dma_start3A_968 = tpu.memref_slice %arg2[%multiple_of3A_893] : memref<1280000xf32, #tpu.memory_space<hbm>> -> memref<128xf32, #tpu.memory_space<hbm>>
                tpu.enqueue_dma source(%dma_start3A_968 : memref<128xf32, #tpu.memory_space<hbm>>) target(%arg39 : memref<128xf32, #tpu.memory_space<vmem>>) target_semaphore(%run_scoped3A : memref<!tpu.dma_semaphore, #tpu.memory_space<semaphore_mem>>)
                %dma_wait3A_969 = tpu.memref_slice %arg2[%multiple_of3A_893] : memref<1280000xf32, #tpu.memory_space<hbm>> -> memref<128xf32, #tpu.memory_space<hbm>>
                %dma_wait3A_970 = tpu.memref_slice %arg2[%multiple_of3A_893] : memref<1280000xf32, #tpu.memory_space<hbm>> -> memref<128xf32, #tpu.memory_space<hbm>>
                tpu.wait_dma2 semaphore(%run_scoped3A : memref<!tpu.dma_semaphore, #tpu.memory_space<semaphore_mem>>) src(%dma_wait3A_970 : memref<128xf32, #tpu.memory_space<hbm>>) dst(%arg39 : memref<128xf32, #tpu.memory_space<vmem>>)
                tpu.yield
              }) : () -> ()
              %get3A_894 = arith.constant 384 : index
              %get3A_895 = tpu.vector_load %arg40[%get3A_894] {strides = array<i32>} : memref<512xf32, #tpu.memory_space<vmem>>, vector<16xf32>,
              %get3A_896 = arith.constant 0 : index
              %get3A_897 = tpu.vector_load %arg39[%get3A_896] {strides = array<i32>} : memref<128xf32, #tpu.memory_space<vmem>>, vector<16xf32>,
              %mul3A_898 = vector.broadcast %convert_element_type3A_890 : f32 to vector<16xf32>
              %mul3A_899 = arith.mulf %mul3A_898, %get3A_897 : vector<16xf32>
              %add3A_900 = arith.addf %get3A_895, %mul3A_899 : vector<16xf32>
              %swap3A_901 = arith.constant 384 : index
              %swap3A_902 = tpu.vector_load %arg40[%swap3A_901] {strides = array<i32>} : memref<512xf32, #tpu.memory_space<vmem>>, vector<16xf32>,
              tpu.vector_store %arg40[%swap3A_901], %add3A_900 {strides = array<i32>} : memref<512xf32, #tpu.memory_space<vmem>>, vector<16xf32>,
              %get3A_903 = arith.constant 400 : index
              %get3A_904 = tpu.vector_load %arg40[%get3A_903] {strides = array<i32>} : memref<512xf32, #tpu.memory_space<vmem>>, vector<16xf32>,
              %get3A_905 = arith.constant 16 : index
              %get3A_906 = tpu.vector_load %arg39[%get3A_905] {strides = array<i32>} : memref<128xf32, #tpu.memory_space<vmem>>, vector<16xf32>,
              %mul3A_907 = vector.broadcast %convert_element_type3A_890 : f32 to vector<16xf32>
              %mul3A_908 = arith.mulf %mul3A_907, %get3A_906 : vector<16xf32>
              %add3A_909 = arith.addf %get3A_904, %mul3A_908 : vector<16xf32>
              %swap3A_910 = arith.constant 400 : index
              %swap3A_911 = tpu.vector_load %arg40[%swap3A_910] {strides = array<i32>} : memref<512xf32, #tpu.memory_space<vmem>>, vector<16xf32>,
              tpu.vector_store %arg40[%swap3A_910], %add3A_909 {strides = array<i32>} : memref<512xf32, #tpu.memory_space<vmem>>, vector<16xf32>,
              %get3A_912 = arith.constant 416 : index
              %get3A_913 = tpu.vector_load %arg40[%get3A_912] {strides = array<i32>} : memref<512xf32, #tpu.memory_space<vmem>>, vector<16xf32>,
              %get3A_914 = arith.constant 32 : index
              %get3A_915 = tpu.vector_load %arg39[%get3A_914] {strides = array<i32>} : memref<128xf32, #tpu.memory_space<vmem>>, vector<16xf32>,
              %mul3A_916 = vector.broadcast %convert_element_type3A_890 : f32 to vector<16xf32>
              %mul3A_917 = arith.mulf %mul3A_916, %get3A_915 : vector<16xf32>
              %add3A_918 = arith.addf %get3A_913, %mul3A_917 : vector<16xf32>
              %swap3A_919 = arith.constant 416 : index
              %swap3A_920 = tpu.vector_load %arg40[%swap3A_919] {strides = array<i32>} : memref<512xf32, #tpu.memory_space<vmem>>, vector<16xf32>,
              tpu.vector_store %arg40[%swap3A_919], %add3A_918 {strides = array<i32>} : memref<512xf32, #tpu.memory_space<vmem>>, vector<16xf32>,
              %get3A_921 = arith.constant 432 : index
              %get3A_922 = tpu.vector_load %arg40[%get3A_921] {strides = array<i32>} : memref<512xf32, #tpu.memory_space<vmem>>, vector<16xf32>,
              %get3A_923 = arith.constant 48 : index
              %get3A_924 = tpu.vector_load %arg39[%get3A_923] {strides = array<i32>} : memref<128xf32, #tpu.memory_space<vmem>>, vector<16xf32>,
              %mul3A_925 = vector.broadcast %convert_element_type3A_890 : f32 to vector<16xf32>
              %mul3A_926 = arith.mulf %mul3A_925, %get3A_924 : vector<16xf32>
              %add3A_927 = arith.addf %get3A_922, %mul3A_926 : vector<16xf32>
              %swap3A_928 = arith.constant 432 : index
              %swap3A_929 = tpu.vector_load %arg40[%swap3A_928] {strides = array<i32>} : memref<512xf32, #tpu.memory_space<vmem>>, vector<16xf32>,
              tpu.vector_store %arg40[%swap3A_928], %add3A_927 {strides = array<i32>} : memref<512xf32, #tpu.memory_space<vmem>>, vector<16xf32>,
              %get3A_930 = arith.constant 448 : index
              %get3A_931 = tpu.vector_load %arg40[%get3A_930] {strides = array<i32>} : memref<512xf32, #tpu.memory_space<vmem>>, vector<16xf32>,
              %get3A_932 = arith.constant 64 : index
              %get3A_933 = tpu.vector_load %arg39[%get3A_932] {strides = array<i32>} : memref<128xf32, #tpu.memory_space<vmem>>, vector<16xf32>,
              %mul3A_934 = vector.broadcast %convert_element_type3A_890 : f32 to vector<16xf32>
              %mul3A_935 = arith.mulf %mul3A_934, %get3A_933 : vector<16xf32>
              %add3A_936 = arith.addf %get3A_931, %mul3A_935 : vector<16xf32>
              %swap3A_937 = arith.constant 448 : index
              %swap3A_938 = tpu.vector_load %arg40[%swap3A_937] {strides = array<i32>} : memref<512xf32, #tpu.memory_space<vmem>>, vector<16xf32>,
              tpu.vector_store %arg40[%swap3A_937], %add3A_936 {strides = array<i32>} : memref<512xf32, #tpu.memory_space<vmem>>, vector<16xf32>,
              %get3A_939 = arith.constant 464 : index
              %get3A_940 = tpu.vector_load %arg40[%get3A_939] {strides = array<i32>} : memref<512xf32, #tpu.memory_space<vmem>>, vector<16xf32>,
              %get3A_941 = arith.constant 80 : index
              %get3A_942 = tpu.vector_load %arg39[%get3A_941] {strides = array<i32>} : memref<128xf32, #tpu.memory_space<vmem>>, vector<16xf32>,
              %mul3A_943 = vector.broadcast %convert_element_type3A_890 : f32 to vector<16xf32>
              %mul3A_944 = arith.mulf %mul3A_943, %get3A_942 : vector<16xf32>
              %add3A_945 = arith.addf %get3A_940, %mul3A_944 : vector<16xf32>
              %swap3A_946 = arith.constant 464 : index
              %swap3A_947 = tpu.vector_load %arg40[%swap3A_946] {strides = array<i32>} : memref<512xf32, #tpu.memory_space<vmem>>, vector<16xf32>,
              tpu.vector_store %arg40[%swap3A_946], %add3A_945 {strides = array<i32>} : memref<512xf32, #tpu.memory_space<vmem>>, vector<16xf32>,
              %get3A_948 = arith.constant 480 : index
              %get3A_949 = tpu.vector_load %arg40[%get3A_948] {strides = array<i32>} : memref<512xf32, #tpu.memory_space<vmem>>, vector<16xf32>,
              %get3A_950 = arith.constant 96 : index
              %get3A_951 = tpu.vector_load %arg39[%get3A_950] {strides = array<i32>} : memref<128xf32, #tpu.memory_space<vmem>>, vector<16xf32>,
              %mul3A_952 = vector.broadcast %convert_element_type3A_890 : f32 to vector<16xf32>
              %mul3A_953 = arith.mulf %mul3A_952, %get3A_951 : vector<16xf32>
              %add3A_954 = arith.addf %get3A_949, %mul3A_953 : vector<16xf32>
              %swap3A_955 = arith.constant 480 : index
              %swap3A_956 = tpu.vector_load %arg40[%swap3A_955] {strides = array<i32>} : memref<512xf32, #tpu.memory_space<vmem>>, vector<16xf32>,
              tpu.vector_store %arg40[%swap3A_955], %add3A_954 {strides = array<i32>} : memref<512xf32, #tpu.memory_space<vmem>>, vector<16xf32>,
              %get3A_957 = arith.constant 496 : index
              %get3A_958 = tpu.vector_load %arg40[%get3A_957] {strides = array<i32>} : memref<512xf32, #tpu.memory_space<vmem>>, vector<16xf32>,
              %get3A_959 = arith.constant 112 : index
              %get3A_960 = tpu.vector_load %arg39[%get3A_959] {strides = array<i32>} : memref<128xf32, #tpu.memory_space<vmem>>, vector<16xf32>,
              %mul3A_961 = vector.broadcast %convert_element_type3A_890 : f32 to vector<16xf32>
              %mul3A_962 = arith.mulf %mul3A_961, %get3A_960 : vector<16xf32>
              %add3A_963 = arith.addf %get3A_958, %mul3A_962 : vector<16xf32>
              %swap3A_964 = arith.constant 496 : index
              %swap3A_965 = tpu.vector_load %arg40[%swap3A_964] {strides = array<i32>} : memref<512xf32, #tpu.memory_space<vmem>>, vector<16xf32>,
              tpu.vector_store %arg40[%swap3A_964], %add3A_963 {strides = array<i32>} : memref<512xf32, #tpu.memory_space<vmem>>, vector<16xf32>,
              %while3A_966 = arith.constant 0 : i32
              scf.yield %while3A_966 : i32
            }
          } else {
          }
          %while3A_859 = arith.constant 0 : i32
          scf.yield %while3A_859 : i32
        }
        %while3A_829 = arith.constant 0 : i32
        scf.yield %while3A_829 : i32
      }
      %while3A_662 = arith.constant 1 : i32
      %while3A_663 = scf.for %while3A_807 = %while3A_659 to %while3A_655 step %while3A_662 iter_args(%while3A_808 = %while3A_661) -> (i32)  : i32 {
        %mul3A_809 = arith.constant 128 : i32
        %mul3A_810 = arith.muli %while3A_807, %mul3A_809 : i32
        %add3A_811 = arith.addi %squeeze3A_492, %mul3A_810 : i32
        %multiple_of3A_812 = tpu.assume_multiple %add3A_811, 8 : i32
        "tpu.region"() ({
          %run_scoped3A = tpu.sem_alloc : memref<!tpu.dma_semaphore, #tpu.memory_space<semaphore_mem>>
          %dma_start3A_830 = tpu.memref_slice %arg7[%multiple_of3A_812] : memref<656640xi32, #tpu.memory_space<vmem_shared>> -> memref<128xi32, #tpu.memory_space<vmem_shared>>
          %dma_start3A_831 = tpu.memref_slice %arg7[%multiple_of3A_812] : memref<656640xi32, #tpu.memory_space<vmem_shared>> -> memref<128xi32, #tpu.memory_space<vmem_shared>>
          tpu.enqueue_dma source(%dma_start3A_831 : memref<128xi32, #tpu.memory_space<vmem_shared>>) target(%arg23 : memref<128xi32, #tpu.memory_space<vmem>>) target_semaphore(%run_scoped3A : memref<!tpu.dma_semaphore, #tpu.memory_space<semaphore_mem>>)
          %dma_wait3A_832 = tpu.memref_slice %arg7[%multiple_of3A_812] : memref<656640xi32, #tpu.memory_space<vmem_shared>> -> memref<128xi32, #tpu.memory_space<vmem_shared>>
          %dma_wait3A_833 = tpu.memref_slice %arg7[%multiple_of3A_812] : memref<656640xi32, #tpu.memory_space<vmem_shared>> -> memref<128xi32, #tpu.memory_space<vmem_shared>>
          tpu.wait_dma2 semaphore(%run_scoped3A : memref<!tpu.dma_semaphore, #tpu.memory_space<semaphore_mem>>) src(%dma_wait3A_833 : memref<128xi32, #tpu.memory_space<vmem_shared>>) dst(%arg23 : memref<128xi32, #tpu.memory_space<vmem>>)
          tpu.yield
        }) : () -> ()
        %mul3A_813 = arith.constant 8 : i32
        %mul3A_814 = arith.muli %while3A_807, %mul3A_813 : i32
        %sub3A_815 = arith.subi %select_n3A_580, %mul3A_814 : i32
        %min3A = arith.constant 8 : i32
        %min3A_816 = arith.minsi %min3A, %sub3A_815 : i32
        %while3A_817 = arith.constant 0 : i32
        %while3A_818 = arith.constant 0 : i32
        %while3A_819 = arith.subi %min3A_816, %while3A_817 : i32
        %while3A_820 = arith.addi %while3A_817, %while3A_819 : i32
        %while3A_821 = arith.constant 1 : i32
        %while3A_822 = arith.divsi %while3A_819, %while3A_821 : i32
        %while3A_823 = arith.muli %while3A_822, %while3A_821 : i32
        %while3A_824 = arith.addi %while3A_817, %while3A_823 : i32
        %while3A_825 = arith.constant 1 : i32
        %while3A_826 = scf.for %while3A_830 = %while3A_817 to %while3A_824 step %while3A_825 iter_args(%while3A_831 = %while3A_818) -> (i32)  : i32 {
          %mul3A_832 = arith.constant 16 : i32
          %mul3A_833 = arith.muli %while3A_830, %mul3A_832 : i32
          %get3A_834 = arith.index_cast %mul3A_833 : i32 to index
          %get3A_835 = tpu.vector_load %arg23[%get3A_834] {strides = array<i32>} : memref<128xi32, #tpu.memory_space<vmem>>, vector<16xi32>,
          %mul3A_836 = arith.constant 128 : i32
          %mul3A_837 = arith.muli %while3A_807, %mul3A_836 : i32
          %mul3A_838 = arith.constant 16 : i32
          %mul3A_839 = arith.muli %while3A_830, %mul3A_838 : i32
          %add3A_840 = arith.addi %mul3A_837, %mul3A_839 : i32
          %add3A_841 = vector.broadcast %add3A_840 : i32 to vector<16xi32>
          %add3A_842 = arith.addi %add3A_841, %iota3A : vector<16xi32>
          %lt3A_843 = vector.broadcast %squeeze3A_498 : i32 to vector<16xi32>
          %lt3A_844 = arith.cmpi slt, %add3A_842, %lt3A_843 : vector<16xi32>
          %jit3A_845 = arith.constant 0 : i32
          %broadcast_in_dim3A_846 = vector.broadcast %jit3A_845 : i32 to vector<16xi32>
          %select_n3A_847 = arith.select %lt3A_844, %get3A_835, %broadcast_in_dim3A_846 : vector<16xi1>, vector<16xi32>
          %gather3A_848 = tpu.vector_load_idx %arg14[%select_n3A_847] masked %lt3A_844 : memref<10112xi32, #tpu.memory_space<vmem>>[vector<16xi32>], vector<16xi32>, vector<16xi1>
          %gt3A = arith.constant 0 : i32
          %gt3A_849 = vector.broadcast %gt3A : i32 to vector<16xi32>
          %gt3A_850 = arith.cmpi sgt, %gather3A_848, %gt3A_849 : vector<16xi32>
          %and3A_851 = arith.andi %lt3A_844, %gt3A_850 : vector<16xi1>
          %all_reduce_population_count3A = tpu.all_reduce %and3A_851 {dim = 0 : i64, kind = #tpu.reduction_kind<sum>} : vector<16xi1> -> vector<16xi32>
          %slice3A_852 = vector.extract_strided_slice %all_reduce_population_count3A {offsets = [0], sizes = [1], strides = [1]} : vector<16xi32> to vector<1xi32>
          %squeeze3A_853 = vector.extract %slice3A_852[0] : i32 from vector<1xi32>
          %gt3A_854 = arith.constant 0 : i32
          %gt3A_855 = arith.cmpi sgt, %squeeze3A_853, %gt3A_854 : i32
          %convert_element_type3A_856 = arith.extui %gt3A_855 : i1 to i32
          %cond3A_857 = arith.constant 0 : i32
          %cond3A_858 = arith.cmpi ne, %convert_element_type3A_856, %cond3A_857 : i32
          scf.if %cond3A_858 {
            %swap3A_860 = arith.constant 0 : index
            %swap3A_861 = tpu.vector_load %arg29[%swap3A_860] masked %and3A_851 {strides = array<i32>} : memref<16xi32, #tpu.memory_space<vmem>>, vector<16xi32>, vector<16xi1>
            tpu.vector_store %arg29[%swap3A_860], %select_n3A_847 masked %and3A_851 {strides = array<i32>} : memref<16xi32, #tpu.memory_space<vmem>>, vector<16xi32>, vector<16xi1>
            %swap3A_862 = arith.constant 0 : index
            %swap3A_863 = tpu.vector_load %arg28[%swap3A_862] masked %and3A_851 {strides = array<i32>} : memref<16xi32, #tpu.memory_space<vmem>>, vector<16xi32>, vector<16xi1>
            tpu.vector_store %arg28[%swap3A_862], %gather3A_848 masked %and3A_851 {strides = array<i32>} : memref<16xi32, #tpu.memory_space<vmem>>, vector<16xi32>, vector<16xi1>
            %while3A_864 = arith.constant 0 : i32
            %while3A_865 = arith.constant 0 : i32
            %while3A_866 = arith.subi %squeeze3A_853, %while3A_864 : i32
            %while3A_867 = arith.addi %while3A_864, %while3A_866 : i32
            %while3A_868 = arith.constant 1 : i32
            %while3A_869 = arith.divsi %while3A_866, %while3A_868 : i32
            %while3A_870 = arith.muli %while3A_869, %while3A_868 : i32
            %while3A_871 = arith.addi %while3A_864, %while3A_870 : i32
            %while3A_872 = arith.constant 1 : i32
            %while3A_873 = scf.for %while3A_876 = %while3A_864 to %while3A_871 step %while3A_872 iter_args(%while3A_877 = %while3A_865) -> (i32)  : i32 {
              %broadcast_in_dim3A_878 = vector.broadcast %while3A_876 : i32 to vector<16xi32>
              %broadcast_in_dim3A_879 = arith.constant true
              %broadcast_in_dim3A_880 = vector.broadcast %broadcast_in_dim3A_879 : i1 to vector<16xi1>
              %gather3A_881 = tpu.vector_load_idx %arg29[%broadcast_in_dim3A_878] masked %broadcast_in_dim3A_880 : memref<16xi32, #tpu.memory_space<vmem>>[vector<16xi32>], vector<16xi32>, vector<16xi1>
              %slice3A_882 = vector.extract_strided_slice %gather3A_881 {offsets = [0], sizes = [1], strides = [1]} : vector<16xi32> to vector<1xi32>
              %squeeze3A_883 = vector.extract %slice3A_882[0] : i32 from vector<1xi32>
              %broadcast_in_dim3A_884 = vector.broadcast %while3A_876 : i32 to vector<16xi32>
              %broadcast_in_dim3A_885 = arith.constant true
              %broadcast_in_dim3A_886 = vector.broadcast %broadcast_in_dim3A_885 : i1 to vector<16xi1>
              %gather3A_887 = tpu.vector_load_idx %arg28[%broadcast_in_dim3A_884] masked %broadcast_in_dim3A_886 : memref<16xi32, #tpu.memory_space<vmem>>[vector<16xi32>], vector<16xi32>, vector<16xi1>
              %slice3A_888 = vector.extract_strided_slice %gather3A_887 {offsets = [0], sizes = [1], strides = [1]} : vector<16xi32> to vector<1xi32>
              %squeeze3A_889 = vector.extract %slice3A_888[0] : i32 from vector<1xi32>
              %convert_element_type3A_890 = arith.sitofp %squeeze3A_889 : i32 to f32
              %mul3A_891 = arith.constant 128 : i32
              %mul3A_892 = arith.muli %squeeze3A_883, %mul3A_891 : i32
              %multiple_of3A_893 = tpu.assume_multiple %mul3A_892, 8 : i32
              "tpu.region"() ({
                %run_scoped3A = tpu.sem_alloc : memref<!tpu.dma_semaphore, #tpu.memory_space<semaphore_mem>>
                %dma_start3A_967 = tpu.memref_slice %arg2[%multiple_of3A_893] : memref<1280000xf32, #tpu.memory_space<hbm>> -> memref<128xf32, #tpu.memory_space<hbm>>
                %dma_start3A_968 = tpu.memref_slice %arg2[%multiple_of3A_893] : memref<1280000xf32, #tpu.memory_space<hbm>> -> memref<128xf32, #tpu.memory_space<hbm>>
                tpu.enqueue_dma source(%dma_start3A_968 : memref<128xf32, #tpu.memory_space<hbm>>) target(%arg39 : memref<128xf32, #tpu.memory_space<vmem>>) target_semaphore(%run_scoped3A : memref<!tpu.dma_semaphore, #tpu.memory_space<semaphore_mem>>)
                %dma_wait3A_969 = tpu.memref_slice %arg2[%multiple_of3A_893] : memref<1280000xf32, #tpu.memory_space<hbm>> -> memref<128xf32, #tpu.memory_space<hbm>>
                %dma_wait3A_970 = tpu.memref_slice %arg2[%multiple_of3A_893] : memref<1280000xf32, #tpu.memory_space<hbm>> -> memref<128xf32, #tpu.memory_space<hbm>>
                tpu.wait_dma2 semaphore(%run_scoped3A : memref<!tpu.dma_semaphore, #tpu.memory_space<semaphore_mem>>) src(%dma_wait3A_970 : memref<128xf32, #tpu.memory_space<hbm>>) dst(%arg39 : memref<128xf32, #tpu.memory_space<vmem>>)
                tpu.yield
              }) : () -> ()
              %get3A_894 = arith.constant 384 : index
              %get3A_895 = tpu.vector_load %arg40[%get3A_894] {strides = array<i32>} : memref<512xf32, #tpu.memory_space<vmem>>, vector<16xf32>,
              %get3A_896 = arith.constant 0 : index
              %get3A_897 = tpu.vector_load %arg39[%get3A_896] {strides = array<i32>} : memref<128xf32, #tpu.memory_space<vmem>>, vector<16xf32>,
              %mul3A_898 = vector.broadcast %convert_element_type3A_890 : f32 to vector<16xf32>
              %mul3A_899 = arith.mulf %mul3A_898, %get3A_897 : vector<16xf32>
              %add3A_900 = arith.addf %get3A_895, %mul3A_899 : vector<16xf32>
              %swap3A_901 = arith.constant 384 : index
              %swap3A_902 = tpu.vector_load %arg40[%swap3A_901] {strides = array<i32>} : memref<512xf32, #tpu.memory_space<vmem>>, vector<16xf32>,
              tpu.vector_store %arg40[%swap3A_901], %add3A_900 {strides = array<i32>} : memref<512xf32, #tpu.memory_space<vmem>>, vector<16xf32>,
              %get3A_903 = arith.constant 400 : index
              %get3A_904 = tpu.vector_load %arg40[%get3A_903] {strides = array<i32>} : memref<512xf32, #tpu.memory_space<vmem>>, vector<16xf32>,
              %get3A_905 = arith.constant 16 : index
              %get3A_906 = tpu.vector_load %arg39[%get3A_905] {strides = array<i32>} : memref<128xf32, #tpu.memory_space<vmem>>, vector<16xf32>,
              %mul3A_907 = vector.broadcast %convert_element_type3A_890 : f32 to vector<16xf32>
              %mul3A_908 = arith.mulf %mul3A_907, %get3A_906 : vector<16xf32>
              %add3A_909 = arith.addf %get3A_904, %mul3A_908 : vector<16xf32>
              %swap3A_910 = arith.constant 400 : index
              %swap3A_911 = tpu.vector_load %arg40[%swap3A_910] {strides = array<i32>} : memref<512xf32, #tpu.memory_space<vmem>>, vector<16xf32>,
              tpu.vector_store %arg40[%swap3A_910], %add3A_909 {strides = array<i32>} : memref<512xf32, #tpu.memory_space<vmem>>, vector<16xf32>,
              %get3A_912 = arith.constant 416 : index
              %get3A_913 = tpu.vector_load %arg40[%get3A_912] {strides = array<i32>} : memref<512xf32, #tpu.memory_space<vmem>>, vector<16xf32>,
              %get3A_914 = arith.constant 32 : index
              %get3A_915 = tpu.vector_load %arg39[%get3A_914] {strides = array<i32>} : memref<128xf32, #tpu.memory_space<vmem>>, vector<16xf32>,
              %mul3A_916 = vector.broadcast %convert_element_type3A_890 : f32 to vector<16xf32>
              %mul3A_917 = arith.mulf %mul3A_916, %get3A_915 : vector<16xf32>
              %add3A_918 = arith.addf %get3A_913, %mul3A_917 : vector<16xf32>
              %swap3A_919 = arith.constant 416 : index
              %swap3A_920 = tpu.vector_load %arg40[%swap3A_919] {strides = array<i32>} : memref<512xf32, #tpu.memory_space<vmem>>, vector<16xf32>,
              tpu.vector_store %arg40[%swap3A_919], %add3A_918 {strides = array<i32>} : memref<512xf32, #tpu.memory_space<vmem>>, vector<16xf32>,
              %get3A_921 = arith.constant 432 : index
              %get3A_922 = tpu.vector_load %arg40[%get3A_921] {strides = array<i32>} : memref<512xf32, #tpu.memory_space<vmem>>, vector<16xf32>,
              %get3A_923 = arith.constant 48 : index
              %get3A_924 = tpu.vector_load %arg39[%get3A_923] {strides = array<i32>} : memref<128xf32, #tpu.memory_space<vmem>>, vector<16xf32>,
              %mul3A_925 = vector.broadcast %convert_element_type3A_890 : f32 to vector<16xf32>
              %mul3A_926 = arith.mulf %mul3A_925, %get3A_924 : vector<16xf32>
              %add3A_927 = arith.addf %get3A_922, %mul3A_926 : vector<16xf32>
              %swap3A_928 = arith.constant 432 : index
              %swap3A_929 = tpu.vector_load %arg40[%swap3A_928] {strides = array<i32>} : memref<512xf32, #tpu.memory_space<vmem>>, vector<16xf32>,
              tpu.vector_store %arg40[%swap3A_928], %add3A_927 {strides = array<i32>} : memref<512xf32, #tpu.memory_space<vmem>>, vector<16xf32>,
              %get3A_930 = arith.constant 448 : index
              %get3A_931 = tpu.vector_load %arg40[%get3A_930] {strides = array<i32>} : memref<512xf32, #tpu.memory_space<vmem>>, vector<16xf32>,
              %get3A_932 = arith.constant 64 : index
              %get3A_933 = tpu.vector_load %arg39[%get3A_932] {strides = array<i32>} : memref<128xf32, #tpu.memory_space<vmem>>, vector<16xf32>,
              %mul3A_934 = vector.broadcast %convert_element_type3A_890 : f32 to vector<16xf32>
              %mul3A_935 = arith.mulf %mul3A_934, %get3A_933 : vector<16xf32>
              %add3A_936 = arith.addf %get3A_931, %mul3A_935 : vector<16xf32>
              %swap3A_937 = arith.constant 448 : index
              %swap3A_938 = tpu.vector_load %arg40[%swap3A_937] {strides = array<i32>} : memref<512xf32, #tpu.memory_space<vmem>>, vector<16xf32>,
              tpu.vector_store %arg40[%swap3A_937], %add3A_936 {strides = array<i32>} : memref<512xf32, #tpu.memory_space<vmem>>, vector<16xf32>,
              %get3A_939 = arith.constant 464 : index
              %get3A_940 = tpu.vector_load %arg40[%get3A_939] {strides = array<i32>} : memref<512xf32, #tpu.memory_space<vmem>>, vector<16xf32>,
              %get3A_941 = arith.constant 80 : index
              %get3A_942 = tpu.vector_load %arg39[%get3A_941] {strides = array<i32>} : memref<128xf32, #tpu.memory_space<vmem>>, vector<16xf32>,
              %mul3A_943 = vector.broadcast %convert_element_type3A_890 : f32 to vector<16xf32>
              %mul3A_944 = arith.mulf %mul3A_943, %get3A_942 : vector<16xf32>
              %add3A_945 = arith.addf %get3A_940, %mul3A_944 : vector<16xf32>
              %swap3A_946 = arith.constant 464 : index
              %swap3A_947 = tpu.vector_load %arg40[%swap3A_946] {strides = array<i32>} : memref<512xf32, #tpu.memory_space<vmem>>, vector<16xf32>,
              tpu.vector_store %arg40[%swap3A_946], %add3A_945 {strides = array<i32>} : memref<512xf32, #tpu.memory_space<vmem>>, vector<16xf32>,
              %get3A_948 = arith.constant 480 : index
              %get3A_949 = tpu.vector_load %arg40[%get3A_948] {strides = array<i32>} : memref<512xf32, #tpu.memory_space<vmem>>, vector<16xf32>,
              %get3A_950 = arith.constant 96 : index
              %get3A_951 = tpu.vector_load %arg39[%get3A_950] {strides = array<i32>} : memref<128xf32, #tpu.memory_space<vmem>>, vector<16xf32>,
              %mul3A_952 = vector.broadcast %convert_element_type3A_890 : f32 to vector<16xf32>
              %mul3A_953 = arith.mulf %mul3A_952, %get3A_951 : vector<16xf32>
              %add3A_954 = arith.addf %get3A_949, %mul3A_953 : vector<16xf32>
              %swap3A_955 = arith.constant 480 : index
              %swap3A_956 = tpu.vector_load %arg40[%swap3A_955] {strides = array<i32>} : memref<512xf32, #tpu.memory_space<vmem>>, vector<16xf32>,
              tpu.vector_store %arg40[%swap3A_955], %add3A_954 {strides = array<i32>} : memref<512xf32, #tpu.memory_space<vmem>>, vector<16xf32>,
              %get3A_957 = arith.constant 496 : index
              %get3A_958 = tpu.vector_load %arg40[%get3A_957] {strides = array<i32>} : memref<512xf32, #tpu.memory_space<vmem>>, vector<16xf32>,
              %get3A_959 = arith.constant 112 : index
              %get3A_960 = tpu.vector_load %arg39[%get3A_959] {strides = array<i32>} : memref<128xf32, #tpu.memory_space<vmem>>, vector<16xf32>,
              %mul3A_961 = vector.broadcast %convert_element_type3A_890 : f32 to vector<16xf32>
              %mul3A_962 = arith.mulf %mul3A_961, %get3A_960 : vector<16xf32>
              %add3A_963 = arith.addf %get3A_958, %mul3A_962 : vector<16xf32>
              %swap3A_964 = arith.constant 496 : index
              %swap3A_965 = tpu.vector_load %arg40[%swap3A_964] {strides = array<i32>} : memref<512xf32, #tpu.memory_space<vmem>>, vector<16xf32>,
              tpu.vector_store %arg40[%swap3A_964], %add3A_963 {strides = array<i32>} : memref<512xf32, #tpu.memory_space<vmem>>, vector<16xf32>,
              %while3A_966 = arith.constant 0 : i32
              scf.yield %while3A_966 : i32
            }
            %while3A_874 = arith.constant 1 : i32
            %while3A_875 = scf.for %while3A_876 = %while3A_871 to %while3A_867 step %while3A_874 iter_args(%while3A_877 = %while3A_873) -> (i32)  : i32 {
              %broadcast_in_dim3A_878 = vector.broadcast %while3A_876 : i32 to vector<16xi32>
              %broadcast_in_dim3A_879 = arith.constant true
              %broadcast_in_dim3A_880 = vector.broadcast %broadcast_in_dim3A_879 : i1 to vector<16xi1>
              %gather3A_881 = tpu.vector_load_idx %arg29[%broadcast_in_dim3A_878] masked %broadcast_in_dim3A_880 : memref<16xi32, #tpu.memory_space<vmem>>[vector<16xi32>], vector<16xi32>, vector<16xi1>
              %slice3A_882 = vector.extract_strided_slice %gather3A_881 {offsets = [0], sizes = [1], strides = [1]} : vector<16xi32> to vector<1xi32>
              %squeeze3A_883 = vector.extract %slice3A_882[0] : i32 from vector<1xi32>
              %broadcast_in_dim3A_884 = vector.broadcast %while3A_876 : i32 to vector<16xi32>
              %broadcast_in_dim3A_885 = arith.constant true
              %broadcast_in_dim3A_886 = vector.broadcast %broadcast_in_dim3A_885 : i1 to vector<16xi1>
              %gather3A_887 = tpu.vector_load_idx %arg28[%broadcast_in_dim3A_884] masked %broadcast_in_dim3A_886 : memref<16xi32, #tpu.memory_space<vmem>>[vector<16xi32>], vector<16xi32>, vector<16xi1>
              %slice3A_888 = vector.extract_strided_slice %gather3A_887 {offsets = [0], sizes = [1], strides = [1]} : vector<16xi32> to vector<1xi32>
              %squeeze3A_889 = vector.extract %slice3A_888[0] : i32 from vector<1xi32>
              %convert_element_type3A_890 = arith.sitofp %squeeze3A_889 : i32 to f32
              %mul3A_891 = arith.constant 128 : i32
              %mul3A_892 = arith.muli %squeeze3A_883, %mul3A_891 : i32
              %multiple_of3A_893 = tpu.assume_multiple %mul3A_892, 8 : i32
              "tpu.region"() ({
                %run_scoped3A = tpu.sem_alloc : memref<!tpu.dma_semaphore, #tpu.memory_space<semaphore_mem>>
                %dma_start3A_967 = tpu.memref_slice %arg2[%multiple_of3A_893] : memref<1280000xf32, #tpu.memory_space<hbm>> -> memref<128xf32, #tpu.memory_space<hbm>>
                %dma_start3A_968 = tpu.memref_slice %arg2[%multiple_of3A_893] : memref<1280000xf32, #tpu.memory_space<hbm>> -> memref<128xf32, #tpu.memory_space<hbm>>
                tpu.enqueue_dma source(%dma_start3A_968 : memref<128xf32, #tpu.memory_space<hbm>>) target(%arg39 : memref<128xf32, #tpu.memory_space<vmem>>) target_semaphore(%run_scoped3A : memref<!tpu.dma_semaphore, #tpu.memory_space<semaphore_mem>>)
                %dma_wait3A_969 = tpu.memref_slice %arg2[%multiple_of3A_893] : memref<1280000xf32, #tpu.memory_space<hbm>> -> memref<128xf32, #tpu.memory_space<hbm>>
                %dma_wait3A_970 = tpu.memref_slice %arg2[%multiple_of3A_893] : memref<1280000xf32, #tpu.memory_space<hbm>> -> memref<128xf32, #tpu.memory_space<hbm>>
                tpu.wait_dma2 semaphore(%run_scoped3A : memref<!tpu.dma_semaphore, #tpu.memory_space<semaphore_mem>>) src(%dma_wait3A_970 : memref<128xf32, #tpu.memory_space<hbm>>) dst(%arg39 : memref<128xf32, #tpu.memory_space<vmem>>)
                tpu.yield
              }) : () -> ()
              %get3A_894 = arith.constant 384 : index
              %get3A_895 = tpu.vector_load %arg40[%get3A_894] {strides = array<i32>} : memref<512xf32, #tpu.memory_space<vmem>>, vector<16xf32>,
              %get3A_896 = arith.constant 0 : index
              %get3A_897 = tpu.vector_load %arg39[%get3A_896] {strides = array<i32>} : memref<128xf32, #tpu.memory_space<vmem>>, vector<16xf32>,
              %mul3A_898 = vector.broadcast %convert_element_type3A_890 : f32 to vector<16xf32>
              %mul3A_899 = arith.mulf %mul3A_898, %get3A_897 : vector<16xf32>
              %add3A_900 = arith.addf %get3A_895, %mul3A_899 : vector<16xf32>
              %swap3A_901 = arith.constant 384 : index
              %swap3A_902 = tpu.vector_load %arg40[%swap3A_901] {strides = array<i32>} : memref<512xf32, #tpu.memory_space<vmem>>, vector<16xf32>,
              tpu.vector_store %arg40[%swap3A_901], %add3A_900 {strides = array<i32>} : memref<512xf32, #tpu.memory_space<vmem>>, vector<16xf32>,
              %get3A_903 = arith.constant 400 : index
              %get3A_904 = tpu.vector_load %arg40[%get3A_903] {strides = array<i32>} : memref<512xf32, #tpu.memory_space<vmem>>, vector<16xf32>,
              %get3A_905 = arith.constant 16 : index
              %get3A_906 = tpu.vector_load %arg39[%get3A_905] {strides = array<i32>} : memref<128xf32, #tpu.memory_space<vmem>>, vector<16xf32>,
              %mul3A_907 = vector.broadcast %convert_element_type3A_890 : f32 to vector<16xf32>
              %mul3A_908 = arith.mulf %mul3A_907, %get3A_906 : vector<16xf32>
              %add3A_909 = arith.addf %get3A_904, %mul3A_908 : vector<16xf32>
              %swap3A_910 = arith.constant 400 : index
              %swap3A_911 = tpu.vector_load %arg40[%swap3A_910] {strides = array<i32>} : memref<512xf32, #tpu.memory_space<vmem>>, vector<16xf32>,
              tpu.vector_store %arg40[%swap3A_910], %add3A_909 {strides = array<i32>} : memref<512xf32, #tpu.memory_space<vmem>>, vector<16xf32>,
              %get3A_912 = arith.constant 416 : index
              %get3A_913 = tpu.vector_load %arg40[%get3A_912] {strides = array<i32>} : memref<512xf32, #tpu.memory_space<vmem>>, vector<16xf32>,
              %get3A_914 = arith.constant 32 : index
              %get3A_915 = tpu.vector_load %arg39[%get3A_914] {strides = array<i32>} : memref<128xf32, #tpu.memory_space<vmem>>, vector<16xf32>,
              %mul3A_916 = vector.broadcast %convert_element_type3A_890 : f32 to vector<16xf32>
              %mul3A_917 = arith.mulf %mul3A_916, %get3A_915 : vector<16xf32>
              %add3A_918 = arith.addf %get3A_913, %mul3A_917 : vector<16xf32>
              %swap3A_919 = arith.constant 416 : index
              %swap3A_920 = tpu.vector_load %arg40[%swap3A_919] {strides = array<i32>} : memref<512xf32, #tpu.memory_space<vmem>>, vector<16xf32>,
              tpu.vector_store %arg40[%swap3A_919], %add3A_918 {strides = array<i32>} : memref<512xf32, #tpu.memory_space<vmem>>, vector<16xf32>,
              %get3A_921 = arith.constant 432 : index
              %get3A_922 = tpu.vector_load %arg40[%get3A_921] {strides = array<i32>} : memref<512xf32, #tpu.memory_space<vmem>>, vector<16xf32>,
              %get3A_923 = arith.constant 48 : index
              %get3A_924 = tpu.vector_load %arg39[%get3A_923] {strides = array<i32>} : memref<128xf32, #tpu.memory_space<vmem>>, vector<16xf32>,
              %mul3A_925 = vector.broadcast %convert_element_type3A_890 : f32 to vector<16xf32>
              %mul3A_926 = arith.mulf %mul3A_925, %get3A_924 : vector<16xf32>
              %add3A_927 = arith.addf %get3A_922, %mul3A_926 : vector<16xf32>
              %swap3A_928 = arith.constant 432 : index
              %swap3A_929 = tpu.vector_load %arg40[%swap3A_928] {strides = array<i32>} : memref<512xf32, #tpu.memory_space<vmem>>, vector<16xf32>,
              tpu.vector_store %arg40[%swap3A_928], %add3A_927 {strides = array<i32>} : memref<512xf32, #tpu.memory_space<vmem>>, vector<16xf32>,
              %get3A_930 = arith.constant 448 : index
              %get3A_931 = tpu.vector_load %arg40[%get3A_930] {strides = array<i32>} : memref<512xf32, #tpu.memory_space<vmem>>, vector<16xf32>,
              %get3A_932 = arith.constant 64 : index
              %get3A_933 = tpu.vector_load %arg39[%get3A_932] {strides = array<i32>} : memref<128xf32, #tpu.memory_space<vmem>>, vector<16xf32>,
              %mul3A_934 = vector.broadcast %convert_element_type3A_890 : f32 to vector<16xf32>
              %mul3A_935 = arith.mulf %mul3A_934, %get3A_933 : vector<16xf32>
              %add3A_936 = arith.addf %get3A_931, %mul3A_935 : vector<16xf32>
              %swap3A_937 = arith.constant 448 : index
              %swap3A_938 = tpu.vector_load %arg40[%swap3A_937] {strides = array<i32>} : memref<512xf32, #tpu.memory_space<vmem>>, vector<16xf32>,
              tpu.vector_store %arg40[%swap3A_937], %add3A_936 {strides = array<i32>} : memref<512xf32, #tpu.memory_space<vmem>>, vector<16xf32>,
              %get3A_939 = arith.constant 464 : index
              %get3A_940 = tpu.vector_load %arg40[%get3A_939] {strides = array<i32>} : memref<512xf32, #tpu.memory_space<vmem>>, vector<16xf32>,
              %get3A_941 = arith.constant 80 : index
              %get3A_942 = tpu.vector_load %arg39[%get3A_941] {strides = array<i32>} : memref<128xf32, #tpu.memory_space<vmem>>, vector<16xf32>,
              %mul3A_943 = vector.broadcast %convert_element_type3A_890 : f32 to vector<16xf32>
              %mul3A_944 = arith.mulf %mul3A_943, %get3A_942 : vector<16xf32>
              %add3A_945 = arith.addf %get3A_940, %mul3A_944 : vector<16xf32>
              %swap3A_946 = arith.constant 464 : index
              %swap3A_947 = tpu.vector_load %arg40[%swap3A_946] {strides = array<i32>} : memref<512xf32, #tpu.memory_space<vmem>>, vector<16xf32>,
              tpu.vector_store %arg40[%swap3A_946], %add3A_945 {strides = array<i32>} : memref<512xf32, #tpu.memory_space<vmem>>, vector<16xf32>,
              %get3A_948 = arith.constant 480 : index
              %get3A_949 = tpu.vector_load %arg40[%get3A_948] {strides = array<i32>} : memref<512xf32, #tpu.memory_space<vmem>>, vector<16xf32>,
              %get3A_950 = arith.constant 96 : index
              %get3A_951 = tpu.vector_load %arg39[%get3A_950] {strides = array<i32>} : memref<128xf32, #tpu.memory_space<vmem>>, vector<16xf32>,
              %mul3A_952 = vector.broadcast %convert_element_type3A_890 : f32 to vector<16xf32>
              %mul3A_953 = arith.mulf %mul3A_952, %get3A_951 : vector<16xf32>
              %add3A_954 = arith.addf %get3A_949, %mul3A_953 : vector<16xf32>
              %swap3A_955 = arith.constant 480 : index
              %swap3A_956 = tpu.vector_load %arg40[%swap3A_955] {strides = array<i32>} : memref<512xf32, #tpu.memory_space<vmem>>, vector<16xf32>,
              tpu.vector_store %arg40[%swap3A_955], %add3A_954 {strides = array<i32>} : memref<512xf32, #tpu.memory_space<vmem>>, vector<16xf32>,
              %get3A_957 = arith.constant 496 : index
              %get3A_958 = tpu.vector_load %arg40[%get3A_957] {strides = array<i32>} : memref<512xf32, #tpu.memory_space<vmem>>, vector<16xf32>,
              %get3A_959 = arith.constant 112 : index
              %get3A_960 = tpu.vector_load %arg39[%get3A_959] {strides = array<i32>} : memref<128xf32, #tpu.memory_space<vmem>>, vector<16xf32>,
              %mul3A_961 = vector.broadcast %convert_element_type3A_890 : f32 to vector<16xf32>
              %mul3A_962 = arith.mulf %mul3A_961, %get3A_960 : vector<16xf32>
              %add3A_963 = arith.addf %get3A_958, %mul3A_962 : vector<16xf32>
              %swap3A_964 = arith.constant 496 : index
              %swap3A_965 = tpu.vector_load %arg40[%swap3A_964] {strides = array<i32>} : memref<512xf32, #tpu.memory_space<vmem>>, vector<16xf32>,
              tpu.vector_store %arg40[%swap3A_964], %add3A_963 {strides = array<i32>} : memref<512xf32, #tpu.memory_space<vmem>>, vector<16xf32>,
              %while3A_966 = arith.constant 0 : i32
              scf.yield %while3A_966 : i32
            }
          } else {
          }
          %while3A_859 = arith.constant 0 : i32
          scf.yield %while3A_859 : i32
        }
        %while3A_827 = arith.constant 1 : i32
        %while3A_828 = scf.for %while3A_830 = %while3A_824 to %while3A_820 step %while3A_827 iter_args(%while3A_831 = %while3A_826) -> (i32)  : i32 {
          %mul3A_832 = arith.constant 16 : i32
          %mul3A_833 = arith.muli %while3A_830, %mul3A_832 : i32
          %get3A_834 = arith.index_cast %mul3A_833 : i32 to index
          %get3A_835 = tpu.vector_load %arg23[%get3A_834] {strides = array<i32>} : memref<128xi32, #tpu.memory_space<vmem>>, vector<16xi32>,
          %mul3A_836 = arith.constant 128 : i32
          %mul3A_837 = arith.muli %while3A_807, %mul3A_836 : i32
          %mul3A_838 = arith.constant 16 : i32
          %mul3A_839 = arith.muli %while3A_830, %mul3A_838 : i32
          %add3A_840 = arith.addi %mul3A_837, %mul3A_839 : i32
          %add3A_841 = vector.broadcast %add3A_840 : i32 to vector<16xi32>
          %add3A_842 = arith.addi %add3A_841, %iota3A : vector<16xi32>
          %lt3A_843 = vector.broadcast %squeeze3A_498 : i32 to vector<16xi32>
          %lt3A_844 = arith.cmpi slt, %add3A_842, %lt3A_843 : vector<16xi32>
          %jit3A_845 = arith.constant 0 : i32
          %broadcast_in_dim3A_846 = vector.broadcast %jit3A_845 : i32 to vector<16xi32>
          %select_n3A_847 = arith.select %lt3A_844, %get3A_835, %broadcast_in_dim3A_846 : vector<16xi1>, vector<16xi32>
          %gather3A_848 = tpu.vector_load_idx %arg14[%select_n3A_847] masked %lt3A_844 : memref<10112xi32, #tpu.memory_space<vmem>>[vector<16xi32>], vector<16xi32>, vector<16xi1>
          %gt3A = arith.constant 0 : i32
          %gt3A_849 = vector.broadcast %gt3A : i32 to vector<16xi32>
          %gt3A_850 = arith.cmpi sgt, %gather3A_848, %gt3A_849 : vector<16xi32>
          %and3A_851 = arith.andi %lt3A_844, %gt3A_850 : vector<16xi1>
          %all_reduce_population_count3A = tpu.all_reduce %and3A_851 {dim = 0 : i64, kind = #tpu.reduction_kind<sum>} : vector<16xi1> -> vector<16xi32>
          %slice3A_852 = vector.extract_strided_slice %all_reduce_population_count3A {offsets = [0], sizes = [1], strides = [1]} : vector<16xi32> to vector<1xi32>
          %squeeze3A_853 = vector.extract %slice3A_852[0] : i32 from vector<1xi32>
          %gt3A_854 = arith.constant 0 : i32
          %gt3A_855 = arith.cmpi sgt, %squeeze3A_853, %gt3A_854 : i32
          %convert_element_type3A_856 = arith.extui %gt3A_855 : i1 to i32
          %cond3A_857 = arith.constant 0 : i32
          %cond3A_858 = arith.cmpi ne, %convert_element_type3A_856, %cond3A_857 : i32
          scf.if %cond3A_858 {
            %swap3A_860 = arith.constant 0 : index
            %swap3A_861 = tpu.vector_load %arg29[%swap3A_860] masked %and3A_851 {strides = array<i32>} : memref<16xi32, #tpu.memory_space<vmem>>, vector<16xi32>, vector<16xi1>
            tpu.vector_store %arg29[%swap3A_860], %select_n3A_847 masked %and3A_851 {strides = array<i32>} : memref<16xi32, #tpu.memory_space<vmem>>, vector<16xi32>, vector<16xi1>
            %swap3A_862 = arith.constant 0 : index
            %swap3A_863 = tpu.vector_load %arg28[%swap3A_862] masked %and3A_851 {strides = array<i32>} : memref<16xi32, #tpu.memory_space<vmem>>, vector<16xi32>, vector<16xi1>
            tpu.vector_store %arg28[%swap3A_862], %gather3A_848 masked %and3A_851 {strides = array<i32>} : memref<16xi32, #tpu.memory_space<vmem>>, vector<16xi32>, vector<16xi1>
            %while3A_864 = arith.constant 0 : i32
            %while3A_865 = arith.constant 0 : i32
            %while3A_866 = arith.subi %squeeze3A_853, %while3A_864 : i32
            %while3A_867 = arith.addi %while3A_864, %while3A_866 : i32
            %while3A_868 = arith.constant 1 : i32
            %while3A_869 = arith.divsi %while3A_866, %while3A_868 : i32
            %while3A_870 = arith.muli %while3A_869, %while3A_868 : i32
            %while3A_871 = arith.addi %while3A_864, %while3A_870 : i32
            %while3A_872 = arith.constant 1 : i32
            %while3A_873 = scf.for %while3A_876 = %while3A_864 to %while3A_871 step %while3A_872 iter_args(%while3A_877 = %while3A_865) -> (i32)  : i32 {
              %broadcast_in_dim3A_878 = vector.broadcast %while3A_876 : i32 to vector<16xi32>
              %broadcast_in_dim3A_879 = arith.constant true
              %broadcast_in_dim3A_880 = vector.broadcast %broadcast_in_dim3A_879 : i1 to vector<16xi1>
              %gather3A_881 = tpu.vector_load_idx %arg29[%broadcast_in_dim3A_878] masked %broadcast_in_dim3A_880 : memref<16xi32, #tpu.memory_space<vmem>>[vector<16xi32>], vector<16xi32>, vector<16xi1>
              %slice3A_882 = vector.extract_strided_slice %gather3A_881 {offsets = [0], sizes = [1], strides = [1]} : vector<16xi32> to vector<1xi32>
              %squeeze3A_883 = vector.extract %slice3A_882[0] : i32 from vector<1xi32>
              %broadcast_in_dim3A_884 = vector.broadcast %while3A_876 : i32 to vector<16xi32>
              %broadcast_in_dim3A_885 = arith.constant true
              %broadcast_in_dim3A_886 = vector.broadcast %broadcast_in_dim3A_885 : i1 to vector<16xi1>
              %gather3A_887 = tpu.vector_load_idx %arg28[%broadcast_in_dim3A_884] masked %broadcast_in_dim3A_886 : memref<16xi32, #tpu.memory_space<vmem>>[vector<16xi32>], vector<16xi32>, vector<16xi1>
              %slice3A_888 = vector.extract_strided_slice %gather3A_887 {offsets = [0], sizes = [1], strides = [1]} : vector<16xi32> to vector<1xi32>
              %squeeze3A_889 = vector.extract %slice3A_888[0] : i32 from vector<1xi32>
              %convert_element_type3A_890 = arith.sitofp %squeeze3A_889 : i32 to f32
              %mul3A_891 = arith.constant 128 : i32
              %mul3A_892 = arith.muli %squeeze3A_883, %mul3A_891 : i32
              %multiple_of3A_893 = tpu.assume_multiple %mul3A_892, 8 : i32
              "tpu.region"() ({
                %run_scoped3A = tpu.sem_alloc : memref<!tpu.dma_semaphore, #tpu.memory_space<semaphore_mem>>
                %dma_start3A_967 = tpu.memref_slice %arg2[%multiple_of3A_893] : memref<1280000xf32, #tpu.memory_space<hbm>> -> memref<128xf32, #tpu.memory_space<hbm>>
                %dma_start3A_968 = tpu.memref_slice %arg2[%multiple_of3A_893] : memref<1280000xf32, #tpu.memory_space<hbm>> -> memref<128xf32, #tpu.memory_space<hbm>>
                tpu.enqueue_dma source(%dma_start3A_968 : memref<128xf32, #tpu.memory_space<hbm>>) target(%arg39 : memref<128xf32, #tpu.memory_space<vmem>>) target_semaphore(%run_scoped3A : memref<!tpu.dma_semaphore, #tpu.memory_space<semaphore_mem>>)
                %dma_wait3A_969 = tpu.memref_slice %arg2[%multiple_of3A_893] : memref<1280000xf32, #tpu.memory_space<hbm>> -> memref<128xf32, #tpu.memory_space<hbm>>
                %dma_wait3A_970 = tpu.memref_slice %arg2[%multiple_of3A_893] : memref<1280000xf32, #tpu.memory_space<hbm>> -> memref<128xf32, #tpu.memory_space<hbm>>
                tpu.wait_dma2 semaphore(%run_scoped3A : memref<!tpu.dma_semaphore, #tpu.memory_space<semaphore_mem>>) src(%dma_wait3A_970 : memref<128xf32, #tpu.memory_space<hbm>>) dst(%arg39 : memref<128xf32, #tpu.memory_space<vmem>>)
                tpu.yield
              }) : () -> ()
              %get3A_894 = arith.constant 384 : index
              %get3A_895 = tpu.vector_load %arg40[%get3A_894] {strides = array<i32>} : memref<512xf32, #tpu.memory_space<vmem>>, vector<16xf32>,
              %get3A_896 = arith.constant 0 : index
              %get3A_897 = tpu.vector_load %arg39[%get3A_896] {strides = array<i32>} : memref<128xf32, #tpu.memory_space<vmem>>, vector<16xf32>,
              %mul3A_898 = vector.broadcast %convert_element_type3A_890 : f32 to vector<16xf32>
              %mul3A_899 = arith.mulf %mul3A_898, %get3A_897 : vector<16xf32>
              %add3A_900 = arith.addf %get3A_895, %mul3A_899 : vector<16xf32>
              %swap3A_901 = arith.constant 384 : index
              %swap3A_902 = tpu.vector_load %arg40[%swap3A_901] {strides = array<i32>} : memref<512xf32, #tpu.memory_space<vmem>>, vector<16xf32>,
              tpu.vector_store %arg40[%swap3A_901], %add3A_900 {strides = array<i32>} : memref<512xf32, #tpu.memory_space<vmem>>, vector<16xf32>,
              %get3A_903 = arith.constant 400 : index
              %get3A_904 = tpu.vector_load %arg40[%get3A_903] {strides = array<i32>} : memref<512xf32, #tpu.memory_space<vmem>>, vector<16xf32>,
              %get3A_905 = arith.constant 16 : index
              %get3A_906 = tpu.vector_load %arg39[%get3A_905] {strides = array<i32>} : memref<128xf32, #tpu.memory_space<vmem>>, vector<16xf32>,
              %mul3A_907 = vector.broadcast %convert_element_type3A_890 : f32 to vector<16xf32>
              %mul3A_908 = arith.mulf %mul3A_907, %get3A_906 : vector<16xf32>
              %add3A_909 = arith.addf %get3A_904, %mul3A_908 : vector<16xf32>
              %swap3A_910 = arith.constant 400 : index
              %swap3A_911 = tpu.vector_load %arg40[%swap3A_910] {strides = array<i32>} : memref<512xf32, #tpu.memory_space<vmem>>, vector<16xf32>,
              tpu.vector_store %arg40[%swap3A_910], %add3A_909 {strides = array<i32>} : memref<512xf32, #tpu.memory_space<vmem>>, vector<16xf32>,
              %get3A_912 = arith.constant 416 : index
              %get3A_913 = tpu.vector_load %arg40[%get3A_912] {strides = array<i32>} : memref<512xf32, #tpu.memory_space<vmem>>, vector<16xf32>,
              %get3A_914 = arith.constant 32 : index
              %get3A_915 = tpu.vector_load %arg39[%get3A_914] {strides = array<i32>} : memref<128xf32, #tpu.memory_space<vmem>>, vector<16xf32>,
              %mul3A_916 = vector.broadcast %convert_element_type3A_890 : f32 to vector<16xf32>
              %mul3A_917 = arith.mulf %mul3A_916, %get3A_915 : vector<16xf32>
              %add3A_918 = arith.addf %get3A_913, %mul3A_917 : vector<16xf32>
              %swap3A_919 = arith.constant 416 : index
              %swap3A_920 = tpu.vector_load %arg40[%swap3A_919] {strides = array<i32>} : memref<512xf32, #tpu.memory_space<vmem>>, vector<16xf32>,
              tpu.vector_store %arg40[%swap3A_919], %add3A_918 {strides = array<i32>} : memref<512xf32, #tpu.memory_space<vmem>>, vector<16xf32>,
              %get3A_921 = arith.constant 432 : index
              %get3A_922 = tpu.vector_load %arg40[%get3A_921] {strides = array<i32>} : memref<512xf32, #tpu.memory_space<vmem>>, vector<16xf32>,
              %get3A_923 = arith.constant 48 : index
              %get3A_924 = tpu.vector_load %arg39[%get3A_923] {strides = array<i32>} : memref<128xf32, #tpu.memory_space<vmem>>, vector<16xf32>,
              %mul3A_925 = vector.broadcast %convert_element_type3A_890 : f32 to vector<16xf32>
              %mul3A_926 = arith.mulf %mul3A_925, %get3A_924 : vector<16xf32>
              %add3A_927 = arith.addf %get3A_922, %mul3A_926 : vector<16xf32>
              %swap3A_928 = arith.constant 432 : index
              %swap3A_929 = tpu.vector_load %arg40[%swap3A_928] {strides = array<i32>} : memref<512xf32, #tpu.memory_space<vmem>>, vector<16xf32>,
              tpu.vector_store %arg40[%swap3A_928], %add3A_927 {strides = array<i32>} : memref<512xf32, #tpu.memory_space<vmem>>, vector<16xf32>,
              %get3A_930 = arith.constant 448 : index
              %get3A_931 = tpu.vector_load %arg40[%get3A_930] {strides = array<i32>} : memref<512xf32, #tpu.memory_space<vmem>>, vector<16xf32>,
              %get3A_932 = arith.constant 64 : index
              %get3A_933 = tpu.vector_load %arg39[%get3A_932] {strides = array<i32>} : memref<128xf32, #tpu.memory_space<vmem>>, vector<16xf32>,
              %mul3A_934 = vector.broadcast %convert_element_type3A_890 : f32 to vector<16xf32>
              %mul3A_935 = arith.mulf %mul3A_934, %get3A_933 : vector<16xf32>
              %add3A_936 = arith.addf %get3A_931, %mul3A_935 : vector<16xf32>
              %swap3A_937 = arith.constant 448 : index
              %swap3A_938 = tpu.vector_load %arg40[%swap3A_937] {strides = array<i32>} : memref<512xf32, #tpu.memory_space<vmem>>, vector<16xf32>,
              tpu.vector_store %arg40[%swap3A_937], %add3A_936 {strides = array<i32>} : memref<512xf32, #tpu.memory_space<vmem>>, vector<16xf32>,
              %get3A_939 = arith.constant 464 : index
              %get3A_940 = tpu.vector_load %arg40[%get3A_939] {strides = array<i32>} : memref<512xf32, #tpu.memory_space<vmem>>, vector<16xf32>,
              %get3A_941 = arith.constant 80 : index
              %get3A_942 = tpu.vector_load %arg39[%get3A_941] {strides = array<i32>} : memref<128xf32, #tpu.memory_space<vmem>>, vector<16xf32>,
              %mul3A_943 = vector.broadcast %convert_element_type3A_890 : f32 to vector<16xf32>
              %mul3A_944 = arith.mulf %mul3A_943, %get3A_942 : vector<16xf32>
              %add3A_945 = arith.addf %get3A_940, %mul3A_944 : vector<16xf32>
              %swap3A_946 = arith.constant 464 : index
              %swap3A_947 = tpu.vector_load %arg40[%swap3A_946] {strides = array<i32>} : memref<512xf32, #tpu.memory_space<vmem>>, vector<16xf32>,
              tpu.vector_store %arg40[%swap3A_946], %add3A_945 {strides = array<i32>} : memref<512xf32, #tpu.memory_space<vmem>>, vector<16xf32>,
              %get3A_948 = arith.constant 480 : index
              %get3A_949 = tpu.vector_load %arg40[%get3A_948] {strides = array<i32>} : memref<512xf32, #tpu.memory_space<vmem>>, vector<16xf32>,
              %get3A_950 = arith.constant 96 : index
              %get3A_951 = tpu.vector_load %arg39[%get3A_950] {strides = array<i32>} : memref<128xf32, #tpu.memory_space<vmem>>, vector<16xf32>,
              %mul3A_952 = vector.broadcast %convert_element_type3A_890 : f32 to vector<16xf32>
              %mul3A_953 = arith.mulf %mul3A_952, %get3A_951 : vector<16xf32>
              %add3A_954 = arith.addf %get3A_949, %mul3A_953 : vector<16xf32>
              %swap3A_955 = arith.constant 480 : index
              %swap3A_956 = tpu.vector_load %arg40[%swap3A_955] {strides = array<i32>} : memref<512xf32, #tpu.memory_space<vmem>>, vector<16xf32>,
              tpu.vector_store %arg40[%swap3A_955], %add3A_954 {strides = array<i32>} : memref<512xf32, #tpu.memory_space<vmem>>, vector<16xf32>,
              %get3A_957 = arith.constant 496 : index
              %get3A_958 = tpu.vector_load %arg40[%get3A_957] {strides = array<i32>} : memref<512xf32, #tpu.memory_space<vmem>>, vector<16xf32>,
              %get3A_959 = arith.constant 112 : index
              %get3A_960 = tpu.vector_load %arg39[%get3A_959] {strides = array<i32>} : memref<128xf32, #tpu.memory_space<vmem>>, vector<16xf32>,
              %mul3A_961 = vector.broadcast %convert_element_type3A_890 : f32 to vector<16xf32>
              %mul3A_962 = arith.mulf %mul3A_961, %get3A_960 : vector<16xf32>
              %add3A_963 = arith.addf %get3A_958, %mul3A_962 : vector<16xf32>
              %swap3A_964 = arith.constant 496 : index
              %swap3A_965 = tpu.vector_load %arg40[%swap3A_964] {strides = array<i32>} : memref<512xf32, #tpu.memory_space<vmem>>, vector<16xf32>,
              tpu.vector_store %arg40[%swap3A_964], %add3A_963 {strides = array<i32>} : memref<512xf32, #tpu.memory_space<vmem>>, vector<16xf32>,
              %while3A_966 = arith.constant 0 : i32
              scf.yield %while3A_966 : i32
            }
            %while3A_874 = arith.constant 1 : i32
            %while3A_875 = scf.for %while3A_876 = %while3A_871 to %while3A_867 step %while3A_874 iter_args(%while3A_877 = %while3A_873) -> (i32)  : i32 {
              %broadcast_in_dim3A_878 = vector.broadcast %while3A_876 : i32 to vector<16xi32>
              %broadcast_in_dim3A_879 = arith.constant true
              %broadcast_in_dim3A_880 = vector.broadcast %broadcast_in_dim3A_879 : i1 to vector<16xi1>
              %gather3A_881 = tpu.vector_load_idx %arg29[%broadcast_in_dim3A_878] masked %broadcast_in_dim3A_880 : memref<16xi32, #tpu.memory_space<vmem>>[vector<16xi32>], vector<16xi32>, vector<16xi1>
              %slice3A_882 = vector.extract_strided_slice %gather3A_881 {offsets = [0], sizes = [1], strides = [1]} : vector<16xi32> to vector<1xi32>
              %squeeze3A_883 = vector.extract %slice3A_882[0] : i32 from vector<1xi32>
              %broadcast_in_dim3A_884 = vector.broadcast %while3A_876 : i32 to vector<16xi32>
              %broadcast_in_dim3A_885 = arith.constant true
              %broadcast_in_dim3A_886 = vector.broadcast %broadcast_in_dim3A_885 : i1 to vector<16xi1>
              %gather3A_887 = tpu.vector_load_idx %arg28[%broadcast_in_dim3A_884] masked %broadcast_in_dim3A_886 : memref<16xi32, #tpu.memory_space<vmem>>[vector<16xi32>], vector<16xi32>, vector<16xi1>
              %slice3A_888 = vector.extract_strided_slice %gather3A_887 {offsets = [0], sizes = [1], strides = [1]} : vector<16xi32> to vector<1xi32>
              %squeeze3A_889 = vector.extract %slice3A_888[0] : i32 from vector<1xi32>
              %convert_element_type3A_890 = arith.sitofp %squeeze3A_889 : i32 to f32
              %mul3A_891 = arith.constant 128 : i32
              %mul3A_892 = arith.muli %squeeze3A_883, %mul3A_891 : i32
              %multiple_of3A_893 = tpu.assume_multiple %mul3A_892, 8 : i32
              "tpu.region"() ({
                %run_scoped3A = tpu.sem_alloc : memref<!tpu.dma_semaphore, #tpu.memory_space<semaphore_mem>>
                %dma_start3A_967 = tpu.memref_slice %arg2[%multiple_of3A_893] : memref<1280000xf32, #tpu.memory_space<hbm>> -> memref<128xf32, #tpu.memory_space<hbm>>
                %dma_start3A_968 = tpu.memref_slice %arg2[%multiple_of3A_893] : memref<1280000xf32, #tpu.memory_space<hbm>> -> memref<128xf32, #tpu.memory_space<hbm>>
                tpu.enqueue_dma source(%dma_start3A_968 : memref<128xf32, #tpu.memory_space<hbm>>) target(%arg39 : memref<128xf32, #tpu.memory_space<vmem>>) target_semaphore(%run_scoped3A : memref<!tpu.dma_semaphore, #tpu.memory_space<semaphore_mem>>)
                %dma_wait3A_969 = tpu.memref_slice %arg2[%multiple_of3A_893] : memref<1280000xf32, #tpu.memory_space<hbm>> -> memref<128xf32, #tpu.memory_space<hbm>>
                %dma_wait3A_970 = tpu.memref_slice %arg2[%multiple_of3A_893] : memref<1280000xf32, #tpu.memory_space<hbm>> -> memref<128xf32, #tpu.memory_space<hbm>>
                tpu.wait_dma2 semaphore(%run_scoped3A : memref<!tpu.dma_semaphore, #tpu.memory_space<semaphore_mem>>) src(%dma_wait3A_970 : memref<128xf32, #tpu.memory_space<hbm>>) dst(%arg39 : memref<128xf32, #tpu.memory_space<vmem>>)
                tpu.yield
              }) : () -> ()
              %get3A_894 = arith.constant 384 : index
              %get3A_895 = tpu.vector_load %arg40[%get3A_894] {strides = array<i32>} : memref<512xf32, #tpu.memory_space<vmem>>, vector<16xf32>,
              %get3A_896 = arith.constant 0 : index
              %get3A_897 = tpu.vector_load %arg39[%get3A_896] {strides = array<i32>} : memref<128xf32, #tpu.memory_space<vmem>>, vector<16xf32>,
              %mul3A_898 = vector.broadcast %convert_element_type3A_890 : f32 to vector<16xf32>
              %mul3A_899 = arith.mulf %mul3A_898, %get3A_897 : vector<16xf32>
              %add3A_900 = arith.addf %get3A_895, %mul3A_899 : vector<16xf32>
              %swap3A_901 = arith.constant 384 : index
              %swap3A_902 = tpu.vector_load %arg40[%swap3A_901] {strides = array<i32>} : memref<512xf32, #tpu.memory_space<vmem>>, vector<16xf32>,
              tpu.vector_store %arg40[%swap3A_901], %add3A_900 {strides = array<i32>} : memref<512xf32, #tpu.memory_space<vmem>>, vector<16xf32>,
              %get3A_903 = arith.constant 400 : index
              %get3A_904 = tpu.vector_load %arg40[%get3A_903] {strides = array<i32>} : memref<512xf32, #tpu.memory_space<vmem>>, vector<16xf32>,
              %get3A_905 = arith.constant 16 : index
              %get3A_906 = tpu.vector_load %arg39[%get3A_905] {strides = array<i32>} : memref<128xf32, #tpu.memory_space<vmem>>, vector<16xf32>,
              %mul3A_907 = vector.broadcast %convert_element_type3A_890 : f32 to vector<16xf32>
              %mul3A_908 = arith.mulf %mul3A_907, %get3A_906 : vector<16xf32>
              %add3A_909 = arith.addf %get3A_904, %mul3A_908 : vector<16xf32>
              %swap3A_910 = arith.constant 400 : index
              %swap3A_911 = tpu.vector_load %arg40[%swap3A_910] {strides = array<i32>} : memref<512xf32, #tpu.memory_space<vmem>>, vector<16xf32>,
              tpu.vector_store %arg40[%swap3A_910], %add3A_909 {strides = array<i32>} : memref<512xf32, #tpu.memory_space<vmem>>, vector<16xf32>,
              %get3A_912 = arith.constant 416 : index
              %get3A_913 = tpu.vector_load %arg40[%get3A_912] {strides = array<i32>} : memref<512xf32, #tpu.memory_space<vmem>>, vector<16xf32>,
              %get3A_914 = arith.constant 32 : index
              %get3A_915 = tpu.vector_load %arg39[%get3A_914] {strides = array<i32>} : memref<128xf32, #tpu.memory_space<vmem>>, vector<16xf32>,
              %mul3A_916 = vector.broadcast %convert_element_type3A_890 : f32 to vector<16xf32>
              %mul3A_917 = arith.mulf %mul3A_916, %get3A_915 : vector<16xf32>
              %add3A_918 = arith.addf %get3A_913, %mul3A_917 : vector<16xf32>
              %swap3A_919 = arith.constant 416 : index
              %swap3A_920 = tpu.vector_load %arg40[%swap3A_919] {strides = array<i32>} : memref<512xf32, #tpu.memory_space<vmem>>, vector<16xf32>,
              tpu.vector_store %arg40[%swap3A_919], %add3A_918 {strides = array<i32>} : memref<512xf32, #tpu.memory_space<vmem>>, vector<16xf32>,
              %get3A_921 = arith.constant 432 : index
              %get3A_922 = tpu.vector_load %arg40[%get3A_921] {strides = array<i32>} : memref<512xf32, #tpu.memory_space<vmem>>, vector<16xf32>,
              %get3A_923 = arith.constant 48 : index
              %get3A_924 = tpu.vector_load %arg39[%get3A_923] {strides = array<i32>} : memref<128xf32, #tpu.memory_space<vmem>>, vector<16xf32>,
              %mul3A_925 = vector.broadcast %convert_element_type3A_890 : f32 to vector<16xf32>
              %mul3A_926 = arith.mulf %mul3A_925, %get3A_924 : vector<16xf32>
              %add3A_927 = arith.addf %get3A_922, %mul3A_926 : vector<16xf32>
              %swap3A_928 = arith.constant 432 : index
              %swap3A_929 = tpu.vector_load %arg40[%swap3A_928] {strides = array<i32>} : memref<512xf32, #tpu.memory_space<vmem>>, vector<16xf32>,
              tpu.vector_store %arg40[%swap3A_928], %add3A_927 {strides = array<i32>} : memref<512xf32, #tpu.memory_space<vmem>>, vector<16xf32>,
              %get3A_930 = arith.constant 448 : index
              %get3A_931 = tpu.vector_load %arg40[%get3A_930] {strides = array<i32>} : memref<512xf32, #tpu.memory_space<vmem>>, vector<16xf32>,
              %get3A_932 = arith.constant 64 : index
              %get3A_933 = tpu.vector_load %arg39[%get3A_932] {strides = array<i32>} : memref<128xf32, #tpu.memory_space<vmem>>, vector<16xf32>,
              %mul3A_934 = vector.broadcast %convert_element_type3A_890 : f32 to vector<16xf32>
              %mul3A_935 = arith.mulf %mul3A_934, %get3A_933 : vector<16xf32>
              %add3A_936 = arith.addf %get3A_931, %mul3A_935 : vector<16xf32>
              %swap3A_937 = arith.constant 448 : index
              %swap3A_938 = tpu.vector_load %arg40[%swap3A_937] {strides = array<i32>} : memref<512xf32, #tpu.memory_space<vmem>>, vector<16xf32>,
              tpu.vector_store %arg40[%swap3A_937], %add3A_936 {strides = array<i32>} : memref<512xf32, #tpu.memory_space<vmem>>, vector<16xf32>,
              %get3A_939 = arith.constant 464 : index
              %get3A_940 = tpu.vector_load %arg40[%get3A_939] {strides = array<i32>} : memref<512xf32, #tpu.memory_space<vmem>>, vector<16xf32>,
              %get3A_941 = arith.constant 80 : index
              %get3A_942 = tpu.vector_load %arg39[%get3A_941] {strides = array<i32>} : memref<128xf32, #tpu.memory_space<vmem>>, vector<16xf32>,
              %mul3A_943 = vector.broadcast %convert_element_type3A_890 : f32 to vector<16xf32>
              %mul3A_944 = arith.mulf %mul3A_943, %get3A_942 : vector<16xf32>
              %add3A_945 = arith.addf %get3A_940, %mul3A_944 : vector<16xf32>
              %swap3A_946 = arith.constant 464 : index
              %swap3A_947 = tpu.vector_load %arg40[%swap3A_946] {strides = array<i32>} : memref<512xf32, #tpu.memory_space<vmem>>, vector<16xf32>,
              tpu.vector_store %arg40[%swap3A_946], %add3A_945 {strides = array<i32>} : memref<512xf32, #tpu.memory_space<vmem>>, vector<16xf32>,
              %get3A_948 = arith.constant 480 : index
              %get3A_949 = tpu.vector_load %arg40[%get3A_948] {strides = array<i32>} : memref<512xf32, #tpu.memory_space<vmem>>, vector<16xf32>,
              %get3A_950 = arith.constant 96 : index
              %get3A_951 = tpu.vector_load %arg39[%get3A_950] {strides = array<i32>} : memref<128xf32, #tpu.memory_space<vmem>>, vector<16xf32>,
              %mul3A_952 = vector.broadcast %convert_element_type3A_890 : f32 to vector<16xf32>
              %mul3A_953 = arith.mulf %mul3A_952, %get3A_951 : vector<16xf32>
              %add3A_954 = arith.addf %get3A_949, %mul3A_953 : vector<16xf32>
              %swap3A_955 = arith.constant 480 : index
              %swap3A_956 = tpu.vector_load %arg40[%swap3A_955] {strides = array<i32>} : memref<512xf32, #tpu.memory_space<vmem>>, vector<16xf32>,
              tpu.vector_store %arg40[%swap3A_955], %add3A_954 {strides = array<i32>} : memref<512xf32, #tpu.memory_space<vmem>>, vector<16xf32>,
              %get3A_957 = arith.constant 496 : index
              %get3A_958 = tpu.vector_load %arg40[%get3A_957] {strides = array<i32>} : memref<512xf32, #tpu.memory_space<vmem>>, vector<16xf32>,
              %get3A_959 = arith.constant 112 : index
              %get3A_960 = tpu.vector_load %arg39[%get3A_959] {strides = array<i32>} : memref<128xf32, #tpu.memory_space<vmem>>, vector<16xf32>,
              %mul3A_961 = vector.broadcast %convert_element_type3A_890 : f32 to vector<16xf32>
              %mul3A_962 = arith.mulf %mul3A_961, %get3A_960 : vector<16xf32>
              %add3A_963 = arith.addf %get3A_958, %mul3A_962 : vector<16xf32>
              %swap3A_964 = arith.constant 496 : index
              %swap3A_965 = tpu.vector_load %arg40[%swap3A_964] {strides = array<i32>} : memref<512xf32, #tpu.memory_space<vmem>>, vector<16xf32>,
              tpu.vector_store %arg40[%swap3A_964], %add3A_963 {strides = array<i32>} : memref<512xf32, #tpu.memory_space<vmem>>, vector<16xf32>,
              %while3A_966 = arith.constant 0 : i32
              scf.yield %while3A_966 : i32
            }
          } else {
          }
          %while3A_859 = arith.constant 0 : i32
          scf.yield %while3A_859 : i32
        }
        %while3A_829 = arith.constant 0 : i32
        scf.yield %while3A_829 : i32
      }
      %while3A_664 = arith.constant 0 : i32
      %while3A_665 = arith.constant 0 : i32
      %while3A_666 = arith.subi %select_n3A_524, %while3A_664 : i32
      %while3A_667 = arith.addi %while3A_664, %while3A_666 : i32
      %while3A_668 = arith.constant 1 : i32
      %while3A_669 = arith.divsi %while3A_666, %while3A_668 : i32
      %while3A_670 = arith.muli %while3A_669, %while3A_668 : i32
      %while3A_671 = arith.addi %while3A_664, %while3A_670 : i32
      %while3A_672 = arith.constant 1 : i32
      %while3A_673 = scf.for %while3A_807 = %while3A_664 to %while3A_671 step %while3A_672 iter_args(%while3A_808 = %while3A_665) -> (i32)  : i32 {
        %gt3A = arith.constant 1 : i32
        %gt3A_809 = arith.cmpi sgt, %select_n3A_524, %gt3A : i32
        %convert_element_type3A_810 = arith.extui %gt3A_809 : i1 to i32
        %cond3A_811 = arith.constant 0 : i32
        %cond3A_812 = arith.cmpi ne, %convert_element_type3A_810, %cond3A_811 : i32
        scf.if %cond3A_812 {
          %mul3A_830 = arith.constant 128 : i32
          %mul3A_831 = arith.muli %while3A_807, %mul3A_830 : i32
          %add3A_832 = arith.addi %squeeze3A_480, %mul3A_831 : i32
          %multiple_of3A_833 = tpu.assume_multiple %add3A_832, 8 : i32
          "tpu.region"() ({
            %run_scoped3A = tpu.sem_alloc : memref<!tpu.dma_semaphore, #tpu.memory_space<semaphore_mem>>
            %dma_start3A_834 = tpu.memref_slice %arg7[%multiple_of3A_833] : memref<656640xi32, #tpu.memory_space<vmem_shared>> -> memref<128xi32, #tpu.memory_space<vmem_shared>>
            %dma_start3A_835 = tpu.memref_slice %arg7[%multiple_of3A_833] : memref<656640xi32, #tpu.memory_space<vmem_shared>> -> memref<128xi32, #tpu.memory_space<vmem_shared>>
            tpu.enqueue_dma source(%dma_start3A_835 : memref<128xi32, #tpu.memory_space<vmem_shared>>) target(%arg20 : memref<128xi32, #tpu.memory_space<vmem>>) target_semaphore(%run_scoped3A : memref<!tpu.dma_semaphore, #tpu.memory_space<semaphore_mem>>)
            %dma_wait3A_836 = tpu.memref_slice %arg7[%multiple_of3A_833] : memref<656640xi32, #tpu.memory_space<vmem_shared>> -> memref<128xi32, #tpu.memory_space<vmem_shared>>
            %dma_wait3A_837 = tpu.memref_slice %arg7[%multiple_of3A_833] : memref<656640xi32, #tpu.memory_space<vmem_shared>> -> memref<128xi32, #tpu.memory_space<vmem_shared>>
            tpu.wait_dma2 semaphore(%run_scoped3A : memref<!tpu.dma_semaphore, #tpu.memory_space<semaphore_mem>>) src(%dma_wait3A_837 : memref<128xi32, #tpu.memory_space<vmem_shared>>) dst(%arg20 : memref<128xi32, #tpu.memory_space<vmem>>)
            tpu.yield
          }) : () -> ()
        } else {
        }
        %mul3A_813 = arith.constant 8 : i32
        %mul3A_814 = arith.muli %while3A_807, %mul3A_813 : i32
        %sub3A_815 = arith.subi %select_n3A_552, %mul3A_814 : i32
        %min3A = arith.constant 8 : i32
        %min3A_816 = arith.minsi %min3A, %sub3A_815 : i32
        %while3A_817 = arith.constant 0 : i32
        %while3A_818 = arith.constant 0 : i32
        %while3A_819 = arith.subi %min3A_816, %while3A_817 : i32
        %while3A_820 = arith.addi %while3A_817, %while3A_819 : i32
        %while3A_821 = arith.constant 1 : i32
        %while3A_822 = arith.divsi %while3A_819, %while3A_821 : i32
        %while3A_823 = arith.muli %while3A_822, %while3A_821 : i32
        %while3A_824 = arith.addi %while3A_817, %while3A_823 : i32
        %while3A_825 = arith.constant 1 : i32
        %while3A_826 = scf.for %while3A_830 = %while3A_817 to %while3A_824 step %while3A_825 iter_args(%while3A_831 = %while3A_818) -> (i32)  : i32 {
          %mul3A_832 = arith.constant 16 : i32
          %mul3A_833 = arith.muli %while3A_830, %mul3A_832 : i32
          %get3A_834 = arith.index_cast %mul3A_833 : i32 to index
          %get3A_835 = tpu.vector_load %arg20[%get3A_834] {strides = array<i32>} : memref<128xi32, #tpu.memory_space<vmem>>, vector<16xi32>,
          %mul3A_836 = arith.constant 128 : i32
          %mul3A_837 = arith.muli %while3A_807, %mul3A_836 : i32
          %mul3A_838 = arith.constant 16 : i32
          %mul3A_839 = arith.muli %while3A_830, %mul3A_838 : i32
          %add3A_840 = arith.addi %mul3A_837, %mul3A_839 : i32
          %add3A_841 = vector.broadcast %add3A_840 : i32 to vector<16xi32>
          %add3A_842 = arith.addi %add3A_841, %iota3A : vector<16xi32>
          %lt3A_843 = vector.broadcast %squeeze3A_486 : i32 to vector<16xi32>
          %lt3A_844 = arith.cmpi slt, %add3A_842, %lt3A_843 : vector<16xi32>
          %jit3A_845 = arith.constant 0 : i32
          %broadcast_in_dim3A_846 = vector.broadcast %jit3A_845 : i32 to vector<16xi32>
          %select_n3A_847 = arith.select %lt3A_844, %get3A_835, %broadcast_in_dim3A_846 : vector<16xi1>, vector<16xi32>
          tpu.vector_store_idx %arg14[%select_n3A_847], %broadcast_in_dim3A_0 masked %lt3A_844 : memref<10112xi32, #tpu.memory_space<vmem>>[vector<16xi32>], vector<16xi32>, vector<16xi1>
          %while3A_848 = arith.constant 0 : i32
          scf.yield %while3A_848 : i32
        }
        %while3A_827 = arith.constant 1 : i32
        %while3A_828 = scf.for %while3A_830 = %while3A_824 to %while3A_820 step %while3A_827 iter_args(%while3A_831 = %while3A_826) -> (i32)  : i32 {
          %mul3A_832 = arith.constant 16 : i32
          %mul3A_833 = arith.muli %while3A_830, %mul3A_832 : i32
          %get3A_834 = arith.index_cast %mul3A_833 : i32 to index
          %get3A_835 = tpu.vector_load %arg20[%get3A_834] {strides = array<i32>} : memref<128xi32, #tpu.memory_space<vmem>>, vector<16xi32>,
          %mul3A_836 = arith.constant 128 : i32
          %mul3A_837 = arith.muli %while3A_807, %mul3A_836 : i32
          %mul3A_838 = arith.constant 16 : i32
          %mul3A_839 = arith.muli %while3A_830, %mul3A_838 : i32
          %add3A_840 = arith.addi %mul3A_837, %mul3A_839 : i32
          %add3A_841 = vector.broadcast %add3A_840 : i32 to vector<16xi32>
          %add3A_842 = arith.addi %add3A_841, %iota3A : vector<16xi32>
          %lt3A_843 = vector.broadcast %squeeze3A_486 : i32 to vector<16xi32>
          %lt3A_844 = arith.cmpi slt, %add3A_842, %lt3A_843 : vector<16xi32>
          %jit3A_845 = arith.constant 0 : i32
          %broadcast_in_dim3A_846 = vector.broadcast %jit3A_845 : i32 to vector<16xi32>
          %select_n3A_847 = arith.select %lt3A_844, %get3A_835, %broadcast_in_dim3A_846 : vector<16xi1>, vector<16xi32>
          tpu.vector_store_idx %arg14[%select_n3A_847], %broadcast_in_dim3A_0 masked %lt3A_844 : memref<10112xi32, #tpu.memory_space<vmem>>[vector<16xi32>], vector<16xi32>, vector<16xi1>
          %while3A_848 = arith.constant 0 : i32
          scf.yield %while3A_848 : i32
        }
        %while3A_829 = arith.constant 0 : i32
        scf.yield %while3A_829 : i32
      }
      %while3A_674 = arith.constant 1 : i32
      %while3A_675 = scf.for %while3A_807 = %while3A_671 to %while3A_667 step %while3A_674 iter_args(%while3A_808 = %while3A_673) -> (i32)  : i32 {
        %gt3A = arith.constant 1 : i32
        %gt3A_809 = arith.cmpi sgt, %select_n3A_524, %gt3A : i32
        %convert_element_type3A_810 = arith.extui %gt3A_809 : i1 to i32
        %cond3A_811 = arith.constant 0 : i32
        %cond3A_812 = arith.cmpi ne, %convert_element_type3A_810, %cond3A_811 : i32
        scf.if %cond3A_812 {
          %mul3A_830 = arith.constant 128 : i32
          %mul3A_831 = arith.muli %while3A_807, %mul3A_830 : i32
          %add3A_832 = arith.addi %squeeze3A_480, %mul3A_831 : i32
          %multiple_of3A_833 = tpu.assume_multiple %add3A_832, 8 : i32
          "tpu.region"() ({
            %run_scoped3A = tpu.sem_alloc : memref<!tpu.dma_semaphore, #tpu.memory_space<semaphore_mem>>
            %dma_start3A_834 = tpu.memref_slice %arg7[%multiple_of3A_833] : memref<656640xi32, #tpu.memory_space<vmem_shared>> -> memref<128xi32, #tpu.memory_space<vmem_shared>>
            %dma_start3A_835 = tpu.memref_slice %arg7[%multiple_of3A_833] : memref<656640xi32, #tpu.memory_space<vmem_shared>> -> memref<128xi32, #tpu.memory_space<vmem_shared>>
            tpu.enqueue_dma source(%dma_start3A_835 : memref<128xi32, #tpu.memory_space<vmem_shared>>) target(%arg20 : memref<128xi32, #tpu.memory_space<vmem>>) target_semaphore(%run_scoped3A : memref<!tpu.dma_semaphore, #tpu.memory_space<semaphore_mem>>)
            %dma_wait3A_836 = tpu.memref_slice %arg7[%multiple_of3A_833] : memref<656640xi32, #tpu.memory_space<vmem_shared>> -> memref<128xi32, #tpu.memory_space<vmem_shared>>
            %dma_wait3A_837 = tpu.memref_slice %arg7[%multiple_of3A_833] : memref<656640xi32, #tpu.memory_space<vmem_shared>> -> memref<128xi32, #tpu.memory_space<vmem_shared>>
            tpu.wait_dma2 semaphore(%run_scoped3A : memref<!tpu.dma_semaphore, #tpu.memory_space<semaphore_mem>>) src(%dma_wait3A_837 : memref<128xi32, #tpu.memory_space<vmem_shared>>) dst(%arg20 : memref<128xi32, #tpu.memory_space<vmem>>)
            tpu.yield
          }) : () -> ()
        } else {
        }
        %mul3A_813 = arith.constant 8 : i32
        %mul3A_814 = arith.muli %while3A_807, %mul3A_813 : i32
        %sub3A_815 = arith.subi %select_n3A_552, %mul3A_814 : i32
        %min3A = arith.constant 8 : i32
        %min3A_816 = arith.minsi %min3A, %sub3A_815 : i32
        %while3A_817 = arith.constant 0 : i32
        %while3A_818 = arith.constant 0 : i32
        %while3A_819 = arith.subi %min3A_816, %while3A_817 : i32
        %while3A_820 = arith.addi %while3A_817, %while3A_819 : i32
        %while3A_821 = arith.constant 1 : i32
        %while3A_822 = arith.divsi %while3A_819, %while3A_821 : i32
        %while3A_823 = arith.muli %while3A_822, %while3A_821 : i32
        %while3A_824 = arith.addi %while3A_817, %while3A_823 : i32
        %while3A_825 = arith.constant 1 : i32
        %while3A_826 = scf.for %while3A_830 = %while3A_817 to %while3A_824 step %while3A_825 iter_args(%while3A_831 = %while3A_818) -> (i32)  : i32 {
          %mul3A_832 = arith.constant 16 : i32
          %mul3A_833 = arith.muli %while3A_830, %mul3A_832 : i32
          %get3A_834 = arith.index_cast %mul3A_833 : i32 to index
          %get3A_835 = tpu.vector_load %arg20[%get3A_834] {strides = array<i32>} : memref<128xi32, #tpu.memory_space<vmem>>, vector<16xi32>,
          %mul3A_836 = arith.constant 128 : i32
          %mul3A_837 = arith.muli %while3A_807, %mul3A_836 : i32
          %mul3A_838 = arith.constant 16 : i32
          %mul3A_839 = arith.muli %while3A_830, %mul3A_838 : i32
          %add3A_840 = arith.addi %mul3A_837, %mul3A_839 : i32
          %add3A_841 = vector.broadcast %add3A_840 : i32 to vector<16xi32>
          %add3A_842 = arith.addi %add3A_841, %iota3A : vector<16xi32>
          %lt3A_843 = vector.broadcast %squeeze3A_486 : i32 to vector<16xi32>
          %lt3A_844 = arith.cmpi slt, %add3A_842, %lt3A_843 : vector<16xi32>
          %jit3A_845 = arith.constant 0 : i32
          %broadcast_in_dim3A_846 = vector.broadcast %jit3A_845 : i32 to vector<16xi32>
          %select_n3A_847 = arith.select %lt3A_844, %get3A_835, %broadcast_in_dim3A_846 : vector<16xi1>, vector<16xi32>
          tpu.vector_store_idx %arg14[%select_n3A_847], %broadcast_in_dim3A_0 masked %lt3A_844 : memref<10112xi32, #tpu.memory_space<vmem>>[vector<16xi32>], vector<16xi32>, vector<16xi1>
          %while3A_848 = arith.constant 0 : i32
          scf.yield %while3A_848 : i32
        }
        %while3A_827 = arith.constant 1 : i32
        %while3A_828 = scf.for %while3A_830 = %while3A_824 to %while3A_820 step %while3A_827 iter_args(%while3A_831 = %while3A_826) -> (i32)  : i32 {
          %mul3A_832 = arith.constant 16 : i32
          %mul3A_833 = arith.muli %while3A_830, %mul3A_832 : i32
          %get3A_834 = arith.index_cast %mul3A_833 : i32 to index
          %get3A_835 = tpu.vector_load %arg20[%get3A_834] {strides = array<i32>} : memref<128xi32, #tpu.memory_space<vmem>>, vector<16xi32>,
          %mul3A_836 = arith.constant 128 : i32
          %mul3A_837 = arith.muli %while3A_807, %mul3A_836 : i32
          %mul3A_838 = arith.constant 16 : i32
          %mul3A_839 = arith.muli %while3A_830, %mul3A_838 : i32
          %add3A_840 = arith.addi %mul3A_837, %mul3A_839 : i32
          %add3A_841 = vector.broadcast %add3A_840 : i32 to vector<16xi32>
          %add3A_842 = arith.addi %add3A_841, %iota3A : vector<16xi32>
          %lt3A_843 = vector.broadcast %squeeze3A_486 : i32 to vector<16xi32>
          %lt3A_844 = arith.cmpi slt, %add3A_842, %lt3A_843 : vector<16xi32>
          %jit3A_845 = arith.constant 0 : i32
          %broadcast_in_dim3A_846 = vector.broadcast %jit3A_845 : i32 to vector<16xi32>
          %select_n3A_847 = arith.select %lt3A_844, %get3A_835, %broadcast_in_dim3A_846 : vector<16xi1>, vector<16xi32>
          tpu.vector_store_idx %arg14[%select_n3A_847], %broadcast_in_dim3A_0 masked %lt3A_844 : memref<10112xi32, #tpu.memory_space<vmem>>[vector<16xi32>], vector<16xi32>, vector<16xi1>
          %while3A_848 = arith.constant 0 : i32
          scf.yield %while3A_848 : i32
        }
        %while3A_829 = arith.constant 0 : i32
        scf.yield %while3A_829 : i32
      }
      %dma_wait3A_676 = tpu.memref_slice %arg2[%multiple_of3A_583] : memref<1280000xf32, #tpu.memory_space<hbm>> -> memref<128xf32, #tpu.memory_space<hbm>>
      %dma_wait3A_677 = tpu.memref_slice %arg2[%multiple_of3A_583] : memref<1280000xf32, #tpu.memory_space<hbm>> -> memref<128xf32, #tpu.memory_space<hbm>>
      tpu.wait_dma2 semaphore(%arg22 : memref<!tpu.dma_semaphore, #tpu.memory_space<semaphore_mem>>) src(%dma_wait3A_677 : memref<128xf32, #tpu.memory_space<hbm>>) dst(%arg37 : memref<128xf32, #tpu.memory_space<vmem>>)
      %dma_wait3A_678 = tpu.memref_slice %arg2[%multiple_of3A_588] : memref<1280000xf32, #tpu.memory_space<hbm>> -> memref<128xf32, #tpu.memory_space<hbm>>
      %dma_wait3A_679 = tpu.memref_slice %arg2[%multiple_of3A_588] : memref<1280000xf32, #tpu.memory_space<hbm>> -> memref<128xf32, #tpu.memory_space<hbm>>
      tpu.wait_dma2 semaphore(%arg22 : memref<!tpu.dma_semaphore, #tpu.memory_space<semaphore_mem>>) src(%dma_wait3A_679 : memref<128xf32, #tpu.memory_space<hbm>>) dst(%arg38 : memref<128xf32, #tpu.memory_space<vmem>>)
      %get3A_680 = arith.constant 0 : index
      %get3A_681 = tpu.vector_load %arg37[%get3A_680] {strides = array<i32>} : memref<128xf32, #tpu.memory_space<vmem>>, vector<16xf32>,
      %get3A_682 = arith.constant 0 : index
      %get3A_683 = tpu.vector_load %arg38[%get3A_682] {strides = array<i32>} : memref<128xf32, #tpu.memory_space<vmem>>, vector<16xf32>,
      %mul3A_684 = arith.mulf %get3A_681, %get3A_683 : vector<16xf32>
      %swap3A_685 = arith.constant 0 : index
      %swap3A_686 = tpu.vector_load %arg40[%swap3A_685] {strides = array<i32>} : memref<512xf32, #tpu.memory_space<vmem>>, vector<16xf32>,
      tpu.vector_store %arg40[%swap3A_685], %mul3A_684 {strides = array<i32>} : memref<512xf32, #tpu.memory_space<vmem>>, vector<16xf32>,
      %mul3A_687 = vector.broadcast %convert_element_type3A_625 : f32 to vector<16xf32>
      %mul3A_688 = arith.mulf %mul3A_687, %get3A_681 : vector<16xf32>
      %swap3A_689 = arith.constant 128 : index
      %swap3A_690 = tpu.vector_load %arg40[%swap3A_689] {strides = array<i32>} : memref<512xf32, #tpu.memory_space<vmem>>, vector<16xf32>,
      tpu.vector_store %arg40[%swap3A_689], %mul3A_688 {strides = array<i32>} : memref<512xf32, #tpu.memory_space<vmem>>, vector<16xf32>,
      %mul3A_691 = vector.broadcast %convert_element_type3A_625 : f32 to vector<16xf32>
      %mul3A_692 = arith.mulf %mul3A_691, %get3A_683 : vector<16xf32>
      %swap3A_693 = arith.constant 256 : index
      %swap3A_694 = tpu.vector_load %arg40[%swap3A_693] {strides = array<i32>} : memref<512xf32, #tpu.memory_space<vmem>>, vector<16xf32>,
      tpu.vector_store %arg40[%swap3A_693], %mul3A_692 {strides = array<i32>} : memref<512xf32, #tpu.memory_space<vmem>>, vector<16xf32>,
      %get3A_695 = arith.constant 16 : index
      %get3A_696 = tpu.vector_load %arg37[%get3A_695] {strides = array<i32>} : memref<128xf32, #tpu.memory_space<vmem>>, vector<16xf32>,
      %get3A_697 = arith.constant 16 : index
      %get3A_698 = tpu.vector_load %arg38[%get3A_697] {strides = array<i32>} : memref<128xf32, #tpu.memory_space<vmem>>, vector<16xf32>,
      %mul3A_699 = arith.mulf %get3A_696, %get3A_698 : vector<16xf32>
      %swap3A_700 = arith.constant 16 : index
      %swap3A_701 = tpu.vector_load %arg40[%swap3A_700] {strides = array<i32>} : memref<512xf32, #tpu.memory_space<vmem>>, vector<16xf32>,
      tpu.vector_store %arg40[%swap3A_700], %mul3A_699 {strides = array<i32>} : memref<512xf32, #tpu.memory_space<vmem>>, vector<16xf32>,
      %mul3A_702 = vector.broadcast %convert_element_type3A_625 : f32 to vector<16xf32>
      %mul3A_703 = arith.mulf %mul3A_702, %get3A_696 : vector<16xf32>
      %swap3A_704 = arith.constant 144 : index
      %swap3A_705 = tpu.vector_load %arg40[%swap3A_704] {strides = array<i32>} : memref<512xf32, #tpu.memory_space<vmem>>, vector<16xf32>,
      tpu.vector_store %arg40[%swap3A_704], %mul3A_703 {strides = array<i32>} : memref<512xf32, #tpu.memory_space<vmem>>, vector<16xf32>,
      %mul3A_706 = vector.broadcast %convert_element_type3A_625 : f32 to vector<16xf32>
      %mul3A_707 = arith.mulf %mul3A_706, %get3A_698 : vector<16xf32>
      %swap3A_708 = arith.constant 272 : index
      %swap3A_709 = tpu.vector_load %arg40[%swap3A_708] {strides = array<i32>} : memref<512xf32, #tpu.memory_space<vmem>>, vector<16xf32>,
      tpu.vector_store %arg40[%swap3A_708], %mul3A_707 {strides = array<i32>} : memref<512xf32, #tpu.memory_space<vmem>>, vector<16xf32>,
      %get3A_710 = arith.constant 32 : index
      %get3A_711 = tpu.vector_load %arg37[%get3A_710] {strides = array<i32>} : memref<128xf32, #tpu.memory_space<vmem>>, vector<16xf32>,
      %get3A_712 = arith.constant 32 : index
      %get3A_713 = tpu.vector_load %arg38[%get3A_712] {strides = array<i32>} : memref<128xf32, #tpu.memory_space<vmem>>, vector<16xf32>,
      %mul3A_714 = arith.mulf %get3A_711, %get3A_713 : vector<16xf32>
      %swap3A_715 = arith.constant 32 : index
      %swap3A_716 = tpu.vector_load %arg40[%swap3A_715] {strides = array<i32>} : memref<512xf32, #tpu.memory_space<vmem>>, vector<16xf32>,
      tpu.vector_store %arg40[%swap3A_715], %mul3A_714 {strides = array<i32>} : memref<512xf32, #tpu.memory_space<vmem>>, vector<16xf32>,
      %mul3A_717 = vector.broadcast %convert_element_type3A_625 : f32 to vector<16xf32>
      %mul3A_718 = arith.mulf %mul3A_717, %get3A_711 : vector<16xf32>
      %swap3A_719 = arith.constant 160 : index
      %swap3A_720 = tpu.vector_load %arg40[%swap3A_719] {strides = array<i32>} : memref<512xf32, #tpu.memory_space<vmem>>, vector<16xf32>,
      tpu.vector_store %arg40[%swap3A_719], %mul3A_718 {strides = array<i32>} : memref<512xf32, #tpu.memory_space<vmem>>, vector<16xf32>,
      %mul3A_721 = vector.broadcast %convert_element_type3A_625 : f32 to vector<16xf32>
      %mul3A_722 = arith.mulf %mul3A_721, %get3A_713 : vector<16xf32>
      %swap3A_723 = arith.constant 288 : index
      %swap3A_724 = tpu.vector_load %arg40[%swap3A_723] {strides = array<i32>} : memref<512xf32, #tpu.memory_space<vmem>>, vector<16xf32>,
      tpu.vector_store %arg40[%swap3A_723], %mul3A_722 {strides = array<i32>} : memref<512xf32, #tpu.memory_space<vmem>>, vector<16xf32>,
      %get3A_725 = arith.constant 48 : index
      %get3A_726 = tpu.vector_load %arg37[%get3A_725] {strides = array<i32>} : memref<128xf32, #tpu.memory_space<vmem>>, vector<16xf32>,
      %get3A_727 = arith.constant 48 : index
      %get3A_728 = tpu.vector_load %arg38[%get3A_727] {strides = array<i32>} : memref<128xf32, #tpu.memory_space<vmem>>, vector<16xf32>,
      %mul3A_729 = arith.mulf %get3A_726, %get3A_728 : vector<16xf32>
      %swap3A_730 = arith.constant 48 : index
      %swap3A_731 = tpu.vector_load %arg40[%swap3A_730] {strides = array<i32>} : memref<512xf32, #tpu.memory_space<vmem>>, vector<16xf32>,
      tpu.vector_store %arg40[%swap3A_730], %mul3A_729 {strides = array<i32>} : memref<512xf32, #tpu.memory_space<vmem>>, vector<16xf32>,
      %mul3A_732 = vector.broadcast %convert_element_type3A_625 : f32 to vector<16xf32>
      %mul3A_733 = arith.mulf %mul3A_732, %get3A_726 : vector<16xf32>
      %swap3A_734 = arith.constant 176 : index
      %swap3A_735 = tpu.vector_load %arg40[%swap3A_734] {strides = array<i32>} : memref<512xf32, #tpu.memory_space<vmem>>, vector<16xf32>,
      tpu.vector_store %arg40[%swap3A_734], %mul3A_733 {strides = array<i32>} : memref<512xf32, #tpu.memory_space<vmem>>, vector<16xf32>,
      %mul3A_736 = vector.broadcast %convert_element_type3A_625 : f32 to vector<16xf32>
      %mul3A_737 = arith.mulf %mul3A_736, %get3A_728 : vector<16xf32>
      %swap3A_738 = arith.constant 304 : index
      %swap3A_739 = tpu.vector_load %arg40[%swap3A_738] {strides = array<i32>} : memref<512xf32, #tpu.memory_space<vmem>>, vector<16xf32>,
      tpu.vector_store %arg40[%swap3A_738], %mul3A_737 {strides = array<i32>} : memref<512xf32, #tpu.memory_space<vmem>>, vector<16xf32>,
      %get3A_740 = arith.constant 64 : index
      %get3A_741 = tpu.vector_load %arg37[%get3A_740] {strides = array<i32>} : memref<128xf32, #tpu.memory_space<vmem>>, vector<16xf32>,
      %get3A_742 = arith.constant 64 : index
      %get3A_743 = tpu.vector_load %arg38[%get3A_742] {strides = array<i32>} : memref<128xf32, #tpu.memory_space<vmem>>, vector<16xf32>,
      %mul3A_744 = arith.mulf %get3A_741, %get3A_743 : vector<16xf32>
      %swap3A_745 = arith.constant 64 : index
      %swap3A_746 = tpu.vector_load %arg40[%swap3A_745] {strides = array<i32>} : memref<512xf32, #tpu.memory_space<vmem>>, vector<16xf32>,
      tpu.vector_store %arg40[%swap3A_745], %mul3A_744 {strides = array<i32>} : memref<512xf32, #tpu.memory_space<vmem>>, vector<16xf32>,
      %mul3A_747 = vector.broadcast %convert_element_type3A_625 : f32 to vector<16xf32>
      %mul3A_748 = arith.mulf %mul3A_747, %get3A_741 : vector<16xf32>
      %swap3A_749 = arith.constant 192 : index
      %swap3A_750 = tpu.vector_load %arg40[%swap3A_749] {strides = array<i32>} : memref<512xf32, #tpu.memory_space<vmem>>, vector<16xf32>,
      tpu.vector_store %arg40[%swap3A_749], %mul3A_748 {strides = array<i32>} : memref<512xf32, #tpu.memory_space<vmem>>, vector<16xf32>,
      %mul3A_751 = vector.broadcast %convert_element_type3A_625 : f32 to vector<16xf32>
      %mul3A_752 = arith.mulf %mul3A_751, %get3A_743 : vector<16xf32>
      %swap3A_753 = arith.constant 320 : index
      %swap3A_754 = tpu.vector_load %arg40[%swap3A_753] {strides = array<i32>} : memref<512xf32, #tpu.memory_space<vmem>>, vector<16xf32>,
      tpu.vector_store %arg40[%swap3A_753], %mul3A_752 {strides = array<i32>} : memref<512xf32, #tpu.memory_space<vmem>>, vector<16xf32>,
      %get3A_755 = arith.constant 80 : index
      %get3A_756 = tpu.vector_load %arg37[%get3A_755] {strides = array<i32>} : memref<128xf32, #tpu.memory_space<vmem>>, vector<16xf32>,
      %get3A_757 = arith.constant 80 : index
      %get3A_758 = tpu.vector_load %arg38[%get3A_757] {strides = array<i32>} : memref<128xf32, #tpu.memory_space<vmem>>, vector<16xf32>,
      %mul3A_759 = arith.mulf %get3A_756, %get3A_758 : vector<16xf32>
      %swap3A_760 = arith.constant 80 : index
      %swap3A_761 = tpu.vector_load %arg40[%swap3A_760] {strides = array<i32>} : memref<512xf32, #tpu.memory_space<vmem>>, vector<16xf32>,
      tpu.vector_store %arg40[%swap3A_760], %mul3A_759 {strides = array<i32>} : memref<512xf32, #tpu.memory_space<vmem>>, vector<16xf32>,
      %mul3A_762 = vector.broadcast %convert_element_type3A_625 : f32 to vector<16xf32>
      %mul3A_763 = arith.mulf %mul3A_762, %get3A_756 : vector<16xf32>
      %swap3A_764 = arith.constant 208 : index
      %swap3A_765 = tpu.vector_load %arg40[%swap3A_764] {strides = array<i32>} : memref<512xf32, #tpu.memory_space<vmem>>, vector<16xf32>,
      tpu.vector_store %arg40[%swap3A_764], %mul3A_763 {strides = array<i32>} : memref<512xf32, #tpu.memory_space<vmem>>, vector<16xf32>,
      %mul3A_766 = vector.broadcast %convert_element_type3A_625 : f32 to vector<16xf32>
      %mul3A_767 = arith.mulf %mul3A_766, %get3A_758 : vector<16xf32>
      %swap3A_768 = arith.constant 336 : index
      %swap3A_769 = tpu.vector_load %arg40[%swap3A_768] {strides = array<i32>} : memref<512xf32, #tpu.memory_space<vmem>>, vector<16xf32>,
      tpu.vector_store %arg40[%swap3A_768], %mul3A_767 {strides = array<i32>} : memref<512xf32, #tpu.memory_space<vmem>>, vector<16xf32>,
      %get3A_770 = arith.constant 96 : index
      %get3A_771 = tpu.vector_load %arg37[%get3A_770] {strides = array<i32>} : memref<128xf32, #tpu.memory_space<vmem>>, vector<16xf32>,
      %get3A_772 = arith.constant 96 : index
      %get3A_773 = tpu.vector_load %arg38[%get3A_772] {strides = array<i32>} : memref<128xf32, #tpu.memory_space<vmem>>, vector<16xf32>,
      %mul3A_774 = arith.mulf %get3A_771, %get3A_773 : vector<16xf32>
      %swap3A_775 = arith.constant 96 : index
      %swap3A_776 = tpu.vector_load %arg40[%swap3A_775] {strides = array<i32>} : memref<512xf32, #tpu.memory_space<vmem>>, vector<16xf32>,
      tpu.vector_store %arg40[%swap3A_775], %mul3A_774 {strides = array<i32>} : memref<512xf32, #tpu.memory_space<vmem>>, vector<16xf32>,
      %mul3A_777 = vector.broadcast %convert_element_type3A_625 : f32 to vector<16xf32>
      %mul3A_778 = arith.mulf %mul3A_777, %get3A_771 : vector<16xf32>
      %swap3A_779 = arith.constant 224 : index
      %swap3A_780 = tpu.vector_load %arg40[%swap3A_779] {strides = array<i32>} : memref<512xf32, #tpu.memory_space<vmem>>, vector<16xf32>,
      tpu.vector_store %arg40[%swap3A_779], %mul3A_778 {strides = array<i32>} : memref<512xf32, #tpu.memory_space<vmem>>, vector<16xf32>,
      %mul3A_781 = vector.broadcast %convert_element_type3A_625 : f32 to vector<16xf32>
      %mul3A_782 = arith.mulf %mul3A_781, %get3A_773 : vector<16xf32>
      %swap3A_783 = arith.constant 352 : index
      %swap3A_784 = tpu.vector_load %arg40[%swap3A_783] {strides = array<i32>} : memref<512xf32, #tpu.memory_space<vmem>>, vector<16xf32>,
      tpu.vector_store %arg40[%swap3A_783], %mul3A_782 {strides = array<i32>} : memref<512xf32, #tpu.memory_space<vmem>>, vector<16xf32>,
      %get3A_785 = arith.constant 112 : index
      %get3A_786 = tpu.vector_load %arg37[%get3A_785] {strides = array<i32>} : memref<128xf32, #tpu.memory_space<vmem>>, vector<16xf32>,
      %get3A_787 = arith.constant 112 : index
      %get3A_788 = tpu.vector_load %arg38[%get3A_787] {strides = array<i32>} : memref<128xf32, #tpu.memory_space<vmem>>, vector<16xf32>,
      %mul3A_789 = arith.mulf %get3A_786, %get3A_788 : vector<16xf32>
      %swap3A_790 = arith.constant 112 : index
      %swap3A_791 = tpu.vector_load %arg40[%swap3A_790] {strides = array<i32>} : memref<512xf32, #tpu.memory_space<vmem>>, vector<16xf32>,
      tpu.vector_store %arg40[%swap3A_790], %mul3A_789 {strides = array<i32>} : memref<512xf32, #tpu.memory_space<vmem>>, vector<16xf32>,
      %mul3A_792 = vector.broadcast %convert_element_type3A_625 : f32 to vector<16xf32>
      %mul3A_793 = arith.mulf %mul3A_792, %get3A_786 : vector<16xf32>
      %swap3A_794 = arith.constant 240 : index
      %swap3A_795 = tpu.vector_load %arg40[%swap3A_794] {strides = array<i32>} : memref<512xf32, #tpu.memory_space<vmem>>, vector<16xf32>,
      tpu.vector_store %arg40[%swap3A_794], %mul3A_793 {strides = array<i32>} : memref<512xf32, #tpu.memory_space<vmem>>, vector<16xf32>,
      %mul3A_796 = vector.broadcast %convert_element_type3A_625 : f32 to vector<16xf32>
      %mul3A_797 = arith.mulf %mul3A_796, %get3A_788 : vector<16xf32>
      %swap3A_798 = arith.constant 368 : index
      %swap3A_799 = tpu.vector_load %arg40[%swap3A_798] {strides = array<i32>} : memref<512xf32, #tpu.memory_space<vmem>>, vector<16xf32>,
      tpu.vector_store %arg40[%swap3A_798], %mul3A_797 {strides = array<i32>} : memref<512xf32, #tpu.memory_space<vmem>>, vector<16xf32>,
      %add3A_800 = arith.addi %add3A_410, %scan3A_451 : i32
      %mul3A_801 = arith.constant 4 : i32
      %mul3A_802 = arith.muli %add3A_800, %mul3A_801 : i32
      %mul3A_803 = arith.constant 128 : i32
      %mul3A_804 = arith.muli %mul3A_802, %mul3A_803 : i32
      %multiple_of3A_805 = tpu.assume_multiple %mul3A_804, 8 : i32
      "tpu.region"() ({
        %run_scoped3A = tpu.sem_alloc : memref<!tpu.dma_semaphore, #tpu.memory_space<semaphore_mem>>
        %dma_start3A_807 = tpu.memref_slice %arg5[%multiple_of3A_805] : memref<524288xf32, #tpu.memory_space<hbm>> -> memref<512xf32, #tpu.memory_space<hbm>>
        %dma_start3A_808 = tpu.memref_slice %arg5[%multiple_of3A_805] : memref<524288xf32, #tpu.memory_space<hbm>> -> memref<512xf32, #tpu.memory_space<hbm>>
        tpu.enqueue_dma source(%arg40 : memref<512xf32, #tpu.memory_space<vmem>>) target(%dma_start3A_808 : memref<512xf32, #tpu.memory_space<hbm>>) target_semaphore(%run_scoped3A : memref<!tpu.dma_semaphore, #tpu.memory_space<semaphore_mem>>)
        %dma_wait3A_809 = tpu.memref_slice %arg5[%multiple_of3A_805] : memref<524288xf32, #tpu.memory_space<hbm>> -> memref<512xf32, #tpu.memory_space<hbm>>
        %dma_wait3A_810 = tpu.memref_slice %arg5[%multiple_of3A_805] : memref<524288xf32, #tpu.memory_space<hbm>> -> memref<512xf32, #tpu.memory_space<hbm>>
        tpu.wait_dma2 semaphore(%run_scoped3A : memref<!tpu.dma_semaphore, #tpu.memory_space<semaphore_mem>>) src(%arg40 : memref<512xf32, #tpu.memory_space<vmem>>) dst(%dma_wait3A_810 : memref<512xf32, #tpu.memory_space<hbm>>)
        tpu.yield
      }) : () -> ()
      %scan3A_806 = arith.constant 0 : i32
      scf.yield %scan3A_806 : i32
    }
    %scan3A_450 = arith.constant 32 : i32
    "tpu.trace_stop"() : () -> ()
    return
  }
}

module attributes {stable_mosaic.version = 14 : i64} {
  func.func @_mlp_body(%arg0: memref<1024x512xf32, #tpu.memory_space<vmem>>, %arg1: memref<512x1xf32, #tpu.memory_space<vmem>>, %arg2: memref<1x1xf32, #tpu.memory_space<vmem>>, %arg3: memref<512x256xf32, #tpu.memory_space<vmem>>, %arg4: memref<1x256xf32, #tpu.memory_space<vmem>>, %arg5: memref<256x1xf32, #tpu.memory_space<vmem>>, %arg6: memref<1x1xf32, #tpu.memory_space<vmem>>, %arg7: memref<1024x1xf32, #tpu.memory_space<vmem>>) attributes {dimension_semantics = [], scalar_prefetch = 0 : i64, scratch_operands = 0 : i64, tpu.core_type = #tpu.core_type<tc>} {
    %get3A = arith.constant 0 : index
    %get3A_0 = arith.constant 0 : index
    %get3A_1 = vector.load %arg0[%get3A, %get3A_0] : memref<1024x512xf32, #tpu.memory_space<vmem>>, vector<1024x512xf32>
    %get3A_2 = arith.constant 0 : index
    %get3A_3 = arith.constant 0 : index
    %get3A_4 = vector.load %arg3[%get3A_2, %get3A_3] : memref<512x256xf32, #tpu.memory_space<vmem>>, vector<512x256xf32>
    %dot_general3A = arith.constant dense<0.000000e+00> : vector<1024x256xf32>
    %dot_general3A_5 = tpu.matmul %get3A_1, %get3A_4, %dot_general3A {dimension_numbers = #tpu.dot_dimension_numbers<[1], [0], [0], [1], [0, 0, 1, 1], [], []>, transpose_lhs_hint = false} : vector<1024x512xf32>, vector<512x256xf32>, vector<1024x256xf32> -> vector<1024x256xf32>
    %get3A_6 = arith.constant 0 : index
    %get3A_7 = arith.constant 0 : index
    %get3A_8 = vector.load %arg4[%get3A_6, %get3A_7] : memref<1x256xf32, #tpu.memory_space<vmem>>, vector<1x256xf32>
    %add3A = vector.broadcast %get3A_8 : vector<1x256xf32> to vector<1024x256xf32>
    %add3A_9 = arith.addf %dot_general3A_5, %add3A : vector<1024x256xf32>
    %max3A = arith.constant 0.000000e+00 : f32
    %max3A_10 = vector.broadcast %max3A : f32 to vector<1024x256xf32>
    %max3A_11 = arith.maximumf %add3A_9, %max3A_10 : vector<1024x256xf32>
    %get3A_12 = arith.constant 0 : index
    %get3A_13 = arith.constant 0 : index
    %get3A_14 = vector.load %arg1[%get3A_12, %get3A_13] : memref<512x1xf32, #tpu.memory_space<vmem>>, vector<512x1xf32>
    %dot_general3A_15 = arith.constant dense<0.000000e+00> : vector<1024x1xf32>
    %dot_general3A_16 = tpu.matmul %get3A_1, %get3A_14, %dot_general3A_15 {dimension_numbers = #tpu.dot_dimension_numbers<[1], [0], [0], [1], [0, 0, 1, 1], [], []>, transpose_lhs_hint = false} : vector<1024x512xf32>, vector<512x1xf32>, vector<1024x1xf32> -> vector<1024x1xf32>
    %get3A_17 = arith.constant 0 : index
    %get3A_18 = arith.constant 0 : index
    %get3A_19 = vector.load %arg5[%get3A_17, %get3A_18] : memref<256x1xf32, #tpu.memory_space<vmem>>, vector<256x1xf32>
    %dot_general3A_20 = arith.constant dense<0.000000e+00> : vector<1024x1xf32>
    %dot_general3A_21 = tpu.matmul %max3A_11, %get3A_19, %dot_general3A_20 {dimension_numbers = #tpu.dot_dimension_numbers<[1], [0], [0], [1], [0, 0, 1, 1], [], []>, transpose_lhs_hint = false} : vector<1024x256xf32>, vector<256x1xf32>, vector<1024x1xf32> -> vector<1024x1xf32>
    %add3A_22 = arith.addf %dot_general3A_16, %dot_general3A_21 : vector<1024x1xf32>
    %get3A_23 = arith.constant 0 : index
    %get3A_24 = arith.constant 0 : index
    %get3A_25 = vector.load %arg2[%get3A_23, %get3A_24] : memref<1x1xf32, #tpu.memory_space<vmem>>, vector<1x1xf32>
    %add3A_26 = vector.broadcast %get3A_25 : vector<1x1xf32> to vector<1024x1xf32>
    %add3A_27 = arith.addf %add3A_22, %add3A_26 : vector<1024x1xf32>
    %get3A_28 = arith.constant 0 : index
    %get3A_29 = arith.constant 0 : index
    %get3A_30 = vector.load %arg6[%get3A_28, %get3A_29] : memref<1x1xf32, #tpu.memory_space<vmem>>, vector<1x1xf32>
    %add3A_31 = vector.broadcast %get3A_30 : vector<1x1xf32> to vector<1024x1xf32>
    %add3A_32 = arith.addf %add3A_27, %add3A_31 : vector<1024x1xf32>
    %swap3A = arith.constant 0 : index
    %swap3A_33 = arith.constant 0 : index
    %swap3A_34 = vector.load %arg7[%swap3A, %swap3A_33] : memref<1024x1xf32, #tpu.memory_space<vmem>>, vector<1024x1xf32>
    tpu.vector_store %arg7[%swap3A, %swap3A_33], %add3A_32 {strides = array<i32>} : memref<1024x1xf32, #tpu.memory_space<vmem>>, vector<1024x1xf32>,
    return
  }
}

</mosaic_0001>

<sc_bundles>
// kernel: kernel.4.cloned.1.call-start
scs
__scs_entry_jumppad:
0x0: {  	(pc) =	sbr.rel $0x88, $3  }
0x1: {  	(tag) =	ssettag $0x0;
	lr =	simm.s32 $0x1  }
0x2: {  	[smem:$0x3F98] =	sst lr;
	_ =	strace $0xD0000000  }
0x3: {  	_ = 	snop  }
0x4: {  	_ = 	snop  }
0x5: {  	_ = 	snop  }
0x6: {  	_ = 	snop  }
0x7: {  	_ = 	snop  }
__scs_overlays_trampoline_lowered:
0x8: {  	[smem:$0x3FA7] =	sst s0  }
0x9: {  	[smem:$0x3FA8] =	sst s1  }
0xa: {  	[smem:$0x3FA9] =	sst s2  }
0xb: {  	[smem:$0x3FAA] =	sst s3  }
0xc: {  	[smem:$0x3FAB] =	sst s4  }
0xd: {  	[smem:$0x3FAC] =	sst s5  }
0xe: {  	[smem:$0x3FAD] =	sst s6  }
0xf: {  	[smem:$0x3FAE] =	sst s7  }
0x10: {  	[smem:$0x3FAF] =	sst s8  }
0x11: {  	[smem:$0x3FB0] =	sst s9;
	s0 =	simm.s32 @!p0 $0x0  }
0x12: {  	s1 =	sld [smem:$0x3F96];
	s0 =	simm.s32 @p0 $0x1  }
0x13: {  	[smem:$0x3FB1] =	sst s0;
	s0 =	simm.s32 @!p1 $0x0  }
0x14: {  	s2 =	sld [smem:$0x3F95];
	s0 =	simm.s32 @p1 $0x1  }
0x15: {  	[smem:$0x3FB2] =	sst s0;
	s0 =	simm.s32 @!p2 $0x0  }
0x16: {  	s3 =	sld [smem:$0x3FDB];
	s0 =	simm.s32 @p2 $0x1  }
0x17: {  	s4 =	simm.s32 $0x1BF5;
	[smem:$0x3FB4] =	sst s0  }
0x18: {  	s0 =	sld [smem:$0x3F97];
	_ =	swait.ge [sflag:s4], $0x0  }
0x19: {  	s7 =	sld [smem:$0x3F98]  }
0x1a: {  	s8 =	sadd.s32 $0xFFFFE003, lr  }
0x1b: {  	s9 =	sadd.s32 $0xFFFFFEF7, lr;
	s5 =	simm.s32 $0xFFFFFFFF;
	p2 =	slt.u32 s8, $0xFFFFF086  }
0x1c: {  	p1 =	slt.u32 s9, $0xF7A;
	s5 =	simm.s32 @!p2 $0x0  }
0x1d: {  	s5 =	simm.s32 @p1 $0x1;
	p0 =	seq.s32 s7, s2  }
0x1e: {  	s7 =	smul.u32 @!p0 $0xF7A, s2;
	p2 =	seq.s32 @!p0 s5, $0x0  }
0x1f: {  	s9 =	smul.u32 $0xF7A, s1;
	s8 =	simm.s32 @!p0 $0x1BF5;
	p2 =	por !p2, p0  }
0x20: {  	[sflag:s8] =	ssyncset.s32 @!p0 $0xFFFFF086;
	s6 =	sadd.s32 @!p0 s3, s7;
	s7 =	simm.s32 @!p0 $0x108  }
0x21: {  	s3 =	sadd.s32 s3, s9;
	s6 =	sadd.s32 @!p0 $0x88, s6;
	s7 =	simm.s32 @p2 $0x1082  }
0x22: {  	[simem:s7], [sflag:s8] =	dma.local @!p0 [hbm:s6], $0xF7A  }
0x23: {  	s9 =	sor.u32 $0xD0000000, s2;
	s6 =	simm.s32 $0x108;
	_ =	swait.ge @!p0 [sflag:s8], $0x0  }
0x24: {  	s3 =	sadd.s32 $0x88, s3;
	s6 =	simm.s32 @!p1 $0x1082;
	[sflag:s4] =	ssyncset.s32 $0xFFFFF086  }
0x25: {  	[simem:s6], [sflag:s4] =	dma.local [hbm:s3], $0xF7A  }
0x26: {  	[smem:$0x3F98] =	sst s1;
	(tag) =	ssettag s2;
	_ =	strace s9  }
0x27: {  	s1 =	sld [smem:$0x3FA8]  }
0x28: {  	s2 =	sld [smem:$0x3FA9]  }
0x29: {  	s4 =	sld [smem:$0x3FAB]  }
0x2a: {  	p0 =	seq.s32 s5, $0x0;
	s5 =	sld [smem:$0x3FAC]  }
0x2b: {  	s6 =	sld [smem:$0x3FAD]  }
0x2c: {  	s7 =	sld [smem:$0x3FAE]  }
0x2d: {  	s3 =	simm.s32 $0x108;
	s8 =	sld [smem:$0x3FAF]  }
0x2e: {  	s3 =	simm.s32 @!p0 $0x1082;
	s9 =	sld [smem:$0x3FB0]  }
0x2f: {  	lr =	sadd.s32 s0, s3;
	s0 =	sld [smem:$0x3FA7]  }
0x30: {  	s3 =	sld [smem:$0x3FAA]  }
0x31: {  	[smem:$0x3FB3] =	sst s10  }
0x32: {  	s10 =	sld [smem:$0x3FB1];
	_ =	sdelay $0x3  }
0x33: {  	p0 =	seq.s32 s10, $0x1;
	s10 =	sld [smem:$0x3FB3];
	_ =	sdelay $0x3  }
0x34: {  	[smem:$0x3FB3] =	sst s10  }
0x35: {  	s10 =	sld [smem:$0x3FB2];
	_ =	sdelay $0x3  }
0x36: {  	p1 =	seq.s32 s10, $0x1;
	s10 =	sld [smem:$0x3FB3];
	_ =	sdelay $0x3  }
0x37: {  	[smem:$0x3FB3] =	sst s10  }
0x38: {  	s10 =	sld [smem:$0x3FB4]  }
0x39: {  	_ = 	snop;
	(pc) =	sbr.ind lr, $3  }
0x3a: {  	_ = 	snop  }
0x3b: {  	_ = 	snop  }
0x3c: {  	p2 =	seq.s32 s10, $0x1;
	s10 =	sld [smem:$0x3FB3]  }
0x3d: {  	_ =	shalt  }
0x3e: {  	_ =	shalt  }
0x3f: {  	_ =	shalt  }
0x40: {  	_ =	shalt  }
0x41: {  	_ =	shalt  }
0x42: {  	_ =	shalt  }
0x43: {  	_ =	shalt  }
0x44: {  	_ =	shalt  }
0x45: {  	_ =	shalt  }
0x46: {  	_ =	shalt  }
0x47: {  	_ =	shalt  }
0x48: {  	_ =	shalt  }
0x49: {  	_ =	shalt  }
0x4a: {  	_ =	shalt  }
0x4b: {  	_ =	shalt  }
0x4c: {  	_ =	shalt  }
0x4d: {  	_ =	shalt  }
0x4e: {  	_ =	shalt  }
0x4f: {  	_ =	shalt  }
0x50: {  	_ =	shalt  }
0x51: {  	_ =	shalt  }
0x52: {  	_ =	shalt  }
0x53: {  	_ =	shalt  }
0x54: {  	_ =	shalt  }
0x55: {  	_ =	shalt  }
0x56: {  	_ =	shalt  }
0x57: {  	_ =	shalt  }
0x58: {  	_ =	shalt  }
0x59: {  	_ =	shalt  }
0x5a: {  	_ =	shalt  }
0x5b: {  	_ =	shalt  }
0x5c: {  	_ =	shalt  }
0x5d: {  	_ =	shalt  }
0x5e: {  	_ =	shalt  }
0x5f: {  	_ =	shalt  }
0x60: {  	_ =	shalt  }
0x61: {  	_ =	shalt  }
0x62: {  	_ =	shalt  }
0x63: {  	_ =	shalt  }
0x64: {  	_ =	shalt  }
0x65: {  	_ =	shalt  }
0x66: {  	_ =	shalt  }
0x67: {  	_ =	shalt  }
0x68: {  	_ =	shalt  }
0x69: {  	_ =	shalt  }
0x6a: {  	_ =	shalt  }
0x6b: {  	_ =	shalt  }
0x6c: {  	_ =	shalt  }
0x6d: {  	_ =	shalt  }
0x6e: {  	_ =	shalt  }
0x6f: {  	_ =	shalt  }
0x70: {  	_ =	shalt  }
0x71: {  	_ =	shalt  }
0x72: {  	_ =	shalt  }
0x73: {  	_ =	shalt  }
0x74: {  	_ =	shalt  }
0x75: {  	_ =	shalt  }
0x76: {  	_ =	shalt  }
0x77: {  	_ =	shalt  }
0x78: {  	_ =	shalt  }
0x79: {  	_ =	shalt  }
0x7a: {  	_ =	shalt  }
0x7b: {  	_ =	shalt  }
0x7c: {  	_ =	shalt  }
0x7d: {  	_ =	shalt  }
0x7e: {  	_ =	shalt  }
0x7f: {  	_ =	shalt  }
0x80: {  	_ =	shalt  }
0x81: {  	_ =	shalt  }
0x82: {  	_ =	shalt  }
0x83: {  	_ =	shalt  }
0x84: {  	_ =	shalt  }
0x85: {  	_ =	shalt  }
0x86: {  	_ =	shalt  }
0x87: {  	_ =	shalt  }
.Lfunc_end0:
.L_simem_size_0:
called_computation_lowered:
.L_overlay_start_0:
0x88: {  	s2 =	sld [smem:$0x3FD9]  }
0x89: {  	s3 =	sld [smem:$0x3FFE];
	_ =	sdelay $0x1  }
0x8a: {  	s1 =	srdreg.scid  }
0x8b: {  	s0 =	sand.u32 $0x1, s1  }
0x8c: {  	s17 =	sshll.u32 s0, $0xA;
	s2 =	sadd.s32 s3, s2  }
0x8d: {  	s2 =	sadd.s32 s2, s17  }
0x8e: {  	[smem:$0x3FBF] =	sst s2  }
0x8f: {  	_ = 	snop  }
0x90: {  	s2 =	sld [smem:$0x3FC9];
	(tm) =	ssettm $0x1  }
0x91: {  	s18 =	sld [smem:$0x3FFB];
	_ =	sdelay $0x3  }
0x92: {  	_ =	strace s18  }
0x93: {  	s3 =	sld [smem:$0x3FFC];
	_ =	sdelay $0x3  }
0x94: {  	_ =	strace s3  }
0x95: {  	s3 =	sld [smem:$0x3FFD];
	_ =	sdelay $0x3  }
0x96: {  	_ =	strace s3  }
0x97: {  	_ =	strace $0x8FFFFFFF  }
0x98: {  	s19 =	sld [smem:$0x3FDB];
	_ =	sdelay $0x1  }
0x99: {  	s4 =	simm.s32 $_scs_section_size  }
0x9a: {  	s5 =	simm.s32 $_size__tile_overlayer_lowered;
	s6 =	simm.s32 $_tile_overlayer_lowered  }
0x9b: {  	s22 =	simm.s32 $0x1BFF;
	s21 =	sshll.u32 s6, $0x1;
	s3 =	sadd.s32 s4, s19  }
0x9c: {  	s7 =	simm.s32 $0x0;
	s20 =	sshll.u32 s5, $0x1;
	s5 =	sadd.s32 s21, s3  }
0x9d: {  	[timem:s7], [sflag:s22] =	dma.local [hbm:s5], s20  }
0x9e: {  	_ =	swait.ge [sflag:s22], s20  }
0x9f: {  	s4 =	ssub.s32 $0x0, s20;
	[sflag:s22] =	ssyncset.done $0x0  }
0xa0: {  	[sflag:s22] =	ssyncadd.s32 s4;
	_ =	sdelay $0x1  }
0xa1: {  	s23 =	simm.s32 $0x1B8B  }
0xa2: {  	_ =	swait.ge [sflag:s23], $0x1  }
0xa3: {  	[sflag:s23] =	ssyncset.done $0x0  }
0xa4: {  	s25 =	simm.s32 $0x1B8E;
	s24 =	sld [smem:$0x3FFE];
	[sflag:s23] =	ssyncadd.s32 $0xFFFFFFFF  }
0xa5: {  	s26 =	simm.s32 $execute0_lowered;
	[smem:$0x3FD2] =	sst s25  }
0xa6: {  	s5 =	sshll.u32 s26, $0x1;
	_ =	strace $0x80000046;
	[dreg:$0x1] =	wrdreg $0xFFFFFFFF  }
0xa7: {  	s28 =	simm.s32 $_size_execute0_lowered;
	s3 =	sadd.s32 s3, s5;
	[dreg:$0x0] =	wrdreg $0x0  }
0xa8: {  	s5 =	sshll.u32 s28, $0x1;
	[dreg:$0x2] =	wrdreg s3  }
0xa9: {  	[dreg:$0x3] =	wrdreg s5  }
0xaa: {  	[dreg:$0x4] =	wrdreg $0xC0  }
0xab: {  	_ =	task [dreg:s7], $0x5FFFF  }
0xac: {  	[dreg:$0x1] =	wrdreg $0xFFFFFFFF  }
0xad: {  	[dreg:$0x0] =	wrdreg $0x60  }
0xae: {  	[dreg:$0x2] =	wrdreg s2  }
0xaf: {  	[dreg:$0x3] =	wrdreg s24  }
0xb0: {  	[dreg:$0x4] =	wrdreg $0x16E100  }
0xb1: {  	[dreg:$0x5] =	wrdreg $0xA9500  }
0xb2: {  	[dreg:$0x6] =	wrdreg $0xA0D00  }
0xb3: {  	[dreg:$0x7] =	wrdreg $0xA8D00  }
0xb4: {  	[dreg:$0x8] =	wrdreg $0x0  }
0xb5: {  	[dreg:$0x9] =	wrdreg $0x800  }
0xb6: {  	[dreg:$0xa] =	wrdreg $0x9  }
0xb7: {  	_ =	task.clear_ibuf [dreg:s7], $0xBFFFF;
	_ =	strace $0x90000046  }
0xb8: {  	s29 =	simm.s32 $0x9;
	_ =	strace $0x8000004D  }
0xb9: {  	_ =	swait.ge [sflag:s29], $0x1  }
0xba: {  	[sflag:s29] =	ssyncadd.s32 $0xFFFFFFFF  }
0xbb: {  	_ =	strace $0x9000004D  }
0xbc: {  	_ =	sfence  }
0xbd: {  	s30 =	sld [smem:$0x0];
	_ =	sdelay $0x2  }
0xbe: {  	s31 =	sshll.u32 s1, $0xD;
	s1 =	sshrl.u32 s1, $0x2  }
0xbf: {  	s3 =	sand.u32 $0x4000, s31;
	s1 =	sadd.s32 s1, s30  }
0xc0: {  	s0 =	sor.u32 s3, s0;
	s1 =	sshll.u32 s1, $0x11  }
0xc1: {  	s0 =	sor.u32 s1, s0  }
0xc2: {  	s0 =	sadd.s32 $0x8F2B, s0  }
0xc3: {  	[sflag:s0] =	ssyncadd.remote.s32 $0x1  }
0xc4: {  	_ =	sfence.sel $0xFFFF  }
0xc5: {  	[dreg:$0x0] =	wrdreg $0xFFFFFFFF;
	(pc) =	sbr.abs _section_cstart, $3  }
0xc6: {  	[dreg:$0x1] =	wrdreg $0xFFFFFFFF  }
0xc7: {  	_ =	task.clear_ibuf [dreg:s7], $0x2FFFF;
	_ =	strace $0x9FFFFFFF  }
0xc8: {  	(tm) =	ssettm $0x7FFFFFFF  }
0xc9: {  	_ =	shalt  }
tec
execute0_lowered:
.L_overlay_start_1:
0x0: {  	(tag) =	ssettag $0x1  }
0x1: {  	s0 =	rddreg [dreg:$0x0]  }
0x2: {  	s1 =	rddreg [dreg:$0x1]  }
0x3: {  	s2 =	rddreg [dreg:$0x3]  }
0x4: {  	s10 =	rddreg [dreg:$0x4]  }
0x5: {  	s25 =	rddreg [dreg:$0x6];
	s11 =	stileid.u32  }
0x6: {  	s6 =	rddreg [dreg:$0x7];
	s8 =	simm.s32 $0x0;
	s3 =	smul.u32 $0x4E20, s11  }
0x7: {  	s4 =	srdreg.scid;
	[smem:$0x7FF] =	sst s8  }
0x8: {  	s12 =	sadd.s32 $0x14800, s1;
	_ =	strace $0x80000047;
	s3 =	sshrl.u32 s3, $0x3  }
0x9: {  	[dreg:$0x9] =	wrdreg s12;
	s3 =	sadd.s32 s3, s1;
	s1 =	sadd.s32 $0x14A00, s1  }
0xa: {  	s4 =	sand.u32 $0x1, s4;
	[dreg:$0xa] =	wrdreg s1;
	s18 =	sadd.s32 $0xE00, s3  }
0xb: {  	s9 =	smul.u32 $0x27500, s11;
	s19 =	sadd.s32 $0xAA40, s3;
	[dreg:$0xb] =	wrdreg s18  }
0xc: {  	s26 =	sshll.u32 s11, $0xB;
	s21 =	sadd.s32 $0xEFA, s3;
	[dreg:$0xc] =	wrdreg s19  }
0xd: {  	s31 =	sshll.u32 s11, $0x7;
	s22 =	sadd.s32 $0xAB3A, s3;
	[dreg:$0xd] =	wrdreg s21  }
0xe: {  	s5 =	ssub.s32 $0x2, s4;
	s23 =	sadd.s32 $0xFF4, s3;
	[dreg:$0xe] =	wrdreg s22  }
0xf: {  	s7 =	sshrl.u32 s5, $0x1;
	s24 =	sadd.s32 $0xAC34, s3;
	[dreg:$0xf] =	wrdreg s23  }
0x10: {  	s20 =	sshrl.u32 s9, $0x2;
	s28 =	sadd.s32 $0x10EE, s3;
	[dreg:$0x10] =	wrdreg s24  }
0x11: {  	s15 =	sadd.s32 s20, s2;
	s9 =	sadd.s32 $0xAD2E, s3;
	[dreg:$0x11] =	wrdreg s28  }
0x12: {  	s2 =	sand.u32 $0x4000, s26;
	s16 =	sadd.s32 $0x11E8, s3;
	[dreg:$0x12] =	wrdreg s9  }
0x13: {  	s1 =	ssub.s32 s5, s7;
	s17 =	sadd.s32 $0xAE28, s3;
	[dreg:$0x14] =	wrdreg s16  }
0x14: {  	s5 =	sand.u32 $0x380, s31;
	s20 =	sadd.s32 $0x13DC, s3;
	[dreg:$0x16] =	wrdreg s17  }
0x15: {  	s2 =	sadd.s32 s2, s10;
	s26 =	sadd.s32 $0xB210, s3;
	[dreg:$0x19] =	wrdreg s20  }
0x16: {  	s2 =	sadd.s32 s5, s2;
	[dreg:$0x1e] =	wrdreg s26  }
0x17: {  	s29 =	simm.s32 $0x1A008;
	s18 =	sadd.s32 $0x12E2, s3;
	[dreg:$0x13] =	wrdreg s2  }
0x18: {  	s30 =	simm.s32 $0x1C188;
	s19 =	sadd.s32 $0xAF22, s3;
	[dreg:$0x17] =	wrdreg s18  }
0x19: {  	s14 =	sshll.u32 s11, $0x5;
	s21 =	sadd.s32 $0xB01C, s3;
	[dreg:$0x18] =	wrdreg s19  }
0x1a: {  	p0 =	sne.s32 s11, $0x0;
	s22 =	sadd.s32 $0x14D6, s3;
	[dreg:$0x1a] =	wrdreg s21  }
0x1b: {  	s13 =	sshll.u32 s4, $0x9;
	s23 =	sadd.s32 $0xB116, s3;
	[dreg:$0x1b] =	wrdreg s22  }
0x1c: {  	s4 =	simm.s32 $0x17888;
	s24 =	sadd.s32 $0x15D0, s3;
	[dreg:$0x1c] =	wrdreg s23  }
0x1d: {  	s28 =	sadd.s32 $0x16CA, s3;
	s3 =	sadd.s32 $0xB30A, s3;
	[dreg:$0x1d] =	wrdreg s24  }
0x1e: {  	s1 =	smax.u32 s1, $0x1;
	s20 =	simm.s32 $0x1A908;
	[dreg:$0x1f] =	wrdreg s28  }
0x1f: {  	s5 =	simm.s32 $0x1C588;
	s16 =	simm.s32 $0x1C508;
	[smem:$0x7FA] =	sst s3  }
.Ltmp0:
0x20: {  	s2 =	sor.u32 s14, s13;
	[smem:$0x7FB] =	sst s1;
	(pc) =	sbr.rel .LBB2_1-.Ltmp0, $4  }
0x21: {  	s17 =	simm.s32 $0x1F008;
	[dreg:$0x15] =	wrdreg s2;
	s2 =	sshrl.u32 s2, $0x3  }
0x22: {  	s13 =	simm.s32 $0x2;
	s14 =	simm.s32 $0x14690;
	s2 =	sadd.s32 s12, s2  }
0x23: {  	v0 =	vimm.s32 $0xFFFFFFFF;
	s21 =	simm.s32 $0x1;
	[smem:$0x7FC] =	sst s2;
	s31 =	sadd.s32 $0x80, s2  }
0x24: {  	v1 =	vlaneseq.u32;
	v2 =	vimm.s32 $0x0;
	v3 =	vimm.f32 $0.0e+00;
	s12 =	simm.s32 $0x1CF08;
	s2 =	simm.s32 $0x0;
	[smem:$0x7FD] =	sst s31  }
.LBB2_82:
0x25: {  	s2 =	sld [smem:$0x7F9]  }
0x26: {  	s1 =	sld [smem:$0x7FB];
	_ =	sdelay $0x1  }
0x27: {  	s2 =	sadd.s32 $0x1, s2  }
0x28: {  	p1 =	sne.s32 s2, s1  }
.Ltmp1:
0x29: {  	_ = 	snop;
	(pc) =	sbr.rel @!p1 .LBB2_83-.Ltmp1, $4  }
0x2a: {  	_ = 	snop  }
0x2b: {  	_ =	strace $0x9000004C  }
0x2c: {  	s10 =	rddreg [dreg:$0x4]  }
0x2d: {  	s11 =	stileid.u32;
	s12 =	simm.s32 $0x1CF08;
	s25 =	rddreg [dreg:$0x6]  }
.LBB2_1:
.Ltmp2:
0x2e: {  	(pc) =	sbr.rel @p0 .LBB2_7-.Ltmp2, $3  }
0x2f: {  	_ =	sdelay $0x1  }
0x30: {  	[smem:$0x7F9] =	sst s2  }
0x31: {  	_ =	strace $0x80000048  }
0x32: {  	s1 =	simm.s32 $0x40;
	s2 =	simm.s32 $0x0  }
.LBB2_3:
0x33: {  	p1 =	sne.s32 s1, $0x9DC0;
	[tilespmem:s2+$0x14690] =	vst v0;
	s2 =	smov.u32 s1;
	s1 =	sadd.s32 $0x40, s1  }
.Ltmp3:
0x34: {  	(pc) =	sbr.rel @p1 .LBB2_3-.Ltmp3, $2  }
0x35: {  	_ =	sdelay $0x2  }
0x36: {  	s2 =	sshra.s32 s2, $0x2  }
0x37: {  	[tilespmem:s2+$0x14690] =	vst v0;
	s1 =	simm.s32 $0x0;
	s2 =	simm.s32 $0x1C608;
	s3 =	rddreg [dreg:$0x9]  }
0x38: {  	[tilespmem:s2], [sflag:$0x2] =	stream.linear.gather [hbm4b:s3+s1], $0x800, $0x200038;
	[tilespmem:$0x1F288] =	vst v63  }
0x39: {  	_ =	swait.ge [sflag:s13], $0x800  }
0x3a: {  	[sflag:s13] =	ssyncset.done $0x0  }
0x3b: {  	[sflag:s13] =	ssyncadd.s32 $0xFFFFF800  }
0x3c: {  	s3 =	simm.s32 $0x10;
	v4 =	vld [tilespmem:s2+$0x0]  }
.LBB2_5:
0x3d: {  	p1 =	sne.s32 s3, $0x7F0;
	_ =	sdelay $0x3  }
.Ltmp4:
0x3e: {  	(pc) =	sbr.rel @p1 .LBB2_5-.Ltmp4, $4  }
0x3f: {  	_ = 	snop  }
0x40: {  	v5 =	vor.u32 s1, v1;
	s1 =	smov.u32 s3  }
0x41: {  	s2 =	sadd.s32 $0x10, s2;
	[tilespmem:v4+s14+$0x0] =	vst.idx.msk $0xffff, v5  }
0x42: {  	s3 =	sadd.s32 $0x10, s3;
	v4 =	vld [tilespmem:s2+$0x0]  }
0x43: {  	_ =	sdelay $0x6  }
0x44: {  	v5 =	vor.u32 s1, v1  }
0x45: {  	s31 =	rddreg [dreg:$0x2];
	[tilespmem:v4+s14+$0x0] =	vst.idx.msk $0xffff, v5  }
0x46: {  	[spmem:s31] =	stream.linear.scatter [tilespmem:s14], [sflag:$0x2], $0x2780, $0x200038;
	[tilespmem:$0x1F288] =	vst v63  }
0x47: {  	_ =	swait.ge [sflag:s13], $0x2780  }
0x48: {  	[sflag:s13] =	ssyncset.done $0x0  }
0x49: {  	[sflag:s13] =	ssyncadd.s32 $0xFFFFD880  }
.LBB2_7:
0x4a: {  	[bflag:$0x0] =	sbarrier.arrive $0xFFFF  }
0x4b: {  	_ =	strace $0x90000048  }
0x4c: {  	_ =	strace $0x80000049  }
0x4d: {  	s1 =	rddreg [dreg:$0x2]  }
0x4e: {  	[tilespmem:s14], [sflag:$0x2] =	stream.linear.gather [spmem:s1], $0x2780, $0x200038;
	[tilespmem:$0x1F288] =	vst v63  }
0x4f: {  	_ =	swait.ge [sflag:s13], $0x2780  }
0x50: {  	[sflag:s13] =	ssyncset.done $0x0  }
0x51: {  	s2 =	simm.s32 $0x0;
	s1 =	simm.s32 $0x40;
	[sflag:s13] =	ssyncadd.s32 $0xFFFFD880  }
.LBB2_8:
0x52: {  	p1 =	sne.s32 s1, $0x1FC0;
	[tilespmem:s2+$0x1A908] =	vst v2;
	s2 =	smov.u32 s1;
	s1 =	sadd.s32 $0x40, s1  }
.Ltmp5:
0x53: {  	(pc) =	sbr.rel @p1 .LBB2_8-.Ltmp5, $2  }
0x54: {  	_ =	sdelay $0x2  }
0x55: {  	s2 =	sshra.s32 s2, $0x2  }
0x56: {  	[tilespmem:s2+$0x1A908] =	vst v2;
	s1 =	simm.s32 $0x40;
	s2 =	simm.s32 $0x0  }
.LBB2_10:
0x57: {  	p1 =	sne.s32 s1, $0x9DC0;
	[tilespmem:s2+$0x17888] =	vst v2;
	s2 =	smov.u32 s1;
	s1 =	sadd.s32 $0x40, s1  }
.Ltmp6:
0x58: {  	(pc) =	sbr.rel @p1 .LBB2_10-.Ltmp6, $2  }
0x59: {  	_ =	sdelay $0x2  }
0x5a: {  	s2 =	sshra.s32 s2, $0x2  }
0x5b: {  	[tilespmem:s2+$0x17888] =	vst v2;
	s7 =	simm.s32 $0x0;
	s1 =	rddreg [dreg:$0xb]  }
0x5c: {  	[tilespmem:s12], [sflag:$0x2] =	stream.linear.gather [hbm4b:s1+s7], $0x7D0, $0x200038;
	[tilespmem:$0x1F288] =	vst v63  }
0x5d: {  	_ =	swait.ge [sflag:s13], $0x7D0  }
0x5e: {  	[sflag:s13] =	ssyncset.done $0x0  }
0x5f: {  	s23 =	simm.s32 $0x1DF08;
	s22 =	rddreg [dreg:$0xc];
	[sflag:s13] =	ssyncadd.s32 $0xFFFFF830  }
0x60: {  	[tilespmem:s23], [sflag:$0x2] =	stream.linear.gather [hbm4b:s22+s7], $0x7D0, $0x200038;
	[tilespmem:$0x1F288] =	vst v63  }
0x61: {  	_ =	swait.ge [sflag:s13], $0x7D0  }
0x62: {  	s26 =	simm.s32 $0x1D708;
	[sflag:s13] =	ssyncset.done $0x0  }
0x63: {  	s31 =	simm.s32 $0x1E708;
	s24 =	rddreg [dreg:$0xd];
	[sflag:s13] =	ssyncadd.s32 $0xFFFFF830  }
0x64: {  	[tilespmem:s26], [sflag:$0x1] =	stream.linear.gather [hbm4b:s24+s7], $0x7D0, $0x200038;
	[tilespmem:$0x1F288] =	vst v63  }
0x65: {  	s19 =	simm.s32 $0x0;
	s1 =	simm.s32 $0x0;
	s28 =	rddreg [dreg:$0xe]  }
0x66: {  	[tilespmem:s31], [sflag:$0x1] =	stream.linear.gather [hbm4b:s28+s7], $0x7D0, $0x200038;
	[tilespmem:$0x1F288] =	vst v63  }
.LBB2_12:
0x67: {  	s2 =	sshra.s32 s1, $0x2  }
0x68: {  	v4 =	vld [tilespmem:s2+$0x1CF08];
	_ =	sdelay $0x7  }
0x69: {  	v5 =	vld.idx.msk [tilespmem:v4+s14+$0x0], $0xffff;
	_ =	sdelay $0x4  }
0x6a: {  	vm0 =	vgt.s32 v5, $0x0  }
0x6b: {  	vm1 =	vgt.s32 v5, $0xFFFFFFFF;
	v5 =	vnsel vm0, $0x0, v5  }
0x6c: {  	(xrf1) =	vunique.msk.u32 vm1, v5;
	_ =	sdelay $0xd  }
0x6d: {  	_, v6, vm12 =	vpop (xrf1)  }
0x6e: {  	v7 =	vld [tilespmem:s2+$0x1DF08];
	vm0 =	vmand vm1, vm12;
	_ =	sdelay $0x4  }
0x6f: {  	v8 =	vshll.u32 v5, $0xE  }
0x70: {  	[tilespmem:v5+s20+$0x0] =	vst.idx.add.s32.msk vm0, v6;
	v5 =	vor.u32 v7, v8  }
0x71: {  	[tilespmem:s19+$0x1C308] =	vst.msk vm1, v5  }
0x72: {  	v5 =	vld.idx.msk [tilespmem:v7+s14+$0x0], $0xffff;
	_ =	sdelay $0x4  }
0x73: {  	vm13 =	vgt.s32 v5, $0x0  }
0x74: {  	v60 =	vmpcnt.ones.xlane vm1;
	vm14 =	vgt.s32 v5, $0xFFFFFFFF;
	v5 =	vnsel vm13, $0x0, v5  }
0x75: {  	v61 =	vmpcnt.ones.xlane vm14;
	(xrf1) =	vunique.msk.u32 vm14, v5  }
0x76: {  	(v2sf) =	vpush v60, $0x0  }
0x77: {  	(v2sf) =	vpush v61, $0x0;
	_ =	sdelay $0xb  }
0x78: {  	_, v62, vm15 =	vpop (xrf1)  }
0x79: {  	vm0 =	vmand vm14, vm15  }
0x7a: {  	s31 =	spop (v2sf)  }
0x7b: {  	s2 =	sadd.s32 s19, s31;
	s3 =	spop (v2sf)  }
0x7c: {  	s3 =	sadd.s32 s2, s3  }
0x7d: {  	p1 =	slt.s32 s3, $0x80  }
0x7e: {  	s9 =	smov.u32 s7;
	v63 =	vshll.u32 v5, $0xE;
	s7 =	sshll.u32 @!p1 s7, $0x9  }
0x7f: {  	v4 =	vor.u32 v4, v63;
	s7 =	sshra.s32 @!p1 s7, $0x2;
	[tilespmem:v5+s20+$0x0] =	vst.idx.add.s32.msk vm0, v62  }
0x80: {  	[tilespmem:s2+$0x1C308] =	vst.msk vm14, v4;
	s2 =	sadd.s32 @!p1 s7, s15;
	s7 =	simm.s32 @!p1 $0x1C308  }
0x81: {  	[spmem:s2] =	stream.linear.scatter @!p1 [tilespmem:s7], [sflag:$0x2], $0x80, $0x200038;
	[tilespmem:$0x1F288] =	vst v63  }
0x82: {  	s2 =	simm.s32 @!p1 $0x2  }
0x83: {  	_ =	swait.ge @!p1 [sflag:s2], $0x80  }
0x84: {  	[sflag:s2] =	ssyncset.done @!p1 $0x0  }
0x85: {  	s1 =	sadd.s32 $0x40, s1;
	[sflag:s2] =	ssyncadd.s32 @!p1 $0xFFFFFF80  }
0x86: {  	p2 =	sne.s32 s1, $0x1F40;
	v4 =	vld @!p1 [tilespmem:$0x1C388]  }
.Ltmp7:
0x87: {  	_ = 	snop;
	(pc) =	sbr.rel @p2 .LBB2_12-.Ltmp7, $3  }
0x88: {  	_ =	sdelay $0x1  }
0x89: {  	s19 =	sadd.s32 @!p1 $0xFFFFFF80, s3;
	s7 =	sadd.s32 @!p1 $0x1, s9  }
0x8a: {  	s19 =	smov.u32 @p1 s3;
	s7 =	smov.u32 @p1 s9;
	[tilespmem:$0x1C308] =	vst @!p1 v4  }
0x8b: {  	_ =	swait.ge [sflag:s21], $0x7D0  }
0x8c: {  	[sflag:s21] =	ssyncset.done $0x0  }
0x8d: {  	[sflag:s21] =	ssyncadd.s32 $0xFFFFF830  }
0x8e: {  	_ =	swait.ge [sflag:s21], $0x7D0  }
0x8f: {  	[sflag:s21] =	ssyncset.done $0x0  }
0x90: {  	s1 =	simm.s32 $0x0;
	s2 =	rddreg [dreg:$0xf];
	[sflag:s21] =	ssyncadd.s32 $0xFFFFF830  }
0x91: {  	[tilespmem:s12], [sflag:$0x1] =	stream.linear.gather [hbm4b:s2+s1], $0x7D0, $0x200038;
	[tilespmem:$0x1F288] =	vst v63  }
0x92: {  	s3 =	simm.s32 $0x1DF08;
	s31 =	rddreg [dreg:$0x10]  }
0x93: {  	[tilespmem:s3], [sflag:$0x1] =	stream.linear.gather [hbm4b:s31+s1], $0x7D0, $0x200038;
	[tilespmem:$0x1F288] =	vst v63  }
.LBB2_14:
0x94: {  	s2 =	sshra.s32 s1, $0x2  }
0x95: {  	v4 =	vld [tilespmem:s2+$0x1D708];
	_ =	sdelay $0x7  }
0x96: {  	v5 =	vld.idx.msk [tilespmem:v4+s14+$0x0], $0xffff;
	_ =	sdelay $0x4  }
0x97: {  	vm0 =	vgt.s32 v5, $0x0  }
0x98: {  	vm1 =	vgt.s32 v5, $0xFFFFFFFF;
	v5 =	vnsel vm0, $0x0, v5  }
0x99: {  	(xrf1) =	vunique.msk.u32 vm1, v5;
	_ =	sdelay $0xd  }
0x9a: {  	_, v6, vm12 =	vpop (xrf1)  }
0x9b: {  	v7 =	vld [tilespmem:s2+$0x1E708];
	vm0 =	vmand vm1, vm12;
	_ =	sdelay $0x4  }
0x9c: {  	v8 =	vshll.u32 v5, $0xE  }
0x9d: {  	[tilespmem:v5+s20+$0x0] =	vst.idx.add.s32.msk vm0, v6;
	v5 =	vor.u32 v7, v8  }
0x9e: {  	[tilespmem:s19+$0x1C308] =	vst.msk vm1, v5  }
0x9f: {  	v5 =	vld.idx.msk [tilespmem:v7+s14+$0x0], $0xffff;
	_ =	sdelay $0x4  }
0xa0: {  	vm13 =	vgt.s32 v5, $0x0  }
0xa1: {  	v60 =	vmpcnt.ones.xlane vm1;
	vm14 =	vgt.s32 v5, $0xFFFFFFFF;
	v5 =	vnsel vm13, $0x0, v5  }
0xa2: {  	v61 =	vmpcnt.ones.xlane vm14;
	(xrf1) =	vunique.msk.u32 vm14, v5  }
0xa3: {  	(v2sf) =	vpush v60, $0x0  }
0xa4: {  	(v2sf) =	vpush v61, $0x0;
	_ =	sdelay $0xb  }
0xa5: {  	_, v62, vm15 =	vpop (xrf1)  }
0xa6: {  	vm0 =	vmand vm14, vm15  }
0xa7: {  	s31 =	spop (v2sf)  }
0xa8: {  	s2 =	sadd.s32 s19, s31;
	s3 =	spop (v2sf)  }
0xa9: {  	s3 =	sadd.s32 s2, s3  }
0xaa: {  	p1 =	slt.s32 s3, $0x80  }
0xab: {  	s9 =	smov.u32 s7;
	v63 =	vshll.u32 v5, $0xE;
	s7 =	sshll.u32 @!p1 s7, $0x9  }
0xac: {  	v4 =	vor.u32 v4, v63;
	s7 =	sshra.s32 @!p1 s7, $0x2;
	[tilespmem:v5+s20+$0x0] =	vst.idx.add.s32.msk vm0, v62  }
0xad: {  	[tilespmem:s2+$0x1C308] =	vst.msk vm14, v4;
	s2 =	sadd.s32 @!p1 s7, s15;
	s7 =	simm.s32 @!p1 $0x1C308  }
0xae: {  	[spmem:s2] =	stream.linear.scatter @!p1 [tilespmem:s7], [sflag:$0x2], $0x80, $0x200038;
	[tilespmem:$0x1F288] =	vst v63  }
0xaf: {  	s2 =	simm.s32 @!p1 $0x2  }
0xb0: {  	_ =	swait.ge @!p1 [sflag:s2], $0x80  }
0xb1: {  	[sflag:s2] =	ssyncset.done @!p1 $0x0  }
0xb2: {  	s1 =	sadd.s32 $0x40, s1;
	[sflag:s2] =	ssyncadd.s32 @!p1 $0xFFFFFF80  }
0xb3: {  	p2 =	sne.s32 s1, $0x1F40;
	v4 =	vld @!p1 [tilespmem:$0x1C388]  }
.Ltmp8:
0xb4: {  	_ = 	snop;
	(pc) =	sbr.rel @p2 .LBB2_14-.Ltmp8, $3  }
0xb5: {  	_ =	sdelay $0x1  }
0xb6: {  	s19 =	sadd.s32 @!p1 $0xFFFFFF80, s3;
	s7 =	sadd.s32 @!p1 $0x1, s9  }
0xb7: {  	s19 =	smov.u32 @p1 s3;
	s7 =	smov.u32 @p1 s9;
	[tilespmem:$0x1C308] =	vst @!p1 v4  }
0xb8: {  	_ =	swait.ge [sflag:s21], $0x7D0  }
0xb9: {  	[sflag:s21] =	ssyncset.done $0x0  }
0xba: {  	[sflag:s21] =	ssyncadd.s32 $0xFFFFF830  }
0xbb: {  	_ =	swait.ge [sflag:s21], $0x7D0  }
0xbc: {  	s1 =	simm.s32 $0x0;
	[sflag:s21] =	ssyncset.done $0x0  }
0xbd: {  	s3 =	simm.s32 $0x1D708;
	s2 =	rddreg [dreg:$0x11];
	[sflag:s21] =	ssyncadd.s32 $0xFFFFF830  }
0xbe: {  	[tilespmem:s3], [sflag:$0x1] =	stream.linear.gather [hbm4b:s2+s1], $0x7D0, $0x200038;
	[tilespmem:$0x1F288] =	vst v63  }
0xbf: {  	s31 =	simm.s32 $0x1E708;
	s28 =	rddreg [dreg:$0x12]  }
0xc0: {  	[tilespmem:s31], [sflag:$0x1] =	stream.linear.gather [hbm4b:s28+s1], $0x7D0, $0x200038;
	[tilespmem:$0x1F288] =	vst v63  }
.LBB2_16:
0xc1: {  	s2 =	sshra.s32 s1, $0x2  }
0xc2: {  	v4 =	vld [tilespmem:s2+$0x1CF08];
	_ =	sdelay $0x7  }
0xc3: {  	v5 =	vld.idx.msk [tilespmem:v4+s14+$0x0], $0xffff;
	_ =	sdelay $0x4  }
0xc4: {  	vm0 =	vgt.s32 v5, $0x0  }
0xc5: {  	vm1 =	vgt.s32 v5, $0xFFFFFFFF;
	v5 =	vnsel vm0, $0x0, v5  }
0xc6: {  	(xrf1) =	vunique.msk.u32 vm1, v5;
	_ =	sdelay $0xd  }
0xc7: {  	_, v6, vm12 =	vpop (xrf1)  }
0xc8: {  	v7 =	vld [tilespmem:s2+$0x1DF08];
	vm0 =	vmand vm1, vm12;
	_ =	sdelay $0x4  }
0xc9: {  	v8 =	vshll.u32 v5, $0xE  }
0xca: {  	[tilespmem:v5+s20+$0x0] =	vst.idx.add.s32.msk vm0, v6;
	v5 =	vor.u32 v7, v8  }
0xcb: {  	[tilespmem:s19+$0x1C308] =	vst.msk vm1, v5  }
0xcc: {  	v5 =	vld.idx.msk [tilespmem:v7+s14+$0x0], $0xffff;
	_ =	sdelay $0x4  }
0xcd: {  	vm13 =	vgt.s32 v5, $0x0  }
0xce: {  	v60 =	vmpcnt.ones.xlane vm1;
	vm14 =	vgt.s32 v5, $0xFFFFFFFF;
	v5 =	vnsel vm13, $0x0, v5  }
0xcf: {  	v61 =	vmpcnt.ones.xlane vm14;
	(xrf1) =	vunique.msk.u32 vm14, v5  }
0xd0: {  	(v2sf) =	vpush v60, $0x0  }
0xd1: {  	(v2sf) =	vpush v61, $0x0;
	_ =	sdelay $0xb  }
0xd2: {  	_, v62, vm15 =	vpop (xrf1)  }
0xd3: {  	vm0 =	vmand vm14, vm15  }
0xd4: {  	s31 =	spop (v2sf)  }
0xd5: {  	s2 =	sadd.s32 s19, s31;
	s3 =	spop (v2sf)  }
0xd6: {  	s3 =	sadd.s32 s2, s3  }
0xd7: {  	p1 =	slt.s32 s3, $0x80  }
0xd8: {  	s9 =	smov.u32 s7;
	v63 =	vshll.u32 v5, $0xE;
	s7 =	sshll.u32 @!p1 s7, $0x9  }
0xd9: {  	v4 =	vor.u32 v4, v63;
	s7 =	sshra.s32 @!p1 s7, $0x2;
	[tilespmem:v5+s20+$0x0] =	vst.idx.add.s32.msk vm0, v62  }
0xda: {  	[tilespmem:s2+$0x1C308] =	vst.msk vm14, v4;
	s2 =	sadd.s32 @!p1 s7, s15;
	s7 =	simm.s32 @!p1 $0x1C308  }
0xdb: {  	[spmem:s2] =	stream.linear.scatter @!p1 [tilespmem:s7], [sflag:$0x2], $0x80, $0x200038;
	[tilespmem:$0x1F288] =	vst v63  }
0xdc: {  	s2 =	simm.s32 @!p1 $0x2  }
0xdd: {  	_ =	swait.ge @!p1 [sflag:s2], $0x80  }
0xde: {  	[sflag:s2] =	ssyncset.done @!p1 $0x0  }
0xdf: {  	s1 =	sadd.s32 $0x40, s1;
	[sflag:s2] =	ssyncadd.s32 @!p1 $0xFFFFFF80  }
0xe0: {  	p2 =	sne.s32 s1, $0x1F40;
	v4 =	vld @!p1 [tilespmem:$0x1C388]  }
.Ltmp9:
0xe1: {  	_ = 	snop;
	(pc) =	sbr.rel @p2 .LBB2_16-.Ltmp9, $3  }
0xe2: {  	_ =	sdelay $0x1  }
0xe3: {  	s19 =	sadd.s32 @!p1 $0xFFFFFF80, s3;
	s7 =	sadd.s32 @!p1 $0x1, s9  }
0xe4: {  	s19 =	smov.u32 @p1 s3;
	s7 =	smov.u32 @p1 s9;
	[tilespmem:$0x1C308] =	vst @!p1 v4  }
0xe5: {  	_ =	swait.ge [sflag:s21], $0x7D0  }
0xe6: {  	[sflag:s21] =	ssyncset.done $0x0  }
0xe7: {  	[sflag:s21] =	ssyncadd.s32 $0xFFFFF830  }
0xe8: {  	_ =	swait.ge [sflag:s21], $0x7D0  }
0xe9: {  	[sflag:s21] =	ssyncset.done $0x0  }
0xea: {  	s1 =	simm.s32 $0x0;
	s2 =	rddreg [dreg:$0x14];
	[sflag:s21] =	ssyncadd.s32 $0xFFFFF830  }
0xeb: {  	[tilespmem:s12], [sflag:$0x1] =	stream.linear.gather [hbm4b:s2+s1], $0x7D0, $0x200038;
	[tilespmem:$0x1F288] =	vst v63  }
0xec: {  	s3 =	simm.s32 $0x1DF08;
	s31 =	rddreg [dreg:$0x16]  }
0xed: {  	[tilespmem:s3], [sflag:$0x1] =	stream.linear.gather [hbm4b:s31+s1], $0x7D0, $0x200038;
	[tilespmem:$0x1F288] =	vst v63  }
.LBB2_18:
0xee: {  	s2 =	sshra.s32 s1, $0x2  }
0xef: {  	v4 =	vld [tilespmem:s2+$0x1D708];
	_ =	sdelay $0x7  }
0xf0: {  	v5 =	vld.idx.msk [tilespmem:v4+s14+$0x0], $0xffff;
	_ =	sdelay $0x4  }
0xf1: {  	vm0 =	vgt.s32 v5, $0x0  }
0xf2: {  	vm1 =	vgt.s32 v5, $0xFFFFFFFF;
	v5 =	vnsel vm0, $0x0, v5  }
0xf3: {  	(xrf1) =	vunique.msk.u32 vm1, v5;
	_ =	sdelay $0xd  }
0xf4: {  	_, v6, vm12 =	vpop (xrf1)  }
0xf5: {  	v7 =	vld [tilespmem:s2+$0x1E708];
	vm0 =	vmand vm1, vm12;
	_ =	sdelay $0x4  }
0xf6: {  	v8 =	vshll.u32 v5, $0xE  }
0xf7: {  	[tilespmem:v5+s20+$0x0] =	vst.idx.add.s32.msk vm0, v6;
	v5 =	vor.u32 v7, v8  }
0xf8: {  	[tilespmem:s19+$0x1C308] =	vst.msk vm1, v5  }
0xf9: {  	v5 =	vld.idx.msk [tilespmem:v7+s14+$0x0], $0xffff;
	_ =	sdelay $0x4  }
0xfa: {  	vm13 =	vgt.s32 v5, $0x0  }
0xfb: {  	v60 =	vmpcnt.ones.xlane vm1;
	vm14 =	vgt.s32 v5, $0xFFFFFFFF;
	v5 =	vnsel vm13, $0x0, v5  }
0xfc: {  	v61 =	vmpcnt.ones.xlane vm14;
	(xrf1) =	vunique.msk.u32 vm14, v5  }
0xfd: {  	(v2sf) =	vpush v60, $0x0  }
0xfe: {  	(v2sf) =	vpush v61, $0x0;
	_ =	sdelay $0xb  }
0xff: {  	_, v62, vm15 =	vpop (xrf1)  }
0x100: {  	vm0 =	vmand vm14, vm15  }
0x101: {  	s31 =	spop (v2sf)  }
0x102: {  	s2 =	sadd.s32 s19, s31;
	s3 =	spop (v2sf)  }
0x103: {  	s3 =	sadd.s32 s2, s3  }
0x104: {  	p1 =	slt.s32 s3, $0x80  }
0x105: {  	s9 =	smov.u32 s7;
	v63 =	vshll.u32 v5, $0xE;
	s7 =	sshll.u32 @!p1 s7, $0x9  }
0x106: {  	v4 =	vor.u32 v4, v63;
	s7 =	sshra.s32 @!p1 s7, $0x2;
	[tilespmem:v5+s20+$0x0] =	vst.idx.add.s32.msk vm0, v62  }
0x107: {  	[tilespmem:s2+$0x1C308] =	vst.msk vm14, v4;
	s2 =	sadd.s32 @!p1 s7, s15;
	s7 =	simm.s32 @!p1 $0x1C308  }
0x108: {  	[spmem:s2] =	stream.linear.scatter @!p1 [tilespmem:s7], [sflag:$0x2], $0x80, $0x200038;
	[tilespmem:$0x1F288] =	vst v63  }
0x109: {  	s2 =	simm.s32 @!p1 $0x2  }
0x10a: {  	_ =	swait.ge @!p1 [sflag:s2], $0x80  }
0x10b: {  	[sflag:s2] =	ssyncset.done @!p1 $0x0  }
0x10c: {  	s1 =	sadd.s32 $0x40, s1;
	[sflag:s2] =	ssyncadd.s32 @!p1 $0xFFFFFF80  }
0x10d: {  	p2 =	sne.s32 s1, $0x1F40;
	v4 =	vld @!p1 [tilespmem:$0x1C388]  }
.Ltmp10:
0x10e: {  	_ = 	snop;
	(pc) =	sbr.rel @p2 .LBB2_18-.Ltmp10, $3  }
0x10f: {  	_ =	sdelay $0x1  }
0x110: {  	s19 =	sadd.s32 @!p1 $0xFFFFFF80, s3;
	s7 =	sadd.s32 @!p1 $0x1, s9  }
0x111: {  	s19 =	smov.u32 @p1 s3;
	s7 =	smov.u32 @p1 s9;
	[tilespmem:$0x1C308] =	vst @!p1 v4  }
0x112: {  	_ =	swait.ge [sflag:s21], $0x7D0  }
0x113: {  	[sflag:s21] =	ssyncset.done $0x0  }
0x114: {  	[sflag:s21] =	ssyncadd.s32 $0xFFFFF830  }
0x115: {  	_ =	swait.ge [sflag:s21], $0x7D0  }
0x116: {  	s1 =	simm.s32 $0x0;
	[sflag:s21] =	ssyncset.done $0x0  }
0x117: {  	s3 =	simm.s32 $0x1D708;
	s2 =	rddreg [dreg:$0x17];
	[sflag:s21] =	ssyncadd.s32 $0xFFFFF830  }
0x118: {  	[tilespmem:s3], [sflag:$0x1] =	stream.linear.gather [hbm4b:s2+s1], $0x7D0, $0x200038;
	[tilespmem:$0x1F288] =	vst v63  }
0x119: {  	s31 =	simm.s32 $0x1E708;
	s28 =	rddreg [dreg:$0x18]  }
0x11a: {  	[tilespmem:s31], [sflag:$0x1] =	stream.linear.gather [hbm4b:s28+s1], $0x7D0, $0x200038;
	[tilespmem:$0x1F288] =	vst v63  }
.LBB2_20:
0x11b: {  	s2 =	sshra.s32 s1, $0x2  }
0x11c: {  	v4 =	vld [tilespmem:s2+$0x1CF08];
	_ =	sdelay $0x7  }
0x11d: {  	v5 =	vld.idx.msk [tilespmem:v4+s14+$0x0], $0xffff;
	_ =	sdelay $0x4  }
0x11e: {  	vm0 =	vgt.s32 v5, $0x0  }
0x11f: {  	vm1 =	vgt.s32 v5, $0xFFFFFFFF;
	v5 =	vnsel vm0, $0x0, v5  }
0x120: {  	(xrf1) =	vunique.msk.u32 vm1, v5;
	_ =	sdelay $0xd  }
0x121: {  	_, v6, vm12 =	vpop (xrf1)  }
0x122: {  	v7 =	vld [tilespmem:s2+$0x1DF08];
	vm0 =	vmand vm1, vm12;
	_ =	sdelay $0x4  }
0x123: {  	v8 =	vshll.u32 v5, $0xE  }
0x124: {  	[tilespmem:v5+s20+$0x0] =	vst.idx.add.s32.msk vm0, v6;
	v5 =	vor.u32 v7, v8  }
0x125: {  	[tilespmem:s19+$0x1C308] =	vst.msk vm1, v5  }
0x126: {  	v5 =	vld.idx.msk [tilespmem:v7+s14+$0x0], $0xffff;
	_ =	sdelay $0x4  }
0x127: {  	vm13 =	vgt.s32 v5, $0x0  }
0x128: {  	v60 =	vmpcnt.ones.xlane vm1;
	vm14 =	vgt.s32 v5, $0xFFFFFFFF;
	v5 =	vnsel vm13, $0x0, v5  }
0x129: {  	v61 =	vmpcnt.ones.xlane vm14;
	(xrf1) =	vunique.msk.u32 vm14, v5  }
0x12a: {  	(v2sf) =	vpush v60, $0x0  }
0x12b: {  	(v2sf) =	vpush v61, $0x0;
	_ =	sdelay $0xb  }
0x12c: {  	_, v62, vm15 =	vpop (xrf1)  }
0x12d: {  	vm0 =	vmand vm14, vm15  }
0x12e: {  	s31 =	spop (v2sf)  }
0x12f: {  	s2 =	sadd.s32 s19, s31;
	s3 =	spop (v2sf)  }
0x130: {  	s3 =	sadd.s32 s2, s3  }
0x131: {  	p1 =	slt.s32 s3, $0x80  }
0x132: {  	s9 =	smov.u32 s7;
	v63 =	vshll.u32 v5, $0xE;
	s7 =	sshll.u32 @!p1 s7, $0x9  }
0x133: {  	v4 =	vor.u32 v4, v63;
	s7 =	sshra.s32 @!p1 s7, $0x2;
	[tilespmem:v5+s20+$0x0] =	vst.idx.add.s32.msk vm0, v62  }
0x134: {  	[tilespmem:s2+$0x1C308] =	vst.msk vm14, v4;
	s2 =	sadd.s32 @!p1 s7, s15;
	s7 =	simm.s32 @!p1 $0x1C308  }
0x135: {  	[spmem:s2] =	stream.linear.scatter @!p1 [tilespmem:s7], [sflag:$0x2], $0x80, $0x200038;
	[tilespmem:$0x1F288] =	vst v63  }
0x136: {  	s2 =	simm.s32 @!p1 $0x2  }
0x137: {  	_ =	swait.ge @!p1 [sflag:s2], $0x80  }
0x138: {  	[sflag:s2] =	ssyncset.done @!p1 $0x0  }
0x139: {  	s1 =	sadd.s32 $0x40, s1;
	[sflag:s2] =	ssyncadd.s32 @!p1 $0xFFFFFF80  }
0x13a: {  	p2 =	sne.s32 s1, $0x1F40;
	v4 =	vld @!p1 [tilespmem:$0x1C388]  }
.Ltmp11:
0x13b: {  	_ = 	snop;
	(pc) =	sbr.rel @p2 .LBB2_20-.Ltmp11, $3  }
0x13c: {  	_ =	sdelay $0x1  }
0x13d: {  	s19 =	sadd.s32 @!p1 $0xFFFFFF80, s3;
	s7 =	sadd.s32 @!p1 $0x1, s9  }
0x13e: {  	s19 =	smov.u32 @p1 s3;
	s7 =	smov.u32 @p1 s9;
	[tilespmem:$0x1C308] =	vst @!p1 v4  }
0x13f: {  	_ =	swait.ge [sflag:s21], $0x7D0  }
0x140: {  	[sflag:s21] =	ssyncset.done $0x0  }
0x141: {  	[sflag:s21] =	ssyncadd.s32 $0xFFFFF830  }
0x142: {  	_ =	swait.ge [sflag:s21], $0x7D0  }
0x143: {  	[sflag:s21] =	ssyncset.done $0x0  }
0x144: {  	s1 =	simm.s32 $0x0;
	s2 =	rddreg [dreg:$0x19];
	[sflag:s21] =	ssyncadd.s32 $0xFFFFF830  }
0x145: {  	[tilespmem:s12], [sflag:$0x1] =	stream.linear.gather [hbm4b:s2+s1], $0x7D0, $0x200038;
	[tilespmem:$0x1F288] =	vst v63  }
0x146: {  	s3 =	simm.s32 $0x1DF08;
	s31 =	rddreg [dreg:$0x1a]  }
0x147: {  	[tilespmem:s3], [sflag:$0x1] =	stream.linear.gather [hbm4b:s31+s1], $0x7D0, $0x200038;
	[tilespmem:$0x1F288] =	vst v63  }
.LBB2_22:
0x148: {  	s2 =	sshra.s32 s1, $0x2  }
0x149: {  	v4 =	vld [tilespmem:s2+$0x1D708];
	_ =	sdelay $0x7  }
0x14a: {  	v5 =	vld.idx.msk [tilespmem:v4+s14+$0x0], $0xffff;
	_ =	sdelay $0x4  }
0x14b: {  	vm0 =	vgt.s32 v5, $0x0  }
0x14c: {  	vm1 =	vgt.s32 v5, $0xFFFFFFFF;
	v5 =	vnsel vm0, $0x0, v5  }
0x14d: {  	(xrf1) =	vunique.msk.u32 vm1, v5;
	_ =	sdelay $0xd  }
0x14e: {  	_, v6, vm12 =	vpop (xrf1)  }
0x14f: {  	v7 =	vld [tilespmem:s2+$0x1E708];
	vm0 =	vmand vm1, vm12;
	_ =	sdelay $0x4  }
0x150: {  	v8 =	vshll.u32 v5, $0xE  }
0x151: {  	[tilespmem:v5+s20+$0x0] =	vst.idx.add.s32.msk vm0, v6;
	v5 =	vor.u32 v7, v8  }
0x152: {  	[tilespmem:s19+$0x1C308] =	vst.msk vm1, v5  }
0x153: {  	v5 =	vld.idx.msk [tilespmem:v7+s14+$0x0], $0xffff;
	_ =	sdelay $0x4  }
0x154: {  	vm13 =	vgt.s32 v5, $0x0  }
0x155: {  	v60 =	vmpcnt.ones.xlane vm1;
	vm14 =	vgt.s32 v5, $0xFFFFFFFF;
	v5 =	vnsel vm13, $0x0, v5  }
0x156: {  	v61 =	vmpcnt.ones.xlane vm14;
	(xrf1) =	vunique.msk.u32 vm14, v5  }
0x157: {  	(v2sf) =	vpush v60, $0x0  }
0x158: {  	(v2sf) =	vpush v61, $0x0;
	_ =	sdelay $0xb  }
0x159: {  	_, v62, vm15 =	vpop (xrf1)  }
0x15a: {  	vm0 =	vmand vm14, vm15  }
0x15b: {  	s31 =	spop (v2sf)  }
0x15c: {  	s2 =	sadd.s32 s19, s31;
	s3 =	spop (v2sf)  }
0x15d: {  	s3 =	sadd.s32 s2, s3  }
0x15e: {  	p1 =	slt.s32 s3, $0x80  }
0x15f: {  	s9 =	smov.u32 s7;
	v63 =	vshll.u32 v5, $0xE;
	s7 =	sshll.u32 @!p1 s7, $0x9  }
0x160: {  	v4 =	vor.u32 v4, v63;
	s7 =	sshra.s32 @!p1 s7, $0x2;
	[tilespmem:v5+s20+$0x0] =	vst.idx.add.s32.msk vm0, v62  }
0x161: {  	[tilespmem:s2+$0x1C308] =	vst.msk vm14, v4;
	s2 =	sadd.s32 @!p1 s7, s15;
	s7 =	simm.s32 @!p1 $0x1C308  }
0x162: {  	[spmem:s2] =	stream.linear.scatter @!p1 [tilespmem:s7], [sflag:$0x2], $0x80, $0x200038;
	[tilespmem:$0x1F288] =	vst v63  }
0x163: {  	s2 =	simm.s32 @!p1 $0x2  }
0x164: {  	_ =	swait.ge @!p1 [sflag:s2], $0x80  }
0x165: {  	[sflag:s2] =	ssyncset.done @!p1 $0x0  }
0x166: {  	s1 =	sadd.s32 $0x40, s1;
	[sflag:s2] =	ssyncadd.s32 @!p1 $0xFFFFFF80  }
0x167: {  	p2 =	sne.s32 s1, $0x1F40;
	v4 =	vld @!p1 [tilespmem:$0x1C388]  }
.Ltmp12:
0x168: {  	_ = 	snop;
	(pc) =	sbr.rel @p2 .LBB2_22-.Ltmp12, $3  }
0x169: {  	_ =	sdelay $0x1  }
0x16a: {  	s19 =	sadd.s32 @!p1 $0xFFFFFF80, s3;
	s7 =	sadd.s32 @!p1 $0x1, s9  }
0x16b: {  	s19 =	smov.u32 @p1 s3;
	s7 =	smov.u32 @p1 s9;
	[tilespmem:$0x1C308] =	vst @!p1 v4  }
0x16c: {  	_ =	swait.ge [sflag:s21], $0x7D0  }
0x16d: {  	[sflag:s21] =	ssyncset.done $0x0  }
0x16e: {  	[sflag:s21] =	ssyncadd.s32 $0xFFFFF830  }
0x16f: {  	_ =	swait.ge [sflag:s21], $0x7D0  }
0x170: {  	s1 =	simm.s32 $0x0;
	[sflag:s21] =	ssyncset.done $0x0  }
0x171: {  	s3 =	simm.s32 $0x1D708;
	s2 =	rddreg [dreg:$0x1b];
	[sflag:s21] =	ssyncadd.s32 $0xFFFFF830  }
0x172: {  	[tilespmem:s3], [sflag:$0x1] =	stream.linear.gather [hbm4b:s2+s1], $0x7D0, $0x200038;
	[tilespmem:$0x1F288] =	vst v63  }
0x173: {  	s31 =	simm.s32 $0x1E708;
	s28 =	rddreg [dreg:$0x1c]  }
0x174: {  	[tilespmem:s31], [sflag:$0x1] =	stream.linear.gather [hbm4b:s28+s1], $0x7D0, $0x200038;
	[tilespmem:$0x1F288] =	vst v63  }
.LBB2_24:
0x175: {  	s2 =	sshra.s32 s1, $0x2  }
0x176: {  	v4 =	vld [tilespmem:s2+$0x1CF08];
	_ =	sdelay $0x7  }
0x177: {  	v5 =	vld.idx.msk [tilespmem:v4+s14+$0x0], $0xffff;
	_ =	sdelay $0x4  }
0x178: {  	vm0 =	vgt.s32 v5, $0x0  }
0x179: {  	vm1 =	vgt.s32 v5, $0xFFFFFFFF;
	v5 =	vnsel vm0, $0x0, v5  }
0x17a: {  	(xrf1) =	vunique.msk.u32 vm1, v5;
	_ =	sdelay $0xd  }
0x17b: {  	_, v6, vm12 =	vpop (xrf1)  }
0x17c: {  	v7 =	vld [tilespmem:s2+$0x1DF08];
	vm0 =	vmand vm1, vm12;
	_ =	sdelay $0x4  }
0x17d: {  	v8 =	vshll.u32 v5, $0xE  }
0x17e: {  	[tilespmem:v5+s20+$0x0] =	vst.idx.add.s32.msk vm0, v6;
	v5 =	vor.u32 v7, v8  }
0x17f: {  	[tilespmem:s19+$0x1C308] =	vst.msk vm1, v5  }
0x180: {  	v5 =	vld.idx.msk [tilespmem:v7+s14+$0x0], $0xffff;
	_ =	sdelay $0x4  }
0x181: {  	vm13 =	vgt.s32 v5, $0x0  }
0x182: {  	v60 =	vmpcnt.ones.xlane vm1;
	vm14 =	vgt.s32 v5, $0xFFFFFFFF;
	v5 =	vnsel vm13, $0x0, v5  }
0x183: {  	v61 =	vmpcnt.ones.xlane vm14;
	(xrf1) =	vunique.msk.u32 vm14, v5  }
0x184: {  	(v2sf) =	vpush v60, $0x0  }
0x185: {  	(v2sf) =	vpush v61, $0x0;
	_ =	sdelay $0xb  }
0x186: {  	_, v62, vm15 =	vpop (xrf1)  }
0x187: {  	vm0 =	vmand vm14, vm15  }
0x188: {  	s31 =	spop (v2sf)  }
0x189: {  	s2 =	sadd.s32 s19, s31;
	s3 =	spop (v2sf)  }
0x18a: {  	s3 =	sadd.s32 s2, s3  }
0x18b: {  	p1 =	slt.s32 s3, $0x80  }
0x18c: {  	s9 =	smov.u32 s7;
	v63 =	vshll.u32 v5, $0xE;
	s7 =	sshll.u32 @!p1 s7, $0x9  }
0x18d: {  	v4 =	vor.u32 v4, v63;
	s7 =	sshra.s32 @!p1 s7, $0x2;
	[tilespmem:v5+s20+$0x0] =	vst.idx.add.s32.msk vm0, v62  }
0x18e: {  	[tilespmem:s2+$0x1C308] =	vst.msk vm14, v4;
	s2 =	sadd.s32 @!p1 s7, s15;
	s7 =	simm.s32 @!p1 $0x1C308  }
0x18f: {  	[spmem:s2] =	stream.linear.scatter @!p1 [tilespmem:s7], [sflag:$0x2], $0x80, $0x200038;
	[tilespmem:$0x1F288] =	vst v63  }
0x190: {  	s2 =	simm.s32 @!p1 $0x2  }
0x191: {  	_ =	swait.ge @!p1 [sflag:s2], $0x80  }
0x192: {  	[sflag:s2] =	ssyncset.done @!p1 $0x0  }
0x193: {  	s1 =	sadd.s32 $0x40, s1;
	[sflag:s2] =	ssyncadd.s32 @!p1 $0xFFFFFF80  }
0x194: {  	p2 =	sne.s32 s1, $0x1F40;
	v4 =	vld @!p1 [tilespmem:$0x1C388]  }
.Ltmp13:
0x195: {  	_ = 	snop;
	(pc) =	sbr.rel @p2 .LBB2_24-.Ltmp13, $3  }
0x196: {  	_ =	sdelay $0x1  }
0x197: {  	s19 =	sadd.s32 @!p1 $0xFFFFFF80, s3;
	s7 =	sadd.s32 @!p1 $0x1, s9  }
0x198: {  	s19 =	smov.u32 @p1 s3;
	s7 =	smov.u32 @p1 s9;
	[tilespmem:$0x1C308] =	vst @!p1 v4  }
0x199: {  	_ =	swait.ge [sflag:s21], $0x7D0  }
0x19a: {  	[sflag:s21] =	ssyncset.done $0x0  }
0x19b: {  	[sflag:s21] =	ssyncadd.s32 $0xFFFFF830  }
0x19c: {  	_ =	swait.ge [sflag:s21], $0x7D0  }
0x19d: {  	[sflag:s21] =	ssyncset.done $0x0  }
0x19e: {  	s1 =	simm.s32 $0x0;
	s2 =	rddreg [dreg:$0x1d];
	[sflag:s21] =	ssyncadd.s32 $0xFFFFF830  }
0x19f: {  	[tilespmem:s12], [sflag:$0x1] =	stream.linear.gather [hbm4b:s2+s1], $0x7D0, $0x200038;
	[tilespmem:$0x1F288] =	vst v63  }
0x1a0: {  	s3 =	simm.s32 $0x1DF08;
	s31 =	rddreg [dreg:$0x1e]  }
0x1a1: {  	[tilespmem:s3], [sflag:$0x1] =	stream.linear.gather [hbm4b:s31+s1], $0x7D0, $0x200038;
	[tilespmem:$0x1F288] =	vst v63  }
.LBB2_26:
0x1a2: {  	s2 =	sshra.s32 s1, $0x2  }
0x1a3: {  	v4 =	vld [tilespmem:s2+$0x1D708];
	_ =	sdelay $0x7  }
0x1a4: {  	v5 =	vld.idx.msk [tilespmem:v4+s14+$0x0], $0xffff;
	_ =	sdelay $0x4  }
0x1a5: {  	vm0 =	vgt.s32 v5, $0x0  }
0x1a6: {  	vm1 =	vgt.s32 v5, $0xFFFFFFFF;
	v5 =	vnsel vm0, $0x0, v5  }
0x1a7: {  	(xrf1) =	vunique.msk.u32 vm1, v5;
	_ =	sdelay $0xd  }
0x1a8: {  	_, v6, vm12 =	vpop (xrf1)  }
0x1a9: {  	v7 =	vld [tilespmem:s2+$0x1E708];
	vm0 =	vmand vm1, vm12;
	_ =	sdelay $0x4  }
0x1aa: {  	v8 =	vshll.u32 v5, $0xE  }
0x1ab: {  	[tilespmem:v5+s20+$0x0] =	vst.idx.add.s32.msk vm0, v6;
	v5 =	vor.u32 v7, v8  }
0x1ac: {  	[tilespmem:s19+$0x1C308] =	vst.msk vm1, v5  }
0x1ad: {  	v5 =	vld.idx.msk [tilespmem:v7+s14+$0x0], $0xffff;
	_ =	sdelay $0x4  }
0x1ae: {  	vm13 =	vgt.s32 v5, $0x0  }
0x1af: {  	v60 =	vmpcnt.ones.xlane vm1;
	vm14 =	vgt.s32 v5, $0xFFFFFFFF;
	v5 =	vnsel vm13, $0x0, v5  }
0x1b0: {  	v61 =	vmpcnt.ones.xlane vm14;
	(xrf1) =	vunique.msk.u32 vm14, v5  }
0x1b1: {  	(v2sf) =	vpush v60, $0x0  }
0x1b2: {  	(v2sf) =	vpush v61, $0x0;
	_ =	sdelay $0xb  }
0x1b3: {  	_, v62, vm15 =	vpop (xrf1)  }
0x1b4: {  	vm0 =	vmand vm14, vm15  }
0x1b5: {  	s31 =	spop (v2sf)  }
0x1b6: {  	s2 =	sadd.s32 s19, s31;
	s3 =	spop (v2sf)  }
0x1b7: {  	s3 =	sadd.s32 s2, s3  }
0x1b8: {  	p1 =	slt.s32 s3, $0x80  }
0x1b9: {  	s9 =	smov.u32 s7;
	v63 =	vshll.u32 v5, $0xE;
	s7 =	sshll.u32 @!p1 s7, $0x9  }
0x1ba: {  	v4 =	vor.u32 v4, v63;
	s7 =	sshra.s32 @!p1 s7, $0x2;
	[tilespmem:v5+s20+$0x0] =	vst.idx.add.s32.msk vm0, v62  }
0x1bb: {  	[tilespmem:s2+$0x1C308] =	vst.msk vm14, v4;
	s2 =	sadd.s32 @!p1 s7, s15;
	s7 =	simm.s32 @!p1 $0x1C308  }
0x1bc: {  	[spmem:s2] =	stream.linear.scatter @!p1 [tilespmem:s7], [sflag:$0x2], $0x80, $0x200038;
	[tilespmem:$0x1F288] =	vst v63  }
0x1bd: {  	s2 =	simm.s32 @!p1 $0x2  }
0x1be: {  	_ =	swait.ge @!p1 [sflag:s2], $0x80  }
0x1bf: {  	[sflag:s2] =	ssyncset.done @!p1 $0x0  }
0x1c0: {  	s1 =	sadd.s32 $0x40, s1;
	[sflag:s2] =	ssyncadd.s32 @!p1 $0xFFFFFF80  }
0x1c1: {  	p2 =	sne.s32 s1, $0x1F40;
	v4 =	vld @!p1 [tilespmem:$0x1C388]  }
.Ltmp14:
0x1c2: {  	_ = 	snop;
	(pc) =	sbr.rel @p2 .LBB2_26-.Ltmp14, $3  }
0x1c3: {  	_ =	sdelay $0x1  }
0x1c4: {  	s19 =	sadd.s32 @!p1 $0xFFFFFF80, s3;
	s7 =	sadd.s32 @!p1 $0x1, s9  }
0x1c5: {  	s19 =	smov.u32 @p1 s3;
	s7 =	smov.u32 @p1 s9;
	[tilespmem:$0x1C308] =	vst @!p1 v4  }
0x1c6: {  	_ =	swait.ge [sflag:s21], $0x7D0  }
0x1c7: {  	[sflag:s21] =	ssyncset.done $0x0  }
0x1c8: {  	[sflag:s21] =	ssyncadd.s32 $0xFFFFF830  }
0x1c9: {  	_ =	swait.ge [sflag:s21], $0x7D0  }
0x1ca: {  	s1 =	simm.s32 $0x0;
	[sflag:s21] =	ssyncset.done $0x0;
	s2 =	rddreg [dreg:$0x1f]  }
0x1cb: {  	s3 =	simm.s32 $0x1D708;
	s28 =	sld [smem:$0x7FA];
	[sflag:s21] =	ssyncadd.s32 $0xFFFFF830  }
0x1cc: {  	[tilespmem:s3], [sflag:$0x1] =	stream.linear.gather [hbm4b:s2+s1], $0x7D0, $0x200038;
	[tilespmem:$0x1F288] =	vst v63  }
0x1cd: {  	s31 =	simm.s32 $0x1E708;
	s12 =	simm.s32 $0x80  }
0x1ce: {  	[tilespmem:s31], [sflag:$0x1] =	stream.linear.gather [hbm4b:s28+s1], $0x7D0, $0x200038;
	[tilespmem:$0x1F288] =	vst v63  }
.LBB2_28:
0x1cf: {  	s2 =	sshra.s32 s1, $0x2  }
0x1d0: {  	v4 =	vld [tilespmem:s2+$0x1CF08];
	_ =	sdelay $0x7  }
0x1d1: {  	v5 =	vld.idx.msk [tilespmem:v4+s14+$0x0], $0xffff;
	_ =	sdelay $0x4  }
0x1d2: {  	vm0 =	vgt.s32 v5, $0x0  }
0x1d3: {  	vm1 =	vgt.s32 v5, $0xFFFFFFFF;
	v5 =	vnsel vm0, $0x0, v5  }
0x1d4: {  	(xrf1) =	vunique.msk.u32 vm1, v5;
	_ =	sdelay $0xd  }
0x1d5: {  	_, v6, vm12 =	vpop (xrf1)  }
0x1d6: {  	v7 =	vld [tilespmem:s2+$0x1DF08];
	vm0 =	vmand vm1, vm12;
	_ =	sdelay $0x4  }
0x1d7: {  	v8 =	vshll.u32 v5, $0xE  }
0x1d8: {  	[tilespmem:v5+s20+$0x0] =	vst.idx.add.s32.msk vm0, v6;
	v5 =	vor.u32 v7, v8  }
0x1d9: {  	[tilespmem:s19+$0x1C308] =	vst.msk vm1, v5  }
0x1da: {  	v5 =	vld.idx.msk [tilespmem:v7+s14+$0x0], $0xffff;
	_ =	sdelay $0x4  }
0x1db: {  	vm13 =	vgt.s32 v5, $0x0  }
0x1dc: {  	v60 =	vmpcnt.ones.xlane vm1;
	vm14 =	vgt.s32 v5, $0xFFFFFFFF;
	v5 =	vnsel vm13, $0x0, v5  }
0x1dd: {  	v61 =	vmpcnt.ones.xlane vm14;
	(xrf1) =	vunique.msk.u32 vm14, v5  }
0x1de: {  	(v2sf) =	vpush v60, $0x0  }
0x1df: {  	(v2sf) =	vpush v61, $0x0;
	_ =	sdelay $0xb  }
0x1e0: {  	_, v62, vm15 =	vpop (xrf1)  }
0x1e1: {  	vm0 =	vmand vm14, vm15  }
0x1e2: {  	s31 =	spop (v2sf)  }
0x1e3: {  	s2 =	sadd.s32 s19, s31;
	s3 =	spop (v2sf)  }
0x1e4: {  	s3 =	sadd.s32 s2, s3  }
0x1e5: {  	p1 =	slt.s32 s3, $0x80  }
0x1e6: {  	s9 =	smov.u32 s7;
	v63 =	vshll.u32 v5, $0xE;
	s7 =	sshll.u32 @!p1 s7, $0x9  }
0x1e7: {  	v4 =	vor.u32 v4, v63;
	s7 =	sshra.s32 @!p1 s7, $0x2;
	[tilespmem:v5+s20+$0x0] =	vst.idx.add.s32.msk vm0, v62  }
0x1e8: {  	[tilespmem:s2+$0x1C308] =	vst.msk vm14, v4;
	s2 =	sadd.s32 @!p1 s7, s15;
	s7 =	simm.s32 @!p1 $0x1C308  }
0x1e9: {  	[spmem:s2] =	stream.linear.scatter @!p1 [tilespmem:s7], [sflag:$0x2], $0x80, $0x200038;
	[tilespmem:$0x1F288] =	vst v63  }
0x1ea: {  	s2 =	simm.s32 @!p1 $0x2  }
0x1eb: {  	_ =	swait.ge @!p1 [sflag:s2], $0x80  }
0x1ec: {  	[sflag:s2] =	ssyncset.done @!p1 $0x0  }
0x1ed: {  	s1 =	sadd.s32 $0x40, s1;
	[sflag:s2] =	ssyncadd.s32 @!p1 $0xFFFFFF80  }
0x1ee: {  	p2 =	sne.s32 s1, $0x1F40;
	v4 =	vld @!p1 [tilespmem:$0x1C388]  }
.Ltmp15:
0x1ef: {  	_ = 	snop;
	(pc) =	sbr.rel @p2 .LBB2_28-.Ltmp15, $3  }
0x1f0: {  	_ =	sdelay $0x1  }
0x1f1: {  	s19 =	sadd.s32 @!p1 $0xFFFFFF80, s3;
	s7 =	sadd.s32 @!p1 $0x1, s9  }
0x1f2: {  	s19 =	smov.u32 @p1 s3;
	s7 =	smov.u32 @p1 s9;
	[tilespmem:$0x1C308] =	vst @!p1 v4  }
0x1f3: {  	_ =	swait.ge [sflag:s21], $0x7D0  }
0x1f4: {  	[sflag:s21] =	ssyncset.done $0x0  }
0x1f5: {  	[sflag:s21] =	ssyncadd.s32 $0xFFFFF830  }
0x1f6: {  	_ =	swait.ge [sflag:s21], $0x7D0  }
0x1f7: {  	[sflag:s21] =	ssyncset.done $0x0  }
0x1f8: {  	s1 =	simm.s32 $0x0;
	[sflag:s21] =	ssyncadd.s32 $0xFFFFF830  }
.LBB2_30:
0x1f9: {  	s2 =	sshra.s32 s1, $0x2  }
0x1fa: {  	v4 =	vld [tilespmem:s2+$0x1D708];
	_ =	sdelay $0x7  }
0x1fb: {  	v5 =	vld.idx.msk [tilespmem:v4+s14+$0x0], $0xffff;
	_ =	sdelay $0x4  }
0x1fc: {  	vm0 =	vgt.s32 v5, $0x0  }
0x1fd: {  	vm1 =	vgt.s32 v5, $0xFFFFFFFF;
	v5 =	vnsel vm0, $0x0, v5  }
0x1fe: {  	(xrf1) =	vunique.msk.u32 vm1, v5;
	_ =	sdelay $0xd  }
0x1ff: {  	_, v6, vm12 =	vpop (xrf1)  }
0x200: {  	v7 =	vld [tilespmem:s2+$0x1E708];
	vm0 =	vmand vm1, vm12;
	_ =	sdelay $0x4  }
0x201: {  	v8 =	vshll.u32 v5, $0xE  }
0x202: {  	[tilespmem:v5+s20+$0x0] =	vst.idx.add.s32.msk vm0, v6;
	v5 =	vor.u32 v7, v8  }
0x203: {  	[tilespmem:s19+$0x1C308] =	vst.msk vm1, v5  }
0x204: {  	v5 =	vld.idx.msk [tilespmem:v7+s14+$0x0], $0xffff;
	_ =	sdelay $0x4  }
0x205: {  	vm13 =	vgt.s32 v5, $0x0  }
0x206: {  	v60 =	vmpcnt.ones.xlane vm1;
	vm14 =	vgt.s32 v5, $0xFFFFFFFF;
	v5 =	vnsel vm13, $0x0, v5  }
0x207: {  	v61 =	vmpcnt.ones.xlane vm14;
	(xrf1) =	vunique.msk.u32 vm14, v5  }
0x208: {  	(v2sf) =	vpush v60, $0x0  }
0x209: {  	(v2sf) =	vpush v61, $0x0;
	_ =	sdelay $0xb  }
0x20a: {  	_, v62, vm15 =	vpop (xrf1)  }
0x20b: {  	vm0 =	vmand vm14, vm15  }
0x20c: {  	s31 =	spop (v2sf)  }
0x20d: {  	s2 =	sadd.s32 s19, s31;
	s3 =	spop (v2sf)  }
0x20e: {  	s3 =	sadd.s32 s2, s3  }
0x20f: {  	p1 =	slt.s32 s3, $0x80  }
0x210: {  	s9 =	smov.u32 s7;
	v63 =	vshll.u32 v5, $0xE;
	s7 =	sshll.u32 @!p1 s7, $0x9  }
0x211: {  	v4 =	vor.u32 v4, v63;
	s7 =	sshra.s32 @!p1 s7, $0x2;
	[tilespmem:v5+s20+$0x0] =	vst.idx.add.s32.msk vm0, v62  }
0x212: {  	[tilespmem:s2+$0x1C308] =	vst.msk vm14, v4;
	s2 =	sadd.s32 @!p1 s7, s15;
	s7 =	simm.s32 @!p1 $0x1C308  }
0x213: {  	[spmem:s2] =	stream.linear.scatter @!p1 [tilespmem:s7], [sflag:$0x2], $0x80, $0x200038;
	[tilespmem:$0x1F288] =	vst v63  }
0x214: {  	s2 =	simm.s32 @!p1 $0x2  }
0x215: {  	_ =	swait.ge @!p1 [sflag:s2], $0x80  }
0x216: {  	[sflag:s2] =	ssyncset.done @!p1 $0x0  }
0x217: {  	s1 =	sadd.s32 $0x40, s1;
	[sflag:s2] =	ssyncadd.s32 @!p1 $0xFFFFFF80  }
0x218: {  	p2 =	sne.s32 s1, $0x1F40;
	v4 =	vld @!p1 [tilespmem:$0x1C388]  }
.Ltmp16:
0x219: {  	_ = 	snop;
	(pc) =	sbr.rel @p2 .LBB2_30-.Ltmp16, $3  }
0x21a: {  	_ =	sdelay $0x1  }
0x21b: {  	s19 =	sadd.s32 @!p1 $0xFFFFFF80, s3;
	s7 =	sadd.s32 @!p1 $0x1, s9  }
0x21c: {  	s19 =	smov.u32 @p1 s3;
	s7 =	smov.u32 @p1 s9;
	[tilespmem:$0x1C308] =	vst @!p1 v4  }
0x21d: {  	s1 =	sshll.u32 s7, $0x7  }
0x21e: {  	s3 =	simm.s32 $0x1C308;
	s2 =	sadd.s32 s1, s15  }
0x21f: {  	[spmem:s2] =	stream.linear.scatter [tilespmem:s3], [sflag:$0x2], $0x80, $0x200038;
	[tilespmem:$0x1F288] =	vst v63  }
0x220: {  	_ =	swait.ge [sflag:s13], $0x80  }
0x221: {  	[sflag:s13] =	ssyncset.done $0x0  }
0x222: {  	s31 =	simm.s32 $0x400;
	s28 =	rddreg [dreg:$0x13];
	[sflag:s13] =	ssyncadd.s32 $0xFFFFFF80  }
0x223: {  	[spmem:s28] =	stream.strided.scatter [tilespmem:s20], [sflag:$0x2], $0x800, s31, s12, $0x200038;
	[tilespmem:$0x1F288] =	vst v63  }
0x224: {  	_ =	swait.ge [sflag:s13], $0x800  }
.Ltmp17:
0x225: {  	[sflag:s13] =	ssyncset.done $0x0;
	(pc) =	sbr.rel @!p0 .LBB2_32-.Ltmp17, $4  }
0x226: {  	[sflag:s13] =	ssyncadd.s32 $0xFFFFF800  }
0x227: {  	[bflag:$0x0] =	sbarrier.arrive $0xFFFF  }
0x228: {  	_ =	strace $0x90000049  }
0x229: {  	s2 =	simm.s32 $0x0;
	_ =	strace $0x8000004A  }
0x22a: {  	[bflag:$0x0] =	sbarrier.arrive $0xFFFF  }
0x22b: {  	_ =	strace $0x9000004A  }
0x22c: {  	_ =	strace $0x8000004B  }
0x22d: {  	[tilespmem:s29], [sflag:$0x2] =	stream.linear.gather [spmem:s25], $0x800, $0x200038;
	[tilespmem:$0x1F288] =	vst v63  }
0x22e: {  	_ =	swait.ge [sflag:s13], $0x800  }
0x22f: {  	[sflag:s13] =	ssyncset.done $0x0  }
0x230: {  	s2 =	simm.s32 $0x0;
	[sflag:s13] =	ssyncadd.s32 $0xFFFFF800  }
.LBB2_42:
0x231: {  	s3 =	sshll.u32 s2, $0xB  }
0x232: {  	s7 =	sshll.u32 s2, $0x7;
	s3 =	sand.u32 $0xFFFFC000, s3  }
0x233: {  	s7 =	sand.u32 $0x380, s7;
	s3 =	sadd.s32 s3, s10  }
0x234: {  	s31 =	simm.s32 $0x400;
	s9 =	simm.s32 $0x1B108;
	s3 =	sadd.s32 s7, s3  }
0x235: {  	[tilespmem:s9], [sflag:$0x2] =	stream.strided.gather [spmem:s3], $0x800, s31, s12, $0x200038;
	[tilespmem:$0x1F288] =	vst v63  }
0x236: {  	_ =	swait.ge [sflag:s13], $0x800  }
0x237: {  	[sflag:s13] =	ssyncset.done $0x0  }
0x238: {  	s3 =	simm.s32 $0x0;
	[sflag:s13] =	ssyncadd.s32 $0xFFFFF800  }
0x239: {  	s7 =	simm.s32 $0x40;
	v4 =	vld [tilespmem:s3+$0x1B108]  }
.LBB2_43:
0x23a: {  	p1 =	sne.s32 s7, $0x1FC0;
	v5 =	vld [tilespmem:s3+$0x1A008];
	_ =	sdelay $0x1  }
.Ltmp18:
0x23b: {  	(pc) =	sbr.rel @p1 .LBB2_43-.Ltmp18, $3  }
0x23c: {  	_ =	sdelay $0x1  }
0x23d: {  	s9 =	sshra.s32 s7, $0x2;
	v5 =	vadd.s32 v5, v4  }
0x23e: {  	s7 =	sadd.s32 $0x40, s7;
	v4 =	vld [tilespmem:s9+$0x1B108];
	[tilespmem:s3+$0x1A008] =	vst v5;
	s3 =	smov.u32 s9  }
0x23f: {  	v5 =	vld [tilespmem:s3+$0x1A008];
	s2 =	sadd.s32 $0x1, s2  }
0x240: {  	p1 =	sne.s32 s2, s11  }
.Ltmp19:
0x241: {  	_ = 	snop;
	(pc) =	sbr.rel @p1 .LBB2_42-.Ltmp19, $4  }
.Ltmp20:
0x242: {  	_ = 	snop;
	(pc) =	sbr.rel @!p1 .LBB2_45-.Ltmp20, $4  }
0x243: {  	_ = 	snop  }
0x244: {  	v4 =	vadd.s32 v5, v4  }
0x245: {  	[tilespmem:s3+$0x1A008] =	vst v4  }
0x246: {  	_ = 	snop  }
.LBB2_32:
0x247: {  	s3 =	simm.s32 $0x40;
	s7 =	simm.s32 $0x0  }
.LBB2_33:
0x248: {  	p1 =	sne.s32 s3, $0x1FC0;
	[tilespmem:s7+$0x1B988] =	vst v2;
	s7 =	smov.u32 s3;
	s3 =	sadd.s32 $0x40, s3  }
.Ltmp21:
0x249: {  	(pc) =	sbr.rel @p1 .LBB2_33-.Ltmp21, $2  }
0x24a: {  	_ =	sdelay $0x2  }
0x24b: {  	s7 =	sshra.s32 s7, $0x2  }
0x24c: {  	[tilespmem:s7+$0x1B988] =	vst v2  }
.LBB2_35:
0x24d: {  	s3 =	sshll.u32 s2, $0xB  }
0x24e: {  	s7 =	sshll.u32 s2, $0x7;
	s3 =	sand.u32 $0x4000, s3  }
0x24f: {  	s7 =	sand.u32 $0x380, s7;
	s3 =	sadd.s32 s3, s10  }
0x250: {  	s31 =	simm.s32 $0x400;
	s9 =	simm.s32 $0x1B108;
	s3 =	sadd.s32 s7, s3  }
0x251: {  	[tilespmem:s9], [sflag:$0x2] =	stream.strided.gather [spmem:s3], $0x800, s31, s12, $0x200038;
	[tilespmem:$0x1F288] =	vst v63  }
0x252: {  	_ =	swait.ge [sflag:s13], $0x800  }
0x253: {  	[sflag:s13] =	ssyncset.done $0x0  }
0x254: {  	s3 =	simm.s32 $0x0;
	[sflag:s13] =	ssyncadd.s32 $0xFFFFF800  }
0x255: {  	s7 =	simm.s32 $0x40;
	v4 =	vld [tilespmem:s3+$0x1B108]  }
.LBB2_36:
0x256: {  	p1 =	sne.s32 s7, $0x1FC0;
	v5 =	vld [tilespmem:s3+$0x1B988];
	_ =	sdelay $0x1  }
.Ltmp22:
0x257: {  	(pc) =	sbr.rel @p1 .LBB2_36-.Ltmp22, $3  }
0x258: {  	_ =	sdelay $0x1  }
0x259: {  	s9 =	sshra.s32 s7, $0x2;
	v5 =	vadd.s32 v5, v4  }
0x25a: {  	s7 =	sadd.s32 $0x40, s7;
	v4 =	vld [tilespmem:s9+$0x1B108];
	[tilespmem:s3+$0x1B988] =	vst v5;
	s3 =	smov.u32 s9  }
0x25b: {  	v5 =	vld [tilespmem:s3+$0x1B988];
	s2 =	sadd.s32 $0x1, s2  }
0x25c: {  	p1 =	sne.s32 s2, $0x10  }
.Ltmp23:
0x25d: {  	_ = 	snop;
	(pc) =	sbr.rel @p1 .LBB2_35-.Ltmp23, $3  }
0x25e: {  	_ =	sdelay $0x1  }
0x25f: {  	v4 =	vadd.s32 v5, v4  }
0x260: {  	[tilespmem:s3+$0x1B988] =	vst v4  }
0x261: {  	s2 =	rddreg [dreg:$0x5];
	s3 =	simm.s32 $0x1B988  }
0x262: {  	[spmem:s2] =	stream.linear.scatter [tilespmem:s3], [sflag:$0x2], $0x800, $0x200038;
	[tilespmem:$0x1F288] =	vst v63  }
0x263: {  	_ =	swait.ge [sflag:s13], $0x800  }
0x264: {  	[sflag:s13] =	ssyncset.done $0x0  }
0x265: {  	s12 =	simm.s32 $0x0;
	[sflag:s13] =	ssyncadd.s32 $0xFFFFF800  }
0x266: {  	v4 =	vld [tilespmem:s12+$0x1B988];
	_ =	sdelay $0x1  }
0x267: {  	s3 =	simm.s32 $0x10  }
0x268: {  	s2 =	simm.s32 $0x20;
	v5 =	vld [tilespmem:s3+$0x1B988]  }
0x269: {  	v6 =	vld [tilespmem:s2+$0x1B988]  }
0x26a: {  	v4 =	vadd.s32 $0x7, v4  }
0x26b: {  	v7 =	vand.u32 $0xFFFFFFF8, v4  }
0x26c: {  	(xrf0) =	vadd.scan.msk.s32 $0xffff, v7  }
0x26d: {  	v4 =	vadd.s32 $0x7, v5  }
0x26e: {  	v5 =	vadd.s32 $0x7, v6;
	v4 =	vand.u32 $0xFFFFFFF8, v4  }
0x26f: {  	v5 =	vand.u32 $0xFFFFFFF8, v5;
	(xrf0) =	vadd.scan.msk.s32 $0xffff, v4  }
0x270: {  	(xrf0) =	vadd.scan.msk.s32 $0xffff, v5;
	_ =	sdelay $0x1  }
0x271: {  	v10, _, _ =	vpop (xrf0)  }
0x272: {  	(v2sf) =	vpush v10, $0xF;
	_ =	sdelay $0x1  }
0x273: {  	s10 =	simm.s32 $0x0;
	v6, _, _ =	vpop (xrf0)  }
0x274: {  	s7 =	simm.s32 $0x30;
	v11 =	vsub.s32 s10, v7;
	(v2sf) =	vpush v6, $0xF;
	v7, _, _ =	vpop (xrf0)  }
0x275: {  	v8 =	vld [tilespmem:s7+$0x1B988];
	(v2sf) =	vpush v7, $0xF;
	_ =	sdelay $0x4  }
0x276: {  	s9 =	simm.s32 $0x40;
	v8 =	vadd.s32 $0x7, v8  }
0x277: {  	v9 =	vld [tilespmem:s9+$0x1B988];
	v8 =	vand.u32 $0xFFFFFFF8, v8  }
0x278: {  	(xrf0) =	vadd.scan.msk.s32 $0xffff, v8  }
0x279: {  	v10 =	vadd.s32 v10, v11  }
0x27a: {  	s11 =	simm.s32 $0x140;
	[tilespmem:s12+$0x17088] =	vst v10  }
.LBB2_39:
0x27b: {  	s12 =	smov.u32 s9;
	s9 =	sshra.s32 s11, $0x2;
	p1 =	sne.s32 s11, $0x1FC0  }
.Ltmp24:
0x27c: {  	s11 =	sadd.s32 $0x40, s11;
	v10 =	vadd.s32 $0x7, v9;
	s18 =	spop (v2sf);
	(pc) =	sbr.rel @p1 .LBB2_39-.Ltmp24, $4  }
0x27d: {  	v9 =	vld [tilespmem:s9+$0x1B988];
	v10 =	vand.u32 $0xFFFFFFF8, v10;
	s10 =	sadd.s32 s10, s18  }
0x27e: {  	(xrf0) =	vadd.scan.msk.s32 $0xffff, v10;
	v11, _, _ =	vpop (xrf0);
	v12 =	vsub.s32 s10, v4;
	v4 =	vmov v5;
	v5 =	vmov v8  }
0x27f: {  	v8 =	vmovc v10;
	(v2sf) =	vpush v11, $0xF;
	v12 =	vadd.s32 v6, v12;
	v6 =	vmovc v7;
	v7 =	vmov v11  }
0x280: {  	[tilespmem:s3+$0x17088] =	vst v12;
	s3 =	smov.u32 s2;
	s2 =	smov.u32 s7;
	s7 =	smov.u32 s12  }
0x281: {  	_ = 	snop  }
0x282: {  	v9 =	vadd.s32 $0x7, v9  }
0x283: {  	v9 =	vand.u32 $0xFFFFFFF8, v9  }
0x284: {  	(xrf0) =	vadd.scan.msk.s32 $0xffff, v9;
	v10, _, _ =	vpop (xrf0)  }
0x285: {  	(v2sf) =	vpush v10, $0xF;
	_ =	sdelay $0x4  }
0x286: {  	v11, _, _ =	vpop (xrf0)  }
0x287: {  	(v2sf) =	vpush v11, $0xF;
	_ =	sdelay $0x5  }
0x288: {  	s11 =	spop (v2sf)  }
0x289: {  	s10 =	sadd.s32 s10, s11;
	s23 =	spop (v2sf)  }
0x28a: {  	v4 =	vsub.s32 s10, v4;
	s10 =	sadd.s32 s10, s23;
	s24 =	spop (v2sf)  }
0x28b: {  	v4 =	vadd.s32 v6, v4;
	v5 =	vsub.s32 s10, v5;
	s10 =	sadd.s32 s10, s24;
	s26 =	spop (v2sf)  }
0x28c: {  	[tilespmem:s3+$0x17088] =	vst v4;
	v4 =	vadd.s32 v7, v5;
	v5 =	vsub.s32 s10, v8;
	s28 =	sadd.s32 s10, s26  }
0x28d: {  	[tilespmem:s2+$0x17088] =	vst v4;
	v4 =	vadd.s32 v10, v5;
	v5 =	vsub.s32 s28, v9  }
0x28e: {  	[tilespmem:s7+$0x17088] =	vst v4;
	v4 =	vadd.s32 v11, v5  }
0x28f: {  	s2 =	simm.s32 $0x17088;
	[tilespmem:s9+$0x17088] =	vst v4  }
0x290: {  	[spmem:s25] =	stream.linear.scatter [tilespmem:s2], [sflag:$0x2], $0x800, $0x200038;
	[tilespmem:$0x1F288] =	vst v63  }
0x291: {  	s31 =	spop (v2sf)  }
0x292: {  	_ =	swait.ge [sflag:s13], $0x800  }
0x293: {  	[sflag:s13] =	ssyncset.done $0x0  }
0x294: {  	[sflag:s13] =	ssyncadd.s32 $0xFFFFF800  }
0x295: {  	[bflag:$0x0] =	sbarrier.arrive $0xFFFF  }
0x296: {  	_ =	strace $0x9000004A  }
0x297: {  	_ =	strace $0x8000004B  }
0x298: {  	[tilespmem:s29], [sflag:$0x2] =	stream.linear.gather [spmem:s25], $0x800, $0x200038;
	[tilespmem:$0x1F288] =	vst v63  }
0x299: {  	_ =	swait.ge [sflag:s13], $0x800  }
0x29a: {  	[sflag:s13] =	ssyncset.done $0x0  }
0x29b: {  	[sflag:s13] =	ssyncadd.s32 $0xFFFFF800  }
.LBB2_45:
0x29c: {  	s3 =	sadd.s32 s19, s1  }
0x29d: {  	s1 =	sadd.s32 $0x7F, s3  }
0x29e: {  	s2 =	sand.u32 $0x7F, s1  }
0x29f: {  	s7 =	sshra.s32 s1, $0x1F;
	p1 =	slt.s32 s1, $0x1;
	p2 =	sne.s32 s2, $0x0  }
0x2a0: {  	s31 =	sshrl.u32 s7, $0x19;
	p1 =	por !p1, !p2  }
0x2a1: {  	s2 =	simm.s32 $0x1;
	s1 =	sadd.s32 s31, s1;
	p1 =	por !p1, !p1  }
0x2a2: {  	s1 =	sshra.s32 s1, $0x7;
	s2 =	simm.s32 @!p1 $0x0  }
0x2a3: {  	s1 =	ssub.s32 s1, s2  }
0x2a4: {  	p1 =	slt.s32 s1, $0x1  }
.Ltmp25:
0x2a5: {  	_ = 	snop;
	(pc) =	sbr.rel @p1 .LBB2_50-.Ltmp25, $2  }
0x2a6: {  	_ =	sdelay $0x2  }
0x2a7: {  	s26 =	simm.s32 $0x80;
	s19 =	simm.s32 $0x0;
	s2 =	simm.s32 $0x0  }
0x2a8: {  	v4 =	vmov s3;
	s3 =	simm.s32 $0x0;
	s2 =	simm.s32 $0x0;
	s7 =	simm.s32 $0x0  }
.LBB2_47:
0x2a9: {  	s9 =	sshll.u32 s7, $0x7  }
0x2aa: {  	s9 =	sadd.s32 s9, s15  }
0x2ab: {  	[tilespmem:s30], [sflag:$0x2] =	stream.linear.gather [spmem:s9], $0x80, $0x200038;
	[tilespmem:$0x1F288] =	vst v63  }
0x2ac: {  	_ =	swait.ge [sflag:s13], $0x80  }
0x2ad: {  	[sflag:s13] =	ssyncset.done $0x0  }
0x2ae: {  	s28 =	simm.s32 $0x0;
	[sflag:s13] =	ssyncadd.s32 $0xFFFFFF80  }
0x2af: {  	v5 =	vld [tilespmem:s28+$0x1C188];
	_ =	sdelay $0x3  }
0x2b0: {  	v6 =	vor.u32 s3, v1  }
0x2b1: {  	vm0 =	vlt.s32 v6, v4;
	v6 =	vshra.s32 v5, $0xE  }
0x2b2: {  	v6 =	vnsel vm0, $0x0, v6  }
0x2b3: {  	(xrf1) =	vunique.msk.u32 vm0, v6;
	_ =	sdelay $0x3  }
0x2b4: {  	v7 =	vmpcnt.ones.xlane vm0;
	_ =	sdelay $0x1  }
0x2b5: {  	(v2sf) =	vpush v7, $0x0;
	_ =	sdelay $0x7  }
0x2b6: {  	_, v7, vm1 =	vpop (xrf1)  }
0x2b7: {  	v8 =	vld.idx.msk [tilespmem:v6+s29+$0x0], vm0;
	vm1 =	vmand vm0, vm1;
	_ =	sdelay $0x4  }
0x2b8: {  	v8 =	vadd.s32 v7, v8  }
0x2b9: {  	s31 =	spop (v2sf);
	v8 =	vadd.s32 $0xFFFFFFFF, v8;
	[tilespmem:v6+s29+$0x0] =	vst.idx.add.s32.msk vm1, v7  }
0x2ba: {  	v5 =	vand.u32 $0x3FFF, v5;
	s9 =	sadd.s32 s2, s31;
	[tilespmem:s2+$0x1C308] =	vst.msk vm0, v8  }
0x2bb: {  	p1 =	slt.s32 s9, $0x80;
	[tilespmem:s2+$0x1C408] =	vst.msk vm0, v5  }
0x2bc: {  	v5 =	vld @!p1 [tilespmem:$0x1C478]  }
0x2bd: {  	v6 =	vld @!p1 [tilespmem:$0x1C458]  }
0x2be: {  	v7 =	vld @!p1 [tilespmem:$0x1C378]  }
0x2bf: {  	v8 =	vld @!p1 [tilespmem:$0x1C368]  }
0x2c0: {  	v9 =	vld @!p1 [tilespmem:$0x1C448]  }
0x2c1: {  	v10 =	vld @!p1 [tilespmem:$0x1C358];
	[tilespmem:$0x1A8F8] =	vst @!p1 v5  }
0x2c2: {  	v11 =	vld @!p1 [tilespmem:$0x1C468];
	[tilespmem:$0x1A8D8] =	vst @!p1 v6  }
0x2c3: {  	v12 =	vld @!p1 [tilespmem:$0x1C438];
	[tilespmem:$0x1A878] =	vst @!p1 v7  }
0x2c4: {  	v13 =	vld @!p1 [tilespmem:$0x1C348];
	[tilespmem:$0x1A868] =	vst @!p1 v8  }
0x2c5: {  	v14 =	vld @!p1 [tilespmem:$0x1C428];
	[tilespmem:$0x1A8C8] =	vst @!p1 v9  }
0x2c6: {  	v6 =	vld @!p1 [tilespmem:$0x1C338];
	[tilespmem:$0x1A858] =	vst @!p1 v10  }
0x2c7: {  	v5 =	vld @!p1 [tilespmem:$0x1C418];
	[tilespmem:$0x1A8E8] =	vst @!p1 v11  }
0x2c8: {  	v7 =	vld @!p1 [tilespmem:$0x1C328];
	[tilespmem:$0x1A8B8] =	vst @!p1 v12  }
0x2c9: {  	s2 =	sadd.s32 @!p1 $0xFFFFFF80, s9;
	v8 =	vld @!p1 [tilespmem:$0x1C308];
	[tilespmem:$0x1A848] =	vst @!p1 v13  }
0x2ca: {  	s11 =	smov.u32 s3;
	s2 =	smov.u32 @p1 s9;
	s9 =	simm.s32 $0x40;
	v9 =	vld @!p1 [tilespmem:$0x1C318];
	[tilespmem:$0x1A8A8] =	vst @!p1 v14  }
.LBB2_48:
0x2cb: {  	v10 =	vld @!p1 [tilespmem:$0x1C408];
	[tilespmem:$0x1A838] =	vst @!p1 v6;
	s11 =	sadd.s32 $0x10, s11;
	s12 =	smov.u32 s9;
	s9 =	sadd.s32 $0x40, s9  }
0x2cc: {  	s10 =	smov.u32 s2;
	p2 =	sne.s32 s9, $0x200;
	[tilespmem:$0x1A898] =	vst @!p1 v5  }
0x2cd: {  	[tilespmem:$0x1A828] =	vst @!p1 v7  }
0x2ce: {  	[tilespmem:$0x1A808] =	vst @!p1 v8  }
0x2cf: {  	s18 =	simm.s32 @!p1 $0x2;
	[tilespmem:$0x1A818] =	vst @!p1 v9  }
0x2d0: {  	s22 =	simm.s32 @!p1 $0x80;
	s23 =	simm.s32 @!p1 $0x1A808;
	s24 =	simm.s32 @!p1 $0x1A888;
	[tilespmem:$0x1A888] =	vst @!p1 v10  }
0x2d1: {  	[spmem:s6] =	stream.indirect.scatter @!p1 [tilespmem:s24], [sflag:$0x2], $0x1, s23, s22, $0x2000b8;
	[tilespmem:$0x1F288] =	vst v63  }
0x2d2: {  	_ =	swait.ge @!p1 [sflag:s18], $0x80  }
0x2d3: {  	[sflag:s18] =	ssyncset.done @!p1 $0x0  }
0x2d4: {  	[sflag:s18] =	ssyncadd.s32 @!p1 $0xFFFFFF80  }
0x2d5: {  	v5 =	vld @!p1 [tilespmem:$0x1C388]  }
0x2d6: {  	v6 =	vld @!p1 [tilespmem:$0x1C488];
	_ =	sdelay $0x3  }
0x2d7: {  	[tilespmem:$0x1C308] =	vst @!p1 v5  }
0x2d8: {  	s12 =	sshra.s32 s12, $0x2;
	[tilespmem:$0x1C408] =	vst @!p1 v6  }
0x2d9: {  	v5 =	vld [tilespmem:s12+$0x1C188];
	_ =	sdelay $0x3  }
0x2da: {  	v6 =	vor.u32 s11, v1  }
0x2db: {  	vm0 =	vlt.s32 v6, v4;
	v6 =	vshra.s32 v5, $0xE  }
0x2dc: {  	v7 =	vmpcnt.ones.xlane vm0;
	v6 =	vnsel vm0, $0x0, v6  }
0x2dd: {  	(xrf1) =	vunique.msk.u32 vm0, v6  }
0x2de: {  	(v2sf) =	vpush v7, $0x0;
	_ =	sdelay $0x7  }
0x2df: {  	v7 =	vld.idx.msk [tilespmem:v6+s29+$0x0], vm0;
	_ =	sdelay $0x4  }
0x2e0: {  	_, v8, vm1 =	vpop (xrf1)  }
0x2e1: {  	v7 =	vadd.s32 v8, v7;
	vm1 =	vmand vm0, vm1  }
0x2e2: {  	s12 =	spop (v2sf)  }
0x2e3: {  	s12 =	sadd.s32 s2, s12  }
0x2e4: {  	p1 =	slt.s32 s12, $0x80  }
0x2e5: {  	s2 =	sadd.s32 @!p1 $0xFFFFFF80, s12  }
0x2e6: {  	s2 =	smov.u32 @p1 s12  }
0x2e7: {  	v7 =	vadd.s32 $0xFFFFFFFF, v7;
	[tilespmem:v6+s29+$0x0] =	vst.idx.add.s32.msk vm1, v8  }
0x2e8: {  	v5 =	vand.u32 $0x3FFF, v5;
	[tilespmem:s10+$0x1C308] =	vst.msk vm0, v7  }
0x2e9: {  	[tilespmem:s10+$0x1C408] =	vst.msk vm0, v5  }
0x2ea: {  	v5 =	vld @!p1 [tilespmem:$0x1C478]  }
0x2eb: {  	v6 =	vld @!p1 [tilespmem:$0x1C458]  }
0x2ec: {  	v7 =	vld @!p1 [tilespmem:$0x1C378]  }
0x2ed: {  	v8 =	vld @!p1 [tilespmem:$0x1C368]  }
0x2ee: {  	v9 =	vld @!p1 [tilespmem:$0x1C448]  }
0x2ef: {  	v10 =	vld @!p1 [tilespmem:$0x1C358];
	[tilespmem:$0x1A8F8] =	vst @!p1 v5  }
0x2f0: {  	[tilespmem:$0x1A8D8] =	vst @!p1 v6;
	v11 =	vld @!p1 [tilespmem:$0x1C468]  }
0x2f1: {  	v12 =	vld @!p1 [tilespmem:$0x1C438];
	[tilespmem:$0x1A878] =	vst @!p1 v7  }
0x2f2: {  	v13 =	vld @!p1 [tilespmem:$0x1C348];
	[tilespmem:$0x1A868] =	vst @!p1 v8  }
0x2f3: {  	v14 =	vld @!p1 [tilespmem:$0x1C428];
	[tilespmem:$0x1A8C8] =	vst @!p1 v9  }
.Ltmp26:
0x2f4: {  	v6 =	vld @!p1 [tilespmem:$0x1C338];
	[tilespmem:$0x1A858] =	vst @!p1 v10;
	(pc) =	sbr.rel @p2 .LBB2_48-.Ltmp26, $4  }
0x2f5: {  	v5 =	vld @!p1 [tilespmem:$0x1C418];
	[tilespmem:$0x1A8E8] =	vst @!p1 v11  }
0x2f6: {  	v7 =	vld @!p1 [tilespmem:$0x1C328];
	[tilespmem:$0x1A8B8] =	vst @!p1 v12  }
0x2f7: {  	v8 =	vld @!p1 [tilespmem:$0x1C308];
	[tilespmem:$0x1A848] =	vst @!p1 v13  }
0x2f8: {  	v9 =	vld @!p1 [tilespmem:$0x1C318];
	[tilespmem:$0x1A8A8] =	vst @!p1 v14  }
0x2f9: {  	v10 =	vld @!p1 [tilespmem:$0x1C408];
	[tilespmem:$0x1A838] =	vst @!p1 v6  }
0x2fa: {  	[tilespmem:$0x1A898] =	vst @!p1 v5  }
0x2fb: {  	[tilespmem:$0x1A828] =	vst @!p1 v7  }
0x2fc: {  	[tilespmem:$0x1A808] =	vst @!p1 v8  }
0x2fd: {  	s9 =	simm.s32 @!p1 $0x2;
	[tilespmem:$0x1A818] =	vst @!p1 v9  }
0x2fe: {  	s10 =	simm.s32 @!p1 $0x80;
	s11 =	simm.s32 @!p1 $0x1A808;
	s12 =	simm.s32 @!p1 $0x1A888;
	[tilespmem:$0x1A888] =	vst @!p1 v10  }
0x2ff: {  	[spmem:s6] =	stream.indirect.scatter @!p1 [tilespmem:s12], [sflag:$0x2], $0x1, s11, s10, $0x2000b8;
	[tilespmem:$0x1F288] =	vst v63  }
0x300: {  	_ =	swait.ge @!p1 [sflag:s9], $0x80  }
0x301: {  	[sflag:s9] =	ssyncset.done @!p1 $0x0  }
0x302: {  	[sflag:s9] =	ssyncadd.s32 @!p1 $0xFFFFFF80  }
0x303: {  	s7 =	sadd.s32 $0x1, s7;
	v5 =	vld @!p1 [tilespmem:$0x1C388]  }
0x304: {  	p2 =	sne.s32 s7, s1;
	v6 =	vld @!p1 [tilespmem:$0x1C488]  }
.Ltmp27:
0x305: {  	_ = 	snop;
	(pc) =	sbr.rel @p2 .LBB2_47-.Ltmp27, $3  }
0x306: {  	_ =	sdelay $0x1  }
0x307: {  	[tilespmem:$0x1C308] =	vst @!p1 v5  }
0x308: {  	s3 =	sadd.s32 $0x80, s3;
	[tilespmem:$0x1C408] =	vst @!p1 v6  }
.LBB2_50:
0x309: {  	v4 =	vld [tilespmem:$0x1C308]  }
0x30a: {  	v5 =	vld [tilespmem:$0x1C408]  }
0x30b: {  	v8 =	vld [tilespmem:$0x1C418]  }
0x30c: {  	v6 =	vld [tilespmem:$0x1C318]  }
0x30d: {  	v11 =	vld [tilespmem:$0x1C428]  }
0x30e: {  	v7 =	vmov s2;
	v52 =	vld [tilespmem:$0x1C438]  }
0x30f: {  	v10 =	vor.u32 $0x10, v1;
	v54 =	vld [tilespmem:$0x1C448];
	vm0 =	vgt.s32 v7, v1;
	[tilespmem:$0x1A888] =	vst v5  }
0x310: {  	v57 =	vld [tilespmem:$0x1C458];
	vm9 =	vgt.s32 v7, v10;
	v4 =	vnsel vm0, $0xA04F8, v4;
	[tilespmem:$0x1A898] =	vst v8  }
0x311: {  	v5 =	vnsel vm9, $0xA04F8, v6;
	[tilespmem:$0x1A808] =	vst v4;
	v4 =	vld [tilespmem:$0x1C338]  }
0x312: {  	[tilespmem:$0x1A818] =	vst v5;
	v5 =	vld [tilespmem:$0x1C348]  }
0x313: {  	v9 =	vld [tilespmem:$0x1C328];
	[tilespmem:$0x1A8A8] =	vst v11  }
0x314: {  	v53 =	vor.u32 $0x30, v1;
	v59 =	vld [tilespmem:$0x1C468];
	[tilespmem:$0x1A8B8] =	vst v52  }
0x315: {  	v56 =	vor.u32 $0x40, v1;
	v61 =	vld [tilespmem:$0x1C478];
	vm11 =	vgt.s32 v7, v53;
	[tilespmem:$0x1A8C8] =	vst v54  }
0x316: {  	v55 =	vld [tilespmem:$0x1C358];
	vm12 =	vgt.s32 v7, v56;
	[tilespmem:$0x1A8D8] =	vst v57;
	v4 =	vnsel vm11, $0xA04F8, v4  }
0x317: {  	v5 =	vnsel vm12, $0xA04F8, v5;
	[tilespmem:$0x1A838] =	vst v4;
	v4 =	vld [tilespmem:$0x1C368]  }
0x318: {  	v51 =	vor.u32 $0x20, v1;
	[tilespmem:$0x1A848] =	vst v5;
	v5 =	vld [tilespmem:$0x1C378]  }
0x319: {  	v58 =	vor.u32 $0x50, v1;
	vm10 =	vgt.s32 v7, v51;
	[tilespmem:$0x1A8E8] =	vst v59  }
0x31a: {  	v60 =	vor.u32 $0x60, v1;
	vm13 =	vgt.s32 v7, v58;
	v6 =	vnsel vm10, $0xA04F8, v9;
	[tilespmem:$0x1A8F8] =	vst v61  }
0x31b: {  	v62 =	vor.u32 $0x70, v1;
	vm14 =	vgt.s32 v7, v60;
	[tilespmem:$0x1A828] =	vst v6;
	v6 =	vnsel vm13, $0xA04F8, v55  }
0x31c: {  	vm15 =	vgt.s32 v7, v62;
	[tilespmem:$0x1A858] =	vst v6;
	v4 =	vnsel vm14, $0xA04F8, v4  }
0x31d: {  	[tilespmem:$0x1A868] =	vst v4;
	v4 =	vnsel vm15, $0xA04F8, v5  }
0x31e: {  	s1 =	simm.s32 $0x1A808;
	s18 =	simm.s32 $0x1A888;
	[tilespmem:$0x1A878] =	vst v4  }
0x31f: {  	[spmem:s6] =	stream.indirect.scatter [tilespmem:s18], [sflag:$0x2], $0x1, s1, s26, $0x2000b8;
	[tilespmem:$0x1F288] =	vst v63  }
0x320: {  	_ =	swait.ge [sflag:s13], $0x80  }
0x321: {  	[sflag:s13] =	ssyncset.done $0x0  }
0x322: {  	[sflag:s13] =	ssyncadd.s32 $0xFFFFFF80  }
0x323: {  	[bflag:$0x0] =	sbarrier.arrive $0xFFFF  }
0x324: {  	_ =	strace $0x9000004B  }
0x325: {  	s22 =	simm.s32 $0x17088;
	_ =	strace $0x8000004C  }
0x326: {  	[tilespmem:s22], [sflag:$0x2] =	stream.linear.gather [spmem:s25], $0x800, $0x200038;
	[tilespmem:$0x1F288] =	vst v63  }
0x327: {  	_ =	swait.ge [sflag:s13], $0x800  }
0x328: {  	[sflag:s13] =	ssyncset.done $0x0  }
0x329: {  	[sflag:s13] =	ssyncadd.s32 $0xFFFFF800  }
0x32a: {  	s24 =	simm.s32 $0x1B988;
	s23 =	rddreg [dreg:$0x5]  }
0x32b: {  	[tilespmem:s24], [sflag:$0x2] =	stream.linear.gather [spmem:s23], $0x800, $0x200038;
	[tilespmem:$0x1F288] =	vst v63  }
0x32c: {  	_ =	swait.ge [sflag:s13], $0x800  }
0x32d: {  	s25 =	sld [smem:$0x7FC]  }
0x32e: {  	[sflag:s13] =	ssyncset.done $0x0  }
0x32f: {  	s26 =	simm.s32 $0x1CE08;
	[sflag:s13] =	ssyncadd.s32 $0xFFFFF800  }
0x330: {  	[tilespmem:s26], [sflag:$0x2] =	stream.linear.gather [hbm4b:s25+s19], $0x20, $0x200038;
	[tilespmem:$0x1F288] =	vst v63  }
0x331: {  	_ =	swait.ge [sflag:s13], $0x20  }
0x332: {  	s28 =	sld [smem:$0x7FD]  }
0x333: {  	[sflag:s13] =	ssyncset.done $0x0  }
0x334: {  	s31 =	simm.s32 $0x1CE88;
	[sflag:s13] =	ssyncadd.s32 $0xFFFFFFE0  }
0x335: {  	[tilespmem:s31], [sflag:$0x2] =	stream.linear.gather [hbm4b:s28+s19], $0x20, $0x200038;
	[tilespmem:$0x1F288] =	vst v63  }
0x336: {  	_ =	swait.ge [sflag:s13], $0x20  }
0x337: {  	[sflag:s13] =	ssyncset.done $0x0  }
0x338: {  	[sflag:s13] =	ssyncadd.s32 $0xFFFFFFE0  }
0x339: {  	v4 =	vld [tilespmem:$0x1CE08];
	_ =	sdelay $0x5  }
0x33a: {  	v5 =	vld [tilespmem:$0x1CE88];
	_ =	sdelay $0x1  }
0x33b: {  	v4 =	vld.idx.msk [tilespmem:v4+s14+$0x0], $0xffff;
	_ =	sdelay $0x3  }
0x33c: {  	v63 =	vld [tilespmem:$0x1CE18]  }
0x33d: {  	[tilespmem:$0x1C208] =	vst v4  }
0x33e: {  	v4 =	vld.idx.msk [tilespmem:v5+s14+$0x0], $0xffff;
	_ =	sdelay $0x3  }
0x33f: {  	v5 =	vld [tilespmem:$0x1CE98]  }
0x340: {  	[tilespmem:$0x1C288] =	vst v4  }
0x341: {  	v4 =	vld.idx.msk [tilespmem:v63+s14+$0x0], $0xffff;
	_ =	sdelay $0x4  }
0x342: {  	[tilespmem:$0x1C218] =	vst v4  }
0x343: {  	v4 =	vld.idx.msk [tilespmem:v5+s14+$0x0], $0xffff  }
.Ltmp28:
0x344: {  	_ = 	snop;
	(pc) =	sbr.rel .LBB2_51-.Ltmp28, $2  }
0x345: {  	_ =	sdelay $0x2  }
0x346: {  	[tilespmem:$0x1C298] =	vst v4  }
.LBB2_81:
0x347: {  	_ =	swait.ge [sflag:s21], $0x80  }
0x348: {  	[sflag:s21] =	ssyncset.done $0x0  }
0x349: {  	[sflag:s21] =	ssyncadd.s32 $0xFFFFFF80  }
0x34a: {  	_ =	swait.ge [sflag:s21], $0x80  }
0x34b: {  	[sflag:s21] =	ssyncset.done $0x0  }
0x34c: {  	[sflag:s21] =	ssyncadd.s32 $0xFFFFFF80  }
0x34d: {  	v4 =	vld [tilespmem:$0x1EF08]  }
0x34e: {  	v5 =	vld [tilespmem:$0x1EF88];
	_ =	sdelay $0x1  }
0x34f: {  	v6 =	vld [tilespmem:$0x1EF18]  }
0x350: {  	v7 =	vld [tilespmem:$0x1EF98]  }
0x351: {  	s1 =	scvt.s32.f32 s9  }
0x352: {  	v9 =	vld [tilespmem:$0x1EF28];
	v8 =	vmul.f32 v5, v4  }
0x353: {  	v10 =	vld [tilespmem:$0x1EFA8];
	v4 =	vmul.f32 s1, v4  }
0x354: {  	v5 =	vmul.f32 s1, v5;
	[tilespmem:$0x1F088] =	vst v8  }
0x355: {  	v54 =	vld [tilespmem:$0x1EF38];
	[tilespmem:$0x1F108] =	vst v4;
	v4 =	vmul.f32 v7, v6  }
0x356: {  	v55 =	vld [tilespmem:$0x1EFB8];
	[tilespmem:$0x1F188] =	vst v5;
	v5 =	vmul.f32 s1, v6  }
0x357: {  	[tilespmem:$0x1F098] =	vst v4;
	v4 =	vmul.f32 s1, v7  }
0x358: {  	v56 =	vld [tilespmem:$0x1EF48];
	[tilespmem:$0x1F118] =	vst v5;
	v5 =	vmul.f32 v10, v9  }
0x359: {  	v57 =	vld [tilespmem:$0x1EFC8];
	[tilespmem:$0x1F198] =	vst v4;
	v4 =	vmul.f32 s1, v9  }
0x35a: {  	[tilespmem:$0x1F0A8] =	vst v5;
	v5 =	vmul.f32 s1, v10  }
0x35b: {  	v58 =	vld [tilespmem:$0x1EF58];
	[tilespmem:$0x1F128] =	vst v4;
	v4 =	vmul.f32 v55, v54  }
0x35c: {  	v59 =	vld [tilespmem:$0x1EFD8];
	[tilespmem:$0x1F1A8] =	vst v5;
	v5 =	vmul.f32 s1, v54  }
0x35d: {  	[tilespmem:$0x1F0B8] =	vst v4;
	v4 =	vmul.f32 s1, v55  }
0x35e: {  	v60 =	vld [tilespmem:$0x1EF68];
	[tilespmem:$0x1F138] =	vst v5;
	v5 =	vmul.f32 v57, v56  }
0x35f: {  	v61 =	vld [tilespmem:$0x1EFE8];
	[tilespmem:$0x1F1B8] =	vst v4;
	v4 =	vmul.f32 s1, v56  }
0x360: {  	[tilespmem:$0x1F0C8] =	vst v5;
	v5 =	vmul.f32 s1, v57  }
0x361: {  	v62 =	vld [tilespmem:$0x1EF78];
	[tilespmem:$0x1F148] =	vst v4;
	v4 =	vmul.f32 v59, v58  }
0x362: {  	v63 =	vld [tilespmem:$0x1EFF8];
	[tilespmem:$0x1F1C8] =	vst v5;
	v5 =	vmul.f32 s1, v58  }
0x363: {  	[tilespmem:$0x1F0D8] =	vst v4;
	v4 =	vmul.f32 s1, v59  }
0x364: {  	[tilespmem:$0x1F158] =	vst v5;
	v5 =	vmul.f32 v61, v60  }
0x365: {  	[tilespmem:$0x1F1D8] =	vst v4;
	v4 =	vmul.f32 s1, v60  }
0x366: {  	[tilespmem:$0x1F0E8] =	vst v5;
	v5 =	vmul.f32 s1, v61  }
0x367: {  	[tilespmem:$0x1F168] =	vst v4;
	v4 =	vmul.f32 v63, v62  }
0x368: {  	s28 =	rddreg [dreg:$0x15];
	[tilespmem:$0x1F1E8] =	vst v5;
	v5 =	vmul.f32 s1, v62  }
0x369: {  	[tilespmem:$0x1F0F8] =	vst v4;
	v4 =	vmul.f32 s1, v63;
	s1 =	sadd.s32 s28, s19;
	s19 =	sadd.s32 $0x1, s19  }
0x36a: {  	s2 =	rddreg [dreg:$0xa];
	[tilespmem:$0x1F178] =	vst v5;
	s1 =	sshll.u32 s1, $0x6;
	p1 =	sne.s32 s19, $0x20  }
.Ltmp29:
0x36b: {  	s31 =	simm.s32 $0x1F088;
	[tilespmem:$0x1F1F8] =	vst v4;
	s1 =	sadd.s32 s2, s1;
	(pc) =	sbr.rel @!p1 .LBB2_82-.Ltmp29, $4  }
0x36c: {  	[hbm4b:s1+s8] =	stream.linear.scatter [tilespmem:s31], [sflag:$0x2], $0x200, $0x200038;
	[tilespmem:$0x1F288] =	vst v63  }
0x36d: {  	_ =	swait.ge [sflag:s13], $0x200  }
0x36e: {  	[sflag:s13] =	ssyncset.done $0x0  }
0x36f: {  	[sflag:s13] =	ssyncadd.s32 $0xFFFFFE00  }
.LBB2_51:
0x370: {  	v4 =	vmov s19;
	_ =	sdelay $0x3  }
0x371: {  	s1 =	simm.s32 $0x1C208  }
0x372: {  	v5 =	vld.idx.msk [tilespmem:v4+s1+$0x0], $0xffff  }
0x373: {  	s9 =	simm.s32 $0x1C288  }
0x374: {  	v6 =	vld.idx.msk [tilespmem:v4+s9+$0x0], $0xffff;
	_ =	sdelay $0x2  }
0x375: {  	v5 =	vbroadcast v5, $0x0;
	_ =	sdelay $0x1  }
0x376: {  	v7 =	vbroadcast v6, $0x0;
	_ =	sdelay $0x1  }
0x377: {  	s10 =	simm.s32 $0x1CE88  }
0x378: {  	s2 =	simm.s32 $0x17088;
	v6 =	vld.idx.msk [tilespmem:v4+s10+$0x0], $0xffff  }
0x379: {  	s11 =	simm.s32 $0x1B988;
	v8 =	vld.idx.msk [tilespmem:v5+s2+$0x0], $0xffff  }
0x37a: {  	v9 =	vld.idx.msk [tilespmem:v5+s11+$0x0], $0xffff  }
0x37b: {  	v10 =	vld.idx.msk [tilespmem:v7+s2+$0x0], $0xffff  }
0x37c: {  	s12 =	simm.s32 $0x1CE08;
	v5 =	vld.idx.msk [tilespmem:v7+s11+$0x0], $0xffff  }
0x37d: {  	v4 =	vld.idx.msk [tilespmem:v4+s12+$0x0], $0xffff;
	(v2sf) =	vpush v6, $0x0  }
0x37e: {  	(v2sf) =	vpush v8, $0x0  }
0x37f: {  	(v2sf) =	vpush v9, $0x0  }
0x380: {  	(v2sf) =	vpush v10, $0x0  }
0x381: {  	(v2sf) =	vpush v5, $0x0  }
0x382: {  	(v2sf) =	vpush v4, $0x0;
	_ =	sdelay $0x9  }
0x383: {  	s18 =	spop (v2sf)  }
0x384: {  	s9 =	spop (v2sf)  }
0x385: {  	s1 =	sshll.u32 s18, $0x4;
	s3 =	spop (v2sf)  }
0x386: {  	s24 =	simm.s32 $0x1EF88;
	s1 =	sand.u32 $0x1FFFFFF0, s1;
	s2 =	spop (v2sf)  }
0x387: {  	s12 =	simm.s32 $0x1EF08;
	s1 =	sadd.s32 s0, s1;
	s11 =	spop (v2sf)  }
0x388: {  	s10 =	sadd.s32 $0x7F, s3;
	s3 =	sadd.s32 $0xF, s3;
	s7 =	spop (v2sf)  }
0x389: {  	s22 =	sand.u32 $0x7F, s10;
	s23 =	sshra.s32 s10, $0x1F;
	s7 =	sshll.u32 s7, $0x4  }
0x38a: {  	p2 =	slt.s32 s10, $0x1;
	s26 =	sand.u32 $0xF, s3;
	s7 =	sand.u32 $0x1FFFFFF0, s7  }
0x38b: {  	s28 =	sshra.s32 s3, $0x1F;
	p1 =	sne.s32 s22, $0x0;
	s7 =	sadd.s32 s0, s7  }
0x38c: {  	[tilespmem:s12], [sflag:$0x1] =	stream.linear.gather [hbm4b:s7+s8], $0x80, $0x200038;
	[tilespmem:$0x1F288] =	vst v63  }
0x38d: {  	p6 =	slt.s32 s3, $0x1;
	p1 =	por !p2, !p1;
	s7 =	sshrl.u32 s23, $0x19  }
0x38e: {  	p1 =	por !p1, !p1;
	s25 =	sadd.s32 s7, s10;
	s7 =	simm.s32 $0x1  }
0x38f: {  	[tilespmem:s24], [sflag:$0x1] =	stream.linear.gather [hbm4b:s1+s8], $0x80, $0x200038;
	[tilespmem:$0x1F288] =	vst v63  }
0x390: {  	p5 =	sne.s32 s26, $0x0;
	s1 =	sshra.s32 s25, $0x7;
	s7 =	simm.s32 @!p1 $0x0  }
0x391: {  	s31 =	sshrl.u32 s28, $0x1C;
	p1 =	por !p6, !p5;
	[tilespmem:$0x1F208] =	vst v3;
	s7 =	ssub.s32 s1, s7  }
0x392: {  	[tilespmem:$0x1F218] =	vst v3;
	s1 =	sadd.s32 s31, s3;
	p1 =	por !p1, !p1;
	s3 =	simm.s32 $0x1  }
0x393: {  	[tilespmem:$0x1F228] =	vst v3;
	s3 =	simm.s32 @!p1 $0x0;
	p1 =	slt.s32 s7, $0x1  }
.Ltmp30:
0x394: {  	[tilespmem:$0x1F238] =	vst v3;
	(pc) =	sbr.rel @p1 .LBB2_61-.Ltmp30, $4  }
0x395: {  	[tilespmem:$0x1F248] =	vst v3  }
0x396: {  	[tilespmem:$0x1F258] =	vst v3  }
0x397: {  	[tilespmem:$0x1F268] =	vst v3;
	s1 =	sshra.s32 s1, $0x4  }
0x398: {  	v4 =	vbroadcast v9, $0x0;
	s25 =	sadd.s32 s9, s6;
	[tilespmem:$0x1F278] =	vst v3;
	s3 =	ssub.s32 s1, s3  }
.Ltmp31:
0x399: {  	(pc) =	sbr.rel .LBB2_53-.Ltmp31, $2  }
0x39a: {  	_ =	sdelay $0x2  }
0x39b: {  	s1 =	simm.s32 $0x0;
	s9 =	smov.u32 s3;
	s10 =	simm.s32 $0x0  }
.LBB2_55:
0x39c: {  	s12 =	smov.u32 s1  }
.LBB2_59:
0x39d: {  	s12 =	sadd.s32 @p2 $0x10, s12;
	s18 =	smov.u32 s1  }
0x39e: {  	s18 =	smov.u32 @p2 s12  }
0x39f: {  	v8 =	vor.u32 s18, v1  }
0x3a0: {  	vm0 =	vlt.s32 v8, v4  }
0x3a1: {  	v7 =	vnsel vm0, $0x0, v7  }
0x3a2: {  	(xrf1) =	vunique.msk.u32 vm0, v7;
	_ =	sdelay $0xd  }
0x3a3: {  	_, v8, vm1 =	vpop (xrf1)  }
0x3a4: {  	vm0 =	vmand vm0, vm1;
	_ =	sdelay $0x5  }
0x3a5: {  	[tilespmem:v7+s4+$0x0] =	vst.idx.add.s32.msk vm0, v8  }
.LBB2_60:
0x3a6: {  	s10 =	sadd.s32 $0x1, s10  }
0x3a7: {  	p2 =	sne.s32 s10, s7  }
.Ltmp32:
0x3a8: {  	_ = 	snop;
	(pc) =	sbr.rel @!p2 .LBB2_61-.Ltmp32, $2  }
0x3a9: {  	_ =	sdelay $0x2  }
0x3aa: {  	s9 =	sadd.s32 $0xFFFFFFF8, s9;
	s1 =	sadd.s32 $0x80, s1  }
.LBB2_53:
0x3ab: {  	s31 =	sshll.u32 s10, $0x3  }
0x3ac: {  	s12 =	sshll.u32 s10, $0x7;
	p2 =	sle.s32 s3, s31  }
.Ltmp33:
0x3ad: {  	s18 =	sadd.s32 s12, s25;
	s12 =	simm.s32 $0x1B908;
	(pc) =	sbr.rel @p2 .LBB2_60-.Ltmp33, $4  }
0x3ae: {  	[tilespmem:s12], [sflag:$0x2] =	stream.linear.gather [spmem:s18], $0x80, $0x200038;
	[tilespmem:$0x1F288] =	vst v63  }
0x3af: {  	_ =	swait.ge [sflag:s13], $0x80  }
0x3b0: {  	[sflag:s13] =	ssyncset.done $0x0  }
0x3b1: {  	[sflag:s13] =	ssyncadd.s32 $0xFFFFFF80  }
0x3b2: {  	p2 =	sgt.s32 s9, $0x1;
	s18 =	smov.u32 s9  }
0x3b3: {  	s18 =	simm.s32 @!p2 $0x1  }
0x3b4: {  	s18 =	smin.u32 s18, $0x8  }
0x3b5: {  	s18 =	sshll.u32 s18, $0x6  }
0x3b6: {  	p3 =	sne.s32 s18, $0x40  }
.Ltmp34:
0x3b7: {  	_ = 	snop;
	(pc) =	sbr.rel @!p3 .LBB2_55-.Ltmp34, $2  }
0x3b8: {  	_ =	sdelay $0x2  }
0x3b9: {  	v7 =	vld [tilespmem:s12+$0x0];
	p2 =	por $0x0, $0x0;
	s12 =	sadd.s32 $0xFFFFFFC0, s18  }
0x3ba: {  	_ =	sdelay $0x1  }
0x3bb: {  	v8 =	vor.u32 s1, v1  }
0x3bc: {  	vm0 =	vlt.s32 v8, v4  }
0x3bd: {  	v7 =	vnsel vm0, $0x0, v7  }
0x3be: {  	(xrf1) =	vunique.msk.u32 vm0, v7;
	_ =	sdelay $0xd  }
0x3bf: {  	_, v8, vm1 =	vpop (xrf1)  }
0x3c0: {  	vm0 =	vmand vm0, vm1;
	_ =	sdelay $0x1  }
0x3c1: {  	p3 =	sne.s32 s12, $0x40  }
.Ltmp35:
0x3c2: {  	_ = 	snop;
	(pc) =	sbr.rel @!p3 .LBB2_57-.Ltmp35, $3  }
0x3c3: {  	_ =	sdelay $0x1  }
0x3c4: {  	s18 =	simm.s32 $0x1B918;
	[tilespmem:v7+s4+$0x0] =	vst.idx.add.s32.msk vm0, v8  }
0x3c5: {  	s22 =	sadd.s32 $0xFFFFFFC0, s12;
	p2 =	por $0x1, $0x1;
	s12 =	smov.u32 s1;
	v7 =	vld [tilespmem:s18+$0x0]  }
.LBB2_58:
0x3c6: {  	p3 =	sne.s32 s22, $0x40  }
0x3c7: {  	s12 =	sadd.s32 $0x10, s12  }
0x3c8: {  	v8 =	vor.u32 s12, v1  }
0x3c9: {  	vm0 =	vlt.s32 v8, v4  }
0x3ca: {  	v7 =	vnsel vm0, $0x0, v7  }
0x3cb: {  	(xrf1) =	vunique.msk.u32 vm0, v7;
	_ =	sdelay $0xd  }
0x3cc: {  	_, v8, vm1 =	vpop (xrf1)  }
0x3cd: {  	vm0 =	vmand vm0, vm1;
	_ =	sdelay $0x2  }
.Ltmp36:
0x3ce: {  	(pc) =	sbr.rel @p3 .LBB2_58-.Ltmp36, $3  }
0x3cf: {  	_ =	sdelay $0x1  }
0x3d0: {  	s18 =	sadd.s32 $0x10, s18;
	[tilespmem:v7+s4+$0x0] =	vst.idx.add.s32.msk vm0, v8  }
0x3d1: {  	s22 =	sadd.s32 $0xFFFFFFC0, s22;
	v7 =	vld [tilespmem:s18+$0x0]  }
.Ltmp37:
0x3d2: {  	_ = 	snop;
	(pc) =	sbr.rel .LBB2_59-.Ltmp37, $1  }
0x3d3: {  	_ =	sdelay $0x3  }
.LBB2_57:
.Ltmp38:
0x3d4: {  	(pc) =	sbr.rel .LBB2_59-.Ltmp38, $2  }
0x3d5: {  	_ =	sdelay $0x2  }
0x3d6: {  	s12 =	smov.u32 s1  }
.LBB2_61:
0x3d7: {  	v6 =	vbroadcast v6, $0x0;
	_ =	sdelay $0x5  }
0x3d8: {  	v6 =	vld.idx.msk [tilespmem:v6+s4+$0x0], $0xffff;
	_ =	sdelay $0x4  }
0x3d9: {  	(v2sf) =	vpush v6, $0x0;
	_ =	sdelay $0x2  }
0x3da: {  	s1 =	sadd.s32 $0x7F, s11  }
0x3db: {  	s9 =	sand.u32 $0x7F, s1  }
0x3dc: {  	s10 =	sshra.s32 s1, $0x1F;
	p2 =	slt.s32 s1, $0x1;
	p3 =	sne.s32 s9, $0x0  }
0x3dd: {  	s31 =	sshrl.u32 s10, $0x19;
	p2 =	por !p2, !p3  }
0x3de: {  	s9 =	simm.s32 $0x1;
	s1 =	sadd.s32 s31, s1;
	p2 =	por !p2, !p2  }
0x3df: {  	s1 =	sshra.s32 s1, $0x7;
	s9 =	simm.s32 @!p2 $0x0  }
0x3e0: {  	s1 =	ssub.s32 s1, s9  }
0x3e1: {  	p2 =	slt.s32 s1, $0x1  }
.Ltmp39:
0x3e2: {  	_ = 	snop;
	(pc) =	sbr.rel @p2 .LBB2_71-.Ltmp39, $2  }
0x3e3: {  	_ =	sdelay $0x2  }
0x3e4: {  	s9 =	spop (v2sf)  }
0x3e5: {  	s10 =	sadd.s32 $0xF, s11  }
0x3e6: {  	s11 =	sand.u32 $0xF, s10  }
0x3e7: {  	s12 =	sshra.s32 s10, $0x1F;
	p2 =	slt.s32 s10, $0x1;
	p3 =	sne.s32 s11, $0x0  }
.Ltmp40:
0x3e8: {  	s31 =	sshrl.u32 s12, $0x1C;
	p2 =	por !p2, !p3;
	(pc) =	sbr.rel .LBB2_63-.Ltmp40, $4  }
0x3e9: {  	s11 =	simm.s32 $0x1;
	s10 =	sadd.s32 s31, s10;
	p2 =	por !p2, !p2  }
0x3ea: {  	s10 =	sshra.s32 s10, $0x4;
	s11 =	simm.s32 @!p2 $0x0  }
0x3eb: {  	s24 =	ssub.s32 s10, s11  }
0x3ec: {  	v5 =	vbroadcast v5, $0x0;
	s18 =	simm.s32 $0x0;
	s12 =	sadd.s32 s2, s6;
	s11 =	smov.u32 s24  }
.LBB2_70:
0x3ed: {  	s18 =	sadd.s32 $0x1, s18  }
0x3ee: {  	p2 =	seq.s32 s18, s1  }
.Ltmp41:
0x3ef: {  	_ = 	snop;
	(pc) =	sbr.rel @p2 .LBB2_71-.Ltmp41, $2  }
0x3f0: {  	_ =	sdelay $0x2  }
0x3f1: {  	s11 =	sadd.s32 $0xFFFFFFF8, s11  }
.LBB2_63:
0x3f2: {  	s28 =	sshll.u32 s18, $0x3  }
0x3f3: {  	s31 =	sshll.u32 s18, $0x7;
	p2 =	sle.s32 s24, s28  }
.Ltmp42:
0x3f4: {  	s2 =	sadd.s32 s31, s12;
	(pc) =	sbr.rel @p2 .LBB2_70-.Ltmp42, $4  }
0x3f5: {  	[tilespmem:s30], [sflag:$0x2] =	stream.linear.gather [spmem:s2], $0x80, $0x200038;
	[tilespmem:$0x1F288] =	vst v63  }
0x3f6: {  	_ =	swait.ge [sflag:s13], $0x80  }
0x3f7: {  	[sflag:s13] =	ssyncset.done $0x0  }
0x3f8: {  	[sflag:s13] =	ssyncadd.s32 $0xFFFFFF80  }
.Ltmp43:
0x3f9: {  	(pc) =	sbr.rel .LBB2_65-.Ltmp43, $4  }
0x3fa: {  	_ = 	snop  }
0x3fb: {  	p2 =	sgt.s32 s11, $0x1;
	s2 =	smov.u32 s11  }
0x3fc: {  	s2 =	simm.s32 @!p2 $0x1  }
0x3fd: {  	s23 =	simm.s32 $0x0;
	s2 =	smin.u32 s2, $0x8  }
.LBB2_68:
0x3fe: {  	v7 =	vld [tilespmem:$0x1F228]  }
0x3ff: {  	v8 =	vld [tilespmem:$0x1F278]  }
0x400: {  	v9 =	vld [tilespmem:$0x1F258]  }
0x401: {  	v10 =	vld [tilespmem:$0x1F268]  }
0x402: {  	v11 =	vld [tilespmem:$0x1F078]  }
0x403: {  	v12 =	vld [tilespmem:$0x1F248]  }
0x404: {  	v13 =	vld [tilespmem:$0x1F058]  }
0x405: {  	s10 =	spop (v2sf);
	v14 =	vld [tilespmem:$0x1F068]  }
0x406: {  	v15 =	vld [tilespmem:$0x1F048];
	s10 =	scvt.s32.f32 s10  }
0x407: {  	v16 =	vld [tilespmem:$0x1F028]  }
0x408: {  	v17 =	vld [tilespmem:$0x1F038];
	v11 =	vmul.f32 s10, v11  }
0x409: {  	v18 =	vld [tilespmem:$0x1F018];
	v13 =	vmul.f32 s10, v13  }
0x40a: {  	v58 =	vld [tilespmem:$0x1F008];
	v14 =	vmul.f32 s10, v14;
	v8 =	vadd.f32 v11, v8  }
0x40b: {  	v19 =	vld [tilespmem:$0x1F218];
	v15 =	vmul.f32 s10, v15;
	v9 =	vadd.f32 v13, v9  }
0x40c: {  	v59 =	vld [tilespmem:$0x1F208];
	v60 =	vmul.f32 s10, v16;
	v10 =	vadd.f32 v14, v10;
	[tilespmem:$0x1F278] =	vst v8  }
0x40d: {  	v61 =	vmul.f32 s10, v17;
	v12 =	vadd.f32 v15, v12;
	[tilespmem:$0x1F258] =	vst v9  }
0x40e: {  	v62 =	vmul.f32 s10, v18;
	v7 =	vadd.f32 v60, v7;
	[tilespmem:$0x1F268] =	vst v10  }
0x40f: {  	v63 =	vmul.f32 s10, v58;
	v6 =	vadd.f32 v61, v6;
	[tilespmem:$0x1F248] =	vst v12  }
0x410: {  	v9 =	vadd.f32 v62, v19;
	[tilespmem:$0x1F228] =	vst v7  }
0x411: {  	v7 =	vadd.f32 v63, v59;
	[tilespmem:$0x1F238] =	vst v6  }
0x412: {  	[tilespmem:$0x1F218] =	vst v9  }
0x413: {  	[tilespmem:$0x1F208] =	vst v7  }
.LBB2_69:
0x414: {  	s23 =	sadd.s32 $0x1, s23  }
0x415: {  	p2 =	sne.s32 s23, s2  }
.Ltmp44:
0x416: {  	_ = 	snop;
	(pc) =	sbr.rel @!p2 .LBB2_70-.Ltmp44, $1  }
0x417: {  	_ =	sdelay $0x3  }
.LBB2_65:
0x418: {  	s10 =	sshll.u32 s23, $0x4  }
0x419: {  	v6 =	vld [tilespmem:s10+$0x1C188];
	_ =	sdelay $0x1  }
0x41a: {  	s10 =	sadd.s32 s31, s10  }
0x41b: {  	v7 =	vor.u32 s10, v1  }
0x41c: {  	vm0 =	vlt.s32 v7, v5  }
0x41d: {  	v6 =	vnsel vm0, $0x0, v6;
	_ =	sdelay $0x4  }
0x41e: {  	v7 =	vld.idx.msk [tilespmem:v6+s4+$0x0], vm0;
	_ =	sdelay $0x4  }
0x41f: {  	vm1 =	vgt.s32 v7, $0x0  }
0x420: {  	vm0 =	vmand vm0, vm1  }
0x421: {  	v8 =	vmpcnt.ones.xlane vm0;
	_ =	sdelay $0x1  }
0x422: {  	(v2sf) =	vpush v8, $0x0;
	_ =	sdelay $0xe  }
0x423: {  	s10 =	spop (v2sf)  }
0x424: {  	p2 =	slt.s32 s10, $0x1  }
.Ltmp45:
0x425: {  	_ = 	snop;
	(pc) =	sbr.rel @p2 .LBB2_69-.Ltmp45, $1  }
0x426: {  	_ =	sdelay $0x3  }
0x427: {  	s22 =	simm.s32 $0x0  }
0x428: {  	v8 =	vmov s22;
	_ =	sdelay $0x2  }
0x429: {  	[tilespmem:s5+$0x0] =	vst.msk vm0, v6  }
0x42a: {  	[tilespmem:s16+$0x0] =	vst.msk vm0, v7  }
0x42b: {  	v6 =	vld.idx.msk [tilespmem:v8+s5+$0x0], $0xffff;
	_ =	sdelay $0x4  }
0x42c: {  	(v2sf) =	vpush v6, $0x0;
	_ =	sdelay $0xa  }
0x42d: {  	v6 =	vld.idx.msk [tilespmem:v8+s16+$0x0], $0xffff;
	_ =	sdelay $0x3  }
0x42e: {  	s28 =	spop (v2sf)  }
0x42f: {  	(v2sf) =	vpush v6, $0x0;
	s22 =	sshll.u32 s28, $0x4  }
0x430: {  	s22 =	sand.u32 $0x1FFFFFF0, s22  }
0x431: {  	p2 =	sne.s32 s10, $0x1;
	s22 =	sadd.s32 s0, s22  }
0x432: {  	[tilespmem:s17], [sflag:$0x2] =	stream.linear.gather [hbm4b:s22+s8], $0x80, $0x200038;
	[tilespmem:$0x1F288] =	vst v63  }
.Ltmp46:
0x433: {  	_ = 	snop;
	(pc) =	sbr.rel @!p2 .LBB2_68-.Ltmp46, $4  }
0x434: {  	_ =	swait.ge [sflag:s13], $0x80  }
0x435: {  	[sflag:s13] =	ssyncset.done $0x0  }
0x436: {  	[sflag:s13] =	ssyncadd.s32 $0xFFFFFF80  }
0x437: {  	s22 =	simm.s32 $0x1;
	v6 =	vld [tilespmem:$0x1F238]  }
.LBB2_67:
0x438: {  	v7 =	vld [tilespmem:$0x1F228];
	s26 =	smov.u32 s22;
	s22 =	sadd.s32 $0x1, s22  }
0x439: {  	p2 =	sne.s32 s10, s22;
	v8 =	vld [tilespmem:$0x1F278]  }
0x43a: {  	v9 =	vld [tilespmem:$0x1F258]  }
0x43b: {  	v10 =	vld [tilespmem:$0x1F268]  }
0x43c: {  	v11 =	vld [tilespmem:$0x1F078]  }
0x43d: {  	v12 =	vld [tilespmem:$0x1F248]  }
0x43e: {  	v13 =	vld [tilespmem:$0x1F058];
	s28 =	spop (v2sf)  }
0x43f: {  	s28 =	scvt.s32.f32 s28;
	v14 =	vld [tilespmem:$0x1F068]  }
0x440: {  	v15 =	vld [tilespmem:$0x1F048]  }
0x441: {  	v16 =	vmov s26;
	v17 =	vld [tilespmem:$0x1F028];
	v11 =	vmul.f32 s28, v11  }
0x442: {  	v18 =	vld [tilespmem:$0x1F038]  }
0x443: {  	v19 =	vld [tilespmem:$0x1F018];
	v13 =	vmul.f32 s28, v13;
	v8 =	vadd.f32 v11, v8  }
0x444: {  	v11 =	vld [tilespmem:$0x1F008];
	v14 =	vmul.f32 s28, v14  }
0x445: {  	v20 =	vld [tilespmem:$0x1F218];
	v15 =	vmul.f32 s28, v15;
	v9 =	vadd.f32 v13, v9;
	[tilespmem:$0x1F278] =	vst v8  }
0x446: {  	v8 =	vld [tilespmem:$0x1F208];
	v13 =	vmul.f32 s28, v17;
	v10 =	vadd.f32 v14, v10  }
0x447: {  	v14 =	vmul.f32 s28, v18;
	v12 =	vadd.f32 v15, v12;
	[tilespmem:$0x1F258] =	vst v9  }
0x448: {  	v9 =	vmul.f32 s28, v19;
	v7 =	vadd.f32 v13, v7;
	[tilespmem:$0x1F268] =	vst v10  }
0x449: {  	v10 =	vmul.f32 s28, v11;
	v6 =	vadd.f32 v14, v6;
	[tilespmem:$0x1F248] =	vst v12  }
0x44a: {  	v9 =	vadd.f32 v9, v20;
	[tilespmem:$0x1F228] =	vst v7  }
0x44b: {  	v7 =	vadd.f32 v10, v8;
	[tilespmem:$0x1F238] =	vst v6  }
0x44c: {  	[tilespmem:$0x1F218] =	vst v9  }
0x44d: {  	[tilespmem:$0x1F208] =	vst v7  }
0x44e: {  	v6 =	vld.idx.msk [tilespmem:v16+s5+$0x0], $0xffff;
	_ =	sdelay $0x5  }
0x44f: {  	(v2sf) =	vpush v6, $0x0;
	_ =	sdelay $0x8  }
0x450: {  	v6 =	vld.idx.msk [tilespmem:v16+s16+$0x0], $0xffff;
	_ =	sdelay $0x5  }
0x451: {  	(v2sf) =	vpush v6, $0x0;
	s26 =	spop (v2sf)  }
0x452: {  	s26 =	sshll.u32 s26, $0x4  }
0x453: {  	s26 =	sand.u32 $0x1FFFFFF0, s26  }
0x454: {  	s26 =	sadd.s32 s0, s26  }
0x455: {  	[tilespmem:s17], [sflag:$0x2] =	stream.linear.gather [hbm4b:s26+s8], $0x80, $0x200038;
	[tilespmem:$0x1F288] =	vst v63  }
.Ltmp47:
0x456: {  	_ = 	snop;
	(pc) =	sbr.rel @p2 .LBB2_67-.Ltmp47, $4  }
0x457: {  	_ =	swait.ge [sflag:s13], $0x80  }
0x458: {  	[sflag:s13] =	ssyncset.done $0x0  }
0x459: {  	[sflag:s13] =	ssyncadd.s32 $0xFFFFFF80  }
0x45a: {  	v6 =	vld [tilespmem:$0x1F238]  }
.Ltmp48:
0x45b: {  	_ = 	snop;
	(pc) =	sbr.rel .LBB2_68-.Ltmp48, $1  }
0x45c: {  	_ =	sdelay $0x3  }
.LBB2_71:
.Ltmp49:
0x45d: {  	(pc) =	sbr.rel @p1 .LBB2_81-.Ltmp49, $1  }
0x45e: {  	_ =	sdelay $0x3  }
.Ltmp50:
0x45f: {  	(pc) =	sbr.rel .LBB2_73-.Ltmp50, $3  }
0x460: {  	_ =	sdelay $0x1  }
0x461: {  	s1 =	simm.s32 $0x0  }
0x462: {  	p1 =	seq.s32 s7, $0x1;
	s2 =	smov.u32 s3;
	s10 =	simm.s32 $0x0  }
.LBB2_75:
0x463: {  	s11 =	smov.u32 s1  }
.LBB2_79:
0x464: {  	s11 =	sadd.s32 @p2 $0x10, s11;
	s12 =	smov.u32 s1  }
0x465: {  	s12 =	smov.u32 @p2 s11  }
0x466: {  	v6 =	vor.u32 s12, v1  }
0x467: {  	vm0 =	vlt.s32 v6, v4  }
0x468: {  	v5 =	vnsel vm0, $0x0, v5;
	_ =	sdelay $0x4  }
0x469: {  	[tilespmem:v5+s4+$0x0] =	vst.idx.msk vm0, v2  }
.LBB2_80:
0x46a: {  	s10 =	sadd.s32 $0x1, s10  }
0x46b: {  	p2 =	sne.s32 s10, s7  }
.Ltmp51:
0x46c: {  	_ = 	snop;
	(pc) =	sbr.rel @!p2 .LBB2_81-.Ltmp51, $2  }
0x46d: {  	_ =	sdelay $0x2  }
0x46e: {  	s2 =	sadd.s32 $0xFFFFFFF8, s2;
	s1 =	sadd.s32 $0x80, s1  }
.LBB2_73:
0x46f: {  	s11 =	sshll.u32 @!p1 s10, $0x9  }
0x470: {  	s31 =	sshll.u32 s10, $0x3;
	s11 =	sshra.s32 @!p1 s11, $0x2  }
0x471: {  	s12 =	simm.s32 @!p1 $0x1B908;
	p2 =	sle.s32 s3, s31;
	s11 =	sadd.s32 @!p1 s11, s25  }
0x472: {  	[tilespmem:s12], [sflag:$0x2] =	stream.linear.gather @!p1 [spmem:s11], $0x80, $0x200038;
	[tilespmem:$0x1F288] =	vst v63  }
.Ltmp52:
0x473: {  	_ = 	snop;
	(pc) =	sbr.rel @p2 .LBB2_80-.Ltmp52, $4  }
0x474: {  	s11 =	simm.s32 @!p1 $0x2  }
0x475: {  	_ =	swait.ge @!p1 [sflag:s11], $0x80  }
0x476: {  	[sflag:s11] =	ssyncset.done @!p1 $0x0  }
0x477: {  	[sflag:s11] =	ssyncadd.s32 @!p1 $0xFFFFFF80  }
0x478: {  	p2 =	sgt.s32 s2, $0x1;
	s11 =	smov.u32 s2  }
0x479: {  	s11 =	simm.s32 @!p2 $0x1  }
0x47a: {  	s11 =	smin.u32 s11, $0x8  }
0x47b: {  	s11 =	sshll.u32 s11, $0x6  }
0x47c: {  	p3 =	sne.s32 s11, $0x40  }
.Ltmp53:
0x47d: {  	_ = 	snop;
	(pc) =	sbr.rel @!p3 .LBB2_75-.Ltmp53, $3  }
0x47e: {  	_ =	sdelay $0x1  }
0x47f: {  	s12 =	simm.s32 $0x1B908  }
0x480: {  	v5 =	vld [tilespmem:s12+$0x0];
	p2 =	por $0x0, $0x0;
	s11 =	sadd.s32 $0xFFFFFFC0, s11  }
0x481: {  	_ =	sdelay $0x1  }
0x482: {  	v6 =	vor.u32 s1, v1  }
0x483: {  	vm0 =	vlt.s32 v6, v4  }
0x484: {  	v5 =	vnsel vm0, $0x0, v5  }
0x485: {  	p3 =	sne.s32 s11, $0x40  }
.Ltmp54:
0x486: {  	_ = 	snop;
	(pc) =	sbr.rel @!p3 .LBB2_77-.Ltmp54, $3  }
0x487: {  	_ =	sdelay $0x1  }
0x488: {  	s12 =	simm.s32 $0x1B918;
	[tilespmem:v5+s4+$0x0] =	vst.idx.msk vm0, v2  }
0x489: {  	s18 =	sadd.s32 $0xFFFFFFC0, s11;
	p2 =	por $0x1, $0x1;
	s11 =	smov.u32 s1;
	v5 =	vld [tilespmem:s12+$0x0]  }
.LBB2_78:
0x48a: {  	p3 =	sne.s32 s18, $0x40  }
0x48b: {  	s11 =	sadd.s32 $0x10, s11  }
0x48c: {  	v6 =	vor.u32 s11, v1  }
0x48d: {  	vm0 =	vlt.s32 v6, v4  }
0x48e: {  	v5 =	vnsel vm0, $0x0, v5;
	_ =	sdelay $0x1  }
.Ltmp55:
0x48f: {  	(pc) =	sbr.rel @p3 .LBB2_78-.Ltmp55, $3  }
0x490: {  	_ =	sdelay $0x1  }
0x491: {  	s12 =	sadd.s32 $0x10, s12;
	[tilespmem:v5+s4+$0x0] =	vst.idx.msk vm0, v2  }
0x492: {  	s18 =	sadd.s32 $0xFFFFFFC0, s18;
	v5 =	vld [tilespmem:s12+$0x0]  }
.Ltmp56:
0x493: {  	_ = 	snop;
	(pc) =	sbr.rel .LBB2_79-.Ltmp56, $1  }
0x494: {  	_ =	sdelay $0x3  }
.LBB2_77:
.Ltmp57:
0x495: {  	(pc) =	sbr.rel .LBB2_79-.Ltmp57, $2  }
0x496: {  	_ =	sdelay $0x2  }
0x497: {  	s11 =	smov.u32 s1  }
.LBB2_83:
0x498: {  	_ =	sfence.sel $0x180000  }
0x499: {  	[bflag:$0x0] =	sbarrier.arrive $0xFFFF  }
0x49a: {  	_ =	strace $0x90000047  }
0x49b: {  	[bflag:$0x2] =	sbarrier.arrive $0xFFFF  }
0x49c: {  	s0 =	rddreg [dreg:$0x8]  }
0x49d: {  	s0 =	sadd.s32 @!p0 $0x100000, s0  }
0x49e: {  	[sflag:s0] =	ssyncadd.tile.s32 @!p0 $0x1;
	_ =	shalt  }
.Lfunc_end2:
_tile_overlayer_lowered:
.L_overlay_start_2:
0x49f: {  	(tag) =	ssettag $0x2  }
0x4a0: {  	s0 =	rddreg [dreg:$0x0];
	s2 =	stileid.u32  }
0x4a1: {  	s1 =	rddreg [dreg:$0x1];
	p0 =	sne.s32 s2, $0x0  }
0x4a2: {  	s3 =	rddreg [dreg:$0x2];
	[bflag:$0x3] =	sbarrier.arrive $0xFFFF;
	s2 =	simm.s32 @!p0 $0x1C02  }
0x4a3: {  	[timem:s3], [sflag:s2] =	dma.local @!p0 [hbm:s0], s1  }
0x4a4: {  	s0 =	simm.s32 @!p0 $0x2  }
0x4a5: {  	_ =	swait.ge @!p0 [sflag:s0], s1  }
0x4a6: {  	s1 =	ssub.s32 @!p0 $0x0, s1;
	[sflag:s0] =	ssyncset.done @!p0 $0x0  }
0x4a7: {  	[sflag:s0] =	ssyncadd.s32 @!p0 s1  }
0x4a8: {  	[bflag:$0x3] =	sbarrier.arrive $0xFFFF  }
0x4a9: {  	_ =	shalt  }

</sc_bundles>
